<compile_context>
chip_gen: v7x
topology: tpu7x:2x2x1
jax: 0.10.2.dev20260603
libtpu: 0.0.44.dev20260713+nightly
codegen_flags: <defaults>
</compile_context>

<pallas_src>
import functools

import jax
import jax.numpy as jnp
from jax import lax
from jax.experimental import pallas as pl
from jax.experimental.pallas import tpu as pltpu
from jax.experimental.pallas import tpu_sc as plsc

N = 10000
E = 320000
IN_CH = 256
OUT_CH = 256
POS = 8
HALF = OUT_CH // 2

NC = 2
NS = 16
L = 16

CHUNK = 128
R_PAD = 10240
C_T = 2560
E_PAD = C_T * CHUNK
CB = C_T // (NC * NS)
C_REAL = E // CHUNK
CD = C_T // NS
EG = 16
NG = CD // EG
NBUF = 2
RT = R_PAD // NS

BR = 2000
BRP = 2048



def _proj_body(x_ref, pos_ref, wp_ref, wc_ref, y_ref):
    x = x_ref[...]
    pos = pos_ref[...]
    acc = jnp.zeros((BR, OUT_CH), jnp.float32)
    for p in range(POS):
        t = lax.dot_general(x, wp_ref[p * OUT_CH:(p + 1) * OUT_CH, :],
                            (((1,), (1,)), ((), ())),
                            preferred_element_type=jnp.float32)
        acc = acc + pos[:, p:p + 1] * t
    y_ref[...] = lax.dot_general(acc, wc_ref[...],
                                 (((1,), (1,)), ((), ())),
                                 preferred_element_type=jnp.float32)


def _proj(x, pos, Wp, Wc):
    return pl.pallas_call(
        _proj_body,
        grid=(N // BR,),
        in_specs=[
            pl.BlockSpec((BR, IN_CH), lambda i: (i, 0)),
            pl.BlockSpec((BR, POS), lambda i: (i, 0)),
            pl.BlockSpec((POS * OUT_CH, IN_CH), lambda i: (0, 0)),
            pl.BlockSpec((OUT_CH, OUT_CH), lambda i: (0, 0)),
        ],
        out_specs=pl.BlockSpec((BR, OUT_CH), lambda i: (i, 0)),
        out_shape=jax.ShapeDtypeStruct((N, OUT_CH), jnp.float32),
    )(x, pos, Wp, Wc)


def _scale_body(y_ref, degT_ref, hn0_ref, hn1_ref):
    deg = degT_ref[:, 0:1] + degT_ref[:, 1:2] + 1.0
    dinv = lax.rsqrt(deg)
    hn = y_ref[...] * dinv
    hn0_ref[...] = hn[:, :HALF]
    hn1_ref[...] = hn[:, HALF:]


def _scale(y, degT):
    return pl.pallas_call(
        _scale_body,
        grid=(R_PAD // BRP,),
        in_specs=[
            pl.BlockSpec((BRP, OUT_CH), lambda i: (i, 0)),
            pl.BlockSpec((BRP, 2), lambda i: (i, 0)),
        ],
        out_specs=[
            pl.BlockSpec((BRP, HALF), lambda i: (i, 0)),
            pl.BlockSpec((BRP, HALF), lambda i: (i, 0)),
        ],
        out_shape=[
            jax.ShapeDtypeStruct((R_PAD, HALF), jnp.float32),
            jax.ShapeDtypeStruct((R_PAD, HALF), jnp.float32),
        ],
    )(y, degT)


def _final_body(acc0_ref, acc1_ref, hn0_ref, hn1_ref, degT_ref, bc_ref, out_ref):
    deg = degT_ref[:, 0:1] + degT_ref[:, 1:2] + 1.0
    dinv = lax.rsqrt(deg)
    lo = (acc0_ref[...] + hn0_ref[...]) * dinv + bc_ref[0:1, :]
    hi = (acc1_ref[...] + hn1_ref[...]) * dinv + bc_ref[1:2, :]
    out_ref[...] = jnp.concatenate([lo, hi], axis=1)


def _final(acc0, acc1, hn0, hn1, degT, bc2):
    return pl.pallas_call(
        _final_body,
        grid=(N // BR,),
        in_specs=[
            pl.BlockSpec((BR, HALF), lambda i: (i, 0)),
            pl.BlockSpec((BR, HALF), lambda i: (i, 0)),
            pl.BlockSpec((BR, HALF), lambda i: (i, 0)),
            pl.BlockSpec((BR, HALF), lambda i: (i, 0)),
            pl.BlockSpec((BR, 2), lambda i: (i, 0)),
            pl.BlockSpec((2, HALF), lambda i: (0, 0)),
        ],
        out_specs=pl.BlockSpec((BR, OUT_CH), lambda i: (i, 0)),
        out_shape=jax.ShapeDtypeStruct((N, OUT_CH), jnp.float32),
    )(acc0, acc1, hn0, hn1, degT, bc2)



def _sc_mesh():
    return plsc.VectorSubcoreMesh(core_axis_name="c", subcore_axis_name="s",
                                  num_cores=NC, num_subcores=NS)


def _deg_body(dst2_hbm, degp_hbm, dst2d_v, ones_v, dbuf_v, deg_sp, dsem):
    c = lax.axis_index("c")
    s = lax.axis_index("s")
    w = c * NS + s
    for i in range(CHUNK // L):
        ones_v[pl.ds(i * L, L)] = jnp.ones((L,), jnp.float32)

    def zfill(i, _):
        dbuf_v[pl.ds(i * L, L)] = jnp.zeros((L,), jnp.float32)
        return 0
    lax.fori_loop(0, RT // L, zfill, 0)
    pltpu.sync_copy(dbuf_v, deg_sp.at[pl.ds(s * RT, RT)])
    plsc.subcore_barrier()

    pltpu.sync_copy(dst2_hbm.at[pl.ds(w * CB, CB)], dst2d_v)

    DB = 8

    def body(q, _):
        for k in range(DB):
            pltpu.async_copy(ones_v, deg_sp.at[dst2d_v.at[q * DB + k]],
                             dsem, add=True)
        for k in range(DB):
            pltpu.make_async_copy(ones_v, deg_sp.at[dst2d_v.at[q * DB + k]],
                                  dsem).wait()
        return 0
    lax.fori_loop(0, CB // DB, body, 0)
    plsc.subcore_barrier()

    pltpu.sync_copy(deg_sp.at[pl.ds(s * RT, RT)], dbuf_v)
    pltpu.sync_copy(dbuf_v, degp_hbm.at[pl.ds(c * R_PAD + s * RT, RT)])


def _deg(dst2):
    f = pl.kernel(
        _deg_body,
        out_type=jax.ShapeDtypeStruct((NC * R_PAD,), jnp.float32),
        mesh=_sc_mesh(),
        scratch_types=[
            pltpu.VMEM((CB, CHUNK), jnp.int32),
            pltpu.VMEM((CHUNK,), jnp.float32),
            pltpu.VMEM((RT,), jnp.float32),
            pltpu.VMEM_SHARED((R_PAD,), jnp.float32),
            pltpu.SemaphoreType.DMA,
        ],
    )
    return f(dst2)


def _msg_body(src_hbm, dst2_hbm, hn0_hbm, hn1_hbm, acc0_hbm, acc1_hbm,
              src_v, dst2d_v, stg0, stg1, acc_sp, gs0, gs1, ss0, ss1, isem):
    c = lax.axis_index("c")
    s = lax.axis_index("s")
    stg = (stg0, stg1)
    gsem = (gs0, gs1)
    ssem = (ss0, ss1)

    def zrow(i, _):
        for k in range(CHUNK // L):
            stg0[i, pl.ds(k * L, L)] = jnp.zeros((L,), jnp.float32)
        return 0
    lax.fori_loop(0, CHUNK, zrow, 0)
    for r in range(RT // CHUNK):
        pltpu.sync_copy(stg0, acc_sp.at[pl.ds(s * RT + r * CHUNK, CHUNK)])
    plsc.subcore_barrier()

    def idx_fetch(g, b):
        base = pl.multiple_of(s * CD + g * EG, 8)
        pltpu.async_copy(src_hbm.at[pl.ds(base * CHUNK, EG * CHUNK)],
                         src_v.at[b], isem)
        pltpu.async_copy(dst2_hbm.at[pl.ds(base, EG)], dst2d_v.at[b], isem)

    def idx_wait(b):
        pltpu.make_async_copy(src_hbm.at[pl.ds(0, EG * CHUNK)],
                              src_v.at[b], isem).wait()
        pltpu.make_async_copy(dst2_hbm.at[pl.ds(0, EG)],
                              dst2d_v.at[b], isem).wait()

    def run(hn_hbm):
        def gwait(slot, b, j):
            pltpu.make_async_copy(
                hn_hbm.at[src_v.at[b].at[pl.ds(j * CHUNK, CHUNK)]],
                stg[slot], gsem[slot]).wait()

        def swait(slot, b, j):
            pltpu.make_async_copy(stg[slot], acc_sp.at[dst2d_v.at[b].at[j]],
                                  ssem[slot]).wait()

        def gissue(slot, b, j):
            pltpu.async_copy(
                hn_hbm.at[src_v.at[b].at[pl.ds(j * CHUNK, CHUNK)]],
                stg[slot], gsem[slot])

        def ring(g, b):
            gissue(0, b, 0)

            def pair(p, _):
                for slot in range(NBUF):
                    j = p * NBUF + slot
                    oslot = 1 - slot
                    gwait(slot, b, j)
                    pltpu.async_copy(stg[slot],
                                     acc_sp.at[dst2d_v.at[b].at[j]],
                                     ssem[slot], add=True)

                    @pl.when(jnp.logical_and(j > 0, j + 1 < EG))
                    def _():
                        swait(oslot, b, j - 1)
                        gissue(oslot, b, j + 1)

                    @pl.when(j == 0)
                    def _():
                        gissue(oslot, b, 1)
                return 0
            lax.fori_loop(0, EG // NBUF, pair, 0)
            swait((EG - 2) % NBUF, b, EG - 2)
            swait((EG - 1) % NBUF, b, EG - 1)

        idx_fetch(0, 0)
        idx_wait(0)

        def gpair(q, _):
            for b in range(2):
                g = q * 2 + b

                @pl.when(g + 1 < NG)
                def _():
                    idx_fetch(g + 1, 1 - b)

                ring(g, b)

                @pl.when(g + 1 < NG)
                def _():
                    idx_wait(1 - b)
            return 0
        lax.fori_loop(0, NG // 2, gpair, 0)

    @pl.when(c == 0)
    def _():
        run(hn0_hbm)

    @pl.when(c == 1)
    def _():
        run(hn1_hbm)

    plsc.subcore_barrier()

    def drain(out_hbm):
        for r in range(RT // CHUNK):
            slot = r % 2
            if r >= 2:
                pltpu.make_async_copy(
                    stg[slot],
                    out_hbm.at[pl.ds(s * RT + (r - 2) * CHUNK, CHUNK)],
                    ssem[slot]).wait()
            pltpu.sync_copy(acc_sp.at[pl.ds(s * RT + r * CHUNK, CHUNK)],
                            stg[slot])
            pltpu.async_copy(stg[slot],
                             out_hbm.at[pl.ds(s * RT + r * CHUNK, CHUNK)],
                             ssem[slot])
        for r in (RT // CHUNK - 2, RT // CHUNK - 1):
            slot = r % 2
            pltpu.make_async_copy(
                stg[slot], out_hbm.at[pl.ds(s * RT + r * CHUNK, CHUNK)],
                ssem[slot]).wait()

    @pl.when(c == 0)
    def _():
        drain(acc0_hbm)

    @pl.when(c == 1)
    def _():
        drain(acc1_hbm)


def _msg(srcp, dst2, hn0, hn1):
    f = pl.kernel(
        _msg_body,
        out_type=[
            jax.ShapeDtypeStruct((R_PAD, HALF), jnp.float32),
            jax.ShapeDtypeStruct((R_PAD, HALF), jnp.float32),
        ],
        mesh=_sc_mesh(),
        scratch_types=[
            pltpu.VMEM((2, EG * CHUNK), jnp.int32),
            pltpu.VMEM((2, EG, CHUNK), jnp.int32),
            pltpu.VMEM((CHUNK, HALF), jnp.float32),
            pltpu.VMEM((CHUNK, HALF), jnp.float32),
            pltpu.VMEM_SHARED((R_PAD, HALF), jnp.float32),
            pltpu.SemaphoreType.DMA,
            pltpu.SemaphoreType.DMA,
            pltpu.SemaphoreType.DMA,
            pltpu.SemaphoreType.DMA,
            pltpu.SemaphoreType.DMA,
        ],
    )
    return f(srcp, dst2, hn0, hn1)



def kernel(x, edge_index, pos_embedding, Wp, Wc, bc):
    pad = E_PAD - E
    dummy = N + jnp.arange(pad, dtype=jnp.int32) % (R_PAD - N)
    srcp = jnp.concatenate([edge_index[0], dummy])
    dstp = jnp.concatenate([edge_index[1], dummy])
    dst2 = dstp.reshape(C_T, CHUNK)

    y = _proj(x, pos_embedding, Wp, Wc)
    degp = _deg(dst2)
    degT = degp.reshape(NC, R_PAD).T
    hn0, hn1 = _scale(y, degT)
    acc0, acc1 = _msg(srcp, dst2, hn0, hn1)
    bc2 = bc.reshape(2, HALF)
    return _final(acc0, acc1, hn0, hn1, degT, bc2)

# --- scband reference (transcript-rebuilt; emitter-appended) ---
"""Pipeline reference for scband-pos-gcnconv-24635932409859 (READ-ONLY COPY).

The authoritative reference and input builder live on the scoring server;
editing this copy changes nothing except your own understanding.
"""

import jax, jax.numpy as jnp
import numpy as np

N = 10000
E = 320000
IN_CH = 256
OUT_CH = 256
POS = 8


def setup_inputs(seed: int = 0) -> dict:
    key = jax.random.key(seed)
    k1, k2, k3, k4, k5 = jax.random.split(key, 5)
    x = jax.random.normal(k1, (N, IN_CH), dtype=jnp.float32)
    edge_index = jax.random.randint(k2, (2, E), 0, N, dtype=jnp.int32)
    pos_embedding = jax.random.normal(k3, (N, POS), dtype=jnp.float32)
    # proj: nn.Linear(in_channels, out_channels * pos_emb_size, bias=False) -> weight [out*pos, in]
    Wp = jax.random.normal(k4, (OUT_CH * POS, IN_CH), dtype=jnp.float32) * 0.05
    # GCNConv lin weight [out, out] and bias [out]
    Wc = jax.random.normal(k5, (OUT_CH, OUT_CH), dtype=jnp.float32) * 0.05
    bc = jnp.zeros((OUT_CH,), dtype=jnp.float32)
    return {"x": x, "edge_index": edge_index, "pos_embedding": pos_embedding, "Wp": Wp, "Wc": Wc, "bc": bc}


def reference(x, edge_index, pos_embedding, Wp, Wc, bc):
    # position-guided projection
    h = x @ Wp.T                       # [N, OUT_CH*POS]
    h = h.reshape(-1, POS, OUT_CH)      # [N, POS, OUT_CH]
    h = h * pos_embedding[:, :, None]   # weight by position embedding
    h = h.sum(axis=1)                   # [N, OUT_CH]
    # GCNConv with normalize=True: add self-loops, symmetric normalization
    src = edge_index[0]
    dst = edge_index[1]
    loop = jnp.arange(N, dtype=edge_index.dtype)
    src = jnp.concatenate([src, loop])
    dst = jnp.concatenate([dst, loop])
    h = h @ Wc.T                        # linear transform
    deg = jnp.zeros((N,), dtype=h.dtype).at[dst].add(1.0)
    dinv = jnp.where(deg > 0, jax.lax.rsqrt(deg), 0.0)
    norm = dinv[src] * dinv[dst]
    msg = h[src] * norm[:, None]        # gather + scale
    out = jnp.zeros((N, OUT_CH), dtype=h.dtype).at[dst].add(msg)  # scatter-add
    out = out + bc
    return out

if __name__ == "__main__":
    import jax
    _d = setup_inputs()
    print(jax.jit(kernel)(*tuple(_d.values())))

</pallas_src>

<mosaic_0001>
#map = affine_map<(d0, d1) -> (0, 0)>
#map1 = affine_map<(d0, d1) -> (0)>
module attributes {stable_mosaic.version = 14 : i64} {
  func.func @_deg_body(%arg0: i32, %arg1: i32, %arg2: memref<2560x128xi32, #tpu.memory_space<hbm>>, %arg3: memref<20480xf32, #tpu.memory_space<hbm>>, %arg4: memref<80x128xi32, #tpu.memory_space<vmem>>, %arg5: memref<128xf32, #tpu.memory_space<vmem>>, %arg6: memref<640xf32, #tpu.memory_space<vmem>>, %arg7: memref<10240xf32, #tpu.memory_space<vmem_shared>>, %arg8: memref<!tpu.dma_semaphore, #tpu.memory_space<semaphore_mem>>) attributes {dimension_semantics = [#tpu.dimension_semantics<core_parallel>, #tpu.dimension_semantics<subcore_parallel>], iteration_bounds = array<i64: 2, 16>, scalar_prefetch = 0 : i64, scratch_operands = 5 : i64, tpu.core_type = #tpu.core_type<sc_vector_subcore>, window_params = [{transform_indices = #map}, {transform_indices = #map1}]} {
    %mul3A = arith.constant 16 : i32
    %mul3A_0 = arith.muli %arg0, %mul3A : i32
    %add3A = arith.addi %mul3A_0, %arg1 : i32
    %broadcast_in_dim3A = arith.constant 1.000000e+00 : f32
    %broadcast_in_dim3A_1 = vector.broadcast %broadcast_in_dim3A : f32 to vector<16xf32>
    %swap3A = arith.constant 0 : index
    %swap3A_2 = tpu.vector_load %arg5[%swap3A] {strides = array<i32>} : memref<128xf32, #tpu.memory_space<vmem>>, vector<16xf32>,
    %swap3A_3 = vector.shape_cast %swap3A_2 : vector<16xf32> to vector<16xf32>
    %swap3A_4 = vector.shape_cast %broadcast_in_dim3A_1 : vector<16xf32> to vector<16xf32>
    tpu.vector_store %arg5[%swap3A], %swap3A_4 {strides = array<i32>} : memref<128xf32, #tpu.memory_space<vmem>>, vector<16xf32>,
    %broadcast_in_dim3A_5 = arith.constant 1.000000e+00 : f32
    %broadcast_in_dim3A_6 = vector.broadcast %broadcast_in_dim3A_5 : f32 to vector<16xf32>
    %swap3A_7 = arith.constant 16 : index
    %swap3A_8 = tpu.vector_load %arg5[%swap3A_7] {strides = array<i32>} : memref<128xf32, #tpu.memory_space<vmem>>, vector<16xf32>,
    %swap3A_9 = vector.shape_cast %swap3A_8 : vector<16xf32> to vector<16xf32>
    %swap3A_10 = vector.shape_cast %broadcast_in_dim3A_6 : vector<16xf32> to vector<16xf32>
    tpu.vector_store %arg5[%swap3A_7], %swap3A_10 {strides = array<i32>} : memref<128xf32, #tpu.memory_space<vmem>>, vector<16xf32>,
    %broadcast_in_dim3A_11 = arith.constant 1.000000e+00 : f32
    %broadcast_in_dim3A_12 = vector.broadcast %broadcast_in_dim3A_11 : f32 to vector<16xf32>
    %swap3A_13 = arith.constant 32 : index
    %swap3A_14 = tpu.vector_load %arg5[%swap3A_13] {strides = array<i32>} : memref<128xf32, #tpu.memory_space<vmem>>, vector<16xf32>,
    %swap3A_15 = vector.shape_cast %swap3A_14 : vector<16xf32> to vector<16xf32>
    %swap3A_16 = vector.shape_cast %broadcast_in_dim3A_12 : vector<16xf32> to vector<16xf32>
    tpu.vector_store %arg5[%swap3A_13], %swap3A_16 {strides = array<i32>} : memref<128xf32, #tpu.memory_space<vmem>>, vector<16xf32>,
    %broadcast_in_dim3A_17 = arith.constant 1.000000e+00 : f32
    %broadcast_in_dim3A_18 = vector.broadcast %broadcast_in_dim3A_17 : f32 to vector<16xf32>
    %swap3A_19 = arith.constant 48 : index
    %swap3A_20 = tpu.vector_load %arg5[%swap3A_19] {strides = array<i32>} : memref<128xf32, #tpu.memory_space<vmem>>, vector<16xf32>,
    %swap3A_21 = vector.shape_cast %swap3A_20 : vector<16xf32> to vector<16xf32>
    %swap3A_22 = vector.shape_cast %broadcast_in_dim3A_18 : vector<16xf32> to vector<16xf32>
    tpu.vector_store %arg5[%swap3A_19], %swap3A_22 {strides = array<i32>} : memref<128xf32, #tpu.memory_space<vmem>>, vector<16xf32>,
    %broadcast_in_dim3A_23 = arith.constant 1.000000e+00 : f32
    %broadcast_in_dim3A_24 = vector.broadcast %broadcast_in_dim3A_23 : f32 to vector<16xf32>
    %swap3A_25 = arith.constant 64 : index
    %swap3A_26 = tpu.vector_load %arg5[%swap3A_25] {strides = array<i32>} : memref<128xf32, #tpu.memory_space<vmem>>, vector<16xf32>,
    %swap3A_27 = vector.shape_cast %swap3A_26 : vector<16xf32> to vector<16xf32>
    %swap3A_28 = vector.shape_cast %broadcast_in_dim3A_24 : vector<16xf32> to vector<16xf32>
    tpu.vector_store %arg5[%swap3A_25], %swap3A_28 {strides = array<i32>} : memref<128xf32, #tpu.memory_space<vmem>>, vector<16xf32>,
    %broadcast_in_dim3A_29 = arith.constant 1.000000e+00 : f32
    %broadcast_in_dim3A_30 = vector.broadcast %broadcast_in_dim3A_29 : f32 to vector<16xf32>
    %swap3A_31 = arith.constant 80 : index
    %swap3A_32 = tpu.vector_load %arg5[%swap3A_31] {strides = array<i32>} : memref<128xf32, #tpu.memory_space<vmem>>, vector<16xf32>,
    %swap3A_33 = vector.shape_cast %swap3A_32 : vector<16xf32> to vector<16xf32>
    %swap3A_34 = vector.shape_cast %broadcast_in_dim3A_30 : vector<16xf32> to vector<16xf32>
    tpu.vector_store %arg5[%swap3A_31], %swap3A_34 {strides = array<i32>} : memref<128xf32, #tpu.memory_space<vmem>>, vector<16xf32>,
    %broadcast_in_dim3A_35 = arith.constant 1.000000e+00 : f32
    %broadcast_in_dim3A_36 = vector.broadcast %broadcast_in_dim3A_35 : f32 to vector<16xf32>
    %swap3A_37 = arith.constant 96 : index
    %swap3A_38 = tpu.vector_load %arg5[%swap3A_37] {strides = array<i32>} : memref<128xf32, #tpu.memory_space<vmem>>, vector<16xf32>,
    %swap3A_39 = vector.shape_cast %swap3A_38 : vector<16xf32> to vector<16xf32>
    %swap3A_40 = vector.shape_cast %broadcast_in_dim3A_36 : vector<16xf32> to vector<16xf32>
    tpu.vector_store %arg5[%swap3A_37], %swap3A_40 {strides = array<i32>} : memref<128xf32, #tpu.memory_space<vmem>>, vector<16xf32>,
    %broadcast_in_dim3A_41 = arith.constant 1.000000e+00 : f32
    %broadcast_in_dim3A_42 = vector.broadcast %broadcast_in_dim3A_41 : f32 to vector<16xf32>
    %swap3A_43 = arith.constant 112 : index
    %swap3A_44 = tpu.vector_load %arg5[%swap3A_43] {strides = array<i32>} : memref<128xf32, #tpu.memory_space<vmem>>, vector<16xf32>,
    %swap3A_45 = vector.shape_cast %swap3A_44 : vector<16xf32> to vector<16xf32>
    %swap3A_46 = vector.shape_cast %broadcast_in_dim3A_42 : vector<16xf32> to vector<16xf32>
    tpu.vector_store %arg5[%swap3A_43], %swap3A_46 {strides = array<i32>} : memref<128xf32, #tpu.memory_space<vmem>>, vector<16xf32>,
    %scan3A = arith.constant 0 : i32
    %scan3A_47 = arith.constant 0 : i32
    %scan3A_48 = arith.constant 40 : i32
    %scan3A_49 = arith.addi %scan3A_47, %scan3A_48 : i32
    %scan3A_50 = arith.constant 1 : i32
    %scan3A_51 = scf.for %scan3A_72 = %scan3A_47 to %scan3A_49 step %scan3A_50 iter_args(%scan3A_73 = %scan3A) -> (i32)  : i32 {
      %broadcast_in_dim3A_74 = arith.constant 0.000000e+00 : f32
      %broadcast_in_dim3A_75 = vector.broadcast %broadcast_in_dim3A_74 : f32 to vector<16xf32>
      %mul3A_76 = arith.constant 16 : i32
      %mul3A_77 = arith.muli %scan3A_72, %mul3A_76 : i32
      %swap3A_78 = arith.index_cast %mul3A_77 : i32 to index
      %swap3A_79 = tpu.vector_load %arg6[%swap3A_78] {strides = array<i32>} : memref<640xf32, #tpu.memory_space<vmem>>, vector<16xf32>,
      %swap3A_80 = vector.shape_cast %swap3A_79 : vector<16xf32> to vector<16xf32>
      %swap3A_81 = vector.shape_cast %broadcast_in_dim3A_75 : vector<16xf32> to vector<16xf32>
      tpu.vector_store %arg6[%swap3A_78], %swap3A_81 {strides = array<i32>} : memref<640xf32, #tpu.memory_space<vmem>>, vector<16xf32>,
      %scan3A_82 = arith.constant 0 : i32
      scf.yield %scan3A_82 : i32
    }
    %scan3A_52 = arith.constant 40 : i32
    %mul3A_53 = arith.constant 640 : i32
    %mul3A_54 = arith.muli %arg1, %mul3A_53 : i32
    "tpu.region"() ({
      %run_scoped3A = tpu.sem_alloc : memref<!tpu.dma_semaphore, #tpu.memory_space<semaphore_mem>>
      %dma_start3A = tpu.memref_slice %arg7[%mul3A_54] : memref<10240xf32, #tpu.memory_space<vmem_shared>> -> memref<640xf32, #tpu.memory_space<vmem_shared>>
      %dma_start3A_72 = tpu.memref_slice %arg7[%mul3A_54] : memref<10240xf32, #tpu.memory_space<vmem_shared>> -> memref<640xf32, #tpu.memory_space<vmem_shared>>
      tpu.enqueue_dma source(%arg6 : memref<640xf32, #tpu.memory_space<vmem>>) target(%dma_start3A_72 : memref<640xf32, #tpu.memory_space<vmem_shared>>) target_semaphore(%run_scoped3A : memref<!tpu.dma_semaphore, #tpu.memory_space<semaphore_mem>>)
      %dma_wait3A = tpu.memref_slice %arg7[%mul3A_54] : memref<10240xf32, #tpu.memory_space<vmem_shared>> -> memref<640xf32, #tpu.memory_space<vmem_shared>>
      %dma_wait3A_73 = tpu.memref_slice %arg7[%mul3A_54] : memref<10240xf32, #tpu.memory_space<vmem_shared>> -> memref<640xf32, #tpu.memory_space<vmem_shared>>
      tpu.wait_dma2 semaphore(%run_scoped3A : memref<!tpu.dma_semaphore, #tpu.memory_space<semaphore_mem>>) src(%arg6 : memref<640xf32, #tpu.memory_space<vmem>>) dst(%dma_wait3A_73 : memref<640xf32, #tpu.memory_space<vmem_shared>>)
      tpu.yield
    }) : () -> ()
    %barrier3A = arith.constant 0 : index
    tpu.barrier barrier_id(%barrier3A)
    %mul3A_55 = arith.constant 80 : i32
    %mul3A_56 = arith.muli %add3A, %mul3A_55 : i32
    "tpu.region"() ({
      %run_scoped3A = tpu.sem_alloc : memref<!tpu.dma_semaphore, #tpu.memory_space<semaphore_mem>>
      %dma_start3A = arith.constant 0 : i32
      %dma_start3A_72 = tpu.memref_slice %arg2[%mul3A_56, %dma_start3A] : memref<2560x128xi32, #tpu.memory_space<hbm>> -> memref<80x128xi32, #tpu.memory_space<hbm>>
      %dma_start3A_73 = arith.constant 0 : i32
      %dma_start3A_74 = tpu.memref_slice %arg2[%mul3A_56, %dma_start3A_73] : memref<2560x128xi32, #tpu.memory_space<hbm>> -> memref<80x128xi32, #tpu.memory_space<hbm>>
      tpu.enqueue_dma source(%dma_start3A_74 : memref<80x128xi32, #tpu.memory_space<hbm>>) target(%arg4 : memref<80x128xi32, #tpu.memory_space<vmem>>) target_semaphore(%run_scoped3A : memref<!tpu.dma_semaphore, #tpu.memory_space<semaphore_mem>>)
      %dma_wait3A = arith.constant 0 : i32
      %dma_wait3A_75 = tpu.memref_slice %arg2[%mul3A_56, %dma_wait3A] : memref<2560x128xi32, #tpu.memory_space<hbm>> -> memref<80x128xi32, #tpu.memory_space<hbm>>
      %dma_wait3A_76 = arith.constant 0 : i32
      %dma_wait3A_77 = tpu.memref_slice %arg2[%mul3A_56, %dma_wait3A_76] : memref<2560x128xi32, #tpu.memory_space<hbm>> -> memref<80x128xi32, #tpu.memory_space<hbm>>
      tpu.wait_dma2 semaphore(%run_scoped3A : memref<!tpu.dma_semaphore, #tpu.memory_space<semaphore_mem>>) src(%dma_wait3A_77 : memref<80x128xi32, #tpu.memory_space<hbm>>) dst(%arg4 : memref<80x128xi32, #tpu.memory_space<vmem>>)
      tpu.yield
    }) : () -> ()
    %scan3A_57 = arith.constant 0 : i32
    %scan3A_58 = arith.constant 0 : i32
    %scan3A_59 = arith.constant 10 : i32
    %scan3A_60 = arith.addi %scan3A_58, %scan3A_59 : i32
    %scan3A_61 = arith.constant 1 : i32
    %scan3A_62 = scf.for %scan3A_72 = %scan3A_58 to %scan3A_60 step %scan3A_61 iter_args(%scan3A_73 = %scan3A_57) -> (i32)  : i32 {
      %mul3A_74 = arith.constant 8 : i32
      %mul3A_75 = arith.muli %scan3A_72, %mul3A_74 : i32
      %add3A_76 = arith.constant 0 : i32
      %add3A_77 = arith.addi %mul3A_75, %add3A_76 : i32
      %dma_start3A = arith.constant 0 : i32
      %dma_start3A_78 = tpu.memref_slice %arg4[%add3A_77, %dma_start3A] : memref<80x128xi32, #tpu.memory_space<vmem>> -> memref<1x128xi32, #tpu.memory_space<vmem>>
      %dma_start3A_79 = tpu.memref_squeeze %dma_start3A_78 : memref<1x128xi32, #tpu.memory_space<vmem>> -> memref<128xi32, #tpu.memory_space<vmem>>
      %dma_start3A_80 = arith.constant 0 : i32
      %dma_start3A_81 = tpu.memref_slice %arg7[%dma_start3A_80] : memref<10240xf32, #tpu.memory_space<vmem_shared>> -> memref<10240xf32, #tpu.memory_space<vmem_shared>>
      tpu.enqueue_indirect_dma source(%arg5 : memref<128xf32, #tpu.memory_space<vmem>>) target(%dma_start3A_81 : memref<10240xf32, #tpu.memory_space<vmem_shared>>) offsets(%dma_start3A_79 : memref<128xi32, #tpu.memory_space<vmem>>) semaphore(%arg8 : memref<!tpu.dma_semaphore, #tpu.memory_space<semaphore_mem>>) {add = true}
      %mul3A_82 = arith.constant 8 : i32
      %mul3A_83 = arith.muli %scan3A_72, %mul3A_82 : i32
      %add3A_84 = arith.constant 1 : i32
      %add3A_85 = arith.addi %mul3A_83, %add3A_84 : i32
      %dma_start3A_86 = arith.constant 0 : i32
      %dma_start3A_87 = tpu.memref_slice %arg4[%add3A_85, %dma_start3A_86] : memref<80x128xi32, #tpu.memory_space<vmem>> -> memref<1x128xi32, #tpu.memory_space<vmem>>
      %dma_start3A_88 = tpu.memref_squeeze %dma_start3A_87 : memref<1x128xi32, #tpu.memory_space<vmem>> -> memref<128xi32, #tpu.memory_space<vmem>>
      %dma_start3A_89 = arith.constant 0 : i32
      %dma_start3A_90 = tpu.memref_slice %arg7[%dma_start3A_89] : memref<10240xf32, #tpu.memory_space<vmem_shared>> -> memref<10240xf32, #tpu.memory_space<vmem_shared>>
      tpu.enqueue_indirect_dma source(%arg5 : memref<128xf32, #tpu.memory_space<vmem>>) target(%dma_start3A_90 : memref<10240xf32, #tpu.memory_space<vmem_shared>>) offsets(%dma_start3A_88 : memref<128xi32, #tpu.memory_space<vmem>>) semaphore(%arg8 : memref<!tpu.dma_semaphore, #tpu.memory_space<semaphore_mem>>) {add = true}
      %mul3A_91 = arith.constant 8 : i32
      %mul3A_92 = arith.muli %scan3A_72, %mul3A_91 : i32
      %add3A_93 = arith.constant 2 : i32
      %add3A_94 = arith.addi %mul3A_92, %add3A_93 : i32
      %dma_start3A_95 = arith.constant 0 : i32
      %dma_start3A_96 = tpu.memref_slice %arg4[%add3A_94, %dma_start3A_95] : memref<80x128xi32, #tpu.memory_space<vmem>> -> memref<1x128xi32, #tpu.memory_space<vmem>>
      %dma_start3A_97 = tpu.memref_squeeze %dma_start3A_96 : memref<1x128xi32, #tpu.memory_space<vmem>> -> memref<128xi32, #tpu.memory_space<vmem>>
      %dma_start3A_98 = arith.constant 0 : i32
      %dma_start3A_99 = tpu.memref_slice %arg7[%dma_start3A_98] : memref<10240xf32, #tpu.memory_space<vmem_shared>> -> memref<10240xf32, #tpu.memory_space<vmem_shared>>
      tpu.enqueue_indirect_dma source(%arg5 : memref<128xf32, #tpu.memory_space<vmem>>) target(%dma_start3A_99 : memref<10240xf32, #tpu.memory_space<vmem_shared>>) offsets(%dma_start3A_97 : memref<128xi32, #tpu.memory_space<vmem>>) semaphore(%arg8 : memref<!tpu.dma_semaphore, #tpu.memory_space<semaphore_mem>>) {add = true}
      %mul3A_100 = arith.constant 8 : i32
      %mul3A_101 = arith.muli %scan3A_72, %mul3A_100 : i32
      %add3A_102 = arith.constant 3 : i32
      %add3A_103 = arith.addi %mul3A_101, %add3A_102 : i32
      %dma_start3A_104 = arith.constant 0 : i32
      %dma_start3A_105 = tpu.memref_slice %arg4[%add3A_103, %dma_start3A_104] : memref<80x128xi32, #tpu.memory_space<vmem>> -> memref<1x128xi32, #tpu.memory_space<vmem>>
      %dma_start3A_106 = tpu.memref_squeeze %dma_start3A_105 : memref<1x128xi32, #tpu.memory_space<vmem>> -> memref<128xi32, #tpu.memory_space<vmem>>
      %dma_start3A_107 = arith.constant 0 : i32
      %dma_start3A_108 = tpu.memref_slice %arg7[%dma_start3A_107] : memref<10240xf32, #tpu.memory_space<vmem_shared>> -> memref<10240xf32, #tpu.memory_space<vmem_shared>>
      tpu.enqueue_indirect_dma source(%arg5 : memref<128xf32, #tpu.memory_space<vmem>>) target(%dma_start3A_108 : memref<10240xf32, #tpu.memory_space<vmem_shared>>) offsets(%dma_start3A_106 : memref<128xi32, #tpu.memory_space<vmem>>) semaphore(%arg8 : memref<!tpu.dma_semaphore, #tpu.memory_space<semaphore_mem>>) {add = true}
      %mul3A_109 = arith.constant 8 : i32
      %mul3A_110 = arith.muli %scan3A_72, %mul3A_109 : i32
      %add3A_111 = arith.constant 4 : i32
      %add3A_112 = arith.addi %mul3A_110, %add3A_111 : i32
      %dma_start3A_113 = arith.constant 0 : i32
      %dma_start3A_114 = tpu.memref_slice %arg4[%add3A_112, %dma_start3A_113] : memref<80x128xi32, #tpu.memory_space<vmem>> -> memref<1x128xi32, #tpu.memory_space<vmem>>
      %dma_start3A_115 = tpu.memref_squeeze %dma_start3A_114 : memref<1x128xi32, #tpu.memory_space<vmem>> -> memref<128xi32, #tpu.memory_space<vmem>>
      %dma_start3A_116 = arith.constant 0 : i32
      %dma_start3A_117 = tpu.memref_slice %arg7[%dma_start3A_116] : memref<10240xf32, #tpu.memory_space<vmem_shared>> -> memref<10240xf32, #tpu.memory_space<vmem_shared>>
      tpu.enqueue_indirect_dma source(%arg5 : memref<128xf32, #tpu.memory_space<vmem>>) target(%dma_start3A_117 : memref<10240xf32, #tpu.memory_space<vmem_shared>>) offsets(%dma_start3A_115 : memref<128xi32, #tpu.memory_space<vmem>>) semaphore(%arg8 : memref<!tpu.dma_semaphore, #tpu.memory_space<semaphore_mem>>) {add = true}
      %mul3A_118 = arith.constant 8 : i32
      %mul3A_119 = arith.muli %scan3A_72, %mul3A_118 : i32
      %add3A_120 = arith.constant 5 : i32
      %add3A_121 = arith.addi %mul3A_119, %add3A_120 : i32
      %dma_start3A_122 = arith.constant 0 : i32
      %dma_start3A_123 = tpu.memref_slice %arg4[%add3A_121, %dma_start3A_122] : memref<80x128xi32, #tpu.memory_space<vmem>> -> memref<1x128xi32, #tpu.memory_space<vmem>>
      %dma_start3A_124 = tpu.memref_squeeze %dma_start3A_123 : memref<1x128xi32, #tpu.memory_space<vmem>> -> memref<128xi32, #tpu.memory_space<vmem>>
      %dma_start3A_125 = arith.constant 0 : i32
      %dma_start3A_126 = tpu.memref_slice %arg7[%dma_start3A_125] : memref<10240xf32, #tpu.memory_space<vmem_shared>> -> memref<10240xf32, #tpu.memory_space<vmem_shared>>
      tpu.enqueue_indirect_dma source(%arg5 : memref<128xf32, #tpu.memory_space<vmem>>) target(%dma_start3A_126 : memref<10240xf32, #tpu.memory_space<vmem_shared>>) offsets(%dma_start3A_124 : memref<128xi32, #tpu.memory_space<vmem>>) semaphore(%arg8 : memref<!tpu.dma_semaphore, #tpu.memory_space<semaphore_mem>>) {add = true}
      %mul3A_127 = arith.constant 8 : i32
      %mul3A_128 = arith.muli %scan3A_72, %mul3A_127 : i32
      %add3A_129 = arith.constant 6 : i32
      %add3A_130 = arith.addi %mul3A_128, %add3A_129 : i32
      %dma_start3A_131 = arith.constant 0 : i32
      %dma_start3A_132 = tpu.memref_slice %arg4[%add3A_130, %dma_start3A_131] : memref<80x128xi32, #tpu.memory_space<vmem>> -> memref<1x128xi32, #tpu.memory_space<vmem>>
      %dma_start3A_133 = tpu.memref_squeeze %dma_start3A_132 : memref<1x128xi32, #tpu.memory_space<vmem>> -> memref<128xi32, #tpu.memory_space<vmem>>
      %dma_start3A_134 = arith.constant 0 : i32
      %dma_start3A_135 = tpu.memref_slice %arg7[%dma_start3A_134] : memref<10240xf32, #tpu.memory_space<vmem_shared>> -> memref<10240xf32, #tpu.memory_space<vmem_shared>>
      tpu.enqueue_indirect_dma source(%arg5 : memref<128xf32, #tpu.memory_space<vmem>>) target(%dma_start3A_135 : memref<10240xf32, #tpu.memory_space<vmem_shared>>) offsets(%dma_start3A_133 : memref<128xi32, #tpu.memory_space<vmem>>) semaphore(%arg8 : memref<!tpu.dma_semaphore, #tpu.memory_space<semaphore_mem>>) {add = true}
      %mul3A_136 = arith.constant 8 : i32
      %mul3A_137 = arith.muli %scan3A_72, %mul3A_136 : i32
      %add3A_138 = arith.constant 7 : i32
      %add3A_139 = arith.addi %mul3A_137, %add3A_138 : i32
      %dma_start3A_140 = arith.constant 0 : i32
      %dma_start3A_141 = tpu.memref_slice %arg4[%add3A_139, %dma_start3A_140] : memref<80x128xi32, #tpu.memory_space<vmem>> -> memref<1x128xi32, #tpu.memory_space<vmem>>
      %dma_start3A_142 = tpu.memref_squeeze %dma_start3A_141 : memref<1x128xi32, #tpu.memory_space<vmem>> -> memref<128xi32, #tpu.memory_space<vmem>>
      %dma_start3A_143 = arith.constant 0 : i32
      %dma_start3A_144 = tpu.memref_slice %arg7[%dma_start3A_143] : memref<10240xf32, #tpu.memory_space<vmem_shared>> -> memref<10240xf32, #tpu.memory_space<vmem_shared>>
      tpu.enqueue_indirect_dma source(%arg5 : memref<128xf32, #tpu.memory_space<vmem>>) target(%dma_start3A_144 : memref<10240xf32, #tpu.memory_space<vmem_shared>>) offsets(%dma_start3A_142 : memref<128xi32, #tpu.memory_space<vmem>>) semaphore(%arg8 : memref<!tpu.dma_semaphore, #tpu.memory_space<semaphore_mem>>) {add = true}
      %mul3A_145 = arith.constant 8 : i32
      %mul3A_146 = arith.muli %scan3A_72, %mul3A_145 : i32
      %add3A_147 = arith.constant 0 : i32
      %add3A_148 = arith.addi %mul3A_146, %add3A_147 : i32
      %dma_wait3A = arith.constant 0 : i32
      %dma_wait3A_149 = tpu.memref_slice %arg4[%add3A_148, %dma_wait3A] : memref<80x128xi32, #tpu.memory_space<vmem>> -> memref<1x128xi32, #tpu.memory_space<vmem>>
      %dma_wait3A_150 = tpu.memref_squeeze %dma_wait3A_149 : memref<1x128xi32, #tpu.memory_space<vmem>> -> memref<128xi32, #tpu.memory_space<vmem>>
      %dma_wait3A_151 = arith.constant 0 : i32
      %dma_wait3A_152 = tpu.memref_slice %arg7[%dma_wait3A_151] : memref<10240xf32, #tpu.memory_space<vmem_shared>> -> memref<10240xf32, #tpu.memory_space<vmem_shared>>
      tpu.wait_indirect_dma semaphore(%arg8 : memref<!tpu.dma_semaphore, #tpu.memory_space<semaphore_mem>>) src(%arg5 : memref<128xf32, #tpu.memory_space<vmem>>) dst(%dma_wait3A_152 : memref<10240xf32, #tpu.memory_space<vmem_shared>>)
      %mul3A_153 = arith.constant 8 : i32
      %mul3A_154 = arith.muli %scan3A_72, %mul3A_153 : i32
      %add3A_155 = arith.constant 1 : i32
      %add3A_156 = arith.addi %mul3A_154, %add3A_155 : i32
      %dma_wait3A_157 = arith.constant 0 : i32
      %dma_wait3A_158 = tpu.memref_slice %arg4[%add3A_156, %dma_wait3A_157] : memref<80x128xi32, #tpu.memory_space<vmem>> -> memref<1x128xi32, #tpu.memory_space<vmem>>
      %dma_wait3A_159 = tpu.memref_squeeze %dma_wait3A_158 : memref<1x128xi32, #tpu.memory_space<vmem>> -> memref<128xi32, #tpu.memory_space<vmem>>
      %dma_wait3A_160 = arith.constant 0 : i32
      %dma_wait3A_161 = tpu.memref_slice %arg7[%dma_wait3A_160] : memref<10240xf32, #tpu.memory_space<vmem_shared>> -> memref<10240xf32, #tpu.memory_space<vmem_shared>>
      tpu.wait_indirect_dma semaphore(%arg8 : memref<!tpu.dma_semaphore, #tpu.memory_space<semaphore_mem>>) src(%arg5 : memref<128xf32, #tpu.memory_space<vmem>>) dst(%dma_wait3A_161 : memref<10240xf32, #tpu.memory_space<vmem_shared>>)
      %mul3A_162 = arith.constant 8 : i32
      %mul3A_163 = arith.muli %scan3A_72, %mul3A_162 : i32
      %add3A_164 = arith.constant 2 : i32
      %add3A_165 = arith.addi %mul3A_163, %add3A_164 : i32
      %dma_wait3A_166 = arith.constant 0 : i32
      %dma_wait3A_167 = tpu.memref_slice %arg4[%add3A_165, %dma_wait3A_166] : memref<80x128xi32, #tpu.memory_space<vmem>> -> memref<1x128xi32, #tpu.memory_space<vmem>>
      %dma_wait3A_168 = tpu.memref_squeeze %dma_wait3A_167 : memref<1x128xi32, #tpu.memory_space<vmem>> -> memref<128xi32, #tpu.memory_space<vmem>>
      %dma_wait3A_169 = arith.constant 0 : i32
      %dma_wait3A_170 = tpu.memref_slice %arg7[%dma_wait3A_169] : memref<10240xf32, #tpu.memory_space<vmem_shared>> -> memref<10240xf32, #tpu.memory_space<vmem_shared>>
      tpu.wait_indirect_dma semaphore(%arg8 : memref<!tpu.dma_semaphore, #tpu.memory_space<semaphore_mem>>) src(%arg5 : memref<128xf32, #tpu.memory_space<vmem>>) dst(%dma_wait3A_170 : memref<10240xf32, #tpu.memory_space<vmem_shared>>)
      %mul3A_171 = arith.constant 8 : i32
      %mul3A_172 = arith.muli %scan3A_72, %mul3A_171 : i32
      %add3A_173 = arith.constant 3 : i32
      %add3A_174 = arith.addi %mul3A_172, %add3A_173 : i32
      %dma_wait3A_175 = arith.constant 0 : i32
      %dma_wait3A_176 = tpu.memref_slice %arg4[%add3A_174, %dma_wait3A_175] : memref<80x128xi32, #tpu.memory_space<vmem>> -> memref<1x128xi32, #tpu.memory_space<vmem>>
      %dma_wait3A_177 = tpu.memref_squeeze %dma_wait3A_176 : memref<1x128xi32, #tpu.memory_space<vmem>> -> memref<128xi32, #tpu.memory_space<vmem>>
      %dma_wait3A_178 = arith.constant 0 : i32
      %dma_wait3A_179 = tpu.memref_slice %arg7[%dma_wait3A_178] : memref<10240xf32, #tpu.memory_space<vmem_shared>> -> memref<10240xf32, #tpu.memory_space<vmem_shared>>
      tpu.wait_indirect_dma semaphore(%arg8 : memref<!tpu.dma_semaphore, #tpu.memory_space<semaphore_mem>>) src(%arg5 : memref<128xf32, #tpu.memory_space<vmem>>) dst(%dma_wait3A_179 : memref<10240xf32, #tpu.memory_space<vmem_shared>>)
      %mul3A_180 = arith.constant 8 : i32
      %mul3A_181 = arith.muli %scan3A_72, %mul3A_180 : i32
      %add3A_182 = arith.constant 4 : i32
      %add3A_183 = arith.addi %mul3A_181, %add3A_182 : i32
      %dma_wait3A_184 = arith.constant 0 : i32
      %dma_wait3A_185 = tpu.memref_slice %arg4[%add3A_183, %dma_wait3A_184] : memref<80x128xi32, #tpu.memory_space<vmem>> -> memref<1x128xi32, #tpu.memory_space<vmem>>
      %dma_wait3A_186 = tpu.memref_squeeze %dma_wait3A_185 : memref<1x128xi32, #tpu.memory_space<vmem>> -> memref<128xi32, #tpu.memory_space<vmem>>
      %dma_wait3A_187 = arith.constant 0 : i32
      %dma_wait3A_188 = tpu.memref_slice %arg7[%dma_wait3A_187] : memref<10240xf32, #tpu.memory_space<vmem_shared>> -> memref<10240xf32, #tpu.memory_space<vmem_shared>>
      tpu.wait_indirect_dma semaphore(%arg8 : memref<!tpu.dma_semaphore, #tpu.memory_space<semaphore_mem>>) src(%arg5 : memref<128xf32, #tpu.memory_space<vmem>>) dst(%dma_wait3A_188 : memref<10240xf32, #tpu.memory_space<vmem_shared>>)
      %mul3A_189 = arith.constant 8 : i32
      %mul3A_190 = arith.muli %scan3A_72, %mul3A_189 : i32
      %add3A_191 = arith.constant 5 : i32
      %add3A_192 = arith.addi %mul3A_190, %add3A_191 : i32
      %dma_wait3A_193 = arith.constant 0 : i32
      %dma_wait3A_194 = tpu.memref_slice %arg4[%add3A_192, %dma_wait3A_193] : memref<80x128xi32, #tpu.memory_space<vmem>> -> memref<1x128xi32, #tpu.memory_space<vmem>>
      %dma_wait3A_195 = tpu.memref_squeeze %dma_wait3A_194 : memref<1x128xi32, #tpu.memory_space<vmem>> -> memref<128xi32, #tpu.memory_space<vmem>>
      %dma_wait3A_196 = arith.constant 0 : i32
      %dma_wait3A_197 = tpu.memref_slice %arg7[%dma_wait3A_196] : memref<10240xf32, #tpu.memory_space<vmem_shared>> -> memref<10240xf32, #tpu.memory_space<vmem_shared>>
      tpu.wait_indirect_dma semaphore(%arg8 : memref<!tpu.dma_semaphore, #tpu.memory_space<semaphore_mem>>) src(%arg5 : memref<128xf32, #tpu.memory_space<vmem>>) dst(%dma_wait3A_197 : memref<10240xf32, #tpu.memory_space<vmem_shared>>)
      %mul3A_198 = arith.constant 8 : i32
      %mul3A_199 = arith.muli %scan3A_72, %mul3A_198 : i32
      %add3A_200 = arith.constant 6 : i32
      %add3A_201 = arith.addi %mul3A_199, %add3A_200 : i32
      %dma_wait3A_202 = arith.constant 0 : i32
      %dma_wait3A_203 = tpu.memref_slice %arg4[%add3A_201, %dma_wait3A_202] : memref<80x128xi32, #tpu.memory_space<vmem>> -> memref<1x128xi32, #tpu.memory_space<vmem>>
      %dma_wait3A_204 = tpu.memref_squeeze %dma_wait3A_203 : memref<1x128xi32, #tpu.memory_space<vmem>> -> memref<128xi32, #tpu.memory_space<vmem>>
      %dma_wait3A_205 = arith.constant 0 : i32
      %dma_wait3A_206 = tpu.memref_slice %arg7[%dma_wait3A_205] : memref<10240xf32, #tpu.memory_space<vmem_shared>> -> memref<10240xf32, #tpu.memory_space<vmem_shared>>
      tpu.wait_indirect_dma semaphore(%arg8 : memref<!tpu.dma_semaphore, #tpu.memory_space<semaphore_mem>>) src(%arg5 : memref<128xf32, #tpu.memory_space<vmem>>) dst(%dma_wait3A_206 : memref<10240xf32, #tpu.memory_space<vmem_shared>>)
      %mul3A_207 = arith.constant 8 : i32
      %mul3A_208 = arith.muli %scan3A_72, %mul3A_207 : i32
      %add3A_209 = arith.constant 7 : i32
      %add3A_210 = arith.addi %mul3A_208, %add3A_209 : i32
      %dma_wait3A_211 = arith.constant 0 : i32
      %dma_wait3A_212 = tpu.memref_slice %arg4[%add3A_210, %dma_wait3A_211] : memref<80x128xi32, #tpu.memory_space<vmem>> -> memref<1x128xi32, #tpu.memory_space<vmem>>
      %dma_wait3A_213 = tpu.memref_squeeze %dma_wait3A_212 : memref<1x128xi32, #tpu.memory_space<vmem>> -> memref<128xi32, #tpu.memory_space<vmem>>
      %dma_wait3A_214 = arith.constant 0 : i32
      %dma_wait3A_215 = tpu.memref_slice %arg7[%dma_wait3A_214] : memref<10240xf32, #tpu.memory_space<vmem_shared>> -> memref<10240xf32, #tpu.memory_space<vmem_shared>>
      tpu.wait_indirect_dma semaphore(%arg8 : memref<!tpu.dma_semaphore, #tpu.memory_space<semaphore_mem>>) src(%arg5 : memref<128xf32, #tpu.memory_space<vmem>>) dst(%dma_wait3A_215 : memref<10240xf32, #tpu.memory_space<vmem_shared>>)
      %scan3A_216 = arith.constant 0 : i32
      scf.yield %scan3A_216 : i32
    }
    %scan3A_63 = arith.constant 10 : i32
    %barrier3A_64 = arith.constant 0 : index
    tpu.barrier barrier_id(%barrier3A_64)
    %mul3A_65 = arith.constant 640 : i32
    %mul3A_66 = arith.muli %arg1, %mul3A_65 : i32
    "tpu.region"() ({
      %run_scoped3A = tpu.sem_alloc : memref<!tpu.dma_semaphore, #tpu.memory_space<semaphore_mem>>
      %dma_start3A = tpu.memref_slice %arg7[%mul3A_66] : memref<10240xf32, #tpu.memory_space<vmem_shared>> -> memref<640xf32, #tpu.memory_space<vmem_shared>>
      %dma_start3A_72 = tpu.memref_slice %arg7[%mul3A_66] : memref<10240xf32, #tpu.memory_space<vmem_shared>> -> memref<640xf32, #tpu.memory_space<vmem_shared>>
      tpu.enqueue_dma source(%dma_start3A_72 : memref<640xf32, #tpu.memory_space<vmem_shared>>) target(%arg6 : memref<640xf32, #tpu.memory_space<vmem>>) target_semaphore(%run_scoped3A : memref<!tpu.dma_semaphore, #tpu.memory_space<semaphore_mem>>)
      %dma_wait3A = tpu.memref_slice %arg7[%mul3A_66] : memref<10240xf32, #tpu.memory_space<vmem_shared>> -> memref<640xf32, #tpu.memory_space<vmem_shared>>
      %dma_wait3A_73 = tpu.memref_slice %arg7[%mul3A_66] : memref<10240xf32, #tpu.memory_space<vmem_shared>> -> memref<640xf32, #tpu.memory_space<vmem_shared>>
      tpu.wait_dma2 semaphore(%run_scoped3A : memref<!tpu.dma_semaphore, #tpu.memory_space<semaphore_mem>>) src(%dma_wait3A_73 : memref<640xf32, #tpu.memory_space<vmem_shared>>) dst(%arg6 : memref<640xf32, #tpu.memory_space<vmem>>)
      tpu.yield
    }) : () -> ()
    %mul3A_67 = arith.constant 10240 : i32
    %mul3A_68 = arith.muli %arg0, %mul3A_67 : i32
    %mul3A_69 = arith.constant 640 : i32
    %mul3A_70 = arith.muli %arg1, %mul3A_69 : i32
    %add3A_71 = arith.addi %mul3A_68, %mul3A_70 : i32
    "tpu.region"() ({
      %run_scoped3A = tpu.sem_alloc : memref<!tpu.dma_semaphore, #tpu.memory_space<semaphore_mem>>
      %dma_start3A = tpu.memref_slice %arg3[%add3A_71] : memref<20480xf32, #tpu.memory_space<hbm>> -> memref<640xf32, #tpu.memory_space<hbm>>
      %dma_start3A_72 = tpu.memref_slice %arg3[%add3A_71] : memref<20480xf32, #tpu.memory_space<hbm>> -> memref<640xf32, #tpu.memory_space<hbm>>
      tpu.enqueue_dma source(%arg6 : memref<640xf32, #tpu.memory_space<vmem>>) target(%dma_start3A_72 : memref<640xf32, #tpu.memory_space<hbm>>) target_semaphore(%run_scoped3A : memref<!tpu.dma_semaphore, #tpu.memory_space<semaphore_mem>>)
      %dma_wait3A = tpu.memref_slice %arg3[%add3A_71] : memref<20480xf32, #tpu.memory_space<hbm>> -> memref<640xf32, #tpu.memory_space<hbm>>
      %dma_wait3A_73 = tpu.memref_slice %arg3[%add3A_71] : memref<20480xf32, #tpu.memory_space<hbm>> -> memref<640xf32, #tpu.memory_space<hbm>>
      tpu.wait_dma2 semaphore(%run_scoped3A : memref<!tpu.dma_semaphore, #tpu.memory_space<semaphore_mem>>) src(%arg6 : memref<640xf32, #tpu.memory_space<vmem>>) dst(%dma_wait3A_73 : memref<640xf32, #tpu.memory_space<hbm>>)
      tpu.yield
    }) : () -> ()
    return
  }
}

#map = affine_map<(d0, d1) -> (0)>
#map1 = affine_map<(d0, d1) -> (0, 0)>
module attributes {stable_mosaic.version = 14 : i64} {
  func.func @_msg_body(%arg0: i32, %arg1: i32, %arg2: memref<327680xi32, #tpu.memory_space<hbm>>, %arg3: memref<2560x128xi32, #tpu.memory_space<hbm>>, %arg4: memref<10240x128xf32, #tpu.memory_space<hbm>>, %arg5: memref<10240x128xf32, #tpu.memory_space<hbm>>, %arg6: memref<10240x128xf32, #tpu.memory_space<hbm>>, %arg7: memref<10240x128xf32, #tpu.memory_space<hbm>>, %arg8: memref<2x2048xi32, #tpu.memory_space<vmem>>, %arg9: memref<2x16x128xi32, #tpu.memory_space<vmem>>, %arg10: memref<128x128xf32, #tpu.memory_space<vmem>>, %arg11: memref<128x128xf32, #tpu.memory_space<vmem>>, %arg12: memref<10240x128xf32, #tpu.memory_space<vmem_shared>>, %arg13: memref<!tpu.dma_semaphore, #tpu.memory_space<semaphore_mem>>, %arg14: memref<!tpu.dma_semaphore, #tpu.memory_space<semaphore_mem>>, %arg15: memref<!tpu.dma_semaphore, #tpu.memory_space<semaphore_mem>>, %arg16: memref<!tpu.dma_semaphore, #tpu.memory_space<semaphore_mem>>, %arg17: memref<!tpu.dma_semaphore, #tpu.memory_space<semaphore_mem>>) attributes {dimension_semantics = [#tpu.dimension_semantics<core_parallel>, #tpu.dimension_semantics<subcore_parallel>], iteration_bounds = array<i64: 2, 16>, scalar_prefetch = 0 : i64, scratch_operands = 10 : i64, tpu.core_type = #tpu.core_type<sc_vector_subcore>, window_params = [{transform_indices = #map}, {transform_indices = #map1}, {transform_indices = #map1}, {transform_indices = #map1}, {transform_indices = #map1}, {transform_indices = #map1}]} {
    %scan3A = arith.constant 0 : i32
    %scan3A_0 = arith.constant 0 : i32
    %scan3A_1 = arith.constant 128 : i32
    %scan3A_2 = arith.addi %scan3A_0, %scan3A_1 : i32
    %scan3A_3 = arith.constant 1 : i32
    %scan3A_4 = scf.for %scan3A_42 = %scan3A_0 to %scan3A_2 step %scan3A_3 iter_args(%scan3A_43 = %scan3A) -> (i32)  : i32 {
      %broadcast_in_dim3A = arith.constant 0.000000e+00 : f32
      %broadcast_in_dim3A_44 = vector.broadcast %broadcast_in_dim3A : f32 to vector<16xf32>
      %swap3A = arith.index_cast %scan3A_42 : i32 to index
      %swap3A_45 = arith.constant 0 : index
      %swap3A_46 = tpu.vector_load %arg10[%swap3A, %swap3A_45] {strides = array<i32>} : memref<128x128xf32, #tpu.memory_space<vmem>>, vector<1x16xf32>,
      %swap3A_47 = vector.shape_cast %swap3A_46 : vector<1x16xf32> to vector<16xf32>
      %swap3A_48 = vector.shape_cast %broadcast_in_dim3A_44 : vector<16xf32> to vector<1x16xf32>
      tpu.vector_store %arg10[%swap3A, %swap3A_45], %swap3A_48 {strides = array<i32>} : memref<128x128xf32, #tpu.memory_space<vmem>>, vector<1x16xf32>,
      %broadcast_in_dim3A_49 = arith.constant 0.000000e+00 : f32
      %broadcast_in_dim3A_50 = vector.broadcast %broadcast_in_dim3A_49 : f32 to vector<16xf32>
      %swap3A_51 = arith.index_cast %scan3A_42 : i32 to index
      %swap3A_52 = arith.constant 16 : index
      %swap3A_53 = tpu.vector_load %arg10[%swap3A_51, %swap3A_52] {strides = array<i32>} : memref<128x128xf32, #tpu.memory_space<vmem>>, vector<1x16xf32>,
      %swap3A_54 = vector.shape_cast %swap3A_53 : vector<1x16xf32> to vector<16xf32>
      %swap3A_55 = vector.shape_cast %broadcast_in_dim3A_50 : vector<16xf32> to vector<1x16xf32>
      tpu.vector_store %arg10[%swap3A_51, %swap3A_52], %swap3A_55 {strides = array<i32>} : memref<128x128xf32, #tpu.memory_space<vmem>>, vector<1x16xf32>,
      %broadcast_in_dim3A_56 = arith.constant 0.000000e+00 : f32
      %broadcast_in_dim3A_57 = vector.broadcast %broadcast_in_dim3A_56 : f32 to vector<16xf32>
      %swap3A_58 = arith.index_cast %scan3A_42 : i32 to index
      %swap3A_59 = arith.constant 32 : index
      %swap3A_60 = tpu.vector_load %arg10[%swap3A_58, %swap3A_59] {strides = array<i32>} : memref<128x128xf32, #tpu.memory_space<vmem>>, vector<1x16xf32>,
      %swap3A_61 = vector.shape_cast %swap3A_60 : vector<1x16xf32> to vector<16xf32>
      %swap3A_62 = vector.shape_cast %broadcast_in_dim3A_57 : vector<16xf32> to vector<1x16xf32>
      tpu.vector_store %arg10[%swap3A_58, %swap3A_59], %swap3A_62 {strides = array<i32>} : memref<128x128xf32, #tpu.memory_space<vmem>>, vector<1x16xf32>,
      %broadcast_in_dim3A_63 = arith.constant 0.000000e+00 : f32
      %broadcast_in_dim3A_64 = vector.broadcast %broadcast_in_dim3A_63 : f32 to vector<16xf32>
      %swap3A_65 = arith.index_cast %scan3A_42 : i32 to index
      %swap3A_66 = arith.constant 48 : index
      %swap3A_67 = tpu.vector_load %arg10[%swap3A_65, %swap3A_66] {strides = array<i32>} : memref<128x128xf32, #tpu.memory_space<vmem>>, vector<1x16xf32>,
      %swap3A_68 = vector.shape_cast %swap3A_67 : vector<1x16xf32> to vector<16xf32>
      %swap3A_69 = vector.shape_cast %broadcast_in_dim3A_64 : vector<16xf32> to vector<1x16xf32>
      tpu.vector_store %arg10[%swap3A_65, %swap3A_66], %swap3A_69 {strides = array<i32>} : memref<128x128xf32, #tpu.memory_space<vmem>>, vector<1x16xf32>,
      %broadcast_in_dim3A_70 = arith.constant 0.000000e+00 : f32
      %broadcast_in_dim3A_71 = vector.broadcast %broadcast_in_dim3A_70 : f32 to vector<16xf32>
      %swap3A_72 = arith.index_cast %scan3A_42 : i32 to index
      %swap3A_73 = arith.constant 64 : index
      %swap3A_74 = tpu.vector_load %arg10[%swap3A_72, %swap3A_73] {strides = array<i32>} : memref<128x128xf32, #tpu.memory_space<vmem>>, vector<1x16xf32>,
      %swap3A_75 = vector.shape_cast %swap3A_74 : vector<1x16xf32> to vector<16xf32>
      %swap3A_76 = vector.shape_cast %broadcast_in_dim3A_71 : vector<16xf32> to vector<1x16xf32>
      tpu.vector_store %arg10[%swap3A_72, %swap3A_73], %swap3A_76 {strides = array<i32>} : memref<128x128xf32, #tpu.memory_space<vmem>>, vector<1x16xf32>,
      %broadcast_in_dim3A_77 = arith.constant 0.000000e+00 : f32
      %broadcast_in_dim3A_78 = vector.broadcast %broadcast_in_dim3A_77 : f32 to vector<16xf32>
      %swap3A_79 = arith.index_cast %scan3A_42 : i32 to index
      %swap3A_80 = arith.constant 80 : index
      %swap3A_81 = tpu.vector_load %arg10[%swap3A_79, %swap3A_80] {strides = array<i32>} : memref<128x128xf32, #tpu.memory_space<vmem>>, vector<1x16xf32>,
      %swap3A_82 = vector.shape_cast %swap3A_81 : vector<1x16xf32> to vector<16xf32>
      %swap3A_83 = vector.shape_cast %broadcast_in_dim3A_78 : vector<16xf32> to vector<1x16xf32>
      tpu.vector_store %arg10[%swap3A_79, %swap3A_80], %swap3A_83 {strides = array<i32>} : memref<128x128xf32, #tpu.memory_space<vmem>>, vector<1x16xf32>,
      %broadcast_in_dim3A_84 = arith.constant 0.000000e+00 : f32
      %broadcast_in_dim3A_85 = vector.broadcast %broadcast_in_dim3A_84 : f32 to vector<16xf32>
      %swap3A_86 = arith.index_cast %scan3A_42 : i32 to index
      %swap3A_87 = arith.constant 96 : index
      %swap3A_88 = tpu.vector_load %arg10[%swap3A_86, %swap3A_87] {strides = array<i32>} : memref<128x128xf32, #tpu.memory_space<vmem>>, vector<1x16xf32>,
      %swap3A_89 = vector.shape_cast %swap3A_88 : vector<1x16xf32> to vector<16xf32>
      %swap3A_90 = vector.shape_cast %broadcast_in_dim3A_85 : vector<16xf32> to vector<1x16xf32>
      tpu.vector_store %arg10[%swap3A_86, %swap3A_87], %swap3A_90 {strides = array<i32>} : memref<128x128xf32, #tpu.memory_space<vmem>>, vector<1x16xf32>,
      %broadcast_in_dim3A_91 = arith.constant 0.000000e+00 : f32
      %broadcast_in_dim3A_92 = vector.broadcast %broadcast_in_dim3A_91 : f32 to vector<16xf32>
      %swap3A_93 = arith.index_cast %scan3A_42 : i32 to index
      %swap3A_94 = arith.constant 112 : index
      %swap3A_95 = tpu.vector_load %arg10[%swap3A_93, %swap3A_94] {strides = array<i32>} : memref<128x128xf32, #tpu.memory_space<vmem>>, vector<1x16xf32>,
      %swap3A_96 = vector.shape_cast %swap3A_95 : vector<1x16xf32> to vector<16xf32>
      %swap3A_97 = vector.shape_cast %broadcast_in_dim3A_92 : vector<16xf32> to vector<1x16xf32>
      tpu.vector_store %arg10[%swap3A_93, %swap3A_94], %swap3A_97 {strides = array<i32>} : memref<128x128xf32, #tpu.memory_space<vmem>>, vector<1x16xf32>,
      %scan3A_98 = arith.constant 0 : i32
      scf.yield %scan3A_98 : i32
    }
    %scan3A_5 = arith.constant 128 : i32
    %mul3A = arith.constant 640 : i32
    %mul3A_6 = arith.muli %arg1, %mul3A : i32
    %add3A = arith.constant 0 : i32
    %add3A_7 = arith.addi %mul3A_6, %add3A : i32
    "tpu.region"() ({
      %run_scoped3A = tpu.sem_alloc : memref<!tpu.dma_semaphore, #tpu.memory_space<semaphore_mem>>
      %dma_start3A = arith.constant 0 : i32
      %dma_start3A_42 = tpu.memref_slice %arg12[%add3A_7, %dma_start3A] : memref<10240x128xf32, #tpu.memory_space<vmem_shared>> -> memref<128x128xf32, #tpu.memory_space<vmem_shared>>
      %dma_start3A_43 = arith.constant 0 : i32
      %dma_start3A_44 = tpu.memref_slice %arg12[%add3A_7, %dma_start3A_43] : memref<10240x128xf32, #tpu.memory_space<vmem_shared>> -> memref<128x128xf32, #tpu.memory_space<vmem_shared>>
      tpu.enqueue_dma source(%arg10 : memref<128x128xf32, #tpu.memory_space<vmem>>) target(%dma_start3A_44 : memref<128x128xf32, #tpu.memory_space<vmem_shared>>) target_semaphore(%run_scoped3A : memref<!tpu.dma_semaphore, #tpu.memory_space<semaphore_mem>>)
      %dma_wait3A = arith.constant 0 : i32
      %dma_wait3A_45 = tpu.memref_slice %arg12[%add3A_7, %dma_wait3A] : memref<10240x128xf32, #tpu.memory_space<vmem_shared>> -> memref<128x128xf32, #tpu.memory_space<vmem_shared>>
      %dma_wait3A_46 = arith.constant 0 : i32
      %dma_wait3A_47 = tpu.memref_slice %arg12[%add3A_7, %dma_wait3A_46] : memref<10240x128xf32, #tpu.memory_space<vmem_shared>> -> memref<128x128xf32, #tpu.memory_space<vmem_shared>>
      tpu.wait_dma2 semaphore(%run_scoped3A : memref<!tpu.dma_semaphore, #tpu.memory_space<semaphore_mem>>) src(%arg10 : memref<128x128xf32, #tpu.memory_space<vmem>>) dst(%dma_wait3A_47 : memref<128x128xf32, #tpu.memory_space<vmem_shared>>)
      tpu.yield
    }) : () -> ()
    %mul3A_8 = arith.constant 640 : i32
    %mul3A_9 = arith.muli %arg1, %mul3A_8 : i32
    %add3A_10 = arith.constant 128 : i32
    %add3A_11 = arith.addi %mul3A_9, %add3A_10 : i32
    "tpu.region"() ({
      %run_scoped3A = tpu.sem_alloc : memref<!tpu.dma_semaphore, #tpu.memory_space<semaphore_mem>>
      %dma_start3A = arith.constant 0 : i32
      %dma_start3A_42 = tpu.memref_slice %arg12[%add3A_11, %dma_start3A] : memref<10240x128xf32, #tpu.memory_space<vmem_shared>> -> memref<128x128xf32, #tpu.memory_space<vmem_shared>>
      %dma_start3A_43 = arith.constant 0 : i32
      %dma_start3A_44 = tpu.memref_slice %arg12[%add3A_11, %dma_start3A_43] : memref<10240x128xf32, #tpu.memory_space<vmem_shared>> -> memref<128x128xf32, #tpu.memory_space<vmem_shared>>
      tpu.enqueue_dma source(%arg10 : memref<128x128xf32, #tpu.memory_space<vmem>>) target(%dma_start3A_44 : memref<128x128xf32, #tpu.memory_space<vmem_shared>>) target_semaphore(%run_scoped3A : memref<!tpu.dma_semaphore, #tpu.memory_space<semaphore_mem>>)
      %dma_wait3A = arith.constant 0 : i32
      %dma_wait3A_45 = tpu.memref_slice %arg12[%add3A_11, %dma_wait3A] : memref<10240x128xf32, #tpu.memory_space<vmem_shared>> -> memref<128x128xf32, #tpu.memory_space<vmem_shared>>
      %dma_wait3A_46 = arith.constant 0 : i32
      %dma_wait3A_47 = tpu.memref_slice %arg12[%add3A_11, %dma_wait3A_46] : memref<10240x128xf32, #tpu.memory_space<vmem_shared>> -> memref<128x128xf32, #tpu.memory_space<vmem_shared>>
      tpu.wait_dma2 semaphore(%run_scoped3A : memref<!tpu.dma_semaphore, #tpu.memory_space<semaphore_mem>>) src(%arg10 : memref<128x128xf32, #tpu.memory_space<vmem>>) dst(%dma_wait3A_47 : memref<128x128xf32, #tpu.memory_space<vmem_shared>>)
      tpu.yield
    }) : () -> ()
    %mul3A_12 = arith.constant 640 : i32
    %mul3A_13 = arith.muli %arg1, %mul3A_12 : i32
    %add3A_14 = arith.constant 256 : i32
    %add3A_15 = arith.addi %mul3A_13, %add3A_14 : i32
    "tpu.region"() ({
      %run_scoped3A = tpu.sem_alloc : memref<!tpu.dma_semaphore, #tpu.memory_space<semaphore_mem>>
      %dma_start3A = arith.constant 0 : i32
      %dma_start3A_42 = tpu.memref_slice %arg12[%add3A_15, %dma_start3A] : memref<10240x128xf32, #tpu.memory_space<vmem_shared>> -> memref<128x128xf32, #tpu.memory_space<vmem_shared>>
      %dma_start3A_43 = arith.constant 0 : i32
      %dma_start3A_44 = tpu.memref_slice %arg12[%add3A_15, %dma_start3A_43] : memref<10240x128xf32, #tpu.memory_space<vmem_shared>> -> memref<128x128xf32, #tpu.memory_space<vmem_shared>>
      tpu.enqueue_dma source(%arg10 : memref<128x128xf32, #tpu.memory_space<vmem>>) target(%dma_start3A_44 : memref<128x128xf32, #tpu.memory_space<vmem_shared>>) target_semaphore(%run_scoped3A : memref<!tpu.dma_semaphore, #tpu.memory_space<semaphore_mem>>)
      %dma_wait3A = arith.constant 0 : i32
      %dma_wait3A_45 = tpu.memref_slice %arg12[%add3A_15, %dma_wait3A] : memref<10240x128xf32, #tpu.memory_space<vmem_shared>> -> memref<128x128xf32, #tpu.memory_space<vmem_shared>>
      %dma_wait3A_46 = arith.constant 0 : i32
      %dma_wait3A_47 = tpu.memref_slice %arg12[%add3A_15, %dma_wait3A_46] : memref<10240x128xf32, #tpu.memory_space<vmem_shared>> -> memref<128x128xf32, #tpu.memory_space<vmem_shared>>
      tpu.wait_dma2 semaphore(%run_scoped3A : memref<!tpu.dma_semaphore, #tpu.memory_space<semaphore_mem>>) src(%arg10 : memref<128x128xf32, #tpu.memory_space<vmem>>) dst(%dma_wait3A_47 : memref<128x128xf32, #tpu.memory_space<vmem_shared>>)
      tpu.yield
    }) : () -> ()
    %mul3A_16 = arith.constant 640 : i32
    %mul3A_17 = arith.muli %arg1, %mul3A_16 : i32
    %add3A_18 = arith.constant 384 : i32
    %add3A_19 = arith.addi %mul3A_17, %add3A_18 : i32
    "tpu.region"() ({
      %run_scoped3A = tpu.sem_alloc : memref<!tpu.dma_semaphore, #tpu.memory_space<semaphore_mem>>
      %dma_start3A = arith.constant 0 : i32
      %dma_start3A_42 = tpu.memref_slice %arg12[%add3A_19, %dma_start3A] : memref<10240x128xf32, #tpu.memory_space<vmem_shared>> -> memref<128x128xf32, #tpu.memory_space<vmem_shared>>
      %dma_start3A_43 = arith.constant 0 : i32
      %dma_start3A_44 = tpu.memref_slice %arg12[%add3A_19, %dma_start3A_43] : memref<10240x128xf32, #tpu.memory_space<vmem_shared>> -> memref<128x128xf32, #tpu.memory_space<vmem_shared>>
      tpu.enqueue_dma source(%arg10 : memref<128x128xf32, #tpu.memory_space<vmem>>) target(%dma_start3A_44 : memref<128x128xf32, #tpu.memory_space<vmem_shared>>) target_semaphore(%run_scoped3A : memref<!tpu.dma_semaphore, #tpu.memory_space<semaphore_mem>>)
      %dma_wait3A = arith.constant 0 : i32
      %dma_wait3A_45 = tpu.memref_slice %arg12[%add3A_19, %dma_wait3A] : memref<10240x128xf32, #tpu.memory_space<vmem_shared>> -> memref<128x128xf32, #tpu.memory_space<vmem_shared>>
      %dma_wait3A_46 = arith.constant 0 : i32
      %dma_wait3A_47 = tpu.memref_slice %arg12[%add3A_19, %dma_wait3A_46] : memref<10240x128xf32, #tpu.memory_space<vmem_shared>> -> memref<128x128xf32, #tpu.memory_space<vmem_shared>>
      tpu.wait_dma2 semaphore(%run_scoped3A : memref<!tpu.dma_semaphore, #tpu.memory_space<semaphore_mem>>) src(%arg10 : memref<128x128xf32, #tpu.memory_space<vmem>>) dst(%dma_wait3A_47 : memref<128x128xf32, #tpu.memory_space<vmem_shared>>)
      tpu.yield
    }) : () -> ()
    %mul3A_20 = arith.constant 640 : i32
    %mul3A_21 = arith.muli %arg1, %mul3A_20 : i32
    %add3A_22 = arith.constant 512 : i32
    %add3A_23 = arith.addi %mul3A_21, %add3A_22 : i32
    "tpu.region"() ({
      %run_scoped3A = tpu.sem_alloc : memref<!tpu.dma_semaphore, #tpu.memory_space<semaphore_mem>>
      %dma_start3A = arith.constant 0 : i32
      %dma_start3A_42 = tpu.memref_slice %arg12[%add3A_23, %dma_start3A] : memref<10240x128xf32, #tpu.memory_space<vmem_shared>> -> memref<128x128xf32, #tpu.memory_space<vmem_shared>>
      %dma_start3A_43 = arith.constant 0 : i32
      %dma_start3A_44 = tpu.memref_slice %arg12[%add3A_23, %dma_start3A_43] : memref<10240x128xf32, #tpu.memory_space<vmem_shared>> -> memref<128x128xf32, #tpu.memory_space<vmem_shared>>
      tpu.enqueue_dma source(%arg10 : memref<128x128xf32, #tpu.memory_space<vmem>>) target(%dma_start3A_44 : memref<128x128xf32, #tpu.memory_space<vmem_shared>>) target_semaphore(%run_scoped3A : memref<!tpu.dma_semaphore, #tpu.memory_space<semaphore_mem>>)
      %dma_wait3A = arith.constant 0 : i32
      %dma_wait3A_45 = tpu.memref_slice %arg12[%add3A_23, %dma_wait3A] : memref<10240x128xf32, #tpu.memory_space<vmem_shared>> -> memref<128x128xf32, #tpu.memory_space<vmem_shared>>
      %dma_wait3A_46 = arith.constant 0 : i32
      %dma_wait3A_47 = tpu.memref_slice %arg12[%add3A_23, %dma_wait3A_46] : memref<10240x128xf32, #tpu.memory_space<vmem_shared>> -> memref<128x128xf32, #tpu.memory_space<vmem_shared>>
      tpu.wait_dma2 semaphore(%run_scoped3A : memref<!tpu.dma_semaphore, #tpu.memory_space<semaphore_mem>>) src(%arg10 : memref<128x128xf32, #tpu.memory_space<vmem>>) dst(%dma_wait3A_47 : memref<128x128xf32, #tpu.memory_space<vmem_shared>>)
      tpu.yield
    }) : () -> ()
    %barrier3A = arith.constant 0 : index
    tpu.barrier barrier_id(%barrier3A)
    %eq3A = arith.constant 0 : i32
    %eq3A_24 = arith.cmpi eq, %arg0, %eq3A : i32
    %convert_element_type3A = arith.extui %eq3A_24 : i1 to i32
    %cond3A = arith.constant 0 : i32
    %cond3A_25 = arith.cmpi ne, %convert_element_type3A, %cond3A : i32
    scf.if %cond3A_25 {
      %mul3A_42 = arith.constant 160 : i32
      %mul3A_43 = arith.muli %arg1, %mul3A_42 : i32
      %add3A_44 = arith.constant 0 : i32
      %add3A_45 = arith.addi %mul3A_43, %add3A_44 : i32
      %multiple_of3A = tpu.assume_multiple %add3A_45, 8 : i32
      %mul3A_46 = arith.constant 128 : i32
      %mul3A_47 = arith.muli %multiple_of3A, %mul3A_46 : i32
      %dma_start3A = arith.constant 0 : i32
      %dma_start3A_48 = arith.constant 0 : i32
      %dma_start3A_49 = tpu.memref_slice %arg8[%dma_start3A, %dma_start3A_48] : memref<2x2048xi32, #tpu.memory_space<vmem>> -> memref<1x2048xi32, #tpu.memory_space<vmem>>
      %dma_start3A_50 = tpu.memref_squeeze %dma_start3A_49 : memref<1x2048xi32, #tpu.memory_space<vmem>> -> memref<2048xi32, #tpu.memory_space<vmem>>
      %dma_start3A_51 = tpu.memref_slice %arg2[%mul3A_47] : memref<327680xi32, #tpu.memory_space<hbm>> -> memref<2048xi32, #tpu.memory_space<hbm>>
      %dma_start3A_52 = arith.constant 0 : i32
      %dma_start3A_53 = tpu.memref_slice %arg8[%dma_start3A, %dma_start3A_52] : memref<2x2048xi32, #tpu.memory_space<vmem>> -> memref<1x2048xi32, #tpu.memory_space<vmem>>
      %dma_start3A_54 = tpu.memref_squeeze %dma_start3A_53 : memref<1x2048xi32, #tpu.memory_space<vmem>> -> memref<2048xi32, #tpu.memory_space<vmem>>
      %dma_start3A_55 = tpu.memref_slice %arg2[%mul3A_47] : memref<327680xi32, #tpu.memory_space<hbm>> -> memref<2048xi32, #tpu.memory_space<hbm>>
      tpu.enqueue_dma source(%dma_start3A_55 : memref<2048xi32, #tpu.memory_space<hbm>>) target(%dma_start3A_54 : memref<2048xi32, #tpu.memory_space<vmem>>) target_semaphore(%arg17 : memref<!tpu.dma_semaphore, #tpu.memory_space<semaphore_mem>>)
      %dma_start3A_56 = arith.constant 0 : i32
      %dma_start3A_57 = arith.constant 0 : i32
      %dma_start3A_58 = arith.constant 0 : i32
      %dma_start3A_59 = tpu.memref_slice %arg9[%dma_start3A_56, %dma_start3A_57, %dma_start3A_58] : memref<2x16x128xi32, #tpu.memory_space<vmem>> -> memref<1x16x128xi32, #tpu.memory_space<vmem>>
      %dma_start3A_60 = tpu.memref_squeeze %dma_start3A_59 : memref<1x16x128xi32, #tpu.memory_space<vmem>> -> memref<16x128xi32, #tpu.memory_space<vmem>>
      %dma_start3A_61 = arith.constant 0 : i32
      %dma_start3A_62 = tpu.memref_slice %arg3[%multiple_of3A, %dma_start3A_61] : memref<2560x128xi32, #tpu.memory_space<hbm>> -> memref<16x128xi32, #tpu.memory_space<hbm>>
      %dma_start3A_63 = arith.constant 0 : i32
      %dma_start3A_64 = arith.constant 0 : i32
      %dma_start3A_65 = tpu.memref_slice %arg9[%dma_start3A_56, %dma_start3A_63, %dma_start3A_64] : memref<2x16x128xi32, #tpu.memory_space<vmem>> -> memref<1x16x128xi32, #tpu.memory_space<vmem>>
      %dma_start3A_66 = tpu.memref_squeeze %dma_start3A_65 : memref<1x16x128xi32, #tpu.memory_space<vmem>> -> memref<16x128xi32, #tpu.memory_space<vmem>>
      %dma_start3A_67 = arith.constant 0 : i32
      %dma_start3A_68 = tpu.memref_slice %arg3[%multiple_of3A, %dma_start3A_67] : memref<2560x128xi32, #tpu.memory_space<hbm>> -> memref<16x128xi32, #tpu.memory_space<hbm>>
      tpu.enqueue_dma source(%dma_start3A_68 : memref<16x128xi32, #tpu.memory_space<hbm>>) target(%dma_start3A_66 : memref<16x128xi32, #tpu.memory_space<vmem>>) target_semaphore(%arg17 : memref<!tpu.dma_semaphore, #tpu.memory_space<semaphore_mem>>)
      %dma_wait3A = arith.constant 0 : i32
      %dma_wait3A_69 = arith.constant 0 : i32
      %dma_wait3A_70 = tpu.memref_slice %arg8[%dma_wait3A, %dma_wait3A_69] : memref<2x2048xi32, #tpu.memory_space<vmem>> -> memref<1x2048xi32, #tpu.memory_space<vmem>>
      %dma_wait3A_71 = tpu.memref_squeeze %dma_wait3A_70 : memref<1x2048xi32, #tpu.memory_space<vmem>> -> memref<2048xi32, #tpu.memory_space<vmem>>
      %dma_wait3A_72 = arith.constant 0 : i32
      %dma_wait3A_73 = tpu.memref_slice %arg2[%dma_wait3A_72] : memref<327680xi32, #tpu.memory_space<hbm>> -> memref<2048xi32, #tpu.memory_space<hbm>>
      %dma_wait3A_74 = arith.constant 0 : i32
      %dma_wait3A_75 = tpu.memref_slice %arg8[%dma_wait3A, %dma_wait3A_74] : memref<2x2048xi32, #tpu.memory_space<vmem>> -> memref<1x2048xi32, #tpu.memory_space<vmem>>
      %dma_wait3A_76 = tpu.memref_squeeze %dma_wait3A_75 : memref<1x2048xi32, #tpu.memory_space<vmem>> -> memref<2048xi32, #tpu.memory_space<vmem>>
      %dma_wait3A_77 = arith.constant 0 : i32
      %dma_wait3A_78 = tpu.memref_slice %arg2[%dma_wait3A_77] : memref<327680xi32, #tpu.memory_space<hbm>> -> memref<2048xi32, #tpu.memory_space<hbm>>
      tpu.wait_dma2 semaphore(%arg17 : memref<!tpu.dma_semaphore, #tpu.memory_space<semaphore_mem>>) src(%dma_wait3A_78 : memref<2048xi32, #tpu.memory_space<hbm>>) dst(%dma_wait3A_76 : memref<2048xi32, #tpu.memory_space<vmem>>)
      %dma_wait3A_79 = arith.constant 0 : i32
      %dma_wait3A_80 = arith.constant 0 : i32
      %dma_wait3A_81 = arith.constant 0 : i32
      %dma_wait3A_82 = tpu.memref_slice %arg9[%dma_wait3A_79, %dma_wait3A_80, %dma_wait3A_81] : memref<2x16x128xi32, #tpu.memory_space<vmem>> -> memref<1x16x128xi32, #tpu.memory_space<vmem>>
      %dma_wait3A_83 = tpu.memref_squeeze %dma_wait3A_82 : memref<1x16x128xi32, #tpu.memory_space<vmem>> -> memref<16x128xi32, #tpu.memory_space<vmem>>
      %dma_wait3A_84 = arith.constant 0 : i32
      %dma_wait3A_85 = arith.constant 0 : i32
      %dma_wait3A_86 = tpu.memref_slice %arg3[%dma_wait3A_84, %dma_wait3A_85] : memref<2560x128xi32, #tpu.memory_space<hbm>> -> memref<16x128xi32, #tpu.memory_space<hbm>>
      %dma_wait3A_87 = arith.constant 0 : i32
      %dma_wait3A_88 = arith.constant 0 : i32
      %dma_wait3A_89 = tpu.memref_slice %arg9[%dma_wait3A_79, %dma_wait3A_87, %dma_wait3A_88] : memref<2x16x128xi32, #tpu.memory_space<vmem>> -> memref<1x16x128xi32, #tpu.memory_space<vmem>>
      %dma_wait3A_90 = tpu.memref_squeeze %dma_wait3A_89 : memref<1x16x128xi32, #tpu.memory_space<vmem>> -> memref<16x128xi32, #tpu.memory_space<vmem>>
      %dma_wait3A_91 = arith.constant 0 : i32
      %dma_wait3A_92 = arith.constant 0 : i32
      %dma_wait3A_93 = tpu.memref_slice %arg3[%dma_wait3A_91, %dma_wait3A_92] : memref<2560x128xi32, #tpu.memory_space<hbm>> -> memref<16x128xi32, #tpu.memory_space<hbm>>
      tpu.wait_dma2 semaphore(%arg17 : memref<!tpu.dma_semaphore, #tpu.memory_space<semaphore_mem>>) src(%dma_wait3A_93 : memref<16x128xi32, #tpu.memory_space<hbm>>) dst(%dma_wait3A_90 : memref<16x128xi32, #tpu.memory_space<vmem>>)
      %scan3A_94 = arith.constant 0 : i32
      %scan3A_95 = arith.constant 0 : i32
      %scan3A_96 = arith.constant 5 : i32
      %scan3A_97 = arith.addi %scan3A_95, %scan3A_96 : i32
      %scan3A_98 = arith.constant 1 : i32
      %scan3A_99 = scf.for %scan3A_101 = %scan3A_95 to %scan3A_97 step %scan3A_98 iter_args(%scan3A_102 = %scan3A_94) -> (i32)  : i32 {
        %mul3A_103 = arith.constant 2 : i32
        %mul3A_104 = arith.muli %scan3A_101, %mul3A_103 : i32
        %add3A_105 = arith.constant 0 : i32
        %add3A_106 = arith.addi %mul3A_104, %add3A_105 : i32
        %add3A_107 = arith.constant 1 : i32
        %add3A_108 = arith.addi %add3A_106, %add3A_107 : i32
        %lt3A = arith.constant 10 : i32
        %lt3A_109 = arith.cmpi slt, %add3A_108, %lt3A : i32
        %convert_element_type3A_110 = arith.extui %lt3A_109 : i1 to i32
        %cond3A_111 = arith.constant 0 : i32
        %cond3A_112 = arith.cmpi ne, %convert_element_type3A_110, %cond3A_111 : i32
        scf.if %cond3A_112 {
          %add3A_219 = arith.constant 1 : i32
          %add3A_220 = arith.addi %add3A_106, %add3A_219 : i32
          %mul3A_221 = arith.constant 160 : i32
          %mul3A_222 = arith.muli %arg1, %mul3A_221 : i32
          %mul3A_223 = arith.constant 16 : i32
          %mul3A_224 = arith.muli %add3A_220, %mul3A_223 : i32
          %add3A_225 = arith.addi %mul3A_222, %mul3A_224 : i32
          %multiple_of3A_226 = tpu.assume_multiple %add3A_225, 8 : i32
          %mul3A_227 = arith.constant 128 : i32
          %mul3A_228 = arith.muli %multiple_of3A_226, %mul3A_227 : i32
          %dma_start3A_229 = arith.constant 1 : i32
          %dma_start3A_230 = arith.constant 0 : i32
          %dma_start3A_231 = tpu.memref_slice %arg8[%dma_start3A_229, %dma_start3A_230] : memref<2x2048xi32, #tpu.memory_space<vmem>> -> memref<1x2048xi32, #tpu.memory_space<vmem>>
          %dma_start3A_232 = tpu.memref_squeeze %dma_start3A_231 : memref<1x2048xi32, #tpu.memory_space<vmem>> -> memref<2048xi32, #tpu.memory_space<vmem>>
          %dma_start3A_233 = tpu.memref_slice %arg2[%mul3A_228] : memref<327680xi32, #tpu.memory_space<hbm>> -> memref<2048xi32, #tpu.memory_space<hbm>>
          %dma_start3A_234 = arith.constant 0 : i32
          %dma_start3A_235 = tpu.memref_slice %arg8[%dma_start3A_229, %dma_start3A_234] : memref<2x2048xi32, #tpu.memory_space<vmem>> -> memref<1x2048xi32, #tpu.memory_space<vmem>>
          %dma_start3A_236 = tpu.memref_squeeze %dma_start3A_235 : memref<1x2048xi32, #tpu.memory_space<vmem>> -> memref<2048xi32, #tpu.memory_space<vmem>>
          %dma_start3A_237 = tpu.memref_slice %arg2[%mul3A_228] : memref<327680xi32, #tpu.memory_space<hbm>> -> memref<2048xi32, #tpu.memory_space<hbm>>
          tpu.enqueue_dma source(%dma_start3A_237 : memref<2048xi32, #tpu.memory_space<hbm>>) target(%dma_start3A_236 : memref<2048xi32, #tpu.memory_space<vmem>>) target_semaphore(%arg17 : memref<!tpu.dma_semaphore, #tpu.memory_space<semaphore_mem>>)
          %dma_start3A_238 = arith.constant 1 : i32
          %dma_start3A_239 = arith.constant 0 : i32
          %dma_start3A_240 = arith.constant 0 : i32
          %dma_start3A_241 = tpu.memref_slice %arg9[%dma_start3A_238, %dma_start3A_239, %dma_start3A_240] : memref<2x16x128xi32, #tpu.memory_space<vmem>> -> memref<1x16x128xi32, #tpu.memory_space<vmem>>
          %dma_start3A_242 = tpu.memref_squeeze %dma_start3A_241 : memref<1x16x128xi32, #tpu.memory_space<vmem>> -> memref<16x128xi32, #tpu.memory_space<vmem>>
          %dma_start3A_243 = arith.constant 0 : i32
          %dma_start3A_244 = tpu.memref_slice %arg3[%multiple_of3A_226, %dma_start3A_243] : memref<2560x128xi32, #tpu.memory_space<hbm>> -> memref<16x128xi32, #tpu.memory_space<hbm>>
          %dma_start3A_245 = arith.constant 0 : i32
          %dma_start3A_246 = arith.constant 0 : i32
          %dma_start3A_247 = tpu.memref_slice %arg9[%dma_start3A_238, %dma_start3A_245, %dma_start3A_246] : memref<2x16x128xi32, #tpu.memory_space<vmem>> -> memref<1x16x128xi32, #tpu.memory_space<vmem>>
          %dma_start3A_248 = tpu.memref_squeeze %dma_start3A_247 : memref<1x16x128xi32, #tpu.memory_space<vmem>> -> memref<16x128xi32, #tpu.memory_space<vmem>>
          %dma_start3A_249 = arith.constant 0 : i32
          %dma_start3A_250 = tpu.memref_slice %arg3[%multiple_of3A_226, %dma_start3A_249] : memref<2560x128xi32, #tpu.memory_space<hbm>> -> memref<16x128xi32, #tpu.memory_space<hbm>>
          tpu.enqueue_dma source(%dma_start3A_250 : memref<16x128xi32, #tpu.memory_space<hbm>>) target(%dma_start3A_248 : memref<16x128xi32, #tpu.memory_space<vmem>>) target_semaphore(%arg17 : memref<!tpu.dma_semaphore, #tpu.memory_space<semaphore_mem>>)
        } else {
        }
        %dma_start3A_113 = arith.constant 0 : i32
        %dma_start3A_114 = arith.constant 0 : i32
        %dma_start3A_115 = tpu.memref_slice %arg8[%dma_start3A_113, %dma_start3A_114] : memref<2x2048xi32, #tpu.memory_space<vmem>> -> memref<1x2048xi32, #tpu.memory_space<vmem>>
        %dma_start3A_116 = tpu.memref_squeeze %dma_start3A_115 : memref<1x2048xi32, #tpu.memory_space<vmem>> -> memref<2048xi32, #tpu.memory_space<vmem>>
        %dma_start3A_117 = arith.constant 0 : i32
        %dma_start3A_118 = tpu.memref_slice %dma_start3A_116[%dma_start3A_117] : memref<2048xi32, #tpu.memory_space<vmem>> -> memref<128xi32, #tpu.memory_space<vmem>>
        %dma_start3A_119 = arith.constant 0 : i32
        %dma_start3A_120 = arith.constant 0 : i32
        %dma_start3A_121 = tpu.memref_slice %arg4[%dma_start3A_119, %dma_start3A_120] : memref<10240x128xf32, #tpu.memory_space<hbm>> -> memref<10240x128xf32, #tpu.memory_space<hbm>>
        tpu.enqueue_indirect_dma source(%dma_start3A_121 : memref<10240x128xf32, #tpu.memory_space<hbm>>) target(%arg10 : memref<128x128xf32, #tpu.memory_space<vmem>>) offsets(%dma_start3A_118 : memref<128xi32, #tpu.memory_space<vmem>>) semaphore(%arg13 : memref<!tpu.dma_semaphore, #tpu.memory_space<semaphore_mem>>)
        %scan3A_122 = arith.constant 0 : i32
        %scan3A_123 = arith.constant 0 : i32
        %scan3A_124 = arith.constant 8 : i32
        %scan3A_125 = arith.addi %scan3A_123, %scan3A_124 : i32
        %scan3A_126 = arith.constant 1 : i32
        %scan3A_127 = scf.for %scan3A_219 = %scan3A_123 to %scan3A_125 step %scan3A_126 iter_args(%scan3A_220 = %scan3A_122) -> (i32)  : i32 {
          %mul3A_221 = arith.constant 2 : i32
          %mul3A_222 = arith.muli %scan3A_219, %mul3A_221 : i32
          %add3A_223 = arith.constant 0 : i32
          %add3A_224 = arith.addi %mul3A_222, %add3A_223 : i32
          %mul3A_225 = arith.constant 128 : i32
          %mul3A_226 = arith.muli %add3A_224, %mul3A_225 : i32
          %dma_wait3A_227 = arith.constant 0 : i32
          %dma_wait3A_228 = arith.constant 0 : i32
          %dma_wait3A_229 = tpu.memref_slice %arg8[%dma_wait3A_227, %dma_wait3A_228] : memref<2x2048xi32, #tpu.memory_space<vmem>> -> memref<1x2048xi32, #tpu.memory_space<vmem>>
          %dma_wait3A_230 = tpu.memref_squeeze %dma_wait3A_229 : memref<1x2048xi32, #tpu.memory_space<vmem>> -> memref<2048xi32, #tpu.memory_space<vmem>>
          %dma_wait3A_231 = tpu.memref_slice %dma_wait3A_230[%mul3A_226] : memref<2048xi32, #tpu.memory_space<vmem>> -> memref<128xi32, #tpu.memory_space<vmem>>
          %dma_wait3A_232 = arith.constant 0 : i32
          %dma_wait3A_233 = arith.constant 0 : i32
          %dma_wait3A_234 = tpu.memref_slice %arg4[%dma_wait3A_232, %dma_wait3A_233] : memref<10240x128xf32, #tpu.memory_space<hbm>> -> memref<10240x128xf32, #tpu.memory_space<hbm>>
          tpu.wait_indirect_dma semaphore(%arg13 : memref<!tpu.dma_semaphore, #tpu.memory_space<semaphore_mem>>) src(%dma_wait3A_234 : memref<10240x128xf32, #tpu.memory_space<hbm>>) dst(%arg10 : memref<128x128xf32, #tpu.memory_space<vmem>>)
          %dma_start3A_235 = arith.constant 0 : i32
          %dma_start3A_236 = arith.constant 0 : i32
          %dma_start3A_237 = arith.constant 0 : i32
          %dma_start3A_238 = tpu.memref_slice %arg9[%dma_start3A_235, %dma_start3A_236, %dma_start3A_237] : memref<2x16x128xi32, #tpu.memory_space<vmem>> -> memref<1x16x128xi32, #tpu.memory_space<vmem>>
          %dma_start3A_239 = tpu.memref_squeeze %dma_start3A_238 : memref<1x16x128xi32, #tpu.memory_space<vmem>> -> memref<16x128xi32, #tpu.memory_space<vmem>>
          %dma_start3A_240 = arith.constant 0 : i32
          %dma_start3A_241 = tpu.memref_slice %dma_start3A_239[%add3A_224, %dma_start3A_240] : memref<16x128xi32, #tpu.memory_space<vmem>> -> memref<1x128xi32, #tpu.memory_space<vmem>>
          %dma_start3A_242 = tpu.memref_squeeze %dma_start3A_241 : memref<1x128xi32, #tpu.memory_space<vmem>> -> memref<128xi32, #tpu.memory_space<vmem>>
          %dma_start3A_243 = arith.constant 0 : i32
          %dma_start3A_244 = arith.constant 0 : i32
          %dma_start3A_245 = tpu.memref_slice %arg12[%dma_start3A_243, %dma_start3A_244] : memref<10240x128xf32, #tpu.memory_space<vmem_shared>> -> memref<10240x128xf32, #tpu.memory_space<vmem_shared>>
          tpu.enqueue_indirect_dma source(%arg10 : memref<128x128xf32, #tpu.memory_space<vmem>>) target(%dma_start3A_245 : memref<10240x128xf32, #tpu.memory_space<vmem_shared>>) offsets(%dma_start3A_242 : memref<128xi32, #tpu.memory_space<vmem>>) semaphore(%arg15 : memref<!tpu.dma_semaphore, #tpu.memory_space<semaphore_mem>>) {add = true}
          %gt3A = arith.constant 0 : i32
          %gt3A_246 = arith.cmpi sgt, %add3A_224, %gt3A : i32
          %add3A_247 = arith.constant 1 : i32
          %add3A_248 = arith.addi %add3A_224, %add3A_247 : i32
          %lt3A_249 = arith.constant 16 : i32
          %lt3A_250 = arith.cmpi slt, %add3A_248, %lt3A_249 : i32
          %and3A = arith.andi %gt3A_246, %lt3A_250 : i1
          %convert_element_type3A_251 = arith.extui %and3A : i1 to i32
          %cond3A_252 = arith.constant 0 : i32
          %cond3A_253 = arith.cmpi ne, %convert_element_type3A_251, %cond3A_252 : i32
          scf.if %cond3A_253 {
            %sub3A = arith.constant 1 : i32
            %sub3A_300 = arith.subi %add3A_224, %sub3A : i32
            %dma_wait3A_301 = arith.constant 0 : i32
            %dma_wait3A_302 = arith.constant 0 : i32
            %dma_wait3A_303 = arith.constant 0 : i32
            %dma_wait3A_304 = tpu.memref_slice %arg9[%dma_wait3A_301, %dma_wait3A_302, %dma_wait3A_303] : memref<2x16x128xi32, #tpu.memory_space<vmem>> -> memref<1x16x128xi32, #tpu.memory_space<vmem>>
            %dma_wait3A_305 = tpu.memref_squeeze %dma_wait3A_304 : memref<1x16x128xi32, #tpu.memory_space<vmem>> -> memref<16x128xi32, #tpu.memory_space<vmem>>
            %dma_wait3A_306 = arith.constant 0 : i32
            %dma_wait3A_307 = tpu.memref_slice %dma_wait3A_305[%sub3A_300, %dma_wait3A_306] : memref<16x128xi32, #tpu.memory_space<vmem>> -> memref<1x128xi32, #tpu.memory_space<vmem>>
            %dma_wait3A_308 = tpu.memref_squeeze %dma_wait3A_307 : memref<1x128xi32, #tpu.memory_space<vmem>> -> memref<128xi32, #tpu.memory_space<vmem>>
            %dma_wait3A_309 = arith.constant 0 : i32
            %dma_wait3A_310 = arith.constant 0 : i32
            %dma_wait3A_311 = tpu.memref_slice %arg12[%dma_wait3A_309, %dma_wait3A_310] : memref<10240x128xf32, #tpu.memory_space<vmem_shared>> -> memref<10240x128xf32, #tpu.memory_space<vmem_shared>>
            tpu.wait_indirect_dma semaphore(%arg16 : memref<!tpu.dma_semaphore, #tpu.memory_space<semaphore_mem>>) src(%arg11 : memref<128x128xf32, #tpu.memory_space<vmem>>) dst(%dma_wait3A_311 : memref<10240x128xf32, #tpu.memory_space<vmem_shared>>)
            %add3A_312 = arith.constant 1 : i32
            %add3A_313 = arith.addi %add3A_224, %add3A_312 : i32
            %mul3A_314 = arith.constant 128 : i32
            %mul3A_315 = arith.muli %add3A_313, %mul3A_314 : i32
            %dma_start3A_316 = arith.constant 0 : i32
            %dma_start3A_317 = arith.constant 0 : i32
            %dma_start3A_318 = tpu.memref_slice %arg8[%dma_start3A_316, %dma_start3A_317] : memref<2x2048xi32, #tpu.memory_space<vmem>> -> memref<1x2048xi32, #tpu.memory_space<vmem>>
            %dma_start3A_319 = tpu.memref_squeeze %dma_start3A_318 : memref<1x2048xi32, #tpu.memory_space<vmem>> -> memref<2048xi32, #tpu.memory_space<vmem>>
            %dma_start3A_320 = tpu.memref_slice %dma_start3A_319[%mul3A_315] : memref<2048xi32, #tpu.memory_space<vmem>> -> memref<128xi32, #tpu.memory_space<vmem>>
            %dma_start3A_321 = arith.constant 0 : i32
            %dma_start3A_322 = arith.constant 0 : i32
            %dma_start3A_323 = tpu.memref_slice %arg4[%dma_start3A_321, %dma_start3A_322] : memref<10240x128xf32, #tpu.memory_space<hbm>> -> memref<10240x128xf32, #tpu.memory_space<hbm>>
            tpu.enqueue_indirect_dma source(%dma_start3A_323 : memref<10240x128xf32, #tpu.memory_space<hbm>>) target(%arg11 : memref<128x128xf32, #tpu.memory_space<vmem>>) offsets(%dma_start3A_320 : memref<128xi32, #tpu.memory_space<vmem>>) semaphore(%arg14 : memref<!tpu.dma_semaphore, #tpu.memory_space<semaphore_mem>>)
          } else {
          }
          %eq3A_254 = arith.constant 0 : i32
          %eq3A_255 = arith.cmpi eq, %add3A_224, %eq3A_254 : i32
          %convert_element_type3A_256 = arith.extui %eq3A_255 : i1 to i32
          %cond3A_257 = arith.constant 0 : i32
          %cond3A_258 = arith.cmpi ne, %convert_element_type3A_256, %cond3A_257 : i32
          scf.if %cond3A_258 {
            %dma_start3A_300 = arith.constant 0 : i32
            %dma_start3A_301 = arith.constant 0 : i32
            %dma_start3A_302 = tpu.memref_slice %arg8[%dma_start3A_300, %dma_start3A_301] : memref<2x2048xi32, #tpu.memory_space<vmem>> -> memref<1x2048xi32, #tpu.memory_space<vmem>>
            %dma_start3A_303 = tpu.memref_squeeze %dma_start3A_302 : memref<1x2048xi32, #tpu.memory_space<vmem>> -> memref<2048xi32, #tpu.memory_space<vmem>>
            %dma_start3A_304 = arith.constant 128 : i32
            %dma_start3A_305 = tpu.memref_slice %dma_start3A_303[%dma_start3A_304] : memref<2048xi32, #tpu.memory_space<vmem>> -> memref<128xi32, #tpu.memory_space<vmem>>
            %dma_start3A_306 = arith.constant 0 : i32
            %dma_start3A_307 = arith.constant 0 : i32
            %dma_start3A_308 = tpu.memref_slice %arg4[%dma_start3A_306, %dma_start3A_307] : memref<10240x128xf32, #tpu.memory_space<hbm>> -> memref<10240x128xf32, #tpu.memory_space<hbm>>
            tpu.enqueue_indirect_dma source(%dma_start3A_308 : memref<10240x128xf32, #tpu.memory_space<hbm>>) target(%arg11 : memref<128x128xf32, #tpu.memory_space<vmem>>) offsets(%dma_start3A_305 : memref<128xi32, #tpu.memory_space<vmem>>) semaphore(%arg14 : memref<!tpu.dma_semaphore, #tpu.memory_space<semaphore_mem>>)
          } else {
          }
          %mul3A_259 = arith.constant 2 : i32
          %mul3A_260 = arith.muli %scan3A_219, %mul3A_259 : i32
          %add3A_261 = arith.constant 1 : i32
          %add3A_262 = arith.addi %mul3A_260, %add3A_261 : i32
          %mul3A_263 = arith.constant 128 : i32
          %mul3A_264 = arith.muli %add3A_262, %mul3A_263 : i32
          %dma_wait3A_265 = arith.constant 0 : i32
          %dma_wait3A_266 = arith.constant 0 : i32
          %dma_wait3A_267 = tpu.memref_slice %arg8[%dma_wait3A_265, %dma_wait3A_266] : memref<2x2048xi32, #tpu.memory_space<vmem>> -> memref<1x2048xi32, #tpu.memory_space<vmem>>
          %dma_wait3A_268 = tpu.memref_squeeze %dma_wait3A_267 : memref<1x2048xi32, #tpu.memory_space<vmem>> -> memref<2048xi32, #tpu.memory_space<vmem>>
          %dma_wait3A_269 = tpu.memref_slice %dma_wait3A_268[%mul3A_264] : memref<2048xi32, #tpu.memory_space<vmem>> -> memref<128xi32, #tpu.memory_space<vmem>>
          %dma_wait3A_270 = arith.constant 0 : i32
          %dma_wait3A_271 = arith.constant 0 : i32
          %dma_wait3A_272 = tpu.memref_slice %arg4[%dma_wait3A_270, %dma_wait3A_271] : memref<10240x128xf32, #tpu.memory_space<hbm>> -> memref<10240x128xf32, #tpu.memory_space<hbm>>
          tpu.wait_indirect_dma semaphore(%arg14 : memref<!tpu.dma_semaphore, #tpu.memory_space<semaphore_mem>>) src(%dma_wait3A_272 : memref<10240x128xf32, #tpu.memory_space<hbm>>) dst(%arg11 : memref<128x128xf32, #tpu.memory_space<vmem>>)
          %dma_start3A_273 = arith.constant 0 : i32
          %dma_start3A_274 = arith.constant 0 : i32
          %dma_start3A_275 = arith.constant 0 : i32
          %dma_start3A_276 = tpu.memref_slice %arg9[%dma_start3A_273, %dma_start3A_274, %dma_start3A_275] : memref<2x16x128xi32, #tpu.memory_space<vmem>> -> memref<1x16x128xi32, #tpu.memory_space<vmem>>
          %dma_start3A_277 = tpu.memref_squeeze %dma_start3A_276 : memref<1x16x128xi32, #tpu.memory_space<vmem>> -> memref<16x128xi32, #tpu.memory_space<vmem>>
          %dma_start3A_278 = arith.constant 0 : i32
          %dma_start3A_279 = tpu.memref_slice %dma_start3A_277[%add3A_262, %dma_start3A_278] : memref<16x128xi32, #tpu.memory_space<vmem>> -> memref<1x128xi32, #tpu.memory_space<vmem>>
          %dma_start3A_280 = tpu.memref_squeeze %dma_start3A_279 : memref<1x128xi32, #tpu.memory_space<vmem>> -> memref<128xi32, #tpu.memory_space<vmem>>
          %dma_start3A_281 = arith.constant 0 : i32
          %dma_start3A_282 = arith.constant 0 : i32
          %dma_start3A_283 = tpu.memref_slice %arg12[%dma_start3A_281, %dma_start3A_282] : memref<10240x128xf32, #tpu.memory_space<vmem_shared>> -> memref<10240x128xf32, #tpu.memory_space<vmem_shared>>
          tpu.enqueue_indirect_dma source(%arg11 : memref<128x128xf32, #tpu.memory_space<vmem>>) target(%dma_start3A_283 : memref<10240x128xf32, #tpu.memory_space<vmem_shared>>) offsets(%dma_start3A_280 : memref<128xi32, #tpu.memory_space<vmem>>) semaphore(%arg16 : memref<!tpu.dma_semaphore, #tpu.memory_space<semaphore_mem>>) {add = true}
          %gt3A_284 = arith.constant 0 : i32
          %gt3A_285 = arith.cmpi sgt, %add3A_262, %gt3A_284 : i32
          %add3A_286 = arith.constant 1 : i32
          %add3A_287 = arith.addi %add3A_262, %add3A_286 : i32
          %lt3A_288 = arith.constant 16 : i32
          %lt3A_289 = arith.cmpi slt, %add3A_287, %lt3A_288 : i32
          %and3A_290 = arith.andi %gt3A_285, %lt3A_289 : i1
          %convert_element_type3A_291 = arith.extui %and3A_290 : i1 to i32
          %cond3A_292 = arith.constant 0 : i32
          %cond3A_293 = arith.cmpi ne, %convert_element_type3A_291, %cond3A_292 : i32
          scf.if %cond3A_293 {
            %sub3A = arith.constant 1 : i32
            %sub3A_300 = arith.subi %add3A_262, %sub3A : i32
            %dma_wait3A_301 = arith.constant 0 : i32
            %dma_wait3A_302 = arith.constant 0 : i32
            %dma_wait3A_303 = arith.constant 0 : i32
            %dma_wait3A_304 = tpu.memref_slice %arg9[%dma_wait3A_301, %dma_wait3A_302, %dma_wait3A_303] : memref<2x16x128xi32, #tpu.memory_space<vmem>> -> memref<1x16x128xi32, #tpu.memory_space<vmem>>
            %dma_wait3A_305 = tpu.memref_squeeze %dma_wait3A_304 : memref<1x16x128xi32, #tpu.memory_space<vmem>> -> memref<16x128xi32, #tpu.memory_space<vmem>>
            %dma_wait3A_306 = arith.constant 0 : i32
            %dma_wait3A_307 = tpu.memref_slice %dma_wait3A_305[%sub3A_300, %dma_wait3A_306] : memref<16x128xi32, #tpu.memory_space<vmem>> -> memref<1x128xi32, #tpu.memory_space<vmem>>
            %dma_wait3A_308 = tpu.memref_squeeze %dma_wait3A_307 : memref<1x128xi32, #tpu.memory_space<vmem>> -> memref<128xi32, #tpu.memory_space<vmem>>
            %dma_wait3A_309 = arith.constant 0 : i32
            %dma_wait3A_310 = arith.constant 0 : i32
            %dma_wait3A_311 = tpu.memref_slice %arg12[%dma_wait3A_309, %dma_wait3A_310] : memref<10240x128xf32, #tpu.memory_space<vmem_shared>> -> memref<10240x128xf32, #tpu.memory_space<vmem_shared>>
            tpu.wait_indirect_dma semaphore(%arg15 : memref<!tpu.dma_semaphore, #tpu.memory_space<semaphore_mem>>) src(%arg10 : memref<128x128xf32, #tpu.memory_space<vmem>>) dst(%dma_wait3A_311 : memref<10240x128xf32, #tpu.memory_space<vmem_shared>>)
            %add3A_312 = arith.constant 1 : i32
            %add3A_313 = arith.addi %add3A_262, %add3A_312 : i32
            %mul3A_314 = arith.constant 128 : i32
            %mul3A_315 = arith.muli %add3A_313, %mul3A_314 : i32
            %dma_start3A_316 = arith.constant 0 : i32
            %dma_start3A_317 = arith.constant 0 : i32
            %dma_start3A_318 = tpu.memref_slice %arg8[%dma_start3A_316, %dma_start3A_317] : memref<2x2048xi32, #tpu.memory_space<vmem>> -> memref<1x2048xi32, #tpu.memory_space<vmem>>
            %dma_start3A_319 = tpu.memref_squeeze %dma_start3A_318 : memref<1x2048xi32, #tpu.memory_space<vmem>> -> memref<2048xi32, #tpu.memory_space<vmem>>
            %dma_start3A_320 = tpu.memref_slice %dma_start3A_319[%mul3A_315] : memref<2048xi32, #tpu.memory_space<vmem>> -> memref<128xi32, #tpu.memory_space<vmem>>
            %dma_start3A_321 = arith.constant 0 : i32
            %dma_start3A_322 = arith.constant 0 : i32
            %dma_start3A_323 = tpu.memref_slice %arg4[%dma_start3A_321, %dma_start3A_322] : memref<10240x128xf32, #tpu.memory_space<hbm>> -> memref<10240x128xf32, #tpu.memory_space<hbm>>
            tpu.enqueue_indirect_dma source(%dma_start3A_323 : memref<10240x128xf32, #tpu.memory_space<hbm>>) target(%arg10 : memref<128x128xf32, #tpu.memory_space<vmem>>) offsets(%dma_start3A_320 : memref<128xi32, #tpu.memory_space<vmem>>) semaphore(%arg13 : memref<!tpu.dma_semaphore, #tpu.memory_space<semaphore_mem>>)
          } else {
          }
          %eq3A_294 = arith.constant 0 : i32
          %eq3A_295 = arith.cmpi eq, %add3A_262, %eq3A_294 : i32
          %convert_element_type3A_296 = arith.extui %eq3A_295 : i1 to i32
          %cond3A_297 = arith.constant 0 : i32
          %cond3A_298 = arith.cmpi ne, %convert_element_type3A_296, %cond3A_297 : i32
          scf.if %cond3A_298 {
            %dma_start3A_300 = arith.constant 0 : i32
            %dma_start3A_301 = arith.constant 0 : i32
            %dma_start3A_302 = tpu.memref_slice %arg8[%dma_start3A_300, %dma_start3A_301] : memref<2x2048xi32, #tpu.memory_space<vmem>> -> memref<1x2048xi32, #tpu.memory_space<vmem>>
            %dma_start3A_303 = tpu.memref_squeeze %dma_start3A_302 : memref<1x2048xi32, #tpu.memory_space<vmem>> -> memref<2048xi32, #tpu.memory_space<vmem>>
            %dma_start3A_304 = arith.constant 128 : i32
            %dma_start3A_305 = tpu.memref_slice %dma_start3A_303[%dma_start3A_304] : memref<2048xi32, #tpu.memory_space<vmem>> -> memref<128xi32, #tpu.memory_space<vmem>>
            %dma_start3A_306 = arith.constant 0 : i32
            %dma_start3A_307 = arith.constant 0 : i32
            %dma_start3A_308 = tpu.memref_slice %arg4[%dma_start3A_306, %dma_start3A_307] : memref<10240x128xf32, #tpu.memory_space<hbm>> -> memref<10240x128xf32, #tpu.memory_space<hbm>>
            tpu.enqueue_indirect_dma source(%dma_start3A_308 : memref<10240x128xf32, #tpu.memory_space<hbm>>) target(%arg10 : memref<128x128xf32, #tpu.memory_space<vmem>>) offsets(%dma_start3A_305 : memref<128xi32, #tpu.memory_space<vmem>>) semaphore(%arg13 : memref<!tpu.dma_semaphore, #tpu.memory_space<semaphore_mem>>)
          } else {
          }
          %scan3A_299 = arith.constant 0 : i32
          scf.yield %scan3A_299 : i32
        }
        %scan3A_128 = arith.constant 8 : i32
        %dma_wait3A_129 = arith.constant 0 : i32
        %dma_wait3A_130 = arith.constant 14 : i32
        %dma_wait3A_131 = arith.constant 0 : i32
        %dma_wait3A_132 = arith.constant 0 : i32
        %dma_wait3A_133 = tpu.memref_slice %arg9[%dma_wait3A_129, %dma_wait3A_131, %dma_wait3A_132] : memref<2x16x128xi32, #tpu.memory_space<vmem>> -> memref<1x16x128xi32, #tpu.memory_space<vmem>>
        %dma_wait3A_134 = tpu.memref_squeeze %dma_wait3A_133 : memref<1x16x128xi32, #tpu.memory_space<vmem>> -> memref<16x128xi32, #tpu.memory_space<vmem>>
        %dma_wait3A_135 = arith.constant 0 : i32
        %dma_wait3A_136 = tpu.memref_slice %dma_wait3A_134[%dma_wait3A_130, %dma_wait3A_135] : memref<16x128xi32, #tpu.memory_space<vmem>> -> memref<1x128xi32, #tpu.memory_space<vmem>>
        %dma_wait3A_137 = tpu.memref_squeeze %dma_wait3A_136 : memref<1x128xi32, #tpu.memory_space<vmem>> -> memref<128xi32, #tpu.memory_space<vmem>>
        %dma_wait3A_138 = arith.constant 0 : i32
        %dma_wait3A_139 = arith.constant 0 : i32
        %dma_wait3A_140 = tpu.memref_slice %arg12[%dma_wait3A_138, %dma_wait3A_139] : memref<10240x128xf32, #tpu.memory_space<vmem_shared>> -> memref<10240x128xf32, #tpu.memory_space<vmem_shared>>
        tpu.wait_indirect_dma semaphore(%arg15 : memref<!tpu.dma_semaphore, #tpu.memory_space<semaphore_mem>>) src(%arg10 : memref<128x128xf32, #tpu.memory_space<vmem>>) dst(%dma_wait3A_140 : memref<10240x128xf32, #tpu.memory_space<vmem_shared>>)
        %dma_wait3A_141 = arith.constant 0 : i32
        %dma_wait3A_142 = arith.constant 15 : i32
        %dma_wait3A_143 = arith.constant 0 : i32
        %dma_wait3A_144 = arith.constant 0 : i32
        %dma_wait3A_145 = tpu.memref_slice %arg9[%dma_wait3A_141, %dma_wait3A_143, %dma_wait3A_144] : memref<2x16x128xi32, #tpu.memory_space<vmem>> -> memref<1x16x128xi32, #tpu.memory_space<vmem>>
        %dma_wait3A_146 = tpu.memref_squeeze %dma_wait3A_145 : memref<1x16x128xi32, #tpu.memory_space<vmem>> -> memref<16x128xi32, #tpu.memory_space<vmem>>
        %dma_wait3A_147 = arith.constant 0 : i32
        %dma_wait3A_148 = tpu.memref_slice %dma_wait3A_146[%dma_wait3A_142, %dma_wait3A_147] : memref<16x128xi32, #tpu.memory_space<vmem>> -> memref<1x128xi32, #tpu.memory_space<vmem>>
        %dma_wait3A_149 = tpu.memref_squeeze %dma_wait3A_148 : memref<1x128xi32, #tpu.memory_space<vmem>> -> memref<128xi32, #tpu.memory_space<vmem>>
        %dma_wait3A_150 = arith.constant 0 : i32
        %dma_wait3A_151 = arith.constant 0 : i32
        %dma_wait3A_152 = tpu.memref_slice %arg12[%dma_wait3A_150, %dma_wait3A_151] : memref<10240x128xf32, #tpu.memory_space<vmem_shared>> -> memref<10240x128xf32, #tpu.memory_space<vmem_shared>>
        tpu.wait_indirect_dma semaphore(%arg16 : memref<!tpu.dma_semaphore, #tpu.memory_space<semaphore_mem>>) src(%arg11 : memref<128x128xf32, #tpu.memory_space<vmem>>) dst(%dma_wait3A_152 : memref<10240x128xf32, #tpu.memory_space<vmem_shared>>)
        %add3A_153 = arith.constant 1 : i32
        %add3A_154 = arith.addi %add3A_106, %add3A_153 : i32
        %lt3A_155 = arith.constant 10 : i32
        %lt3A_156 = arith.cmpi slt, %add3A_154, %lt3A_155 : i32
        %convert_element_type3A_157 = arith.extui %lt3A_156 : i1 to i32
        %cond3A_158 = arith.constant 0 : i32
        %cond3A_159 = arith.cmpi ne, %convert_element_type3A_157, %cond3A_158 : i32
        scf.if %cond3A_159 {
          %dma_wait3A_219 = arith.constant 1 : i32
          %dma_wait3A_220 = arith.constant 0 : i32
          %dma_wait3A_221 = tpu.memref_slice %arg8[%dma_wait3A_219, %dma_wait3A_220] : memref<2x2048xi32, #tpu.memory_space<vmem>> -> memref<1x2048xi32, #tpu.memory_space<vmem>>
          %dma_wait3A_222 = tpu.memref_squeeze %dma_wait3A_221 : memref<1x2048xi32, #tpu.memory_space<vmem>> -> memref<2048xi32, #tpu.memory_space<vmem>>
          %dma_wait3A_223 = arith.constant 0 : i32
          %dma_wait3A_224 = tpu.memref_slice %arg2[%dma_wait3A_223] : memref<327680xi32, #tpu.memory_space<hbm>> -> memref<2048xi32, #tpu.memory_space<hbm>>
          %dma_wait3A_225 = arith.constant 0 : i32
          %dma_wait3A_226 = tpu.memref_slice %arg8[%dma_wait3A_219, %dma_wait3A_225] : memref<2x2048xi32, #tpu.memory_space<vmem>> -> memref<1x2048xi32, #tpu.memory_space<vmem>>
          %dma_wait3A_227 = tpu.memref_squeeze %dma_wait3A_226 : memref<1x2048xi32, #tpu.memory_space<vmem>> -> memref<2048xi32, #tpu.memory_space<vmem>>
          %dma_wait3A_228 = arith.constant 0 : i32
          %dma_wait3A_229 = tpu.memref_slice %arg2[%dma_wait3A_228] : memref<327680xi32, #tpu.memory_space<hbm>> -> memref<2048xi32, #tpu.memory_space<hbm>>
          tpu.wait_dma2 semaphore(%arg17 : memref<!tpu.dma_semaphore, #tpu.memory_space<semaphore_mem>>) src(%dma_wait3A_229 : memref<2048xi32, #tpu.memory_space<hbm>>) dst(%dma_wait3A_227 : memref<2048xi32, #tpu.memory_space<vmem>>)
          %dma_wait3A_230 = arith.constant 1 : i32
          %dma_wait3A_231 = arith.constant 0 : i32
          %dma_wait3A_232 = arith.constant 0 : i32
          %dma_wait3A_233 = tpu.memref_slice %arg9[%dma_wait3A_230, %dma_wait3A_231, %dma_wait3A_232] : memref<2x16x128xi32, #tpu.memory_space<vmem>> -> memref<1x16x128xi32, #tpu.memory_space<vmem>>
          %dma_wait3A_234 = tpu.memref_squeeze %dma_wait3A_233 : memref<1x16x128xi32, #tpu.memory_space<vmem>> -> memref<16x128xi32, #tpu.memory_space<vmem>>
          %dma_wait3A_235 = arith.constant 0 : i32
          %dma_wait3A_236 = arith.constant 0 : i32
          %dma_wait3A_237 = tpu.memref_slice %arg3[%dma_wait3A_235, %dma_wait3A_236] : memref<2560x128xi32, #tpu.memory_space<hbm>> -> memref<16x128xi32, #tpu.memory_space<hbm>>
          %dma_wait3A_238 = arith.constant 0 : i32
          %dma_wait3A_239 = arith.constant 0 : i32
          %dma_wait3A_240 = tpu.memref_slice %arg9[%dma_wait3A_230, %dma_wait3A_238, %dma_wait3A_239] : memref<2x16x128xi32, #tpu.memory_space<vmem>> -> memref<1x16x128xi32, #tpu.memory_space<vmem>>
          %dma_wait3A_241 = tpu.memref_squeeze %dma_wait3A_240 : memref<1x16x128xi32, #tpu.memory_space<vmem>> -> memref<16x128xi32, #tpu.memory_space<vmem>>
          %dma_wait3A_242 = arith.constant 0 : i32
          %dma_wait3A_243 = arith.constant 0 : i32
          %dma_wait3A_244 = tpu.memref_slice %arg3[%dma_wait3A_242, %dma_wait3A_243] : memref<2560x128xi32, #tpu.memory_space<hbm>> -> memref<16x128xi32, #tpu.memory_space<hbm>>
          tpu.wait_dma2 semaphore(%arg17 : memref<!tpu.dma_semaphore, #tpu.memory_space<semaphore_mem>>) src(%dma_wait3A_244 : memref<16x128xi32, #tpu.memory_space<hbm>>) dst(%dma_wait3A_241 : memref<16x128xi32, #tpu.memory_space<vmem>>)
        } else {
        }
        %mul3A_160 = arith.constant 2 : i32
        %mul3A_161 = arith.muli %scan3A_101, %mul3A_160 : i32
        %add3A_162 = arith.constant 1 : i32
        %add3A_163 = arith.addi %mul3A_161, %add3A_162 : i32
        %add3A_164 = arith.constant 1 : i32
        %add3A_165 = arith.addi %add3A_163, %add3A_164 : i32
        %lt3A_166 = arith.constant 10 : i32
        %lt3A_167 = arith.cmpi slt, %add3A_165, %lt3A_166 : i32
        %convert_element_type3A_168 = arith.extui %lt3A_167 : i1 to i32
        %cond3A_169 = arith.constant 0 : i32
        %cond3A_170 = arith.cmpi ne, %convert_element_type3A_168, %cond3A_169 : i32
        scf.if %cond3A_170 {
          %add3A_219 = arith.constant 1 : i32
          %add3A_220 = arith.addi %add3A_163, %add3A_219 : i32
          %mul3A_221 = arith.constant 160 : i32
          %mul3A_222 = arith.muli %arg1, %mul3A_221 : i32
          %mul3A_223 = arith.constant 16 : i32
          %mul3A_224 = arith.muli %add3A_220, %mul3A_223 : i32
          %add3A_225 = arith.addi %mul3A_222, %mul3A_224 : i32
          %multiple_of3A_226 = tpu.assume_multiple %add3A_225, 8 : i32
          %mul3A_227 = arith.constant 128 : i32
          %mul3A_228 = arith.muli %multiple_of3A_226, %mul3A_227 : i32
          %dma_start3A_229 = arith.constant 0 : i32
          %dma_start3A_230 = arith.constant 0 : i32
          %dma_start3A_231 = tpu.memref_slice %arg8[%dma_start3A_229, %dma_start3A_230] : memref<2x2048xi32, #tpu.memory_space<vmem>> -> memref<1x2048xi32, #tpu.memory_space<vmem>>
          %dma_start3A_232 = tpu.memref_squeeze %dma_start3A_231 : memref<1x2048xi32, #tpu.memory_space<vmem>> -> memref<2048xi32, #tpu.memory_space<vmem>>
          %dma_start3A_233 = tpu.memref_slice %arg2[%mul3A_228] : memref<327680xi32, #tpu.memory_space<hbm>> -> memref<2048xi32, #tpu.memory_space<hbm>>
          %dma_start3A_234 = arith.constant 0 : i32
          %dma_start3A_235 = tpu.memref_slice %arg8[%dma_start3A_229, %dma_start3A_234] : memref<2x2048xi32, #tpu.memory_space<vmem>> -> memref<1x2048xi32, #tpu.memory_space<vmem>>
          %dma_start3A_236 = tpu.memref_squeeze %dma_start3A_235 : memref<1x2048xi32, #tpu.memory_space<vmem>> -> memref<2048xi32, #tpu.memory_space<vmem>>
          %dma_start3A_237 = tpu.memref_slice %arg2[%mul3A_228] : memref<327680xi32, #tpu.memory_space<hbm>> -> memref<2048xi32, #tpu.memory_space<hbm>>
          tpu.enqueue_dma source(%dma_start3A_237 : memref<2048xi32, #tpu.memory_space<hbm>>) target(%dma_start3A_236 : memref<2048xi32, #tpu.memory_space<vmem>>) target_semaphore(%arg17 : memref<!tpu.dma_semaphore, #tpu.memory_space<semaphore_mem>>)
          %dma_start3A_238 = arith.constant 0 : i32
          %dma_start3A_239 = arith.constant 0 : i32
          %dma_start3A_240 = arith.constant 0 : i32
          %dma_start3A_241 = tpu.memref_slice %arg9[%dma_start3A_238, %dma_start3A_239, %dma_start3A_240] : memref<2x16x128xi32, #tpu.memory_space<vmem>> -> memref<1x16x128xi32, #tpu.memory_space<vmem>>
          %dma_start3A_242 = tpu.memref_squeeze %dma_start3A_241 : memref<1x16x128xi32, #tpu.memory_space<vmem>> -> memref<16x128xi32, #tpu.memory_space<vmem>>
          %dma_start3A_243 = arith.constant 0 : i32
          %dma_start3A_244 = tpu.memref_slice %arg3[%multiple_of3A_226, %dma_start3A_243] : memref<2560x128xi32, #tpu.memory_space<hbm>> -> memref<16x128xi32, #tpu.memory_space<hbm>>
          %dma_start3A_245 = arith.constant 0 : i32
          %dma_start3A_246 = arith.constant 0 : i32
          %dma_start3A_247 = tpu.memref_slice %arg9[%dma_start3A_238, %dma_start3A_245, %dma_start3A_246] : memref<2x16x128xi32, #tpu.memory_space<vmem>> -> memref<1x16x128xi32, #tpu.memory_space<vmem>>
          %dma_start3A_248 = tpu.memref_squeeze %dma_start3A_247 : memref<1x16x128xi32, #tpu.memory_space<vmem>> -> memref<16x128xi32, #tpu.memory_space<vmem>>
          %dma_start3A_249 = arith.constant 0 : i32
          %dma_start3A_250 = tpu.memref_slice %arg3[%multiple_of3A_226, %dma_start3A_249] : memref<2560x128xi32, #tpu.memory_space<hbm>> -> memref<16x128xi32, #tpu.memory_space<hbm>>
          tpu.enqueue_dma source(%dma_start3A_250 : memref<16x128xi32, #tpu.memory_space<hbm>>) target(%dma_start3A_248 : memref<16x128xi32, #tpu.memory_space<vmem>>) target_semaphore(%arg17 : memref<!tpu.dma_semaphore, #tpu.memory_space<semaphore_mem>>)
        } else {
        }
        %dma_start3A_171 = arith.constant 1 : i32
        %dma_start3A_172 = arith.constant 0 : i32
        %dma_start3A_173 = tpu.memref_slice %arg8[%dma_start3A_171, %dma_start3A_172] : memref<2x2048xi32, #tpu.memory_space<vmem>> -> memref<1x2048xi32, #tpu.memory_space<vmem>>
        %dma_start3A_174 = tpu.memref_squeeze %dma_start3A_173 : memref<1x2048xi32, #tpu.memory_space<vmem>> -> memref<2048xi32, #tpu.memory_space<vmem>>
        %dma_start3A_175 = arith.constant 0 : i32
        %dma_start3A_176 = tpu.memref_slice %dma_start3A_174[%dma_start3A_175] : memref<2048xi32, #tpu.memory_space<vmem>> -> memref<128xi32, #tpu.memory_space<vmem>>
        %dma_start3A_177 = arith.constant 0 : i32
        %dma_start3A_178 = arith.constant 0 : i32
        %dma_start3A_179 = tpu.memref_slice %arg4[%dma_start3A_177, %dma_start3A_178] : memref<10240x128xf32, #tpu.memory_space<hbm>> -> memref<10240x128xf32, #tpu.memory_space<hbm>>
        tpu.enqueue_indirect_dma source(%dma_start3A_179 : memref<10240x128xf32, #tpu.memory_space<hbm>>) target(%arg10 : memref<128x128xf32, #tpu.memory_space<vmem>>) offsets(%dma_start3A_176 : memref<128xi32, #tpu.memory_space<vmem>>) semaphore(%arg13 : memref<!tpu.dma_semaphore, #tpu.memory_space<semaphore_mem>>)
        %scan3A_180 = arith.constant 0 : i32
        %scan3A_181 = arith.constant 0 : i32
        %scan3A_182 = arith.constant 8 : i32
        %scan3A_183 = arith.addi %scan3A_181, %scan3A_182 : i32
        %scan3A_184 = arith.constant 1 : i32
        %scan3A_185 = scf.for %scan3A_219 = %scan3A_181 to %scan3A_183 step %scan3A_184 iter_args(%scan3A_220 = %scan3A_180) -> (i32)  : i32 {
          %mul3A_221 = arith.constant 2 : i32
          %mul3A_222 = arith.muli %scan3A_219, %mul3A_221 : i32
          %add3A_223 = arith.constant 0 : i32
          %add3A_224 = arith.addi %mul3A_222, %add3A_223 : i32
          %mul3A_225 = arith.constant 128 : i32
          %mul3A_226 = arith.muli %add3A_224, %mul3A_225 : i32
          %dma_wait3A_227 = arith.constant 1 : i32
          %dma_wait3A_228 = arith.constant 0 : i32
          %dma_wait3A_229 = tpu.memref_slice %arg8[%dma_wait3A_227, %dma_wait3A_228] : memref<2x2048xi32, #tpu.memory_space<vmem>> -> memref<1x2048xi32, #tpu.memory_space<vmem>>
          %dma_wait3A_230 = tpu.memref_squeeze %dma_wait3A_229 : memref<1x2048xi32, #tpu.memory_space<vmem>> -> memref<2048xi32, #tpu.memory_space<vmem>>
          %dma_wait3A_231 = tpu.memref_slice %dma_wait3A_230[%mul3A_226] : memref<2048xi32, #tpu.memory_space<vmem>> -> memref<128xi32, #tpu.memory_space<vmem>>
          %dma_wait3A_232 = arith.constant 0 : i32
          %dma_wait3A_233 = arith.constant 0 : i32
          %dma_wait3A_234 = tpu.memref_slice %arg4[%dma_wait3A_232, %dma_wait3A_233] : memref<10240x128xf32, #tpu.memory_space<hbm>> -> memref<10240x128xf32, #tpu.memory_space<hbm>>
          tpu.wait_indirect_dma semaphore(%arg13 : memref<!tpu.dma_semaphore, #tpu.memory_space<semaphore_mem>>) src(%dma_wait3A_234 : memref<10240x128xf32, #tpu.memory_space<hbm>>) dst(%arg10 : memref<128x128xf32, #tpu.memory_space<vmem>>)
          %dma_start3A_235 = arith.constant 1 : i32
          %dma_start3A_236 = arith.constant 0 : i32
          %dma_start3A_237 = arith.constant 0 : i32
          %dma_start3A_238 = tpu.memref_slice %arg9[%dma_start3A_235, %dma_start3A_236, %dma_start3A_237] : memref<2x16x128xi32, #tpu.memory_space<vmem>> -> memref<1x16x128xi32, #tpu.memory_space<vmem>>
          %dma_start3A_239 = tpu.memref_squeeze %dma_start3A_238 : memref<1x16x128xi32, #tpu.memory_space<vmem>> -> memref<16x128xi32, #tpu.memory_space<vmem>>
          %dma_start3A_240 = arith.constant 0 : i32
          %dma_start3A_241 = tpu.memref_slice %dma_start3A_239[%add3A_224, %dma_start3A_240] : memref<16x128xi32, #tpu.memory_space<vmem>> -> memref<1x128xi32, #tpu.memory_space<vmem>>
          %dma_start3A_242 = tpu.memref_squeeze %dma_start3A_241 : memref<1x128xi32, #tpu.memory_space<vmem>> -> memref<128xi32, #tpu.memory_space<vmem>>
          %dma_start3A_243 = arith.constant 0 : i32
          %dma_start3A_244 = arith.constant 0 : i32
          %dma_start3A_245 = tpu.memref_slice %arg12[%dma_start3A_243, %dma_start3A_244] : memref<10240x128xf32, #tpu.memory_space<vmem_shared>> -> memref<10240x128xf32, #tpu.memory_space<vmem_shared>>
          tpu.enqueue_indirect_dma source(%arg10 : memref<128x128xf32, #tpu.memory_space<vmem>>) target(%dma_start3A_245 : memref<10240x128xf32, #tpu.memory_space<vmem_shared>>) offsets(%dma_start3A_242 : memref<128xi32, #tpu.memory_space<vmem>>) semaphore(%arg15 : memref<!tpu.dma_semaphore, #tpu.memory_space<semaphore_mem>>) {add = true}
          %gt3A = arith.constant 0 : i32
          %gt3A_246 = arith.cmpi sgt, %add3A_224, %gt3A : i32
          %add3A_247 = arith.constant 1 : i32
          %add3A_248 = arith.addi %add3A_224, %add3A_247 : i32
          %lt3A_249 = arith.constant 16 : i32
          %lt3A_250 = arith.cmpi slt, %add3A_248, %lt3A_249 : i32
          %and3A = arith.andi %gt3A_246, %lt3A_250 : i1
          %convert_element_type3A_251 = arith.extui %and3A : i1 to i32
          %cond3A_252 = arith.constant 0 : i32
          %cond3A_253 = arith.cmpi ne, %convert_element_type3A_251, %cond3A_252 : i32
          scf.if %cond3A_253 {
            %sub3A = arith.constant 1 : i32
            %sub3A_300 = arith.subi %add3A_224, %sub3A : i32
            %dma_wait3A_301 = arith.constant 1 : i32
            %dma_wait3A_302 = arith.constant 0 : i32
            %dma_wait3A_303 = arith.constant 0 : i32
            %dma_wait3A_304 = tpu.memref_slice %arg9[%dma_wait3A_301, %dma_wait3A_302, %dma_wait3A_303] : memref<2x16x128xi32, #tpu.memory_space<vmem>> -> memref<1x16x128xi32, #tpu.memory_space<vmem>>
            %dma_wait3A_305 = tpu.memref_squeeze %dma_wait3A_304 : memref<1x16x128xi32, #tpu.memory_space<vmem>> -> memref<16x128xi32, #tpu.memory_space<vmem>>
            %dma_wait3A_306 = arith.constant 0 : i32
            %dma_wait3A_307 = tpu.memref_slice %dma_wait3A_305[%sub3A_300, %dma_wait3A_306] : memref<16x128xi32, #tpu.memory_space<vmem>> -> memref<1x128xi32, #tpu.memory_space<vmem>>
            %dma_wait3A_308 = tpu.memref_squeeze %dma_wait3A_307 : memref<1x128xi32, #tpu.memory_space<vmem>> -> memref<128xi32, #tpu.memory_space<vmem>>
            %dma_wait3A_309 = arith.constant 0 : i32
            %dma_wait3A_310 = arith.constant 0 : i32
            %dma_wait3A_311 = tpu.memref_slice %arg12[%dma_wait3A_309, %dma_wait3A_310] : memref<10240x128xf32, #tpu.memory_space<vmem_shared>> -> memref<10240x128xf32, #tpu.memory_space<vmem_shared>>
            tpu.wait_indirect_dma semaphore(%arg16 : memref<!tpu.dma_semaphore, #tpu.memory_space<semaphore_mem>>) src(%arg11 : memref<128x128xf32, #tpu.memory_space<vmem>>) dst(%dma_wait3A_311 : memref<10240x128xf32, #tpu.memory_space<vmem_shared>>)
            %add3A_312 = arith.constant 1 : i32
            %add3A_313 = arith.addi %add3A_224, %add3A_312 : i32
            %mul3A_314 = arith.constant 128 : i32
            %mul3A_315 = arith.muli %add3A_313, %mul3A_314 : i32
            %dma_start3A_316 = arith.constant 1 : i32
            %dma_start3A_317 = arith.constant 0 : i32
            %dma_start3A_318 = tpu.memref_slice %arg8[%dma_start3A_316, %dma_start3A_317] : memref<2x2048xi32, #tpu.memory_space<vmem>> -> memref<1x2048xi32, #tpu.memory_space<vmem>>
            %dma_start3A_319 = tpu.memref_squeeze %dma_start3A_318 : memref<1x2048xi32, #tpu.memory_space<vmem>> -> memref<2048xi32, #tpu.memory_space<vmem>>
            %dma_start3A_320 = tpu.memref_slice %dma_start3A_319[%mul3A_315] : memref<2048xi32, #tpu.memory_space<vmem>> -> memref<128xi32, #tpu.memory_space<vmem>>
            %dma_start3A_321 = arith.constant 0 : i32
            %dma_start3A_322 = arith.constant 0 : i32
            %dma_start3A_323 = tpu.memref_slice %arg4[%dma_start3A_321, %dma_start3A_322] : memref<10240x128xf32, #tpu.memory_space<hbm>> -> memref<10240x128xf32, #tpu.memory_space<hbm>>
            tpu.enqueue_indirect_dma source(%dma_start3A_323 : memref<10240x128xf32, #tpu.memory_space<hbm>>) target(%arg11 : memref<128x128xf32, #tpu.memory_space<vmem>>) offsets(%dma_start3A_320 : memref<128xi32, #tpu.memory_space<vmem>>) semaphore(%arg14 : memref<!tpu.dma_semaphore, #tpu.memory_space<semaphore_mem>>)
          } else {
          }
          %eq3A_254 = arith.constant 0 : i32
          %eq3A_255 = arith.cmpi eq, %add3A_224, %eq3A_254 : i32
          %convert_element_type3A_256 = arith.extui %eq3A_255 : i1 to i32
          %cond3A_257 = arith.constant 0 : i32
          %cond3A_258 = arith.cmpi ne, %convert_element_type3A_256, %cond3A_257 : i32
          scf.if %cond3A_258 {
            %dma_start3A_300 = arith.constant 1 : i32
            %dma_start3A_301 = arith.constant 0 : i32
            %dma_start3A_302 = tpu.memref_slice %arg8[%dma_start3A_300, %dma_start3A_301] : memref<2x2048xi32, #tpu.memory_space<vmem>> -> memref<1x2048xi32, #tpu.memory_space<vmem>>
            %dma_start3A_303 = tpu.memref_squeeze %dma_start3A_302 : memref<1x2048xi32, #tpu.memory_space<vmem>> -> memref<2048xi32, #tpu.memory_space<vmem>>
            %dma_start3A_304 = arith.constant 128 : i32
            %dma_start3A_305 = tpu.memref_slice %dma_start3A_303[%dma_start3A_304] : memref<2048xi32, #tpu.memory_space<vmem>> -> memref<128xi32, #tpu.memory_space<vmem>>
            %dma_start3A_306 = arith.constant 0 : i32
            %dma_start3A_307 = arith.constant 0 : i32
            %dma_start3A_308 = tpu.memref_slice %arg4[%dma_start3A_306, %dma_start3A_307] : memref<10240x128xf32, #tpu.memory_space<hbm>> -> memref<10240x128xf32, #tpu.memory_space<hbm>>
            tpu.enqueue_indirect_dma source(%dma_start3A_308 : memref<10240x128xf32, #tpu.memory_space<hbm>>) target(%arg11 : memref<128x128xf32, #tpu.memory_space<vmem>>) offsets(%dma_start3A_305 : memref<128xi32, #tpu.memory_space<vmem>>) semaphore(%arg14 : memref<!tpu.dma_semaphore, #tpu.memory_space<semaphore_mem>>)
          } else {
          }
          %mul3A_259 = arith.constant 2 : i32
          %mul3A_260 = arith.muli %scan3A_219, %mul3A_259 : i32
          %add3A_261 = arith.constant 1 : i32
          %add3A_262 = arith.addi %mul3A_260, %add3A_261 : i32
          %mul3A_263 = arith.constant 128 : i32
          %mul3A_264 = arith.muli %add3A_262, %mul3A_263 : i32
          %dma_wait3A_265 = arith.constant 1 : i32
          %dma_wait3A_266 = arith.constant 0 : i32
          %dma_wait3A_267 = tpu.memref_slice %arg8[%dma_wait3A_265, %dma_wait3A_266] : memref<2x2048xi32, #tpu.memory_space<vmem>> -> memref<1x2048xi32, #tpu.memory_space<vmem>>
          %dma_wait3A_268 = tpu.memref_squeeze %dma_wait3A_267 : memref<1x2048xi32, #tpu.memory_space<vmem>> -> memref<2048xi32, #tpu.memory_space<vmem>>
          %dma_wait3A_269 = tpu.memref_slice %dma_wait3A_268[%mul3A_264] : memref<2048xi32, #tpu.memory_space<vmem>> -> memref<128xi32, #tpu.memory_space<vmem>>
          %dma_wait3A_270 = arith.constant 0 : i32
          %dma_wait3A_271 = arith.constant 0 : i32
          %dma_wait3A_272 = tpu.memref_slice %arg4[%dma_wait3A_270, %dma_wait3A_271] : memref<10240x128xf32, #tpu.memory_space<hbm>> -> memref<10240x128xf32, #tpu.memory_space<hbm>>
          tpu.wait_indirect_dma semaphore(%arg14 : memref<!tpu.dma_semaphore, #tpu.memory_space<semaphore_mem>>) src(%dma_wait3A_272 : memref<10240x128xf32, #tpu.memory_space<hbm>>) dst(%arg11 : memref<128x128xf32, #tpu.memory_space<vmem>>)
          %dma_start3A_273 = arith.constant 1 : i32
          %dma_start3A_274 = arith.constant 0 : i32
          %dma_start3A_275 = arith.constant 0 : i32
          %dma_start3A_276 = tpu.memref_slice %arg9[%dma_start3A_273, %dma_start3A_274, %dma_start3A_275] : memref<2x16x128xi32, #tpu.memory_space<vmem>> -> memref<1x16x128xi32, #tpu.memory_space<vmem>>
          %dma_start3A_277 = tpu.memref_squeeze %dma_start3A_276 : memref<1x16x128xi32, #tpu.memory_space<vmem>> -> memref<16x128xi32, #tpu.memory_space<vmem>>
          %dma_start3A_278 = arith.constant 0 : i32
          %dma_start3A_279 = tpu.memref_slice %dma_start3A_277[%add3A_262, %dma_start3A_278] : memref<16x128xi32, #tpu.memory_space<vmem>> -> memref<1x128xi32, #tpu.memory_space<vmem>>
          %dma_start3A_280 = tpu.memref_squeeze %dma_start3A_279 : memref<1x128xi32, #tpu.memory_space<vmem>> -> memref<128xi32, #tpu.memory_space<vmem>>
          %dma_start3A_281 = arith.constant 0 : i32
          %dma_start3A_282 = arith.constant 0 : i32
          %dma_start3A_283 = tpu.memref_slice %arg12[%dma_start3A_281, %dma_start3A_282] : memref<10240x128xf32, #tpu.memory_space<vmem_shared>> -> memref<10240x128xf32, #tpu.memory_space<vmem_shared>>
          tpu.enqueue_indirect_dma source(%arg11 : memref<128x128xf32, #tpu.memory_space<vmem>>) target(%dma_start3A_283 : memref<10240x128xf32, #tpu.memory_space<vmem_shared>>) offsets(%dma_start3A_280 : memref<128xi32, #tpu.memory_space<vmem>>) semaphore(%arg16 : memref<!tpu.dma_semaphore, #tpu.memory_space<semaphore_mem>>) {add = true}
          %gt3A_284 = arith.constant 0 : i32
          %gt3A_285 = arith.cmpi sgt, %add3A_262, %gt3A_284 : i32
          %add3A_286 = arith.constant 1 : i32
          %add3A_287 = arith.addi %add3A_262, %add3A_286 : i32
          %lt3A_288 = arith.constant 16 : i32
          %lt3A_289 = arith.cmpi slt, %add3A_287, %lt3A_288 : i32
          %and3A_290 = arith.andi %gt3A_285, %lt3A_289 : i1
          %convert_element_type3A_291 = arith.extui %and3A_290 : i1 to i32
          %cond3A_292 = arith.constant 0 : i32
          %cond3A_293 = arith.cmpi ne, %convert_element_type3A_291, %cond3A_292 : i32
          scf.if %cond3A_293 {
            %sub3A = arith.constant 1 : i32
            %sub3A_300 = arith.subi %add3A_262, %sub3A : i32
            %dma_wait3A_301 = arith.constant 1 : i32
            %dma_wait3A_302 = arith.constant 0 : i32
            %dma_wait3A_303 = arith.constant 0 : i32
            %dma_wait3A_304 = tpu.memref_slice %arg9[%dma_wait3A_301, %dma_wait3A_302, %dma_wait3A_303] : memref<2x16x128xi32, #tpu.memory_space<vmem>> -> memref<1x16x128xi32, #tpu.memory_space<vmem>>
            %dma_wait3A_305 = tpu.memref_squeeze %dma_wait3A_304 : memref<1x16x128xi32, #tpu.memory_space<vmem>> -> memref<16x128xi32, #tpu.memory_space<vmem>>
            %dma_wait3A_306 = arith.constant 0 : i32
            %dma_wait3A_307 = tpu.memref_slice %dma_wait3A_305[%sub3A_300, %dma_wait3A_306] : memref<16x128xi32, #tpu.memory_space<vmem>> -> memref<1x128xi32, #tpu.memory_space<vmem>>
            %dma_wait3A_308 = tpu.memref_squeeze %dma_wait3A_307 : memref<1x128xi32, #tpu.memory_space<vmem>> -> memref<128xi32, #tpu.memory_space<vmem>>
            %dma_wait3A_309 = arith.constant 0 : i32
            %dma_wait3A_310 = arith.constant 0 : i32
            %dma_wait3A_311 = tpu.memref_slice %arg12[%dma_wait3A_309, %dma_wait3A_310] : memref<10240x128xf32, #tpu.memory_space<vmem_shared>> -> memref<10240x128xf32, #tpu.memory_space<vmem_shared>>
            tpu.wait_indirect_dma semaphore(%arg15 : memref<!tpu.dma_semaphore, #tpu.memory_space<semaphore_mem>>) src(%arg10 : memref<128x128xf32, #tpu.memory_space<vmem>>) dst(%dma_wait3A_311 : memref<10240x128xf32, #tpu.memory_space<vmem_shared>>)
            %add3A_312 = arith.constant 1 : i32
            %add3A_313 = arith.addi %add3A_262, %add3A_312 : i32
            %mul3A_314 = arith.constant 128 : i32
            %mul3A_315 = arith.muli %add3A_313, %mul3A_314 : i32
            %dma_start3A_316 = arith.constant 1 : i32
            %dma_start3A_317 = arith.constant 0 : i32
            %dma_start3A_318 = tpu.memref_slice %arg8[%dma_start3A_316, %dma_start3A_317] : memref<2x2048xi32, #tpu.memory_space<vmem>> -> memref<1x2048xi32, #tpu.memory_space<vmem>>
            %dma_start3A_319 = tpu.memref_squeeze %dma_start3A_318 : memref<1x2048xi32, #tpu.memory_space<vmem>> -> memref<2048xi32, #tpu.memory_space<vmem>>
            %dma_start3A_320 = tpu.memref_slice %dma_start3A_319[%mul3A_315] : memref<2048xi32, #tpu.memory_space<vmem>> -> memref<128xi32, #tpu.memory_space<vmem>>
            %dma_start3A_321 = arith.constant 0 : i32
            %dma_start3A_322 = arith.constant 0 : i32
            %dma_start3A_323 = tpu.memref_slice %arg4[%dma_start3A_321, %dma_start3A_322] : memref<10240x128xf32, #tpu.memory_space<hbm>> -> memref<10240x128xf32, #tpu.memory_space<hbm>>
            tpu.enqueue_indirect_dma source(%dma_start3A_323 : memref<10240x128xf32, #tpu.memory_space<hbm>>) target(%arg10 : memref<128x128xf32, #tpu.memory_space<vmem>>) offsets(%dma_start3A_320 : memref<128xi32, #tpu.memory_space<vmem>>) semaphore(%arg13 : memref<!tpu.dma_semaphore, #tpu.memory_space<semaphore_mem>>)
          } else {
          }
          %eq3A_294 = arith.constant 0 : i32
          %eq3A_295 = arith.cmpi eq, %add3A_262, %eq3A_294 : i32
          %convert_element_type3A_296 = arith.extui %eq3A_295 : i1 to i32
          %cond3A_297 = arith.constant 0 : i32
          %cond3A_298 = arith.cmpi ne, %convert_element_type3A_296, %cond3A_297 : i32
          scf.if %cond3A_298 {
            %dma_start3A_300 = arith.constant 1 : i32
            %dma_start3A_301 = arith.constant 0 : i32
            %dma_start3A_302 = tpu.memref_slice %arg8[%dma_start3A_300, %dma_start3A_301] : memref<2x2048xi32, #tpu.memory_space<vmem>> -> memref<1x2048xi32, #tpu.memory_space<vmem>>
            %dma_start3A_303 = tpu.memref_squeeze %dma_start3A_302 : memref<1x2048xi32, #tpu.memory_space<vmem>> -> memref<2048xi32, #tpu.memory_space<vmem>>
            %dma_start3A_304 = arith.constant 128 : i32
            %dma_start3A_305 = tpu.memref_slice %dma_start3A_303[%dma_start3A_304] : memref<2048xi32, #tpu.memory_space<vmem>> -> memref<128xi32, #tpu.memory_space<vmem>>
            %dma_start3A_306 = arith.constant 0 : i32
            %dma_start3A_307 = arith.constant 0 : i32
            %dma_start3A_308 = tpu.memref_slice %arg4[%dma_start3A_306, %dma_start3A_307] : memref<10240x128xf32, #tpu.memory_space<hbm>> -> memref<10240x128xf32, #tpu.memory_space<hbm>>
            tpu.enqueue_indirect_dma source(%dma_start3A_308 : memref<10240x128xf32, #tpu.memory_space<hbm>>) target(%arg10 : memref<128x128xf32, #tpu.memory_space<vmem>>) offsets(%dma_start3A_305 : memref<128xi32, #tpu.memory_space<vmem>>) semaphore(%arg13 : memref<!tpu.dma_semaphore, #tpu.memory_space<semaphore_mem>>)
          } else {
          }
          %scan3A_299 = arith.constant 0 : i32
          scf.yield %scan3A_299 : i32
        }
        %scan3A_186 = arith.constant 8 : i32
        %dma_wait3A_187 = arith.constant 1 : i32
        %dma_wait3A_188 = arith.constant 14 : i32
        %dma_wait3A_189 = arith.constant 0 : i32
        %dma_wait3A_190 = arith.constant 0 : i32
        %dma_wait3A_191 = tpu.memref_slice %arg9[%dma_wait3A_187, %dma_wait3A_189, %dma_wait3A_190] : memref<2x16x128xi32, #tpu.memory_space<vmem>> -> memref<1x16x128xi32, #tpu.memory_space<vmem>>
        %dma_wait3A_192 = tpu.memref_squeeze %dma_wait3A_191 : memref<1x16x128xi32, #tpu.memory_space<vmem>> -> memref<16x128xi32, #tpu.memory_space<vmem>>
        %dma_wait3A_193 = arith.constant 0 : i32
        %dma_wait3A_194 = tpu.memref_slice %dma_wait3A_192[%dma_wait3A_188, %dma_wait3A_193] : memref<16x128xi32, #tpu.memory_space<vmem>> -> memref<1x128xi32, #tpu.memory_space<vmem>>
        %dma_wait3A_195 = tpu.memref_squeeze %dma_wait3A_194 : memref<1x128xi32, #tpu.memory_space<vmem>> -> memref<128xi32, #tpu.memory_space<vmem>>
        %dma_wait3A_196 = arith.constant 0 : i32
        %dma_wait3A_197 = arith.constant 0 : i32
        %dma_wait3A_198 = tpu.memref_slice %arg12[%dma_wait3A_196, %dma_wait3A_197] : memref<10240x128xf32, #tpu.memory_space<vmem_shared>> -> memref<10240x128xf32, #tpu.memory_space<vmem_shared>>
        tpu.wait_indirect_dma semaphore(%arg15 : memref<!tpu.dma_semaphore, #tpu.memory_space<semaphore_mem>>) src(%arg10 : memref<128x128xf32, #tpu.memory_space<vmem>>) dst(%dma_wait3A_198 : memref<10240x128xf32, #tpu.memory_space<vmem_shared>>)
        %dma_wait3A_199 = arith.constant 1 : i32
        %dma_wait3A_200 = arith.constant 15 : i32
        %dma_wait3A_201 = arith.constant 0 : i32
        %dma_wait3A_202 = arith.constant 0 : i32
        %dma_wait3A_203 = tpu.memref_slice %arg9[%dma_wait3A_199, %dma_wait3A_201, %dma_wait3A_202] : memref<2x16x128xi32, #tpu.memory_space<vmem>> -> memref<1x16x128xi32, #tpu.memory_space<vmem>>
        %dma_wait3A_204 = tpu.memref_squeeze %dma_wait3A_203 : memref<1x16x128xi32, #tpu.memory_space<vmem>> -> memref<16x128xi32, #tpu.memory_space<vmem>>
        %dma_wait3A_205 = arith.constant 0 : i32
        %dma_wait3A_206 = tpu.memref_slice %dma_wait3A_204[%dma_wait3A_200, %dma_wait3A_205] : memref<16x128xi32, #tpu.memory_space<vmem>> -> memref<1x128xi32, #tpu.memory_space<vmem>>
        %dma_wait3A_207 = tpu.memref_squeeze %dma_wait3A_206 : memref<1x128xi32, #tpu.memory_space<vmem>> -> memref<128xi32, #tpu.memory_space<vmem>>
        %dma_wait3A_208 = arith.constant 0 : i32
        %dma_wait3A_209 = arith.constant 0 : i32
        %dma_wait3A_210 = tpu.memref_slice %arg12[%dma_wait3A_208, %dma_wait3A_209] : memref<10240x128xf32, #tpu.memory_space<vmem_shared>> -> memref<10240x128xf32, #tpu.memory_space<vmem_shared>>
        tpu.wait_indirect_dma semaphore(%arg16 : memref<!tpu.dma_semaphore, #tpu.memory_space<semaphore_mem>>) src(%arg11 : memref<128x128xf32, #tpu.memory_space<vmem>>) dst(%dma_wait3A_210 : memref<10240x128xf32, #tpu.memory_space<vmem_shared>>)
        %add3A_211 = arith.constant 1 : i32
        %add3A_212 = arith.addi %add3A_163, %add3A_211 : i32
        %lt3A_213 = arith.constant 10 : i32
        %lt3A_214 = arith.cmpi slt, %add3A_212, %lt3A_213 : i32
        %convert_element_type3A_215 = arith.extui %lt3A_214 : i1 to i32
        %cond3A_216 = arith.constant 0 : i32
        %cond3A_217 = arith.cmpi ne, %convert_element_type3A_215, %cond3A_216 : i32
        scf.if %cond3A_217 {
          %dma_wait3A_219 = arith.constant 0 : i32
          %dma_wait3A_220 = arith.constant 0 : i32
          %dma_wait3A_221 = tpu.memref_slice %arg8[%dma_wait3A_219, %dma_wait3A_220] : memref<2x2048xi32, #tpu.memory_space<vmem>> -> memref<1x2048xi32, #tpu.memory_space<vmem>>
          %dma_wait3A_222 = tpu.memref_squeeze %dma_wait3A_221 : memref<1x2048xi32, #tpu.memory_space<vmem>> -> memref<2048xi32, #tpu.memory_space<vmem>>
          %dma_wait3A_223 = arith.constant 0 : i32
          %dma_wait3A_224 = tpu.memref_slice %arg2[%dma_wait3A_223] : memref<327680xi32, #tpu.memory_space<hbm>> -> memref<2048xi32, #tpu.memory_space<hbm>>
          %dma_wait3A_225 = arith.constant 0 : i32
          %dma_wait3A_226 = tpu.memref_slice %arg8[%dma_wait3A_219, %dma_wait3A_225] : memref<2x2048xi32, #tpu.memory_space<vmem>> -> memref<1x2048xi32, #tpu.memory_space<vmem>>
          %dma_wait3A_227 = tpu.memref_squeeze %dma_wait3A_226 : memref<1x2048xi32, #tpu.memory_space<vmem>> -> memref<2048xi32, #tpu.memory_space<vmem>>
          %dma_wait3A_228 = arith.constant 0 : i32
          %dma_wait3A_229 = tpu.memref_slice %arg2[%dma_wait3A_228] : memref<327680xi32, #tpu.memory_space<hbm>> -> memref<2048xi32, #tpu.memory_space<hbm>>
          tpu.wait_dma2 semaphore(%arg17 : memref<!tpu.dma_semaphore, #tpu.memory_space<semaphore_mem>>) src(%dma_wait3A_229 : memref<2048xi32, #tpu.memory_space<hbm>>) dst(%dma_wait3A_227 : memref<2048xi32, #tpu.memory_space<vmem>>)
          %dma_wait3A_230 = arith.constant 0 : i32
          %dma_wait3A_231 = arith.constant 0 : i32
          %dma_wait3A_232 = arith.constant 0 : i32
          %dma_wait3A_233 = tpu.memref_slice %arg9[%dma_wait3A_230, %dma_wait3A_231, %dma_wait3A_232] : memref<2x16x128xi32, #tpu.memory_space<vmem>> -> memref<1x16x128xi32, #tpu.memory_space<vmem>>
          %dma_wait3A_234 = tpu.memref_squeeze %dma_wait3A_233 : memref<1x16x128xi32, #tpu.memory_space<vmem>> -> memref<16x128xi32, #tpu.memory_space<vmem>>
          %dma_wait3A_235 = arith.constant 0 : i32
          %dma_wait3A_236 = arith.constant 0 : i32
          %dma_wait3A_237 = tpu.memref_slice %arg3[%dma_wait3A_235, %dma_wait3A_236] : memref<2560x128xi32, #tpu.memory_space<hbm>> -> memref<16x128xi32, #tpu.memory_space<hbm>>
          %dma_wait3A_238 = arith.constant 0 : i32
          %dma_wait3A_239 = arith.constant 0 : i32
          %dma_wait3A_240 = tpu.memref_slice %arg9[%dma_wait3A_230, %dma_wait3A_238, %dma_wait3A_239] : memref<2x16x128xi32, #tpu.memory_space<vmem>> -> memref<1x16x128xi32, #tpu.memory_space<vmem>>
          %dma_wait3A_241 = tpu.memref_squeeze %dma_wait3A_240 : memref<1x16x128xi32, #tpu.memory_space<vmem>> -> memref<16x128xi32, #tpu.memory_space<vmem>>
          %dma_wait3A_242 = arith.constant 0 : i32
          %dma_wait3A_243 = arith.constant 0 : i32
          %dma_wait3A_244 = tpu.memref_slice %arg3[%dma_wait3A_242, %dma_wait3A_243] : memref<2560x128xi32, #tpu.memory_space<hbm>> -> memref<16x128xi32, #tpu.memory_space<hbm>>
          tpu.wait_dma2 semaphore(%arg17 : memref<!tpu.dma_semaphore, #tpu.memory_space<semaphore_mem>>) src(%dma_wait3A_244 : memref<16x128xi32, #tpu.memory_space<hbm>>) dst(%dma_wait3A_241 : memref<16x128xi32, #tpu.memory_space<vmem>>)
        } else {
        }
        %scan3A_218 = arith.constant 0 : i32
        scf.yield %scan3A_218 : i32
      }
      %scan3A_100 = arith.constant 5 : i32
    } else {
    }
    %eq3A_26 = arith.constant 1 : i32
    %eq3A_27 = arith.cmpi eq, %arg0, %eq3A_26 : i32
    %convert_element_type3A_28 = arith.extui %eq3A_27 : i1 to i32
    %cond3A_29 = arith.constant 0 : i32
    %cond3A_30 = arith.cmpi ne, %convert_element_type3A_28, %cond3A_29 : i32
    scf.if %cond3A_30 {
      %mul3A_42 = arith.constant 160 : i32
      %mul3A_43 = arith.muli %arg1, %mul3A_42 : i32
      %add3A_44 = arith.constant 0 : i32
      %add3A_45 = arith.addi %mul3A_43, %add3A_44 : i32
      %multiple_of3A = tpu.assume_multiple %add3A_45, 8 : i32
      %mul3A_46 = arith.constant 128 : i32
      %mul3A_47 = arith.muli %multiple_of3A, %mul3A_46 : i32
      %dma_start3A = arith.constant 0 : i32
      %dma_start3A_48 = arith.constant 0 : i32
      %dma_start3A_49 = tpu.memref_slice %arg8[%dma_start3A, %dma_start3A_48] : memref<2x2048xi32, #tpu.memory_space<vmem>> -> memref<1x2048xi32, #tpu.memory_space<vmem>>
      %dma_start3A_50 = tpu.memref_squeeze %dma_start3A_49 : memref<1x2048xi32, #tpu.memory_space<vmem>> -> memref<2048xi32, #tpu.memory_space<vmem>>
      %dma_start3A_51 = tpu.memref_slice %arg2[%mul3A_47] : memref<327680xi32, #tpu.memory_space<hbm>> -> memref<2048xi32, #tpu.memory_space<hbm>>
      %dma_start3A_52 = arith.constant 0 : i32
      %dma_start3A_53 = tpu.memref_slice %arg8[%dma_start3A, %dma_start3A_52] : memref<2x2048xi32, #tpu.memory_space<vmem>> -> memref<1x2048xi32, #tpu.memory_space<vmem>>
      %dma_start3A_54 = tpu.memref_squeeze %dma_start3A_53 : memref<1x2048xi32, #tpu.memory_space<vmem>> -> memref<2048xi32, #tpu.memory_space<vmem>>
      %dma_start3A_55 = tpu.memref_slice %arg2[%mul3A_47] : memref<327680xi32, #tpu.memory_space<hbm>> -> memref<2048xi32, #tpu.memory_space<hbm>>
      tpu.enqueue_dma source(%dma_start3A_55 : memref<2048xi32, #tpu.memory_space<hbm>>) target(%dma_start3A_54 : memref<2048xi32, #tpu.memory_space<vmem>>) target_semaphore(%arg17 : memref<!tpu.dma_semaphore, #tpu.memory_space<semaphore_mem>>)
      %dma_start3A_56 = arith.constant 0 : i32
      %dma_start3A_57 = arith.constant 0 : i32
      %dma_start3A_58 = arith.constant 0 : i32
      %dma_start3A_59 = tpu.memref_slice %arg9[%dma_start3A_56, %dma_start3A_57, %dma_start3A_58] : memref<2x16x128xi32, #tpu.memory_space<vmem>> -> memref<1x16x128xi32, #tpu.memory_space<vmem>>
      %dma_start3A_60 = tpu.memref_squeeze %dma_start3A_59 : memref<1x16x128xi32, #tpu.memory_space<vmem>> -> memref<16x128xi32, #tpu.memory_space<vmem>>
      %dma_start3A_61 = arith.constant 0 : i32
      %dma_start3A_62 = tpu.memref_slice %arg3[%multiple_of3A, %dma_start3A_61] : memref<2560x128xi32, #tpu.memory_space<hbm>> -> memref<16x128xi32, #tpu.memory_space<hbm>>
      %dma_start3A_63 = arith.constant 0 : i32
      %dma_start3A_64 = arith.constant 0 : i32
      %dma_start3A_65 = tpu.memref_slice %arg9[%dma_start3A_56, %dma_start3A_63, %dma_start3A_64] : memref<2x16x128xi32, #tpu.memory_space<vmem>> -> memref<1x16x128xi32, #tpu.memory_space<vmem>>
      %dma_start3A_66 = tpu.memref_squeeze %dma_start3A_65 : memref<1x16x128xi32, #tpu.memory_space<vmem>> -> memref<16x128xi32, #tpu.memory_space<vmem>>
      %dma_start3A_67 = arith.constant 0 : i32
      %dma_start3A_68 = tpu.memref_slice %arg3[%multiple_of3A, %dma_start3A_67] : memref<2560x128xi32, #tpu.memory_space<hbm>> -> memref<16x128xi32, #tpu.memory_space<hbm>>
      tpu.enqueue_dma source(%dma_start3A_68 : memref<16x128xi32, #tpu.memory_space<hbm>>) target(%dma_start3A_66 : memref<16x128xi32, #tpu.memory_space<vmem>>) target_semaphore(%arg17 : memref<!tpu.dma_semaphore, #tpu.memory_space<semaphore_mem>>)
      %dma_wait3A = arith.constant 0 : i32
      %dma_wait3A_69 = arith.constant 0 : i32
      %dma_wait3A_70 = tpu.memref_slice %arg8[%dma_wait3A, %dma_wait3A_69] : memref<2x2048xi32, #tpu.memory_space<vmem>> -> memref<1x2048xi32, #tpu.memory_space<vmem>>
      %dma_wait3A_71 = tpu.memref_squeeze %dma_wait3A_70 : memref<1x2048xi32, #tpu.memory_space<vmem>> -> memref<2048xi32, #tpu.memory_space<vmem>>
      %dma_wait3A_72 = arith.constant 0 : i32
      %dma_wait3A_73 = tpu.memref_slice %arg2[%dma_wait3A_72] : memref<327680xi32, #tpu.memory_space<hbm>> -> memref<2048xi32, #tpu.memory_space<hbm>>
      %dma_wait3A_74 = arith.constant 0 : i32
      %dma_wait3A_75 = tpu.memref_slice %arg8[%dma_wait3A, %dma_wait3A_74] : memref<2x2048xi32, #tpu.memory_space<vmem>> -> memref<1x2048xi32, #tpu.memory_space<vmem>>
      %dma_wait3A_76 = tpu.memref_squeeze %dma_wait3A_75 : memref<1x2048xi32, #tpu.memory_space<vmem>> -> memref<2048xi32, #tpu.memory_space<vmem>>
      %dma_wait3A_77 = arith.constant 0 : i32
      %dma_wait3A_78 = tpu.memref_slice %arg2[%dma_wait3A_77] : memref<327680xi32, #tpu.memory_space<hbm>> -> memref<2048xi32, #tpu.memory_space<hbm>>
      tpu.wait_dma2 semaphore(%arg17 : memref<!tpu.dma_semaphore, #tpu.memory_space<semaphore_mem>>) src(%dma_wait3A_78 : memref<2048xi32, #tpu.memory_space<hbm>>) dst(%dma_wait3A_76 : memref<2048xi32, #tpu.memory_space<vmem>>)
      %dma_wait3A_79 = arith.constant 0 : i32
      %dma_wait3A_80 = arith.constant 0 : i32
      %dma_wait3A_81 = arith.constant 0 : i32
      %dma_wait3A_82 = tpu.memref_slice %arg9[%dma_wait3A_79, %dma_wait3A_80, %dma_wait3A_81] : memref<2x16x128xi32, #tpu.memory_space<vmem>> -> memref<1x16x128xi32, #tpu.memory_space<vmem>>
      %dma_wait3A_83 = tpu.memref_squeeze %dma_wait3A_82 : memref<1x16x128xi32, #tpu.memory_space<vmem>> -> memref<16x128xi32, #tpu.memory_space<vmem>>
      %dma_wait3A_84 = arith.constant 0 : i32
      %dma_wait3A_85 = arith.constant 0 : i32
      %dma_wait3A_86 = tpu.memref_slice %arg3[%dma_wait3A_84, %dma_wait3A_85] : memref<2560x128xi32, #tpu.memory_space<hbm>> -> memref<16x128xi32, #tpu.memory_space<hbm>>
      %dma_wait3A_87 = arith.constant 0 : i32
      %dma_wait3A_88 = arith.constant 0 : i32
      %dma_wait3A_89 = tpu.memref_slice %arg9[%dma_wait3A_79, %dma_wait3A_87, %dma_wait3A_88] : memref<2x16x128xi32, #tpu.memory_space<vmem>> -> memref<1x16x128xi32, #tpu.memory_space<vmem>>
      %dma_wait3A_90 = tpu.memref_squeeze %dma_wait3A_89 : memref<1x16x128xi32, #tpu.memory_space<vmem>> -> memref<16x128xi32, #tpu.memory_space<vmem>>
      %dma_wait3A_91 = arith.constant 0 : i32
      %dma_wait3A_92 = arith.constant 0 : i32
      %dma_wait3A_93 = tpu.memref_slice %arg3[%dma_wait3A_91, %dma_wait3A_92] : memref<2560x128xi32, #tpu.memory_space<hbm>> -> memref<16x128xi32, #tpu.memory_space<hbm>>
      tpu.wait_dma2 semaphore(%arg17 : memref<!tpu.dma_semaphore, #tpu.memory_space<semaphore_mem>>) src(%dma_wait3A_93 : memref<16x128xi32, #tpu.memory_space<hbm>>) dst(%dma_wait3A_90 : memref<16x128xi32, #tpu.memory_space<vmem>>)
      %scan3A_94 = arith.constant 0 : i32
      %scan3A_95 = arith.constant 0 : i32
      %scan3A_96 = arith.constant 5 : i32
      %scan3A_97 = arith.addi %scan3A_95, %scan3A_96 : i32
      %scan3A_98 = arith.constant 1 : i32
      %scan3A_99 = scf.for %scan3A_101 = %scan3A_95 to %scan3A_97 step %scan3A_98 iter_args(%scan3A_102 = %scan3A_94) -> (i32)  : i32 {
        %mul3A_103 = arith.constant 2 : i32
        %mul3A_104 = arith.muli %scan3A_101, %mul3A_103 : i32
        %add3A_105 = arith.constant 0 : i32
        %add3A_106 = arith.addi %mul3A_104, %add3A_105 : i32
        %add3A_107 = arith.constant 1 : i32
        %add3A_108 = arith.addi %add3A_106, %add3A_107 : i32
        %lt3A = arith.constant 10 : i32
        %lt3A_109 = arith.cmpi slt, %add3A_108, %lt3A : i32
        %convert_element_type3A_110 = arith.extui %lt3A_109 : i1 to i32
        %cond3A_111 = arith.constant 0 : i32
        %cond3A_112 = arith.cmpi ne, %convert_element_type3A_110, %cond3A_111 : i32
        scf.if %cond3A_112 {
          %add3A_219 = arith.constant 1 : i32
          %add3A_220 = arith.addi %add3A_106, %add3A_219 : i32
          %mul3A_221 = arith.constant 160 : i32
          %mul3A_222 = arith.muli %arg1, %mul3A_221 : i32
          %mul3A_223 = arith.constant 16 : i32
          %mul3A_224 = arith.muli %add3A_220, %mul3A_223 : i32
          %add3A_225 = arith.addi %mul3A_222, %mul3A_224 : i32
          %multiple_of3A_226 = tpu.assume_multiple %add3A_225, 8 : i32
          %mul3A_227 = arith.constant 128 : i32
          %mul3A_228 = arith.muli %multiple_of3A_226, %mul3A_227 : i32
          %dma_start3A_229 = arith.constant 1 : i32
          %dma_start3A_230 = arith.constant 0 : i32
          %dma_start3A_231 = tpu.memref_slice %arg8[%dma_start3A_229, %dma_start3A_230] : memref<2x2048xi32, #tpu.memory_space<vmem>> -> memref<1x2048xi32, #tpu.memory_space<vmem>>
          %dma_start3A_232 = tpu.memref_squeeze %dma_start3A_231 : memref<1x2048xi32, #tpu.memory_space<vmem>> -> memref<2048xi32, #tpu.memory_space<vmem>>
          %dma_start3A_233 = tpu.memref_slice %arg2[%mul3A_228] : memref<327680xi32, #tpu.memory_space<hbm>> -> memref<2048xi32, #tpu.memory_space<hbm>>
          %dma_start3A_234 = arith.constant 0 : i32
          %dma_start3A_235 = tpu.memref_slice %arg8[%dma_start3A_229, %dma_start3A_234] : memref<2x2048xi32, #tpu.memory_space<vmem>> -> memref<1x2048xi32, #tpu.memory_space<vmem>>
          %dma_start3A_236 = tpu.memref_squeeze %dma_start3A_235 : memref<1x2048xi32, #tpu.memory_space<vmem>> -> memref<2048xi32, #tpu.memory_space<vmem>>
          %dma_start3A_237 = tpu.memref_slice %arg2[%mul3A_228] : memref<327680xi32, #tpu.memory_space<hbm>> -> memref<2048xi32, #tpu.memory_space<hbm>>
          tpu.enqueue_dma source(%dma_start3A_237 : memref<2048xi32, #tpu.memory_space<hbm>>) target(%dma_start3A_236 : memref<2048xi32, #tpu.memory_space<vmem>>) target_semaphore(%arg17 : memref<!tpu.dma_semaphore, #tpu.memory_space<semaphore_mem>>)
          %dma_start3A_238 = arith.constant 1 : i32
          %dma_start3A_239 = arith.constant 0 : i32
          %dma_start3A_240 = arith.constant 0 : i32
          %dma_start3A_241 = tpu.memref_slice %arg9[%dma_start3A_238, %dma_start3A_239, %dma_start3A_240] : memref<2x16x128xi32, #tpu.memory_space<vmem>> -> memref<1x16x128xi32, #tpu.memory_space<vmem>>
          %dma_start3A_242 = tpu.memref_squeeze %dma_start3A_241 : memref<1x16x128xi32, #tpu.memory_space<vmem>> -> memref<16x128xi32, #tpu.memory_space<vmem>>
          %dma_start3A_243 = arith.constant 0 : i32
          %dma_start3A_244 = tpu.memref_slice %arg3[%multiple_of3A_226, %dma_start3A_243] : memref<2560x128xi32, #tpu.memory_space<hbm>> -> memref<16x128xi32, #tpu.memory_space<hbm>>
          %dma_start3A_245 = arith.constant 0 : i32
          %dma_start3A_246 = arith.constant 0 : i32
          %dma_start3A_247 = tpu.memref_slice %arg9[%dma_start3A_238, %dma_start3A_245, %dma_start3A_246] : memref<2x16x128xi32, #tpu.memory_space<vmem>> -> memref<1x16x128xi32, #tpu.memory_space<vmem>>
          %dma_start3A_248 = tpu.memref_squeeze %dma_start3A_247 : memref<1x16x128xi32, #tpu.memory_space<vmem>> -> memref<16x128xi32, #tpu.memory_space<vmem>>
          %dma_start3A_249 = arith.constant 0 : i32
          %dma_start3A_250 = tpu.memref_slice %arg3[%multiple_of3A_226, %dma_start3A_249] : memref<2560x128xi32, #tpu.memory_space<hbm>> -> memref<16x128xi32, #tpu.memory_space<hbm>>
          tpu.enqueue_dma source(%dma_start3A_250 : memref<16x128xi32, #tpu.memory_space<hbm>>) target(%dma_start3A_248 : memref<16x128xi32, #tpu.memory_space<vmem>>) target_semaphore(%arg17 : memref<!tpu.dma_semaphore, #tpu.memory_space<semaphore_mem>>)
        } else {
        }
        %dma_start3A_113 = arith.constant 0 : i32
        %dma_start3A_114 = arith.constant 0 : i32
        %dma_start3A_115 = tpu.memref_slice %arg8[%dma_start3A_113, %dma_start3A_114] : memref<2x2048xi32, #tpu.memory_space<vmem>> -> memref<1x2048xi32, #tpu.memory_space<vmem>>
        %dma_start3A_116 = tpu.memref_squeeze %dma_start3A_115 : memref<1x2048xi32, #tpu.memory_space<vmem>> -> memref<2048xi32, #tpu.memory_space<vmem>>
        %dma_start3A_117 = arith.constant 0 : i32
        %dma_start3A_118 = tpu.memref_slice %dma_start3A_116[%dma_start3A_117] : memref<2048xi32, #tpu.memory_space<vmem>> -> memref<128xi32, #tpu.memory_space<vmem>>
        %dma_start3A_119 = arith.constant 0 : i32
        %dma_start3A_120 = arith.constant 0 : i32
        %dma_start3A_121 = tpu.memref_slice %arg5[%dma_start3A_119, %dma_start3A_120] : memref<10240x128xf32, #tpu.memory_space<hbm>> -> memref<10240x128xf32, #tpu.memory_space<hbm>>
        tpu.enqueue_indirect_dma source(%dma_start3A_121 : memref<10240x128xf32, #tpu.memory_space<hbm>>) target(%arg10 : memref<128x128xf32, #tpu.memory_space<vmem>>) offsets(%dma_start3A_118 : memref<128xi32, #tpu.memory_space<vmem>>) semaphore(%arg13 : memref<!tpu.dma_semaphore, #tpu.memory_space<semaphore_mem>>)
        %scan3A_122 = arith.constant 0 : i32
        %scan3A_123 = arith.constant 0 : i32
        %scan3A_124 = arith.constant 8 : i32
        %scan3A_125 = arith.addi %scan3A_123, %scan3A_124 : i32
        %scan3A_126 = arith.constant 1 : i32
        %scan3A_127 = scf.for %scan3A_219 = %scan3A_123 to %scan3A_125 step %scan3A_126 iter_args(%scan3A_220 = %scan3A_122) -> (i32)  : i32 {
          %mul3A_221 = arith.constant 2 : i32
          %mul3A_222 = arith.muli %scan3A_219, %mul3A_221 : i32
          %add3A_223 = arith.constant 0 : i32
          %add3A_224 = arith.addi %mul3A_222, %add3A_223 : i32
          %mul3A_225 = arith.constant 128 : i32
          %mul3A_226 = arith.muli %add3A_224, %mul3A_225 : i32
          %dma_wait3A_227 = arith.constant 0 : i32
          %dma_wait3A_228 = arith.constant 0 : i32
          %dma_wait3A_229 = tpu.memref_slice %arg8[%dma_wait3A_227, %dma_wait3A_228] : memref<2x2048xi32, #tpu.memory_space<vmem>> -> memref<1x2048xi32, #tpu.memory_space<vmem>>
          %dma_wait3A_230 = tpu.memref_squeeze %dma_wait3A_229 : memref<1x2048xi32, #tpu.memory_space<vmem>> -> memref<2048xi32, #tpu.memory_space<vmem>>
          %dma_wait3A_231 = tpu.memref_slice %dma_wait3A_230[%mul3A_226] : memref<2048xi32, #tpu.memory_space<vmem>> -> memref<128xi32, #tpu.memory_space<vmem>>
          %dma_wait3A_232 = arith.constant 0 : i32
          %dma_wait3A_233 = arith.constant 0 : i32
          %dma_wait3A_234 = tpu.memref_slice %arg5[%dma_wait3A_232, %dma_wait3A_233] : memref<10240x128xf32, #tpu.memory_space<hbm>> -> memref<10240x128xf32, #tpu.memory_space<hbm>>
          tpu.wait_indirect_dma semaphore(%arg13 : memref<!tpu.dma_semaphore, #tpu.memory_space<semaphore_mem>>) src(%dma_wait3A_234 : memref<10240x128xf32, #tpu.memory_space<hbm>>) dst(%arg10 : memref<128x128xf32, #tpu.memory_space<vmem>>)
          %dma_start3A_235 = arith.constant 0 : i32
          %dma_start3A_236 = arith.constant 0 : i32
          %dma_start3A_237 = arith.constant 0 : i32
          %dma_start3A_238 = tpu.memref_slice %arg9[%dma_start3A_235, %dma_start3A_236, %dma_start3A_237] : memref<2x16x128xi32, #tpu.memory_space<vmem>> -> memref<1x16x128xi32, #tpu.memory_space<vmem>>
          %dma_start3A_239 = tpu.memref_squeeze %dma_start3A_238 : memref<1x16x128xi32, #tpu.memory_space<vmem>> -> memref<16x128xi32, #tpu.memory_space<vmem>>
          %dma_start3A_240 = arith.constant 0 : i32
          %dma_start3A_241 = tpu.memref_slice %dma_start3A_239[%add3A_224, %dma_start3A_240] : memref<16x128xi32, #tpu.memory_space<vmem>> -> memref<1x128xi32, #tpu.memory_space<vmem>>
          %dma_start3A_242 = tpu.memref_squeeze %dma_start3A_241 : memref<1x128xi32, #tpu.memory_space<vmem>> -> memref<128xi32, #tpu.memory_space<vmem>>
          %dma_start3A_243 = arith.constant 0 : i32
          %dma_start3A_244 = arith.constant 0 : i32
          %dma_start3A_245 = tpu.memref_slice %arg12[%dma_start3A_243, %dma_start3A_244] : memref<10240x128xf32, #tpu.memory_space<vmem_shared>> -> memref<10240x128xf32, #tpu.memory_space<vmem_shared>>
          tpu.enqueue_indirect_dma source(%arg10 : memref<128x128xf32, #tpu.memory_space<vmem>>) target(%dma_start3A_245 : memref<10240x128xf32, #tpu.memory_space<vmem_shared>>) offsets(%dma_start3A_242 : memref<128xi32, #tpu.memory_space<vmem>>) semaphore(%arg15 : memref<!tpu.dma_semaphore, #tpu.memory_space<semaphore_mem>>) {add = true}
          %gt3A = arith.constant 0 : i32
          %gt3A_246 = arith.cmpi sgt, %add3A_224, %gt3A : i32
          %add3A_247 = arith.constant 1 : i32
          %add3A_248 = arith.addi %add3A_224, %add3A_247 : i32
          %lt3A_249 = arith.constant 16 : i32
          %lt3A_250 = arith.cmpi slt, %add3A_248, %lt3A_249 : i32
          %and3A = arith.andi %gt3A_246, %lt3A_250 : i1
          %convert_element_type3A_251 = arith.extui %and3A : i1 to i32
          %cond3A_252 = arith.constant 0 : i32
          %cond3A_253 = arith.cmpi ne, %convert_element_type3A_251, %cond3A_252 : i32
          scf.if %cond3A_253 {
            %sub3A = arith.constant 1 : i32
            %sub3A_300 = arith.subi %add3A_224, %sub3A : i32
            %dma_wait3A_301 = arith.constant 0 : i32
            %dma_wait3A_302 = arith.constant 0 : i32
            %dma_wait3A_303 = arith.constant 0 : i32
            %dma_wait3A_304 = tpu.memref_slice %arg9[%dma_wait3A_301, %dma_wait3A_302, %dma_wait3A_303] : memref<2x16x128xi32, #tpu.memory_space<vmem>> -> memref<1x16x128xi32, #tpu.memory_space<vmem>>
            %dma_wait3A_305 = tpu.memref_squeeze %dma_wait3A_304 : memref<1x16x128xi32, #tpu.memory_space<vmem>> -> memref<16x128xi32, #tpu.memory_space<vmem>>
            %dma_wait3A_306 = arith.constant 0 : i32
            %dma_wait3A_307 = tpu.memref_slice %dma_wait3A_305[%sub3A_300, %dma_wait3A_306] : memref<16x128xi32, #tpu.memory_space<vmem>> -> memref<1x128xi32, #tpu.memory_space<vmem>>
            %dma_wait3A_308 = tpu.memref_squeeze %dma_wait3A_307 : memref<1x128xi32, #tpu.memory_space<vmem>> -> memref<128xi32, #tpu.memory_space<vmem>>
            %dma_wait3A_309 = arith.constant 0 : i32
            %dma_wait3A_310 = arith.constant 0 : i32
            %dma_wait3A_311 = tpu.memref_slice %arg12[%dma_wait3A_309, %dma_wait3A_310] : memref<10240x128xf32, #tpu.memory_space<vmem_shared>> -> memref<10240x128xf32, #tpu.memory_space<vmem_shared>>
            tpu.wait_indirect_dma semaphore(%arg16 : memref<!tpu.dma_semaphore, #tpu.memory_space<semaphore_mem>>) src(%arg11 : memref<128x128xf32, #tpu.memory_space<vmem>>) dst(%dma_wait3A_311 : memref<10240x128xf32, #tpu.memory_space<vmem_shared>>)
            %add3A_312 = arith.constant 1 : i32
            %add3A_313 = arith.addi %add3A_224, %add3A_312 : i32
            %mul3A_314 = arith.constant 128 : i32
            %mul3A_315 = arith.muli %add3A_313, %mul3A_314 : i32
            %dma_start3A_316 = arith.constant 0 : i32
            %dma_start3A_317 = arith.constant 0 : i32
            %dma_start3A_318 = tpu.memref_slice %arg8[%dma_start3A_316, %dma_start3A_317] : memref<2x2048xi32, #tpu.memory_space<vmem>> -> memref<1x2048xi32, #tpu.memory_space<vmem>>
            %dma_start3A_319 = tpu.memref_squeeze %dma_start3A_318 : memref<1x2048xi32, #tpu.memory_space<vmem>> -> memref<2048xi32, #tpu.memory_space<vmem>>
            %dma_start3A_320 = tpu.memref_slice %dma_start3A_319[%mul3A_315] : memref<2048xi32, #tpu.memory_space<vmem>> -> memref<128xi32, #tpu.memory_space<vmem>>
            %dma_start3A_321 = arith.constant 0 : i32
            %dma_start3A_322 = arith.constant 0 : i32
            %dma_start3A_323 = tpu.memref_slice %arg5[%dma_start3A_321, %dma_start3A_322] : memref<10240x128xf32, #tpu.memory_space<hbm>> -> memref<10240x128xf32, #tpu.memory_space<hbm>>
            tpu.enqueue_indirect_dma source(%dma_start3A_323 : memref<10240x128xf32, #tpu.memory_space<hbm>>) target(%arg11 : memref<128x128xf32, #tpu.memory_space<vmem>>) offsets(%dma_start3A_320 : memref<128xi32, #tpu.memory_space<vmem>>) semaphore(%arg14 : memref<!tpu.dma_semaphore, #tpu.memory_space<semaphore_mem>>)
          } else {
          }
          %eq3A_254 = arith.constant 0 : i32
          %eq3A_255 = arith.cmpi eq, %add3A_224, %eq3A_254 : i32
          %convert_element_type3A_256 = arith.extui %eq3A_255 : i1 to i32
          %cond3A_257 = arith.constant 0 : i32
          %cond3A_258 = arith.cmpi ne, %convert_element_type3A_256, %cond3A_257 : i32
          scf.if %cond3A_258 {
            %dma_start3A_300 = arith.constant 0 : i32
            %dma_start3A_301 = arith.constant 0 : i32
            %dma_start3A_302 = tpu.memref_slice %arg8[%dma_start3A_300, %dma_start3A_301] : memref<2x2048xi32, #tpu.memory_space<vmem>> -> memref<1x2048xi32, #tpu.memory_space<vmem>>
            %dma_start3A_303 = tpu.memref_squeeze %dma_start3A_302 : memref<1x2048xi32, #tpu.memory_space<vmem>> -> memref<2048xi32, #tpu.memory_space<vmem>>
            %dma_start3A_304 = arith.constant 128 : i32
            %dma_start3A_305 = tpu.memref_slice %dma_start3A_303[%dma_start3A_304] : memref<2048xi32, #tpu.memory_space<vmem>> -> memref<128xi32, #tpu.memory_space<vmem>>
            %dma_start3A_306 = arith.constant 0 : i32
            %dma_start3A_307 = arith.constant 0 : i32
            %dma_start3A_308 = tpu.memref_slice %arg5[%dma_start3A_306, %dma_start3A_307] : memref<10240x128xf32, #tpu.memory_space<hbm>> -> memref<10240x128xf32, #tpu.memory_space<hbm>>
            tpu.enqueue_indirect_dma source(%dma_start3A_308 : memref<10240x128xf32, #tpu.memory_space<hbm>>) target(%arg11 : memref<128x128xf32, #tpu.memory_space<vmem>>) offsets(%dma_start3A_305 : memref<128xi32, #tpu.memory_space<vmem>>) semaphore(%arg14 : memref<!tpu.dma_semaphore, #tpu.memory_space<semaphore_mem>>)
          } else {
          }
          %mul3A_259 = arith.constant 2 : i32
          %mul3A_260 = arith.muli %scan3A_219, %mul3A_259 : i32
          %add3A_261 = arith.constant 1 : i32
          %add3A_262 = arith.addi %mul3A_260, %add3A_261 : i32
          %mul3A_263 = arith.constant 128 : i32
          %mul3A_264 = arith.muli %add3A_262, %mul3A_263 : i32
          %dma_wait3A_265 = arith.constant 0 : i32
          %dma_wait3A_266 = arith.constant 0 : i32
          %dma_wait3A_267 = tpu.memref_slice %arg8[%dma_wait3A_265, %dma_wait3A_266] : memref<2x2048xi32, #tpu.memory_space<vmem>> -> memref<1x2048xi32, #tpu.memory_space<vmem>>
          %dma_wait3A_268 = tpu.memref_squeeze %dma_wait3A_267 : memref<1x2048xi32, #tpu.memory_space<vmem>> -> memref<2048xi32, #tpu.memory_space<vmem>>
          %dma_wait3A_269 = tpu.memref_slice %dma_wait3A_268[%mul3A_264] : memref<2048xi32, #tpu.memory_space<vmem>> -> memref<128xi32, #tpu.memory_space<vmem>>
          %dma_wait3A_270 = arith.constant 0 : i32
          %dma_wait3A_271 = arith.constant 0 : i32
          %dma_wait3A_272 = tpu.memref_slice %arg5[%dma_wait3A_270, %dma_wait3A_271] : memref<10240x128xf32, #tpu.memory_space<hbm>> -> memref<10240x128xf32, #tpu.memory_space<hbm>>
          tpu.wait_indirect_dma semaphore(%arg14 : memref<!tpu.dma_semaphore, #tpu.memory_space<semaphore_mem>>) src(%dma_wait3A_272 : memref<10240x128xf32, #tpu.memory_space<hbm>>) dst(%arg11 : memref<128x128xf32, #tpu.memory_space<vmem>>)
          %dma_start3A_273 = arith.constant 0 : i32
          %dma_start3A_274 = arith.constant 0 : i32
          %dma_start3A_275 = arith.constant 0 : i32
          %dma_start3A_276 = tpu.memref_slice %arg9[%dma_start3A_273, %dma_start3A_274, %dma_start3A_275] : memref<2x16x128xi32, #tpu.memory_space<vmem>> -> memref<1x16x128xi32, #tpu.memory_space<vmem>>
          %dma_start3A_277 = tpu.memref_squeeze %dma_start3A_276 : memref<1x16x128xi32, #tpu.memory_space<vmem>> -> memref<16x128xi32, #tpu.memory_space<vmem>>
          %dma_start3A_278 = arith.constant 0 : i32
          %dma_start3A_279 = tpu.memref_slice %dma_start3A_277[%add3A_262, %dma_start3A_278] : memref<16x128xi32, #tpu.memory_space<vmem>> -> memref<1x128xi32, #tpu.memory_space<vmem>>
          %dma_start3A_280 = tpu.memref_squeeze %dma_start3A_279 : memref<1x128xi32, #tpu.memory_space<vmem>> -> memref<128xi32, #tpu.memory_space<vmem>>
          %dma_start3A_281 = arith.constant 0 : i32
          %dma_start3A_282 = arith.constant 0 : i32
          %dma_start3A_283 = tpu.memref_slice %arg12[%dma_start3A_281, %dma_start3A_282] : memref<10240x128xf32, #tpu.memory_space<vmem_shared>> -> memref<10240x128xf32, #tpu.memory_space<vmem_shared>>
          tpu.enqueue_indirect_dma source(%arg11 : memref<128x128xf32, #tpu.memory_space<vmem>>) target(%dma_start3A_283 : memref<10240x128xf32, #tpu.memory_space<vmem_shared>>) offsets(%dma_start3A_280 : memref<128xi32, #tpu.memory_space<vmem>>) semaphore(%arg16 : memref<!tpu.dma_semaphore, #tpu.memory_space<semaphore_mem>>) {add = true}
          %gt3A_284 = arith.constant 0 : i32
          %gt3A_285 = arith.cmpi sgt, %add3A_262, %gt3A_284 : i32
          %add3A_286 = arith.constant 1 : i32
          %add3A_287 = arith.addi %add3A_262, %add3A_286 : i32
          %lt3A_288 = arith.constant 16 : i32
          %lt3A_289 = arith.cmpi slt, %add3A_287, %lt3A_288 : i32
          %and3A_290 = arith.andi %gt3A_285, %lt3A_289 : i1
          %convert_element_type3A_291 = arith.extui %and3A_290 : i1 to i32
          %cond3A_292 = arith.constant 0 : i32
          %cond3A_293 = arith.cmpi ne, %convert_element_type3A_291, %cond3A_292 : i32
          scf.if %cond3A_293 {
            %sub3A = arith.constant 1 : i32
            %sub3A_300 = arith.subi %add3A_262, %sub3A : i32
            %dma_wait3A_301 = arith.constant 0 : i32
            %dma_wait3A_302 = arith.constant 0 : i32
            %dma_wait3A_303 = arith.constant 0 : i32
            %dma_wait3A_304 = tpu.memref_slice %arg9[%dma_wait3A_301, %dma_wait3A_302, %dma_wait3A_303] : memref<2x16x128xi32, #tpu.memory_space<vmem>> -> memref<1x16x128xi32, #tpu.memory_space<vmem>>
            %dma_wait3A_305 = tpu.memref_squeeze %dma_wait3A_304 : memref<1x16x128xi32, #tpu.memory_space<vmem>> -> memref<16x128xi32, #tpu.memory_space<vmem>>
            %dma_wait3A_306 = arith.constant 0 : i32
            %dma_wait3A_307 = tpu.memref_slice %dma_wait3A_305[%sub3A_300, %dma_wait3A_306] : memref<16x128xi32, #tpu.memory_space<vmem>> -> memref<1x128xi32, #tpu.memory_space<vmem>>
            %dma_wait3A_308 = tpu.memref_squeeze %dma_wait3A_307 : memref<1x128xi32, #tpu.memory_space<vmem>> -> memref<128xi32, #tpu.memory_space<vmem>>
            %dma_wait3A_309 = arith.constant 0 : i32
            %dma_wait3A_310 = arith.constant 0 : i32
            %dma_wait3A_311 = tpu.memref_slice %arg12[%dma_wait3A_309, %dma_wait3A_310] : memref<10240x128xf32, #tpu.memory_space<vmem_shared>> -> memref<10240x128xf32, #tpu.memory_space<vmem_shared>>
            tpu.wait_indirect_dma semaphore(%arg15 : memref<!tpu.dma_semaphore, #tpu.memory_space<semaphore_mem>>) src(%arg10 : memref<128x128xf32, #tpu.memory_space<vmem>>) dst(%dma_wait3A_311 : memref<10240x128xf32, #tpu.memory_space<vmem_shared>>)
            %add3A_312 = arith.constant 1 : i32
            %add3A_313 = arith.addi %add3A_262, %add3A_312 : i32
            %mul3A_314 = arith.constant 128 : i32
            %mul3A_315 = arith.muli %add3A_313, %mul3A_314 : i32
            %dma_start3A_316 = arith.constant 0 : i32
            %dma_start3A_317 = arith.constant 0 : i32
            %dma_start3A_318 = tpu.memref_slice %arg8[%dma_start3A_316, %dma_start3A_317] : memref<2x2048xi32, #tpu.memory_space<vmem>> -> memref<1x2048xi32, #tpu.memory_space<vmem>>
            %dma_start3A_319 = tpu.memref_squeeze %dma_start3A_318 : memref<1x2048xi32, #tpu.memory_space<vmem>> -> memref<2048xi32, #tpu.memory_space<vmem>>
            %dma_start3A_320 = tpu.memref_slice %dma_start3A_319[%mul3A_315] : memref<2048xi32, #tpu.memory_space<vmem>> -> memref<128xi32, #tpu.memory_space<vmem>>
            %dma_start3A_321 = arith.constant 0 : i32
            %dma_start3A_322 = arith.constant 0 : i32
            %dma_start3A_323 = tpu.memref_slice %arg5[%dma_start3A_321, %dma_start3A_322] : memref<10240x128xf32, #tpu.memory_space<hbm>> -> memref<10240x128xf32, #tpu.memory_space<hbm>>
            tpu.enqueue_indirect_dma source(%dma_start3A_323 : memref<10240x128xf32, #tpu.memory_space<hbm>>) target(%arg10 : memref<128x128xf32, #tpu.memory_space<vmem>>) offsets(%dma_start3A_320 : memref<128xi32, #tpu.memory_space<vmem>>) semaphore(%arg13 : memref<!tpu.dma_semaphore, #tpu.memory_space<semaphore_mem>>)
          } else {
          }
          %eq3A_294 = arith.constant 0 : i32
          %eq3A_295 = arith.cmpi eq, %add3A_262, %eq3A_294 : i32
          %convert_element_type3A_296 = arith.extui %eq3A_295 : i1 to i32
          %cond3A_297 = arith.constant 0 : i32
          %cond3A_298 = arith.cmpi ne, %convert_element_type3A_296, %cond3A_297 : i32
          scf.if %cond3A_298 {
            %dma_start3A_300 = arith.constant 0 : i32
            %dma_start3A_301 = arith.constant 0 : i32
            %dma_start3A_302 = tpu.memref_slice %arg8[%dma_start3A_300, %dma_start3A_301] : memref<2x2048xi32, #tpu.memory_space<vmem>> -> memref<1x2048xi32, #tpu.memory_space<vmem>>
            %dma_start3A_303 = tpu.memref_squeeze %dma_start3A_302 : memref<1x2048xi32, #tpu.memory_space<vmem>> -> memref<2048xi32, #tpu.memory_space<vmem>>
            %dma_start3A_304 = arith.constant 128 : i32
            %dma_start3A_305 = tpu.memref_slice %dma_start3A_303[%dma_start3A_304] : memref<2048xi32, #tpu.memory_space<vmem>> -> memref<128xi32, #tpu.memory_space<vmem>>
            %dma_start3A_306 = arith.constant 0 : i32
            %dma_start3A_307 = arith.constant 0 : i32
            %dma_start3A_308 = tpu.memref_slice %arg5[%dma_start3A_306, %dma_start3A_307] : memref<10240x128xf32, #tpu.memory_space<hbm>> -> memref<10240x128xf32, #tpu.memory_space<hbm>>
            tpu.enqueue_indirect_dma source(%dma_start3A_308 : memref<10240x128xf32, #tpu.memory_space<hbm>>) target(%arg10 : memref<128x128xf32, #tpu.memory_space<vmem>>) offsets(%dma_start3A_305 : memref<128xi32, #tpu.memory_space<vmem>>) semaphore(%arg13 : memref<!tpu.dma_semaphore, #tpu.memory_space<semaphore_mem>>)
          } else {
          }
          %scan3A_299 = arith.constant 0 : i32
          scf.yield %scan3A_299 : i32
        }
        %scan3A_128 = arith.constant 8 : i32
        %dma_wait3A_129 = arith.constant 0 : i32
        %dma_wait3A_130 = arith.constant 14 : i32
        %dma_wait3A_131 = arith.constant 0 : i32
        %dma_wait3A_132 = arith.constant 0 : i32
        %dma_wait3A_133 = tpu.memref_slice %arg9[%dma_wait3A_129, %dma_wait3A_131, %dma_wait3A_132] : memref<2x16x128xi32, #tpu.memory_space<vmem>> -> memref<1x16x128xi32, #tpu.memory_space<vmem>>
        %dma_wait3A_134 = tpu.memref_squeeze %dma_wait3A_133 : memref<1x16x128xi32, #tpu.memory_space<vmem>> -> memref<16x128xi32, #tpu.memory_space<vmem>>
        %dma_wait3A_135 = arith.constant 0 : i32
        %dma_wait3A_136 = tpu.memref_slice %dma_wait3A_134[%dma_wait3A_130, %dma_wait3A_135] : memref<16x128xi32, #tpu.memory_space<vmem>> -> memref<1x128xi32, #tpu.memory_space<vmem>>
        %dma_wait3A_137 = tpu.memref_squeeze %dma_wait3A_136 : memref<1x128xi32, #tpu.memory_space<vmem>> -> memref<128xi32, #tpu.memory_space<vmem>>
        %dma_wait3A_138 = arith.constant 0 : i32
        %dma_wait3A_139 = arith.constant 0 : i32
        %dma_wait3A_140 = tpu.memref_slice %arg12[%dma_wait3A_138, %dma_wait3A_139] : memref<10240x128xf32, #tpu.memory_space<vmem_shared>> -> memref<10240x128xf32, #tpu.memory_space<vmem_shared>>
        tpu.wait_indirect_dma semaphore(%arg15 : memref<!tpu.dma_semaphore, #tpu.memory_space<semaphore_mem>>) src(%arg10 : memref<128x128xf32, #tpu.memory_space<vmem>>) dst(%dma_wait3A_140 : memref<10240x128xf32, #tpu.memory_space<vmem_shared>>)
        %dma_wait3A_141 = arith.constant 0 : i32
        %dma_wait3A_142 = arith.constant 15 : i32
        %dma_wait3A_143 = arith.constant 0 : i32
        %dma_wait3A_144 = arith.constant 0 : i32
        %dma_wait3A_145 = tpu.memref_slice %arg9[%dma_wait3A_141, %dma_wait3A_143, %dma_wait3A_144] : memref<2x16x128xi32, #tpu.memory_space<vmem>> -> memref<1x16x128xi32, #tpu.memory_space<vmem>>
        %dma_wait3A_146 = tpu.memref_squeeze %dma_wait3A_145 : memref<1x16x128xi32, #tpu.memory_space<vmem>> -> memref<16x128xi32, #tpu.memory_space<vmem>>
        %dma_wait3A_147 = arith.constant 0 : i32
        %dma_wait3A_148 = tpu.memref_slice %dma_wait3A_146[%dma_wait3A_142, %dma_wait3A_147] : memref<16x128xi32, #tpu.memory_space<vmem>> -> memref<1x128xi32, #tpu.memory_space<vmem>>
        %dma_wait3A_149 = tpu.memref_squeeze %dma_wait3A_148 : memref<1x128xi32, #tpu.memory_space<vmem>> -> memref<128xi32, #tpu.memory_space<vmem>>
        %dma_wait3A_150 = arith.constant 0 : i32
        %dma_wait3A_151 = arith.constant 0 : i32
        %dma_wait3A_152 = tpu.memref_slice %arg12[%dma_wait3A_150, %dma_wait3A_151] : memref<10240x128xf32, #tpu.memory_space<vmem_shared>> -> memref<10240x128xf32, #tpu.memory_space<vmem_shared>>
        tpu.wait_indirect_dma semaphore(%arg16 : memref<!tpu.dma_semaphore, #tpu.memory_space<semaphore_mem>>) src(%arg11 : memref<128x128xf32, #tpu.memory_space<vmem>>) dst(%dma_wait3A_152 : memref<10240x128xf32, #tpu.memory_space<vmem_shared>>)
        %add3A_153 = arith.constant 1 : i32
        %add3A_154 = arith.addi %add3A_106, %add3A_153 : i32
        %lt3A_155 = arith.constant 10 : i32
        %lt3A_156 = arith.cmpi slt, %add3A_154, %lt3A_155 : i32
        %convert_element_type3A_157 = arith.extui %lt3A_156 : i1 to i32
        %cond3A_158 = arith.constant 0 : i32
        %cond3A_159 = arith.cmpi ne, %convert_element_type3A_157, %cond3A_158 : i32
        scf.if %cond3A_159 {
          %dma_wait3A_219 = arith.constant 1 : i32
          %dma_wait3A_220 = arith.constant 0 : i32
          %dma_wait3A_221 = tpu.memref_slice %arg8[%dma_wait3A_219, %dma_wait3A_220] : memref<2x2048xi32, #tpu.memory_space<vmem>> -> memref<1x2048xi32, #tpu.memory_space<vmem>>
          %dma_wait3A_222 = tpu.memref_squeeze %dma_wait3A_221 : memref<1x2048xi32, #tpu.memory_space<vmem>> -> memref<2048xi32, #tpu.memory_space<vmem>>
          %dma_wait3A_223 = arith.constant 0 : i32
          %dma_wait3A_224 = tpu.memref_slice %arg2[%dma_wait3A_223] : memref<327680xi32, #tpu.memory_space<hbm>> -> memref<2048xi32, #tpu.memory_space<hbm>>
          %dma_wait3A_225 = arith.constant 0 : i32
          %dma_wait3A_226 = tpu.memref_slice %arg8[%dma_wait3A_219, %dma_wait3A_225] : memref<2x2048xi32, #tpu.memory_space<vmem>> -> memref<1x2048xi32, #tpu.memory_space<vmem>>
          %dma_wait3A_227 = tpu.memref_squeeze %dma_wait3A_226 : memref<1x2048xi32, #tpu.memory_space<vmem>> -> memref<2048xi32, #tpu.memory_space<vmem>>
          %dma_wait3A_228 = arith.constant 0 : i32
          %dma_wait3A_229 = tpu.memref_slice %arg2[%dma_wait3A_228] : memref<327680xi32, #tpu.memory_space<hbm>> -> memref<2048xi32, #tpu.memory_space<hbm>>
          tpu.wait_dma2 semaphore(%arg17 : memref<!tpu.dma_semaphore, #tpu.memory_space<semaphore_mem>>) src(%dma_wait3A_229 : memref<2048xi32, #tpu.memory_space<hbm>>) dst(%dma_wait3A_227 : memref<2048xi32, #tpu.memory_space<vmem>>)
          %dma_wait3A_230 = arith.constant 1 : i32
          %dma_wait3A_231 = arith.constant 0 : i32
          %dma_wait3A_232 = arith.constant 0 : i32
          %dma_wait3A_233 = tpu.memref_slice %arg9[%dma_wait3A_230, %dma_wait3A_231, %dma_wait3A_232] : memref<2x16x128xi32, #tpu.memory_space<vmem>> -> memref<1x16x128xi32, #tpu.memory_space<vmem>>
          %dma_wait3A_234 = tpu.memref_squeeze %dma_wait3A_233 : memref<1x16x128xi32, #tpu.memory_space<vmem>> -> memref<16x128xi32, #tpu.memory_space<vmem>>
          %dma_wait3A_235 = arith.constant 0 : i32
          %dma_wait3A_236 = arith.constant 0 : i32
          %dma_wait3A_237 = tpu.memref_slice %arg3[%dma_wait3A_235, %dma_wait3A_236] : memref<2560x128xi32, #tpu.memory_space<hbm>> -> memref<16x128xi32, #tpu.memory_space<hbm>>
          %dma_wait3A_238 = arith.constant 0 : i32
          %dma_wait3A_239 = arith.constant 0 : i32
          %dma_wait3A_240 = tpu.memref_slice %arg9[%dma_wait3A_230, %dma_wait3A_238, %dma_wait3A_239] : memref<2x16x128xi32, #tpu.memory_space<vmem>> -> memref<1x16x128xi32, #tpu.memory_space<vmem>>
          %dma_wait3A_241 = tpu.memref_squeeze %dma_wait3A_240 : memref<1x16x128xi32, #tpu.memory_space<vmem>> -> memref<16x128xi32, #tpu.memory_space<vmem>>
          %dma_wait3A_242 = arith.constant 0 : i32
          %dma_wait3A_243 = arith.constant 0 : i32
          %dma_wait3A_244 = tpu.memref_slice %arg3[%dma_wait3A_242, %dma_wait3A_243] : memref<2560x128xi32, #tpu.memory_space<hbm>> -> memref<16x128xi32, #tpu.memory_space<hbm>>
          tpu.wait_dma2 semaphore(%arg17 : memref<!tpu.dma_semaphore, #tpu.memory_space<semaphore_mem>>) src(%dma_wait3A_244 : memref<16x128xi32, #tpu.memory_space<hbm>>) dst(%dma_wait3A_241 : memref<16x128xi32, #tpu.memory_space<vmem>>)
        } else {
        }
        %mul3A_160 = arith.constant 2 : i32
        %mul3A_161 = arith.muli %scan3A_101, %mul3A_160 : i32
        %add3A_162 = arith.constant 1 : i32
        %add3A_163 = arith.addi %mul3A_161, %add3A_162 : i32
        %add3A_164 = arith.constant 1 : i32
        %add3A_165 = arith.addi %add3A_163, %add3A_164 : i32
        %lt3A_166 = arith.constant 10 : i32
        %lt3A_167 = arith.cmpi slt, %add3A_165, %lt3A_166 : i32
        %convert_element_type3A_168 = arith.extui %lt3A_167 : i1 to i32
        %cond3A_169 = arith.constant 0 : i32
        %cond3A_170 = arith.cmpi ne, %convert_element_type3A_168, %cond3A_169 : i32
        scf.if %cond3A_170 {
          %add3A_219 = arith.constant 1 : i32
          %add3A_220 = arith.addi %add3A_163, %add3A_219 : i32
          %mul3A_221 = arith.constant 160 : i32
          %mul3A_222 = arith.muli %arg1, %mul3A_221 : i32
          %mul3A_223 = arith.constant 16 : i32
          %mul3A_224 = arith.muli %add3A_220, %mul3A_223 : i32
          %add3A_225 = arith.addi %mul3A_222, %mul3A_224 : i32
          %multiple_of3A_226 = tpu.assume_multiple %add3A_225, 8 : i32
          %mul3A_227 = arith.constant 128 : i32
          %mul3A_228 = arith.muli %multiple_of3A_226, %mul3A_227 : i32
          %dma_start3A_229 = arith.constant 0 : i32
          %dma_start3A_230 = arith.constant 0 : i32
          %dma_start3A_231 = tpu.memref_slice %arg8[%dma_start3A_229, %dma_start3A_230] : memref<2x2048xi32, #tpu.memory_space<vmem>> -> memref<1x2048xi32, #tpu.memory_space<vmem>>
          %dma_start3A_232 = tpu.memref_squeeze %dma_start3A_231 : memref<1x2048xi32, #tpu.memory_space<vmem>> -> memref<2048xi32, #tpu.memory_space<vmem>>
          %dma_start3A_233 = tpu.memref_slice %arg2[%mul3A_228] : memref<327680xi32, #tpu.memory_space<hbm>> -> memref<2048xi32, #tpu.memory_space<hbm>>
          %dma_start3A_234 = arith.constant 0 : i32
          %dma_start3A_235 = tpu.memref_slice %arg8[%dma_start3A_229, %dma_start3A_234] : memref<2x2048xi32, #tpu.memory_space<vmem>> -> memref<1x2048xi32, #tpu.memory_space<vmem>>
          %dma_start3A_236 = tpu.memref_squeeze %dma_start3A_235 : memref<1x2048xi32, #tpu.memory_space<vmem>> -> memref<2048xi32, #tpu.memory_space<vmem>>
          %dma_start3A_237 = tpu.memref_slice %arg2[%mul3A_228] : memref<327680xi32, #tpu.memory_space<hbm>> -> memref<2048xi32, #tpu.memory_space<hbm>>
          tpu.enqueue_dma source(%dma_start3A_237 : memref<2048xi32, #tpu.memory_space<hbm>>) target(%dma_start3A_236 : memref<2048xi32, #tpu.memory_space<vmem>>) target_semaphore(%arg17 : memref<!tpu.dma_semaphore, #tpu.memory_space<semaphore_mem>>)
          %dma_start3A_238 = arith.constant 0 : i32
          %dma_start3A_239 = arith.constant 0 : i32
          %dma_start3A_240 = arith.constant 0 : i32
          %dma_start3A_241 = tpu.memref_slice %arg9[%dma_start3A_238, %dma_start3A_239, %dma_start3A_240] : memref<2x16x128xi32, #tpu.memory_space<vmem>> -> memref<1x16x128xi32, #tpu.memory_space<vmem>>
          %dma_start3A_242 = tpu.memref_squeeze %dma_start3A_241 : memref<1x16x128xi32, #tpu.memory_space<vmem>> -> memref<16x128xi32, #tpu.memory_space<vmem>>
          %dma_start3A_243 = arith.constant 0 : i32
          %dma_start3A_244 = tpu.memref_slice %arg3[%multiple_of3A_226, %dma_start3A_243] : memref<2560x128xi32, #tpu.memory_space<hbm>> -> memref<16x128xi32, #tpu.memory_space<hbm>>
          %dma_start3A_245 = arith.constant 0 : i32
          %dma_start3A_246 = arith.constant 0 : i32
          %dma_start3A_247 = tpu.memref_slice %arg9[%dma_start3A_238, %dma_start3A_245, %dma_start3A_246] : memref<2x16x128xi32, #tpu.memory_space<vmem>> -> memref<1x16x128xi32, #tpu.memory_space<vmem>>
          %dma_start3A_248 = tpu.memref_squeeze %dma_start3A_247 : memref<1x16x128xi32, #tpu.memory_space<vmem>> -> memref<16x128xi32, #tpu.memory_space<vmem>>
          %dma_start3A_249 = arith.constant 0 : i32
          %dma_start3A_250 = tpu.memref_slice %arg3[%multiple_of3A_226, %dma_start3A_249] : memref<2560x128xi32, #tpu.memory_space<hbm>> -> memref<16x128xi32, #tpu.memory_space<hbm>>
          tpu.enqueue_dma source(%dma_start3A_250 : memref<16x128xi32, #tpu.memory_space<hbm>>) target(%dma_start3A_248 : memref<16x128xi32, #tpu.memory_space<vmem>>) target_semaphore(%arg17 : memref<!tpu.dma_semaphore, #tpu.memory_space<semaphore_mem>>)
        } else {
        }
        %dma_start3A_171 = arith.constant 1 : i32
        %dma_start3A_172 = arith.constant 0 : i32
        %dma_start3A_173 = tpu.memref_slice %arg8[%dma_start3A_171, %dma_start3A_172] : memref<2x2048xi32, #tpu.memory_space<vmem>> -> memref<1x2048xi32, #tpu.memory_space<vmem>>
        %dma_start3A_174 = tpu.memref_squeeze %dma_start3A_173 : memref<1x2048xi32, #tpu.memory_space<vmem>> -> memref<2048xi32, #tpu.memory_space<vmem>>
        %dma_start3A_175 = arith.constant 0 : i32
        %dma_start3A_176 = tpu.memref_slice %dma_start3A_174[%dma_start3A_175] : memref<2048xi32, #tpu.memory_space<vmem>> -> memref<128xi32, #tpu.memory_space<vmem>>
        %dma_start3A_177 = arith.constant 0 : i32
        %dma_start3A_178 = arith.constant 0 : i32
        %dma_start3A_179 = tpu.memref_slice %arg5[%dma_start3A_177, %dma_start3A_178] : memref<10240x128xf32, #tpu.memory_space<hbm>> -> memref<10240x128xf32, #tpu.memory_space<hbm>>
        tpu.enqueue_indirect_dma source(%dma_start3A_179 : memref<10240x128xf32, #tpu.memory_space<hbm>>) target(%arg10 : memref<128x128xf32, #tpu.memory_space<vmem>>) offsets(%dma_start3A_176 : memref<128xi32, #tpu.memory_space<vmem>>) semaphore(%arg13 : memref<!tpu.dma_semaphore, #tpu.memory_space<semaphore_mem>>)
        %scan3A_180 = arith.constant 0 : i32
        %scan3A_181 = arith.constant 0 : i32
        %scan3A_182 = arith.constant 8 : i32
        %scan3A_183 = arith.addi %scan3A_181, %scan3A_182 : i32
        %scan3A_184 = arith.constant 1 : i32
        %scan3A_185 = scf.for %scan3A_219 = %scan3A_181 to %scan3A_183 step %scan3A_184 iter_args(%scan3A_220 = %scan3A_180) -> (i32)  : i32 {
          %mul3A_221 = arith.constant 2 : i32
          %mul3A_222 = arith.muli %scan3A_219, %mul3A_221 : i32
          %add3A_223 = arith.constant 0 : i32
          %add3A_224 = arith.addi %mul3A_222, %add3A_223 : i32
          %mul3A_225 = arith.constant 128 : i32
          %mul3A_226 = arith.muli %add3A_224, %mul3A_225 : i32
          %dma_wait3A_227 = arith.constant 1 : i32
          %dma_wait3A_228 = arith.constant 0 : i32
          %dma_wait3A_229 = tpu.memref_slice %arg8[%dma_wait3A_227, %dma_wait3A_228] : memref<2x2048xi32, #tpu.memory_space<vmem>> -> memref<1x2048xi32, #tpu.memory_space<vmem>>
          %dma_wait3A_230 = tpu.memref_squeeze %dma_wait3A_229 : memref<1x2048xi32, #tpu.memory_space<vmem>> -> memref<2048xi32, #tpu.memory_space<vmem>>
          %dma_wait3A_231 = tpu.memref_slice %dma_wait3A_230[%mul3A_226] : memref<2048xi32, #tpu.memory_space<vmem>> -> memref<128xi32, #tpu.memory_space<vmem>>
          %dma_wait3A_232 = arith.constant 0 : i32
          %dma_wait3A_233 = arith.constant 0 : i32
          %dma_wait3A_234 = tpu.memref_slice %arg5[%dma_wait3A_232, %dma_wait3A_233] : memref<10240x128xf32, #tpu.memory_space<hbm>> -> memref<10240x128xf32, #tpu.memory_space<hbm>>
          tpu.wait_indirect_dma semaphore(%arg13 : memref<!tpu.dma_semaphore, #tpu.memory_space<semaphore_mem>>) src(%dma_wait3A_234 : memref<10240x128xf32, #tpu.memory_space<hbm>>) dst(%arg10 : memref<128x128xf32, #tpu.memory_space<vmem>>)
          %dma_start3A_235 = arith.constant 1 : i32
          %dma_start3A_236 = arith.constant 0 : i32
          %dma_start3A_237 = arith.constant 0 : i32
          %dma_start3A_238 = tpu.memref_slice %arg9[%dma_start3A_235, %dma_start3A_236, %dma_start3A_237] : memref<2x16x128xi32, #tpu.memory_space<vmem>> -> memref<1x16x128xi32, #tpu.memory_space<vmem>>
          %dma_start3A_239 = tpu.memref_squeeze %dma_start3A_238 : memref<1x16x128xi32, #tpu.memory_space<vmem>> -> memref<16x128xi32, #tpu.memory_space<vmem>>
          %dma_start3A_240 = arith.constant 0 : i32
          %dma_start3A_241 = tpu.memref_slice %dma_start3A_239[%add3A_224, %dma_start3A_240] : memref<16x128xi32, #tpu.memory_space<vmem>> -> memref<1x128xi32, #tpu.memory_space<vmem>>
          %dma_start3A_242 = tpu.memref_squeeze %dma_start3A_241 : memref<1x128xi32, #tpu.memory_space<vmem>> -> memref<128xi32, #tpu.memory_space<vmem>>
          %dma_start3A_243 = arith.constant 0 : i32
          %dma_start3A_244 = arith.constant 0 : i32
          %dma_start3A_245 = tpu.memref_slice %arg12[%dma_start3A_243, %dma_start3A_244] : memref<10240x128xf32, #tpu.memory_space<vmem_shared>> -> memref<10240x128xf32, #tpu.memory_space<vmem_shared>>
          tpu.enqueue_indirect_dma source(%arg10 : memref<128x128xf32, #tpu.memory_space<vmem>>) target(%dma_start3A_245 : memref<10240x128xf32, #tpu.memory_space<vmem_shared>>) offsets(%dma_start3A_242 : memref<128xi32, #tpu.memory_space<vmem>>) semaphore(%arg15 : memref<!tpu.dma_semaphore, #tpu.memory_space<semaphore_mem>>) {add = true}
          %gt3A = arith.constant 0 : i32
          %gt3A_246 = arith.cmpi sgt, %add3A_224, %gt3A : i32
          %add3A_247 = arith.constant 1 : i32
          %add3A_248 = arith.addi %add3A_224, %add3A_247 : i32
          %lt3A_249 = arith.constant 16 : i32
          %lt3A_250 = arith.cmpi slt, %add3A_248, %lt3A_249 : i32
          %and3A = arith.andi %gt3A_246, %lt3A_250 : i1
          %convert_element_type3A_251 = arith.extui %and3A : i1 to i32
          %cond3A_252 = arith.constant 0 : i32
          %cond3A_253 = arith.cmpi ne, %convert_element_type3A_251, %cond3A_252 : i32
          scf.if %cond3A_253 {
            %sub3A = arith.constant 1 : i32
            %sub3A_300 = arith.subi %add3A_224, %sub3A : i32
            %dma_wait3A_301 = arith.constant 1 : i32
            %dma_wait3A_302 = arith.constant 0 : i32
            %dma_wait3A_303 = arith.constant 0 : i32
            %dma_wait3A_304 = tpu.memref_slice %arg9[%dma_wait3A_301, %dma_wait3A_302, %dma_wait3A_303] : memref<2x16x128xi32, #tpu.memory_space<vmem>> -> memref<1x16x128xi32, #tpu.memory_space<vmem>>
            %dma_wait3A_305 = tpu.memref_squeeze %dma_wait3A_304 : memref<1x16x128xi32, #tpu.memory_space<vmem>> -> memref<16x128xi32, #tpu.memory_space<vmem>>
            %dma_wait3A_306 = arith.constant 0 : i32
            %dma_wait3A_307 = tpu.memref_slice %dma_wait3A_305[%sub3A_300, %dma_wait3A_306] : memref<16x128xi32, #tpu.memory_space<vmem>> -> memref<1x128xi32, #tpu.memory_space<vmem>>
            %dma_wait3A_308 = tpu.memref_squeeze %dma_wait3A_307 : memref<1x128xi32, #tpu.memory_space<vmem>> -> memref<128xi32, #tpu.memory_space<vmem>>
            %dma_wait3A_309 = arith.constant 0 : i32
            %dma_wait3A_310 = arith.constant 0 : i32
            %dma_wait3A_311 = tpu.memref_slice %arg12[%dma_wait3A_309, %dma_wait3A_310] : memref<10240x128xf32, #tpu.memory_space<vmem_shared>> -> memref<10240x128xf32, #tpu.memory_space<vmem_shared>>
            tpu.wait_indirect_dma semaphore(%arg16 : memref<!tpu.dma_semaphore, #tpu.memory_space<semaphore_mem>>) src(%arg11 : memref<128x128xf32, #tpu.memory_space<vmem>>) dst(%dma_wait3A_311 : memref<10240x128xf32, #tpu.memory_space<vmem_shared>>)
            %add3A_312 = arith.constant 1 : i32
            %add3A_313 = arith.addi %add3A_224, %add3A_312 : i32
            %mul3A_314 = arith.constant 128 : i32
            %mul3A_315 = arith.muli %add3A_313, %mul3A_314 : i32
            %dma_start3A_316 = arith.constant 1 : i32
            %dma_start3A_317 = arith.constant 0 : i32
            %dma_start3A_318 = tpu.memref_slice %arg8[%dma_start3A_316, %dma_start3A_317] : memref<2x2048xi32, #tpu.memory_space<vmem>> -> memref<1x2048xi32, #tpu.memory_space<vmem>>
            %dma_start3A_319 = tpu.memref_squeeze %dma_start3A_318 : memref<1x2048xi32, #tpu.memory_space<vmem>> -> memref<2048xi32, #tpu.memory_space<vmem>>
            %dma_start3A_320 = tpu.memref_slice %dma_start3A_319[%mul3A_315] : memref<2048xi32, #tpu.memory_space<vmem>> -> memref<128xi32, #tpu.memory_space<vmem>>
            %dma_start3A_321 = arith.constant 0 : i32
            %dma_start3A_322 = arith.constant 0 : i32
            %dma_start3A_323 = tpu.memref_slice %arg5[%dma_start3A_321, %dma_start3A_322] : memref<10240x128xf32, #tpu.memory_space<hbm>> -> memref<10240x128xf32, #tpu.memory_space<hbm>>
            tpu.enqueue_indirect_dma source(%dma_start3A_323 : memref<10240x128xf32, #tpu.memory_space<hbm>>) target(%arg11 : memref<128x128xf32, #tpu.memory_space<vmem>>) offsets(%dma_start3A_320 : memref<128xi32, #tpu.memory_space<vmem>>) semaphore(%arg14 : memref<!tpu.dma_semaphore, #tpu.memory_space<semaphore_mem>>)
          } else {
          }
          %eq3A_254 = arith.constant 0 : i32
          %eq3A_255 = arith.cmpi eq, %add3A_224, %eq3A_254 : i32
          %convert_element_type3A_256 = arith.extui %eq3A_255 : i1 to i32
          %cond3A_257 = arith.constant 0 : i32
          %cond3A_258 = arith.cmpi ne, %convert_element_type3A_256, %cond3A_257 : i32
          scf.if %cond3A_258 {
            %dma_start3A_300 = arith.constant 1 : i32
            %dma_start3A_301 = arith.constant 0 : i32
            %dma_start3A_302 = tpu.memref_slice %arg8[%dma_start3A_300, %dma_start3A_301] : memref<2x2048xi32, #tpu.memory_space<vmem>> -> memref<1x2048xi32, #tpu.memory_space<vmem>>
            %dma_start3A_303 = tpu.memref_squeeze %dma_start3A_302 : memref<1x2048xi32, #tpu.memory_space<vmem>> -> memref<2048xi32, #tpu.memory_space<vmem>>
            %dma_start3A_304 = arith.constant 128 : i32
            %dma_start3A_305 = tpu.memref_slice %dma_start3A_303[%dma_start3A_304] : memref<2048xi32, #tpu.memory_space<vmem>> -> memref<128xi32, #tpu.memory_space<vmem>>
            %dma_start3A_306 = arith.constant 0 : i32
            %dma_start3A_307 = arith.constant 0 : i32
            %dma_start3A_308 = tpu.memref_slice %arg5[%dma_start3A_306, %dma_start3A_307] : memref<10240x128xf32, #tpu.memory_space<hbm>> -> memref<10240x128xf32, #tpu.memory_space<hbm>>
            tpu.enqueue_indirect_dma source(%dma_start3A_308 : memref<10240x128xf32, #tpu.memory_space<hbm>>) target(%arg11 : memref<128x128xf32, #tpu.memory_space<vmem>>) offsets(%dma_start3A_305 : memref<128xi32, #tpu.memory_space<vmem>>) semaphore(%arg14 : memref<!tpu.dma_semaphore, #tpu.memory_space<semaphore_mem>>)
          } else {
          }
          %mul3A_259 = arith.constant 2 : i32
          %mul3A_260 = arith.muli %scan3A_219, %mul3A_259 : i32
          %add3A_261 = arith.constant 1 : i32
          %add3A_262 = arith.addi %mul3A_260, %add3A_261 : i32
          %mul3A_263 = arith.constant 128 : i32
          %mul3A_264 = arith.muli %add3A_262, %mul3A_263 : i32
          %dma_wait3A_265 = arith.constant 1 : i32
          %dma_wait3A_266 = arith.constant 0 : i32
          %dma_wait3A_267 = tpu.memref_slice %arg8[%dma_wait3A_265, %dma_wait3A_266] : memref<2x2048xi32, #tpu.memory_space<vmem>> -> memref<1x2048xi32, #tpu.memory_space<vmem>>
          %dma_wait3A_268 = tpu.memref_squeeze %dma_wait3A_267 : memref<1x2048xi32, #tpu.memory_space<vmem>> -> memref<2048xi32, #tpu.memory_space<vmem>>
          %dma_wait3A_269 = tpu.memref_slice %dma_wait3A_268[%mul3A_264] : memref<2048xi32, #tpu.memory_space<vmem>> -> memref<128xi32, #tpu.memory_space<vmem>>
          %dma_wait3A_270 = arith.constant 0 : i32
          %dma_wait3A_271 = arith.constant 0 : i32
          %dma_wait3A_272 = tpu.memref_slice %arg5[%dma_wait3A_270, %dma_wait3A_271] : memref<10240x128xf32, #tpu.memory_space<hbm>> -> memref<10240x128xf32, #tpu.memory_space<hbm>>
          tpu.wait_indirect_dma semaphore(%arg14 : memref<!tpu.dma_semaphore, #tpu.memory_space<semaphore_mem>>) src(%dma_wait3A_272 : memref<10240x128xf32, #tpu.memory_space<hbm>>) dst(%arg11 : memref<128x128xf32, #tpu.memory_space<vmem>>)
          %dma_start3A_273 = arith.constant 1 : i32
          %dma_start3A_274 = arith.constant 0 : i32
          %dma_start3A_275 = arith.constant 0 : i32
          %dma_start3A_276 = tpu.memref_slice %arg9[%dma_start3A_273, %dma_start3A_274, %dma_start3A_275] : memref<2x16x128xi32, #tpu.memory_space<vmem>> -> memref<1x16x128xi32, #tpu.memory_space<vmem>>
          %dma_start3A_277 = tpu.memref_squeeze %dma_start3A_276 : memref<1x16x128xi32, #tpu.memory_space<vmem>> -> memref<16x128xi32, #tpu.memory_space<vmem>>
          %dma_start3A_278 = arith.constant 0 : i32
          %dma_start3A_279 = tpu.memref_slice %dma_start3A_277[%add3A_262, %dma_start3A_278] : memref<16x128xi32, #tpu.memory_space<vmem>> -> memref<1x128xi32, #tpu.memory_space<vmem>>
          %dma_start3A_280 = tpu.memref_squeeze %dma_start3A_279 : memref<1x128xi32, #tpu.memory_space<vmem>> -> memref<128xi32, #tpu.memory_space<vmem>>
          %dma_start3A_281 = arith.constant 0 : i32
          %dma_start3A_282 = arith.constant 0 : i32
          %dma_start3A_283 = tpu.memref_slice %arg12[%dma_start3A_281, %dma_start3A_282] : memref<10240x128xf32, #tpu.memory_space<vmem_shared>> -> memref<10240x128xf32, #tpu.memory_space<vmem_shared>>
          tpu.enqueue_indirect_dma source(%arg11 : memref<128x128xf32, #tpu.memory_space<vmem>>) target(%dma_start3A_283 : memref<10240x128xf32, #tpu.memory_space<vmem_shared>>) offsets(%dma_start3A_280 : memref<128xi32, #tpu.memory_space<vmem>>) semaphore(%arg16 : memref<!tpu.dma_semaphore, #tpu.memory_space<semaphore_mem>>) {add = true}
          %gt3A_284 = arith.constant 0 : i32
          %gt3A_285 = arith.cmpi sgt, %add3A_262, %gt3A_284 : i32
          %add3A_286 = arith.constant 1 : i32
          %add3A_287 = arith.addi %add3A_262, %add3A_286 : i32
          %lt3A_288 = arith.constant 16 : i32
          %lt3A_289 = arith.cmpi slt, %add3A_287, %lt3A_288 : i32
          %and3A_290 = arith.andi %gt3A_285, %lt3A_289 : i1
          %convert_element_type3A_291 = arith.extui %and3A_290 : i1 to i32
          %cond3A_292 = arith.constant 0 : i32
          %cond3A_293 = arith.cmpi ne, %convert_element_type3A_291, %cond3A_292 : i32
          scf.if %cond3A_293 {
            %sub3A = arith.constant 1 : i32
            %sub3A_300 = arith.subi %add3A_262, %sub3A : i32
            %dma_wait3A_301 = arith.constant 1 : i32
            %dma_wait3A_302 = arith.constant 0 : i32
            %dma_wait3A_303 = arith.constant 0 : i32
            %dma_wait3A_304 = tpu.memref_slice %arg9[%dma_wait3A_301, %dma_wait3A_302, %dma_wait3A_303] : memref<2x16x128xi32, #tpu.memory_space<vmem>> -> memref<1x16x128xi32, #tpu.memory_space<vmem>>
            %dma_wait3A_305 = tpu.memref_squeeze %dma_wait3A_304 : memref<1x16x128xi32, #tpu.memory_space<vmem>> -> memref<16x128xi32, #tpu.memory_space<vmem>>
            %dma_wait3A_306 = arith.constant 0 : i32
            %dma_wait3A_307 = tpu.memref_slice %dma_wait3A_305[%sub3A_300, %dma_wait3A_306] : memref<16x128xi32, #tpu.memory_space<vmem>> -> memref<1x128xi32, #tpu.memory_space<vmem>>
            %dma_wait3A_308 = tpu.memref_squeeze %dma_wait3A_307 : memref<1x128xi32, #tpu.memory_space<vmem>> -> memref<128xi32, #tpu.memory_space<vmem>>
            %dma_wait3A_309 = arith.constant 0 : i32
            %dma_wait3A_310 = arith.constant 0 : i32
            %dma_wait3A_311 = tpu.memref_slice %arg12[%dma_wait3A_309, %dma_wait3A_310] : memref<10240x128xf32, #tpu.memory_space<vmem_shared>> -> memref<10240x128xf32, #tpu.memory_space<vmem_shared>>
            tpu.wait_indirect_dma semaphore(%arg15 : memref<!tpu.dma_semaphore, #tpu.memory_space<semaphore_mem>>) src(%arg10 : memref<128x128xf32, #tpu.memory_space<vmem>>) dst(%dma_wait3A_311 : memref<10240x128xf32, #tpu.memory_space<vmem_shared>>)
            %add3A_312 = arith.constant 1 : i32
            %add3A_313 = arith.addi %add3A_262, %add3A_312 : i32
            %mul3A_314 = arith.constant 128 : i32
            %mul3A_315 = arith.muli %add3A_313, %mul3A_314 : i32
            %dma_start3A_316 = arith.constant 1 : i32
            %dma_start3A_317 = arith.constant 0 : i32
            %dma_start3A_318 = tpu.memref_slice %arg8[%dma_start3A_316, %dma_start3A_317] : memref<2x2048xi32, #tpu.memory_space<vmem>> -> memref<1x2048xi32, #tpu.memory_space<vmem>>
            %dma_start3A_319 = tpu.memref_squeeze %dma_start3A_318 : memref<1x2048xi32, #tpu.memory_space<vmem>> -> memref<2048xi32, #tpu.memory_space<vmem>>
            %dma_start3A_320 = tpu.memref_slice %dma_start3A_319[%mul3A_315] : memref<2048xi32, #tpu.memory_space<vmem>> -> memref<128xi32, #tpu.memory_space<vmem>>
            %dma_start3A_321 = arith.constant 0 : i32
            %dma_start3A_322 = arith.constant 0 : i32
            %dma_start3A_323 = tpu.memref_slice %arg5[%dma_start3A_321, %dma_start3A_322] : memref<10240x128xf32, #tpu.memory_space<hbm>> -> memref<10240x128xf32, #tpu.memory_space<hbm>>
            tpu.enqueue_indirect_dma source(%dma_start3A_323 : memref<10240x128xf32, #tpu.memory_space<hbm>>) target(%arg10 : memref<128x128xf32, #tpu.memory_space<vmem>>) offsets(%dma_start3A_320 : memref<128xi32, #tpu.memory_space<vmem>>) semaphore(%arg13 : memref<!tpu.dma_semaphore, #tpu.memory_space<semaphore_mem>>)
          } else {
          }
          %eq3A_294 = arith.constant 0 : i32
          %eq3A_295 = arith.cmpi eq, %add3A_262, %eq3A_294 : i32
          %convert_element_type3A_296 = arith.extui %eq3A_295 : i1 to i32
          %cond3A_297 = arith.constant 0 : i32
          %cond3A_298 = arith.cmpi ne, %convert_element_type3A_296, %cond3A_297 : i32
          scf.if %cond3A_298 {
            %dma_start3A_300 = arith.constant 1 : i32
            %dma_start3A_301 = arith.constant 0 : i32
            %dma_start3A_302 = tpu.memref_slice %arg8[%dma_start3A_300, %dma_start3A_301] : memref<2x2048xi32, #tpu.memory_space<vmem>> -> memref<1x2048xi32, #tpu.memory_space<vmem>>
            %dma_start3A_303 = tpu.memref_squeeze %dma_start3A_302 : memref<1x2048xi32, #tpu.memory_space<vmem>> -> memref<2048xi32, #tpu.memory_space<vmem>>
            %dma_start3A_304 = arith.constant 128 : i32
            %dma_start3A_305 = tpu.memref_slice %dma_start3A_303[%dma_start3A_304] : memref<2048xi32, #tpu.memory_space<vmem>> -> memref<128xi32, #tpu.memory_space<vmem>>
            %dma_start3A_306 = arith.constant 0 : i32
            %dma_start3A_307 = arith.constant 0 : i32
            %dma_start3A_308 = tpu.memref_slice %arg5[%dma_start3A_306, %dma_start3A_307] : memref<10240x128xf32, #tpu.memory_space<hbm>> -> memref<10240x128xf32, #tpu.memory_space<hbm>>
            tpu.enqueue_indirect_dma source(%dma_start3A_308 : memref<10240x128xf32, #tpu.memory_space<hbm>>) target(%arg10 : memref<128x128xf32, #tpu.memory_space<vmem>>) offsets(%dma_start3A_305 : memref<128xi32, #tpu.memory_space<vmem>>) semaphore(%arg13 : memref<!tpu.dma_semaphore, #tpu.memory_space<semaphore_mem>>)
          } else {
          }
          %scan3A_299 = arith.constant 0 : i32
          scf.yield %scan3A_299 : i32
        }
        %scan3A_186 = arith.constant 8 : i32
        %dma_wait3A_187 = arith.constant 1 : i32
        %dma_wait3A_188 = arith.constant 14 : i32
        %dma_wait3A_189 = arith.constant 0 : i32
        %dma_wait3A_190 = arith.constant 0 : i32
        %dma_wait3A_191 = tpu.memref_slice %arg9[%dma_wait3A_187, %dma_wait3A_189, %dma_wait3A_190] : memref<2x16x128xi32, #tpu.memory_space<vmem>> -> memref<1x16x128xi32, #tpu.memory_space<vmem>>
        %dma_wait3A_192 = tpu.memref_squeeze %dma_wait3A_191 : memref<1x16x128xi32, #tpu.memory_space<vmem>> -> memref<16x128xi32, #tpu.memory_space<vmem>>
        %dma_wait3A_193 = arith.constant 0 : i32
        %dma_wait3A_194 = tpu.memref_slice %dma_wait3A_192[%dma_wait3A_188, %dma_wait3A_193] : memref<16x128xi32, #tpu.memory_space<vmem>> -> memref<1x128xi32, #tpu.memory_space<vmem>>
        %dma_wait3A_195 = tpu.memref_squeeze %dma_wait3A_194 : memref<1x128xi32, #tpu.memory_space<vmem>> -> memref<128xi32, #tpu.memory_space<vmem>>
        %dma_wait3A_196 = arith.constant 0 : i32
        %dma_wait3A_197 = arith.constant 0 : i32
        %dma_wait3A_198 = tpu.memref_slice %arg12[%dma_wait3A_196, %dma_wait3A_197] : memref<10240x128xf32, #tpu.memory_space<vmem_shared>> -> memref<10240x128xf32, #tpu.memory_space<vmem_shared>>
        tpu.wait_indirect_dma semaphore(%arg15 : memref<!tpu.dma_semaphore, #tpu.memory_space<semaphore_mem>>) src(%arg10 : memref<128x128xf32, #tpu.memory_space<vmem>>) dst(%dma_wait3A_198 : memref<10240x128xf32, #tpu.memory_space<vmem_shared>>)
        %dma_wait3A_199 = arith.constant 1 : i32
        %dma_wait3A_200 = arith.constant 15 : i32
        %dma_wait3A_201 = arith.constant 0 : i32
        %dma_wait3A_202 = arith.constant 0 : i32
        %dma_wait3A_203 = tpu.memref_slice %arg9[%dma_wait3A_199, %dma_wait3A_201, %dma_wait3A_202] : memref<2x16x128xi32, #tpu.memory_space<vmem>> -> memref<1x16x128xi32, #tpu.memory_space<vmem>>
        %dma_wait3A_204 = tpu.memref_squeeze %dma_wait3A_203 : memref<1x16x128xi32, #tpu.memory_space<vmem>> -> memref<16x128xi32, #tpu.memory_space<vmem>>
        %dma_wait3A_205 = arith.constant 0 : i32
        %dma_wait3A_206 = tpu.memref_slice %dma_wait3A_204[%dma_wait3A_200, %dma_wait3A_205] : memref<16x128xi32, #tpu.memory_space<vmem>> -> memref<1x128xi32, #tpu.memory_space<vmem>>
        %dma_wait3A_207 = tpu.memref_squeeze %dma_wait3A_206 : memref<1x128xi32, #tpu.memory_space<vmem>> -> memref<128xi32, #tpu.memory_space<vmem>>
        %dma_wait3A_208 = arith.constant 0 : i32
        %dma_wait3A_209 = arith.constant 0 : i32
        %dma_wait3A_210 = tpu.memref_slice %arg12[%dma_wait3A_208, %dma_wait3A_209] : memref<10240x128xf32, #tpu.memory_space<vmem_shared>> -> memref<10240x128xf32, #tpu.memory_space<vmem_shared>>
        tpu.wait_indirect_dma semaphore(%arg16 : memref<!tpu.dma_semaphore, #tpu.memory_space<semaphore_mem>>) src(%arg11 : memref<128x128xf32, #tpu.memory_space<vmem>>) dst(%dma_wait3A_210 : memref<10240x128xf32, #tpu.memory_space<vmem_shared>>)
        %add3A_211 = arith.constant 1 : i32
        %add3A_212 = arith.addi %add3A_163, %add3A_211 : i32
        %lt3A_213 = arith.constant 10 : i32
        %lt3A_214 = arith.cmpi slt, %add3A_212, %lt3A_213 : i32
        %convert_element_type3A_215 = arith.extui %lt3A_214 : i1 to i32
        %cond3A_216 = arith.constant 0 : i32
        %cond3A_217 = arith.cmpi ne, %convert_element_type3A_215, %cond3A_216 : i32
        scf.if %cond3A_217 {
          %dma_wait3A_219 = arith.constant 0 : i32
          %dma_wait3A_220 = arith.constant 0 : i32
          %dma_wait3A_221 = tpu.memref_slice %arg8[%dma_wait3A_219, %dma_wait3A_220] : memref<2x2048xi32, #tpu.memory_space<vmem>> -> memref<1x2048xi32, #tpu.memory_space<vmem>>
          %dma_wait3A_222 = tpu.memref_squeeze %dma_wait3A_221 : memref<1x2048xi32, #tpu.memory_space<vmem>> -> memref<2048xi32, #tpu.memory_space<vmem>>
          %dma_wait3A_223 = arith.constant 0 : i32
          %dma_wait3A_224 = tpu.memref_slice %arg2[%dma_wait3A_223] : memref<327680xi32, #tpu.memory_space<hbm>> -> memref<2048xi32, #tpu.memory_space<hbm>>
          %dma_wait3A_225 = arith.constant 0 : i32
          %dma_wait3A_226 = tpu.memref_slice %arg8[%dma_wait3A_219, %dma_wait3A_225] : memref<2x2048xi32, #tpu.memory_space<vmem>> -> memref<1x2048xi32, #tpu.memory_space<vmem>>
          %dma_wait3A_227 = tpu.memref_squeeze %dma_wait3A_226 : memref<1x2048xi32, #tpu.memory_space<vmem>> -> memref<2048xi32, #tpu.memory_space<vmem>>
          %dma_wait3A_228 = arith.constant 0 : i32
          %dma_wait3A_229 = tpu.memref_slice %arg2[%dma_wait3A_228] : memref<327680xi32, #tpu.memory_space<hbm>> -> memref<2048xi32, #tpu.memory_space<hbm>>
          tpu.wait_dma2 semaphore(%arg17 : memref<!tpu.dma_semaphore, #tpu.memory_space<semaphore_mem>>) src(%dma_wait3A_229 : memref<2048xi32, #tpu.memory_space<hbm>>) dst(%dma_wait3A_227 : memref<2048xi32, #tpu.memory_space<vmem>>)
          %dma_wait3A_230 = arith.constant 0 : i32
          %dma_wait3A_231 = arith.constant 0 : i32
          %dma_wait3A_232 = arith.constant 0 : i32
          %dma_wait3A_233 = tpu.memref_slice %arg9[%dma_wait3A_230, %dma_wait3A_231, %dma_wait3A_232] : memref<2x16x128xi32, #tpu.memory_space<vmem>> -> memref<1x16x128xi32, #tpu.memory_space<vmem>>
          %dma_wait3A_234 = tpu.memref_squeeze %dma_wait3A_233 : memref<1x16x128xi32, #tpu.memory_space<vmem>> -> memref<16x128xi32, #tpu.memory_space<vmem>>
          %dma_wait3A_235 = arith.constant 0 : i32
          %dma_wait3A_236 = arith.constant 0 : i32
          %dma_wait3A_237 = tpu.memref_slice %arg3[%dma_wait3A_235, %dma_wait3A_236] : memref<2560x128xi32, #tpu.memory_space<hbm>> -> memref<16x128xi32, #tpu.memory_space<hbm>>
          %dma_wait3A_238 = arith.constant 0 : i32
          %dma_wait3A_239 = arith.constant 0 : i32
          %dma_wait3A_240 = tpu.memref_slice %arg9[%dma_wait3A_230, %dma_wait3A_238, %dma_wait3A_239] : memref<2x16x128xi32, #tpu.memory_space<vmem>> -> memref<1x16x128xi32, #tpu.memory_space<vmem>>
          %dma_wait3A_241 = tpu.memref_squeeze %dma_wait3A_240 : memref<1x16x128xi32, #tpu.memory_space<vmem>> -> memref<16x128xi32, #tpu.memory_space<vmem>>
          %dma_wait3A_242 = arith.constant 0 : i32
          %dma_wait3A_243 = arith.constant 0 : i32
          %dma_wait3A_244 = tpu.memref_slice %arg3[%dma_wait3A_242, %dma_wait3A_243] : memref<2560x128xi32, #tpu.memory_space<hbm>> -> memref<16x128xi32, #tpu.memory_space<hbm>>
          tpu.wait_dma2 semaphore(%arg17 : memref<!tpu.dma_semaphore, #tpu.memory_space<semaphore_mem>>) src(%dma_wait3A_244 : memref<16x128xi32, #tpu.memory_space<hbm>>) dst(%dma_wait3A_241 : memref<16x128xi32, #tpu.memory_space<vmem>>)
        } else {
        }
        %scan3A_218 = arith.constant 0 : i32
        scf.yield %scan3A_218 : i32
      }
      %scan3A_100 = arith.constant 5 : i32
    } else {
    }
    %barrier3A_31 = arith.constant 0 : index
    tpu.barrier barrier_id(%barrier3A_31)
    %eq3A_32 = arith.constant 0 : i32
    %eq3A_33 = arith.cmpi eq, %arg0, %eq3A_32 : i32
    %convert_element_type3A_34 = arith.extui %eq3A_33 : i1 to i32
    %cond3A_35 = arith.constant 0 : i32
    %cond3A_36 = arith.cmpi ne, %convert_element_type3A_34, %cond3A_35 : i32
    scf.if %cond3A_36 {
      %mul3A_42 = arith.constant 640 : i32
      %mul3A_43 = arith.muli %arg1, %mul3A_42 : i32
      %add3A_44 = arith.constant 0 : i32
      %add3A_45 = arith.addi %mul3A_43, %add3A_44 : i32
      "tpu.region"() ({
        %run_scoped3A = tpu.sem_alloc : memref<!tpu.dma_semaphore, #tpu.memory_space<semaphore_mem>>
        %dma_start3A_140 = arith.constant 0 : i32
        %dma_start3A_141 = tpu.memref_slice %arg12[%add3A_45, %dma_start3A_140] : memref<10240x128xf32, #tpu.memory_space<vmem_shared>> -> memref<128x128xf32, #tpu.memory_space<vmem_shared>>
        %dma_start3A_142 = arith.constant 0 : i32
        %dma_start3A_143 = tpu.memref_slice %arg12[%add3A_45, %dma_start3A_142] : memref<10240x128xf32, #tpu.memory_space<vmem_shared>> -> memref<128x128xf32, #tpu.memory_space<vmem_shared>>
        tpu.enqueue_dma source(%dma_start3A_143 : memref<128x128xf32, #tpu.memory_space<vmem_shared>>) target(%arg10 : memref<128x128xf32, #tpu.memory_space<vmem>>) target_semaphore(%run_scoped3A : memref<!tpu.dma_semaphore, #tpu.memory_space<semaphore_mem>>)
        %dma_wait3A_144 = arith.constant 0 : i32
        %dma_wait3A_145 = tpu.memref_slice %arg12[%add3A_45, %dma_wait3A_144] : memref<10240x128xf32, #tpu.memory_space<vmem_shared>> -> memref<128x128xf32, #tpu.memory_space<vmem_shared>>
        %dma_wait3A_146 = arith.constant 0 : i32
        %dma_wait3A_147 = tpu.memref_slice %arg12[%add3A_45, %dma_wait3A_146] : memref<10240x128xf32, #tpu.memory_space<vmem_shared>> -> memref<128x128xf32, #tpu.memory_space<vmem_shared>>
        tpu.wait_dma2 semaphore(%run_scoped3A : memref<!tpu.dma_semaphore, #tpu.memory_space<semaphore_mem>>) src(%dma_wait3A_147 : memref<128x128xf32, #tpu.memory_space<vmem_shared>>) dst(%arg10 : memref<128x128xf32, #tpu.memory_space<vmem>>)
        tpu.yield
      }) : () -> ()
      %mul3A_46 = arith.constant 640 : i32
      %mul3A_47 = arith.muli %arg1, %mul3A_46 : i32
      %add3A_48 = arith.constant 0 : i32
      %add3A_49 = arith.addi %mul3A_47, %add3A_48 : i32
      %dma_start3A = arith.constant 0 : i32
      %dma_start3A_50 = tpu.memref_slice %arg6[%add3A_49, %dma_start3A] : memref<10240x128xf32, #tpu.memory_space<hbm>> -> memref<128x128xf32, #tpu.memory_space<hbm>>
      %dma_start3A_51 = arith.constant 0 : i32
      %dma_start3A_52 = tpu.memref_slice %arg6[%add3A_49, %dma_start3A_51] : memref<10240x128xf32, #tpu.memory_space<hbm>> -> memref<128x128xf32, #tpu.memory_space<hbm>>
      tpu.enqueue_dma source(%arg10 : memref<128x128xf32, #tpu.memory_space<vmem>>) target(%dma_start3A_52 : memref<128x128xf32, #tpu.memory_space<hbm>>) target_semaphore(%arg15 : memref<!tpu.dma_semaphore, #tpu.memory_space<semaphore_mem>>)
      %mul3A_53 = arith.constant 640 : i32
      %mul3A_54 = arith.muli %arg1, %mul3A_53 : i32
      %add3A_55 = arith.constant 128 : i32
      %add3A_56 = arith.addi %mul3A_54, %add3A_55 : i32
      "tpu.region"() ({
        %run_scoped3A = tpu.sem_alloc : memref<!tpu.dma_semaphore, #tpu.memory_space<semaphore_mem>>
        %dma_start3A_140 = arith.constant 0 : i32
        %dma_start3A_141 = tpu.memref_slice %arg12[%add3A_56, %dma_start3A_140] : memref<10240x128xf32, #tpu.memory_space<vmem_shared>> -> memref<128x128xf32, #tpu.memory_space<vmem_shared>>
        %dma_start3A_142 = arith.constant 0 : i32
        %dma_start3A_143 = tpu.memref_slice %arg12[%add3A_56, %dma_start3A_142] : memref<10240x128xf32, #tpu.memory_space<vmem_shared>> -> memref<128x128xf32, #tpu.memory_space<vmem_shared>>
        tpu.enqueue_dma source(%dma_start3A_143 : memref<128x128xf32, #tpu.memory_space<vmem_shared>>) target(%arg11 : memref<128x128xf32, #tpu.memory_space<vmem>>) target_semaphore(%run_scoped3A : memref<!tpu.dma_semaphore, #tpu.memory_space<semaphore_mem>>)
        %dma_wait3A_144 = arith.constant 0 : i32
        %dma_wait3A_145 = tpu.memref_slice %arg12[%add3A_56, %dma_wait3A_144] : memref<10240x128xf32, #tpu.memory_space<vmem_shared>> -> memref<128x128xf32, #tpu.memory_space<vmem_shared>>
        %dma_wait3A_146 = arith.constant 0 : i32
        %dma_wait3A_147 = tpu.memref_slice %arg12[%add3A_56, %dma_wait3A_146] : memref<10240x128xf32, #tpu.memory_space<vmem_shared>> -> memref<128x128xf32, #tpu.memory_space<vmem_shared>>
        tpu.wait_dma2 semaphore(%run_scoped3A : memref<!tpu.dma_semaphore, #tpu.memory_space<semaphore_mem>>) src(%dma_wait3A_147 : memref<128x128xf32, #tpu.memory_space<vmem_shared>>) dst(%arg11 : memref<128x128xf32, #tpu.memory_space<vmem>>)
        tpu.yield
      }) : () -> ()
      %mul3A_57 = arith.constant 640 : i32
      %mul3A_58 = arith.muli %arg1, %mul3A_57 : i32
      %add3A_59 = arith.constant 128 : i32
      %add3A_60 = arith.addi %mul3A_58, %add3A_59 : i32
      %dma_start3A_61 = arith.constant 0 : i32
      %dma_start3A_62 = tpu.memref_slice %arg6[%add3A_60, %dma_start3A_61] : memref<10240x128xf32, #tpu.memory_space<hbm>> -> memref<128x128xf32, #tpu.memory_space<hbm>>
      %dma_start3A_63 = arith.constant 0 : i32
      %dma_start3A_64 = tpu.memref_slice %arg6[%add3A_60, %dma_start3A_63] : memref<10240x128xf32, #tpu.memory_space<hbm>> -> memref<128x128xf32, #tpu.memory_space<hbm>>
      tpu.enqueue_dma source(%arg11 : memref<128x128xf32, #tpu.memory_space<vmem>>) target(%dma_start3A_64 : memref<128x128xf32, #tpu.memory_space<hbm>>) target_semaphore(%arg16 : memref<!tpu.dma_semaphore, #tpu.memory_space<semaphore_mem>>)
      %mul3A_65 = arith.constant 640 : i32
      %mul3A_66 = arith.muli %arg1, %mul3A_65 : i32
      %add3A_67 = arith.constant 0 : i32
      %add3A_68 = arith.addi %mul3A_66, %add3A_67 : i32
      %dma_wait3A = arith.constant 0 : i32
      %dma_wait3A_69 = tpu.memref_slice %arg6[%add3A_68, %dma_wait3A] : memref<10240x128xf32, #tpu.memory_space<hbm>> -> memref<128x128xf32, #tpu.memory_space<hbm>>
      %dma_wait3A_70 = arith.constant 0 : i32
      %dma_wait3A_71 = tpu.memref_slice %arg6[%add3A_68, %dma_wait3A_70] : memref<10240x128xf32, #tpu.memory_space<hbm>> -> memref<128x128xf32, #tpu.memory_space<hbm>>
      tpu.wait_dma2 semaphore(%arg15 : memref<!tpu.dma_semaphore, #tpu.memory_space<semaphore_mem>>) src(%arg10 : memref<128x128xf32, #tpu.memory_space<vmem>>) dst(%dma_wait3A_71 : memref<128x128xf32, #tpu.memory_space<hbm>>)
      %mul3A_72 = arith.constant 640 : i32
      %mul3A_73 = arith.muli %arg1, %mul3A_72 : i32
      %add3A_74 = arith.constant 256 : i32
      %add3A_75 = arith.addi %mul3A_73, %add3A_74 : i32
      "tpu.region"() ({
        %run_scoped3A = tpu.sem_alloc : memref<!tpu.dma_semaphore, #tpu.memory_space<semaphore_mem>>
        %dma_start3A_140 = arith.constant 0 : i32
        %dma_start3A_141 = tpu.memref_slice %arg12[%add3A_75, %dma_start3A_140] : memref<10240x128xf32, #tpu.memory_space<vmem_shared>> -> memref<128x128xf32, #tpu.memory_space<vmem_shared>>
        %dma_start3A_142 = arith.constant 0 : i32
        %dma_start3A_143 = tpu.memref_slice %arg12[%add3A_75, %dma_start3A_142] : memref<10240x128xf32, #tpu.memory_space<vmem_shared>> -> memref<128x128xf32, #tpu.memory_space<vmem_shared>>
        tpu.enqueue_dma source(%dma_start3A_143 : memref<128x128xf32, #tpu.memory_space<vmem_shared>>) target(%arg10 : memref<128x128xf32, #tpu.memory_space<vmem>>) target_semaphore(%run_scoped3A : memref<!tpu.dma_semaphore, #tpu.memory_space<semaphore_mem>>)
        %dma_wait3A_144 = arith.constant 0 : i32
        %dma_wait3A_145 = tpu.memref_slice %arg12[%add3A_75, %dma_wait3A_144] : memref<10240x128xf32, #tpu.memory_space<vmem_shared>> -> memref<128x128xf32, #tpu.memory_space<vmem_shared>>
        %dma_wait3A_146 = arith.constant 0 : i32
        %dma_wait3A_147 = tpu.memref_slice %arg12[%add3A_75, %dma_wait3A_146] : memref<10240x128xf32, #tpu.memory_space<vmem_shared>> -> memref<128x128xf32, #tpu.memory_space<vmem_shared>>
        tpu.wait_dma2 semaphore(%run_scoped3A : memref<!tpu.dma_semaphore, #tpu.memory_space<semaphore_mem>>) src(%dma_wait3A_147 : memref<128x128xf32, #tpu.memory_space<vmem_shared>>) dst(%arg10 : memref<128x128xf32, #tpu.memory_space<vmem>>)
        tpu.yield
      }) : () -> ()
      %mul3A_76 = arith.constant 640 : i32
      %mul3A_77 = arith.muli %arg1, %mul3A_76 : i32
      %add3A_78 = arith.constant 256 : i32
      %add3A_79 = arith.addi %mul3A_77, %add3A_78 : i32
      %dma_start3A_80 = arith.constant 0 : i32
      %dma_start3A_81 = tpu.memref_slice %arg6[%add3A_79, %dma_start3A_80] : memref<10240x128xf32, #tpu.memory_space<hbm>> -> memref<128x128xf32, #tpu.memory_space<hbm>>
      %dma_start3A_82 = arith.constant 0 : i32
      %dma_start3A_83 = tpu.memref_slice %arg6[%add3A_79, %dma_start3A_82] : memref<10240x128xf32, #tpu.memory_space<hbm>> -> memref<128x128xf32, #tpu.memory_space<hbm>>
      tpu.enqueue_dma source(%arg10 : memref<128x128xf32, #tpu.memory_space<vmem>>) target(%dma_start3A_83 : memref<128x128xf32, #tpu.memory_space<hbm>>) target_semaphore(%arg15 : memref<!tpu.dma_semaphore, #tpu.memory_space<semaphore_mem>>)
      %mul3A_84 = arith.constant 640 : i32
      %mul3A_85 = arith.muli %arg1, %mul3A_84 : i32
      %add3A_86 = arith.constant 128 : i32
      %add3A_87 = arith.addi %mul3A_85, %add3A_86 : i32
      %dma_wait3A_88 = arith.constant 0 : i32
      %dma_wait3A_89 = tpu.memref_slice %arg6[%add3A_87, %dma_wait3A_88] : memref<10240x128xf32, #tpu.memory_space<hbm>> -> memref<128x128xf32, #tpu.memory_space<hbm>>
      %dma_wait3A_90 = arith.constant 0 : i32
      %dma_wait3A_91 = tpu.memref_slice %arg6[%add3A_87, %dma_wait3A_90] : memref<10240x128xf32, #tpu.memory_space<hbm>> -> memref<128x128xf32, #tpu.memory_space<hbm>>
      tpu.wait_dma2 semaphore(%arg16 : memref<!tpu.dma_semaphore, #tpu.memory_space<semaphore_mem>>) src(%arg11 : memref<128x128xf32, #tpu.memory_space<vmem>>) dst(%dma_wait3A_91 : memref<128x128xf32, #tpu.memory_space<hbm>>)
      %mul3A_92 = arith.constant 640 : i32
      %mul3A_93 = arith.muli %arg1, %mul3A_92 : i32
      %add3A_94 = arith.constant 384 : i32
      %add3A_95 = arith.addi %mul3A_93, %add3A_94 : i32
      "tpu.region"() ({
        %run_scoped3A = tpu.sem_alloc : memref<!tpu.dma_semaphore, #tpu.memory_space<semaphore_mem>>
        %dma_start3A_140 = arith.constant 0 : i32
        %dma_start3A_141 = tpu.memref_slice %arg12[%add3A_95, %dma_start3A_140] : memref<10240x128xf32, #tpu.memory_space<vmem_shared>> -> memref<128x128xf32, #tpu.memory_space<vmem_shared>>
        %dma_start3A_142 = arith.constant 0 : i32
        %dma_start3A_143 = tpu.memref_slice %arg12[%add3A_95, %dma_start3A_142] : memref<10240x128xf32, #tpu.memory_space<vmem_shared>> -> memref<128x128xf32, #tpu.memory_space<vmem_shared>>
        tpu.enqueue_dma source(%dma_start3A_143 : memref<128x128xf32, #tpu.memory_space<vmem_shared>>) target(%arg11 : memref<128x128xf32, #tpu.memory_space<vmem>>) target_semaphore(%run_scoped3A : memref<!tpu.dma_semaphore, #tpu.memory_space<semaphore_mem>>)
        %dma_wait3A_144 = arith.constant 0 : i32
        %dma_wait3A_145 = tpu.memref_slice %arg12[%add3A_95, %dma_wait3A_144] : memref<10240x128xf32, #tpu.memory_space<vmem_shared>> -> memref<128x128xf32, #tpu.memory_space<vmem_shared>>
        %dma_wait3A_146 = arith.constant 0 : i32
        %dma_wait3A_147 = tpu.memref_slice %arg12[%add3A_95, %dma_wait3A_146] : memref<10240x128xf32, #tpu.memory_space<vmem_shared>> -> memref<128x128xf32, #tpu.memory_space<vmem_shared>>
        tpu.wait_dma2 semaphore(%run_scoped3A : memref<!tpu.dma_semaphore, #tpu.memory_space<semaphore_mem>>) src(%dma_wait3A_147 : memref<128x128xf32, #tpu.memory_space<vmem_shared>>) dst(%arg11 : memref<128x128xf32, #tpu.memory_space<vmem>>)
        tpu.yield
      }) : () -> ()
      %mul3A_96 = arith.constant 640 : i32
      %mul3A_97 = arith.muli %arg1, %mul3A_96 : i32
      %add3A_98 = arith.constant 384 : i32
      %add3A_99 = arith.addi %mul3A_97, %add3A_98 : i32
      %dma_start3A_100 = arith.constant 0 : i32
      %dma_start3A_101 = tpu.memref_slice %arg6[%add3A_99, %dma_start3A_100] : memref<10240x128xf32, #tpu.memory_space<hbm>> -> memref<128x128xf32, #tpu.memory_space<hbm>>
      %dma_start3A_102 = arith.constant 0 : i32
      %dma_start3A_103 = tpu.memref_slice %arg6[%add3A_99, %dma_start3A_102] : memref<10240x128xf32, #tpu.memory_space<hbm>> -> memref<128x128xf32, #tpu.memory_space<hbm>>
      tpu.enqueue_dma source(%arg11 : memref<128x128xf32, #tpu.memory_space<vmem>>) target(%dma_start3A_103 : memref<128x128xf32, #tpu.memory_space<hbm>>) target_semaphore(%arg16 : memref<!tpu.dma_semaphore, #tpu.memory_space<semaphore_mem>>)
      %mul3A_104 = arith.constant 640 : i32
      %mul3A_105 = arith.muli %arg1, %mul3A_104 : i32
      %add3A_106 = arith.constant 256 : i32
      %add3A_107 = arith.addi %mul3A_105, %add3A_106 : i32
      %dma_wait3A_108 = arith.constant 0 : i32
      %dma_wait3A_109 = tpu.memref_slice %arg6[%add3A_107, %dma_wait3A_108] : memref<10240x128xf32, #tpu.memory_space<hbm>> -> memref<128x128xf32, #tpu.memory_space<hbm>>
      %dma_wait3A_110 = arith.constant 0 : i32
      %dma_wait3A_111 = tpu.memref_slice %arg6[%add3A_107, %dma_wait3A_110] : memref<10240x128xf32, #tpu.memory_space<hbm>> -> memref<128x128xf32, #tpu.memory_space<hbm>>
      tpu.wait_dma2 semaphore(%arg15 : memref<!tpu.dma_semaphore, #tpu.memory_space<semaphore_mem>>) src(%arg10 : memref<128x128xf32, #tpu.memory_space<vmem>>) dst(%dma_wait3A_111 : memref<128x128xf32, #tpu.memory_space<hbm>>)
      %mul3A_112 = arith.constant 640 : i32
      %mul3A_113 = arith.muli %arg1, %mul3A_112 : i32
      %add3A_114 = arith.constant 512 : i32
      %add3A_115 = arith.addi %mul3A_113, %add3A_114 : i32
      "tpu.region"() ({
        %run_scoped3A = tpu.sem_alloc : memref<!tpu.dma_semaphore, #tpu.memory_space<semaphore_mem>>
        %dma_start3A_140 = arith.constant 0 : i32
        %dma_start3A_141 = tpu.memref_slice %arg12[%add3A_115, %dma_start3A_140] : memref<10240x128xf32, #tpu.memory_space<vmem_shared>> -> memref<128x128xf32, #tpu.memory_space<vmem_shared>>
        %dma_start3A_142 = arith.constant 0 : i32
        %dma_start3A_143 = tpu.memref_slice %arg12[%add3A_115, %dma_start3A_142] : memref<10240x128xf32, #tpu.memory_space<vmem_shared>> -> memref<128x128xf32, #tpu.memory_space<vmem_shared>>
        tpu.enqueue_dma source(%dma_start3A_143 : memref<128x128xf32, #tpu.memory_space<vmem_shared>>) target(%arg10 : memref<128x128xf32, #tpu.memory_space<vmem>>) target_semaphore(%run_scoped3A : memref<!tpu.dma_semaphore, #tpu.memory_space<semaphore_mem>>)
        %dma_wait3A_144 = arith.constant 0 : i32
        %dma_wait3A_145 = tpu.memref_slice %arg12[%add3A_115, %dma_wait3A_144] : memref<10240x128xf32, #tpu.memory_space<vmem_shared>> -> memref<128x128xf32, #tpu.memory_space<vmem_shared>>
        %dma_wait3A_146 = arith.constant 0 : i32
        %dma_wait3A_147 = tpu.memref_slice %arg12[%add3A_115, %dma_wait3A_146] : memref<10240x128xf32, #tpu.memory_space<vmem_shared>> -> memref<128x128xf32, #tpu.memory_space<vmem_shared>>
        tpu.wait_dma2 semaphore(%run_scoped3A : memref<!tpu.dma_semaphore, #tpu.memory_space<semaphore_mem>>) src(%dma_wait3A_147 : memref<128x128xf32, #tpu.memory_space<vmem_shared>>) dst(%arg10 : memref<128x128xf32, #tpu.memory_space<vmem>>)
        tpu.yield
      }) : () -> ()
      %mul3A_116 = arith.constant 640 : i32
      %mul3A_117 = arith.muli %arg1, %mul3A_116 : i32
      %add3A_118 = arith.constant 512 : i32
      %add3A_119 = arith.addi %mul3A_117, %add3A_118 : i32
      %dma_start3A_120 = arith.constant 0 : i32
      %dma_start3A_121 = tpu.memref_slice %arg6[%add3A_119, %dma_start3A_120] : memref<10240x128xf32, #tpu.memory_space<hbm>> -> memref<128x128xf32, #tpu.memory_space<hbm>>
      %dma_start3A_122 = arith.constant 0 : i32
      %dma_start3A_123 = tpu.memref_slice %arg6[%add3A_119, %dma_start3A_122] : memref<10240x128xf32, #tpu.memory_space<hbm>> -> memref<128x128xf32, #tpu.memory_space<hbm>>
      tpu.enqueue_dma source(%arg10 : memref<128x128xf32, #tpu.memory_space<vmem>>) target(%dma_start3A_123 : memref<128x128xf32, #tpu.memory_space<hbm>>) target_semaphore(%arg15 : memref<!tpu.dma_semaphore, #tpu.memory_space<semaphore_mem>>)
      %mul3A_124 = arith.constant 640 : i32
      %mul3A_125 = arith.muli %arg1, %mul3A_124 : i32
      %add3A_126 = arith.constant 384 : i32
      %add3A_127 = arith.addi %mul3A_125, %add3A_126 : i32
      %dma_wait3A_128 = arith.constant 0 : i32
      %dma_wait3A_129 = tpu.memref_slice %arg6[%add3A_127, %dma_wait3A_128] : memref<10240x128xf32, #tpu.memory_space<hbm>> -> memref<128x128xf32, #tpu.memory_space<hbm>>
      %dma_wait3A_130 = arith.constant 0 : i32
      %dma_wait3A_131 = tpu.memref_slice %arg6[%add3A_127, %dma_wait3A_130] : memref<10240x128xf32, #tpu.memory_space<hbm>> -> memref<128x128xf32, #tpu.memory_space<hbm>>
      tpu.wait_dma2 semaphore(%arg16 : memref<!tpu.dma_semaphore, #tpu.memory_space<semaphore_mem>>) src(%arg11 : memref<128x128xf32, #tpu.memory_space<vmem>>) dst(%dma_wait3A_131 : memref<128x128xf32, #tpu.memory_space<hbm>>)
      %mul3A_132 = arith.constant 640 : i32
      %mul3A_133 = arith.muli %arg1, %mul3A_132 : i32
      %add3A_134 = arith.constant 512 : i32
      %add3A_135 = arith.addi %mul3A_133, %add3A_134 : i32
      %dma_wait3A_136 = arith.constant 0 : i32
      %dma_wait3A_137 = tpu.memref_slice %arg6[%add3A_135, %dma_wait3A_136] : memref<10240x128xf32, #tpu.memory_space<hbm>> -> memref<128x128xf32, #tpu.memory_space<hbm>>
      %dma_wait3A_138 = arith.constant 0 : i32
      %dma_wait3A_139 = tpu.memref_slice %arg6[%add3A_135, %dma_wait3A_138] : memref<10240x128xf32, #tpu.memory_space<hbm>> -> memref<128x128xf32, #tpu.memory_space<hbm>>
      tpu.wait_dma2 semaphore(%arg15 : memref<!tpu.dma_semaphore, #tpu.memory_space<semaphore_mem>>) src(%arg10 : memref<128x128xf32, #tpu.memory_space<vmem>>) dst(%dma_wait3A_139 : memref<128x128xf32, #tpu.memory_space<hbm>>)
    } else {
    }
    %eq3A_37 = arith.constant 1 : i32
    %eq3A_38 = arith.cmpi eq, %arg0, %eq3A_37 : i32
    %convert_element_type3A_39 = arith.extui %eq3A_38 : i1 to i32
    %cond3A_40 = arith.constant 0 : i32
    %cond3A_41 = arith.cmpi ne, %convert_element_type3A_39, %cond3A_40 : i32
    scf.if %cond3A_41 {
      %mul3A_42 = arith.constant 640 : i32
      %mul3A_43 = arith.muli %arg1, %mul3A_42 : i32
      %add3A_44 = arith.constant 0 : i32
      %add3A_45 = arith.addi %mul3A_43, %add3A_44 : i32
      "tpu.region"() ({
        %run_scoped3A = tpu.sem_alloc : memref<!tpu.dma_semaphore, #tpu.memory_space<semaphore_mem>>
        %dma_start3A_140 = arith.constant 0 : i32
        %dma_start3A_141 = tpu.memref_slice %arg12[%add3A_45, %dma_start3A_140] : memref<10240x128xf32, #tpu.memory_space<vmem_shared>> -> memref<128x128xf32, #tpu.memory_space<vmem_shared>>
        %dma_start3A_142 = arith.constant 0 : i32
        %dma_start3A_143 = tpu.memref_slice %arg12[%add3A_45, %dma_start3A_142] : memref<10240x128xf32, #tpu.memory_space<vmem_shared>> -> memref<128x128xf32, #tpu.memory_space<vmem_shared>>
        tpu.enqueue_dma source(%dma_start3A_143 : memref<128x128xf32, #tpu.memory_space<vmem_shared>>) target(%arg10 : memref<128x128xf32, #tpu.memory_space<vmem>>) target_semaphore(%run_scoped3A : memref<!tpu.dma_semaphore, #tpu.memory_space<semaphore_mem>>)
        %dma_wait3A_144 = arith.constant 0 : i32
        %dma_wait3A_145 = tpu.memref_slice %arg12[%add3A_45, %dma_wait3A_144] : memref<10240x128xf32, #tpu.memory_space<vmem_shared>> -> memref<128x128xf32, #tpu.memory_space<vmem_shared>>
        %dma_wait3A_146 = arith.constant 0 : i32
        %dma_wait3A_147 = tpu.memref_slice %arg12[%add3A_45, %dma_wait3A_146] : memref<10240x128xf32, #tpu.memory_space<vmem_shared>> -> memref<128x128xf32, #tpu.memory_space<vmem_shared>>
        tpu.wait_dma2 semaphore(%run_scoped3A : memref<!tpu.dma_semaphore, #tpu.memory_space<semaphore_mem>>) src(%dma_wait3A_147 : memref<128x128xf32, #tpu.memory_space<vmem_shared>>) dst(%arg10 : memref<128x128xf32, #tpu.memory_space<vmem>>)
        tpu.yield
      }) : () -> ()
      %mul3A_46 = arith.constant 640 : i32
      %mul3A_47 = arith.muli %arg1, %mul3A_46 : i32
      %add3A_48 = arith.constant 0 : i32
      %add3A_49 = arith.addi %mul3A_47, %add3A_48 : i32
      %dma_start3A = arith.constant 0 : i32
      %dma_start3A_50 = tpu.memref_slice %arg7[%add3A_49, %dma_start3A] : memref<10240x128xf32, #tpu.memory_space<hbm>> -> memref<128x128xf32, #tpu.memory_space<hbm>>
      %dma_start3A_51 = arith.constant 0 : i32
      %dma_start3A_52 = tpu.memref_slice %arg7[%add3A_49, %dma_start3A_51] : memref<10240x128xf32, #tpu.memory_space<hbm>> -> memref<128x128xf32, #tpu.memory_space<hbm>>
      tpu.enqueue_dma source(%arg10 : memref<128x128xf32, #tpu.memory_space<vmem>>) target(%dma_start3A_52 : memref<128x128xf32, #tpu.memory_space<hbm>>) target_semaphore(%arg15 : memref<!tpu.dma_semaphore, #tpu.memory_space<semaphore_mem>>)
      %mul3A_53 = arith.constant 640 : i32
      %mul3A_54 = arith.muli %arg1, %mul3A_53 : i32
      %add3A_55 = arith.constant 128 : i32
      %add3A_56 = arith.addi %mul3A_54, %add3A_55 : i32
      "tpu.region"() ({
        %run_scoped3A = tpu.sem_alloc : memref<!tpu.dma_semaphore, #tpu.memory_space<semaphore_mem>>
        %dma_start3A_140 = arith.constant 0 : i32
        %dma_start3A_141 = tpu.memref_slice %arg12[%add3A_56, %dma_start3A_140] : memref<10240x128xf32, #tpu.memory_space<vmem_shared>> -> memref<128x128xf32, #tpu.memory_space<vmem_shared>>
        %dma_start3A_142 = arith.constant 0 : i32
        %dma_start3A_143 = tpu.memref_slice %arg12[%add3A_56, %dma_start3A_142] : memref<10240x128xf32, #tpu.memory_space<vmem_shared>> -> memref<128x128xf32, #tpu.memory_space<vmem_shared>>
        tpu.enqueue_dma source(%dma_start3A_143 : memref<128x128xf32, #tpu.memory_space<vmem_shared>>) target(%arg11 : memref<128x128xf32, #tpu.memory_space<vmem>>) target_semaphore(%run_scoped3A : memref<!tpu.dma_semaphore, #tpu.memory_space<semaphore_mem>>)
        %dma_wait3A_144 = arith.constant 0 : i32
        %dma_wait3A_145 = tpu.memref_slice %arg12[%add3A_56, %dma_wait3A_144] : memref<10240x128xf32, #tpu.memory_space<vmem_shared>> -> memref<128x128xf32, #tpu.memory_space<vmem_shared>>
        %dma_wait3A_146 = arith.constant 0 : i32
        %dma_wait3A_147 = tpu.memref_slice %arg12[%add3A_56, %dma_wait3A_146] : memref<10240x128xf32, #tpu.memory_space<vmem_shared>> -> memref<128x128xf32, #tpu.memory_space<vmem_shared>>
        tpu.wait_dma2 semaphore(%run_scoped3A : memref<!tpu.dma_semaphore, #tpu.memory_space<semaphore_mem>>) src(%dma_wait3A_147 : memref<128x128xf32, #tpu.memory_space<vmem_shared>>) dst(%arg11 : memref<128x128xf32, #tpu.memory_space<vmem>>)
        tpu.yield
      }) : () -> ()
      %mul3A_57 = arith.constant 640 : i32
      %mul3A_58 = arith.muli %arg1, %mul3A_57 : i32
      %add3A_59 = arith.constant 128 : i32
      %add3A_60 = arith.addi %mul3A_58, %add3A_59 : i32
      %dma_start3A_61 = arith.constant 0 : i32
      %dma_start3A_62 = tpu.memref_slice %arg7[%add3A_60, %dma_start3A_61] : memref<10240x128xf32, #tpu.memory_space<hbm>> -> memref<128x128xf32, #tpu.memory_space<hbm>>
      %dma_start3A_63 = arith.constant 0 : i32
      %dma_start3A_64 = tpu.memref_slice %arg7[%add3A_60, %dma_start3A_63] : memref<10240x128xf32, #tpu.memory_space<hbm>> -> memref<128x128xf32, #tpu.memory_space<hbm>>
      tpu.enqueue_dma source(%arg11 : memref<128x128xf32, #tpu.memory_space<vmem>>) target(%dma_start3A_64 : memref<128x128xf32, #tpu.memory_space<hbm>>) target_semaphore(%arg16 : memref<!tpu.dma_semaphore, #tpu.memory_space<semaphore_mem>>)
      %mul3A_65 = arith.constant 640 : i32
      %mul3A_66 = arith.muli %arg1, %mul3A_65 : i32
      %add3A_67 = arith.constant 0 : i32
      %add3A_68 = arith.addi %mul3A_66, %add3A_67 : i32
      %dma_wait3A = arith.constant 0 : i32
      %dma_wait3A_69 = tpu.memref_slice %arg7[%add3A_68, %dma_wait3A] : memref<10240x128xf32, #tpu.memory_space<hbm>> -> memref<128x128xf32, #tpu.memory_space<hbm>>
      %dma_wait3A_70 = arith.constant 0 : i32
      %dma_wait3A_71 = tpu.memref_slice %arg7[%add3A_68, %dma_wait3A_70] : memref<10240x128xf32, #tpu.memory_space<hbm>> -> memref<128x128xf32, #tpu.memory_space<hbm>>
      tpu.wait_dma2 semaphore(%arg15 : memref<!tpu.dma_semaphore, #tpu.memory_space<semaphore_mem>>) src(%arg10 : memref<128x128xf32, #tpu.memory_space<vmem>>) dst(%dma_wait3A_71 : memref<128x128xf32, #tpu.memory_space<hbm>>)
      %mul3A_72 = arith.constant 640 : i32
      %mul3A_73 = arith.muli %arg1, %mul3A_72 : i32
      %add3A_74 = arith.constant 256 : i32
      %add3A_75 = arith.addi %mul3A_73, %add3A_74 : i32
      "tpu.region"() ({
        %run_scoped3A = tpu.sem_alloc : memref<!tpu.dma_semaphore, #tpu.memory_space<semaphore_mem>>
        %dma_start3A_140 = arith.constant 0 : i32
        %dma_start3A_141 = tpu.memref_slice %arg12[%add3A_75, %dma_start3A_140] : memref<10240x128xf32, #tpu.memory_space<vmem_shared>> -> memref<128x128xf32, #tpu.memory_space<vmem_shared>>
        %dma_start3A_142 = arith.constant 0 : i32
        %dma_start3A_143 = tpu.memref_slice %arg12[%add3A_75, %dma_start3A_142] : memref<10240x128xf32, #tpu.memory_space<vmem_shared>> -> memref<128x128xf32, #tpu.memory_space<vmem_shared>>
        tpu.enqueue_dma source(%dma_start3A_143 : memref<128x128xf32, #tpu.memory_space<vmem_shared>>) target(%arg10 : memref<128x128xf32, #tpu.memory_space<vmem>>) target_semaphore(%run_scoped3A : memref<!tpu.dma_semaphore, #tpu.memory_space<semaphore_mem>>)
        %dma_wait3A_144 = arith.constant 0 : i32
        %dma_wait3A_145 = tpu.memref_slice %arg12[%add3A_75, %dma_wait3A_144] : memref<10240x128xf32, #tpu.memory_space<vmem_shared>> -> memref<128x128xf32, #tpu.memory_space<vmem_shared>>
        %dma_wait3A_146 = arith.constant 0 : i32
        %dma_wait3A_147 = tpu.memref_slice %arg12[%add3A_75, %dma_wait3A_146] : memref<10240x128xf32, #tpu.memory_space<vmem_shared>> -> memref<128x128xf32, #tpu.memory_space<vmem_shared>>
        tpu.wait_dma2 semaphore(%run_scoped3A : memref<!tpu.dma_semaphore, #tpu.memory_space<semaphore_mem>>) src(%dma_wait3A_147 : memref<128x128xf32, #tpu.memory_space<vmem_shared>>) dst(%arg10 : memref<128x128xf32, #tpu.memory_space<vmem>>)
        tpu.yield
      }) : () -> ()
      %mul3A_76 = arith.constant 640 : i32
      %mul3A_77 = arith.muli %arg1, %mul3A_76 : i32
      %add3A_78 = arith.constant 256 : i32
      %add3A_79 = arith.addi %mul3A_77, %add3A_78 : i32
      %dma_start3A_80 = arith.constant 0 : i32
      %dma_start3A_81 = tpu.memref_slice %arg7[%add3A_79, %dma_start3A_80] : memref<10240x128xf32, #tpu.memory_space<hbm>> -> memref<128x128xf32, #tpu.memory_space<hbm>>
      %dma_start3A_82 = arith.constant 0 : i32
      %dma_start3A_83 = tpu.memref_slice %arg7[%add3A_79, %dma_start3A_82] : memref<10240x128xf32, #tpu.memory_space<hbm>> -> memref<128x128xf32, #tpu.memory_space<hbm>>
      tpu.enqueue_dma source(%arg10 : memref<128x128xf32, #tpu.memory_space<vmem>>) target(%dma_start3A_83 : memref<128x128xf32, #tpu.memory_space<hbm>>) target_semaphore(%arg15 : memref<!tpu.dma_semaphore, #tpu.memory_space<semaphore_mem>>)
      %mul3A_84 = arith.constant 640 : i32
      %mul3A_85 = arith.muli %arg1, %mul3A_84 : i32
      %add3A_86 = arith.constant 128 : i32
      %add3A_87 = arith.addi %mul3A_85, %add3A_86 : i32
      %dma_wait3A_88 = arith.constant 0 : i32
      %dma_wait3A_89 = tpu.memref_slice %arg7[%add3A_87, %dma_wait3A_88] : memref<10240x128xf32, #tpu.memory_space<hbm>> -> memref<128x128xf32, #tpu.memory_space<hbm>>
      %dma_wait3A_90 = arith.constant 0 : i32
      %dma_wait3A_91 = tpu.memref_slice %arg7[%add3A_87, %dma_wait3A_90] : memref<10240x128xf32, #tpu.memory_space<hbm>> -> memref<128x128xf32, #tpu.memory_space<hbm>>
      tpu.wait_dma2 semaphore(%arg16 : memref<!tpu.dma_semaphore, #tpu.memory_space<semaphore_mem>>) src(%arg11 : memref<128x128xf32, #tpu.memory_space<vmem>>) dst(%dma_wait3A_91 : memref<128x128xf32, #tpu.memory_space<hbm>>)
      %mul3A_92 = arith.constant 640 : i32
      %mul3A_93 = arith.muli %arg1, %mul3A_92 : i32
      %add3A_94 = arith.constant 384 : i32
      %add3A_95 = arith.addi %mul3A_93, %add3A_94 : i32
      "tpu.region"() ({
        %run_scoped3A = tpu.sem_alloc : memref<!tpu.dma_semaphore, #tpu.memory_space<semaphore_mem>>
        %dma_start3A_140 = arith.constant 0 : i32
        %dma_start3A_141 = tpu.memref_slice %arg12[%add3A_95, %dma_start3A_140] : memref<10240x128xf32, #tpu.memory_space<vmem_shared>> -> memref<128x128xf32, #tpu.memory_space<vmem_shared>>
        %dma_start3A_142 = arith.constant 0 : i32
        %dma_start3A_143 = tpu.memref_slice %arg12[%add3A_95, %dma_start3A_142] : memref<10240x128xf32, #tpu.memory_space<vmem_shared>> -> memref<128x128xf32, #tpu.memory_space<vmem_shared>>
        tpu.enqueue_dma source(%dma_start3A_143 : memref<128x128xf32, #tpu.memory_space<vmem_shared>>) target(%arg11 : memref<128x128xf32, #tpu.memory_space<vmem>>) target_semaphore(%run_scoped3A : memref<!tpu.dma_semaphore, #tpu.memory_space<semaphore_mem>>)
        %dma_wait3A_144 = arith.constant 0 : i32
        %dma_wait3A_145 = tpu.memref_slice %arg12[%add3A_95, %dma_wait3A_144] : memref<10240x128xf32, #tpu.memory_space<vmem_shared>> -> memref<128x128xf32, #tpu.memory_space<vmem_shared>>
        %dma_wait3A_146 = arith.constant 0 : i32
        %dma_wait3A_147 = tpu.memref_slice %arg12[%add3A_95, %dma_wait3A_146] : memref<10240x128xf32, #tpu.memory_space<vmem_shared>> -> memref<128x128xf32, #tpu.memory_space<vmem_shared>>
        tpu.wait_dma2 semaphore(%run_scoped3A : memref<!tpu.dma_semaphore, #tpu.memory_space<semaphore_mem>>) src(%dma_wait3A_147 : memref<128x128xf32, #tpu.memory_space<vmem_shared>>) dst(%arg11 : memref<128x128xf32, #tpu.memory_space<vmem>>)
        tpu.yield
      }) : () -> ()
      %mul3A_96 = arith.constant 640 : i32
      %mul3A_97 = arith.muli %arg1, %mul3A_96 : i32
      %add3A_98 = arith.constant 384 : i32
      %add3A_99 = arith.addi %mul3A_97, %add3A_98 : i32
      %dma_start3A_100 = arith.constant 0 : i32
      %dma_start3A_101 = tpu.memref_slice %arg7[%add3A_99, %dma_start3A_100] : memref<10240x128xf32, #tpu.memory_space<hbm>> -> memref<128x128xf32, #tpu.memory_space<hbm>>
      %dma_start3A_102 = arith.constant 0 : i32
      %dma_start3A_103 = tpu.memref_slice %arg7[%add3A_99, %dma_start3A_102] : memref<10240x128xf32, #tpu.memory_space<hbm>> -> memref<128x128xf32, #tpu.memory_space<hbm>>
      tpu.enqueue_dma source(%arg11 : memref<128x128xf32, #tpu.memory_space<vmem>>) target(%dma_start3A_103 : memref<128x128xf32, #tpu.memory_space<hbm>>) target_semaphore(%arg16 : memref<!tpu.dma_semaphore, #tpu.memory_space<semaphore_mem>>)
      %mul3A_104 = arith.constant 640 : i32
      %mul3A_105 = arith.muli %arg1, %mul3A_104 : i32
      %add3A_106 = arith.constant 256 : i32
      %add3A_107 = arith.addi %mul3A_105, %add3A_106 : i32
      %dma_wait3A_108 = arith.constant 0 : i32
      %dma_wait3A_109 = tpu.memref_slice %arg7[%add3A_107, %dma_wait3A_108] : memref<10240x128xf32, #tpu.memory_space<hbm>> -> memref<128x128xf32, #tpu.memory_space<hbm>>
      %dma_wait3A_110 = arith.constant 0 : i32
      %dma_wait3A_111 = tpu.memref_slice %arg7[%add3A_107, %dma_wait3A_110] : memref<10240x128xf32, #tpu.memory_space<hbm>> -> memref<128x128xf32, #tpu.memory_space<hbm>>
      tpu.wait_dma2 semaphore(%arg15 : memref<!tpu.dma_semaphore, #tpu.memory_space<semaphore_mem>>) src(%arg10 : memref<128x128xf32, #tpu.memory_space<vmem>>) dst(%dma_wait3A_111 : memref<128x128xf32, #tpu.memory_space<hbm>>)
      %mul3A_112 = arith.constant 640 : i32
      %mul3A_113 = arith.muli %arg1, %mul3A_112 : i32
      %add3A_114 = arith.constant 512 : i32
      %add3A_115 = arith.addi %mul3A_113, %add3A_114 : i32
      "tpu.region"() ({
        %run_scoped3A = tpu.sem_alloc : memref<!tpu.dma_semaphore, #tpu.memory_space<semaphore_mem>>
        %dma_start3A_140 = arith.constant 0 : i32
        %dma_start3A_141 = tpu.memref_slice %arg12[%add3A_115, %dma_start3A_140] : memref<10240x128xf32, #tpu.memory_space<vmem_shared>> -> memref<128x128xf32, #tpu.memory_space<vmem_shared>>
        %dma_start3A_142 = arith.constant 0 : i32
        %dma_start3A_143 = tpu.memref_slice %arg12[%add3A_115, %dma_start3A_142] : memref<10240x128xf32, #tpu.memory_space<vmem_shared>> -> memref<128x128xf32, #tpu.memory_space<vmem_shared>>
        tpu.enqueue_dma source(%dma_start3A_143 : memref<128x128xf32, #tpu.memory_space<vmem_shared>>) target(%arg10 : memref<128x128xf32, #tpu.memory_space<vmem>>) target_semaphore(%run_scoped3A : memref<!tpu.dma_semaphore, #tpu.memory_space<semaphore_mem>>)
        %dma_wait3A_144 = arith.constant 0 : i32
        %dma_wait3A_145 = tpu.memref_slice %arg12[%add3A_115, %dma_wait3A_144] : memref<10240x128xf32, #tpu.memory_space<vmem_shared>> -> memref<128x128xf32, #tpu.memory_space<vmem_shared>>
        %dma_wait3A_146 = arith.constant 0 : i32
        %dma_wait3A_147 = tpu.memref_slice %arg12[%add3A_115, %dma_wait3A_146] : memref<10240x128xf32, #tpu.memory_space<vmem_shared>> -> memref<128x128xf32, #tpu.memory_space<vmem_shared>>
        tpu.wait_dma2 semaphore(%run_scoped3A : memref<!tpu.dma_semaphore, #tpu.memory_space<semaphore_mem>>) src(%dma_wait3A_147 : memref<128x128xf32, #tpu.memory_space<vmem_shared>>) dst(%arg10 : memref<128x128xf32, #tpu.memory_space<vmem>>)
        tpu.yield
      }) : () -> ()
      %mul3A_116 = arith.constant 640 : i32
      %mul3A_117 = arith.muli %arg1, %mul3A_116 : i32
      %add3A_118 = arith.constant 512 : i32
      %add3A_119 = arith.addi %mul3A_117, %add3A_118 : i32
      %dma_start3A_120 = arith.constant 0 : i32
      %dma_start3A_121 = tpu.memref_slice %arg7[%add3A_119, %dma_start3A_120] : memref<10240x128xf32, #tpu.memory_space<hbm>> -> memref<128x128xf32, #tpu.memory_space<hbm>>
      %dma_start3A_122 = arith.constant 0 : i32
      %dma_start3A_123 = tpu.memref_slice %arg7[%add3A_119, %dma_start3A_122] : memref<10240x128xf32, #tpu.memory_space<hbm>> -> memref<128x128xf32, #tpu.memory_space<hbm>>
      tpu.enqueue_dma source(%arg10 : memref<128x128xf32, #tpu.memory_space<vmem>>) target(%dma_start3A_123 : memref<128x128xf32, #tpu.memory_space<hbm>>) target_semaphore(%arg15 : memref<!tpu.dma_semaphore, #tpu.memory_space<semaphore_mem>>)
      %mul3A_124 = arith.constant 640 : i32
      %mul3A_125 = arith.muli %arg1, %mul3A_124 : i32
      %add3A_126 = arith.constant 384 : i32
      %add3A_127 = arith.addi %mul3A_125, %add3A_126 : i32
      %dma_wait3A_128 = arith.constant 0 : i32
      %dma_wait3A_129 = tpu.memref_slice %arg7[%add3A_127, %dma_wait3A_128] : memref<10240x128xf32, #tpu.memory_space<hbm>> -> memref<128x128xf32, #tpu.memory_space<hbm>>
      %dma_wait3A_130 = arith.constant 0 : i32
      %dma_wait3A_131 = tpu.memref_slice %arg7[%add3A_127, %dma_wait3A_130] : memref<10240x128xf32, #tpu.memory_space<hbm>> -> memref<128x128xf32, #tpu.memory_space<hbm>>
      tpu.wait_dma2 semaphore(%arg16 : memref<!tpu.dma_semaphore, #tpu.memory_space<semaphore_mem>>) src(%arg11 : memref<128x128xf32, #tpu.memory_space<vmem>>) dst(%dma_wait3A_131 : memref<128x128xf32, #tpu.memory_space<hbm>>)
      %mul3A_132 = arith.constant 640 : i32
      %mul3A_133 = arith.muli %arg1, %mul3A_132 : i32
      %add3A_134 = arith.constant 512 : i32
      %add3A_135 = arith.addi %mul3A_133, %add3A_134 : i32
      %dma_wait3A_136 = arith.constant 0 : i32
      %dma_wait3A_137 = tpu.memref_slice %arg7[%add3A_135, %dma_wait3A_136] : memref<10240x128xf32, #tpu.memory_space<hbm>> -> memref<128x128xf32, #tpu.memory_space<hbm>>
      %dma_wait3A_138 = arith.constant 0 : i32
      %dma_wait3A_139 = tpu.memref_slice %arg7[%add3A_135, %dma_wait3A_138] : memref<10240x128xf32, #tpu.memory_space<hbm>> -> memref<128x128xf32, #tpu.memory_space<hbm>>
      tpu.wait_dma2 semaphore(%arg15 : memref<!tpu.dma_semaphore, #tpu.memory_space<semaphore_mem>>) src(%arg10 : memref<128x128xf32, #tpu.memory_space<vmem>>) dst(%dma_wait3A_139 : memref<128x128xf32, #tpu.memory_space<hbm>>)
    } else {
    }
    return
  }
}

module attributes {stable_mosaic.version = 14 : i64} {
  func.func @_proj_body(%arg0: i32, %arg1: memref<2000x256xf32, #tpu.memory_space<vmem>>, %arg2: memref<2000x8xf32, #tpu.memory_space<vmem>>, %arg3: memref<2048x256xf32, #tpu.memory_space<vmem>>, %arg4: memref<256x256xf32, #tpu.memory_space<vmem>>, %arg5: memref<2000x256xf32, #tpu.memory_space<vmem>>) attributes {dimension_semantics = [#tpu.dimension_semantics<arbitrary>], iteration_bounds = array<i64: 5>, scalar_prefetch = 0 : i64, scratch_operands = 0 : i64, tpu.core_type = #tpu.core_type<tc>, window_params = [{transform_indices = @transform_0, window_bounds = array<i64: 2000, 256>}, {transform_indices = @transform_1, window_bounds = array<i64: 2000, 8>}, {pipeline_mode = #tpu.pipeline_mode<synchronous>, transform_indices = @transform_2, window_bounds = array<i64: 2048, 256>}, {pipeline_mode = #tpu.pipeline_mode<synchronous>, transform_indices = @transform_3, window_bounds = array<i64: 256, 256>}, {transform_indices = @transform_4, window_bounds = array<i64: 2000, 256>}]} {
    %get3A = arith.constant 0 : index
    %get3A_0 = arith.constant 0 : index
    %get3A_1 = vector.load %arg1[%get3A, %get3A_0] : memref<2000x256xf32, #tpu.memory_space<vmem>>, vector<2000x256xf32>
    %get3A_2 = arith.constant 0 : index
    %get3A_3 = arith.constant 0 : index
    %get3A_4 = vector.load %arg2[%get3A_2, %get3A_3] : memref<2000x8xf32, #tpu.memory_space<vmem>>, vector<2000x8xf32>
    %broadcast_in_dim3A = arith.constant 0.000000e+00 : f32
    %broadcast_in_dim3A_5 = vector.broadcast %broadcast_in_dim3A : f32 to vector<2000x256xf32>
    %get3A_6 = arith.constant 0 : index
    %get3A_7 = arith.constant 0 : index
    %get3A_8 = vector.load %arg3[%get3A_6, %get3A_7] : memref<2048x256xf32, #tpu.memory_space<vmem>>, vector<256x256xf32>
    %dot_general3A = arith.constant dense<0.000000e+00> : vector<2000x256xf32>
    %dot_general3A_9 = tpu.matmul %get3A_1, %get3A_8, %dot_general3A {dimension_numbers = #tpu.dot_dimension_numbers<[1], [1], [0], [0], [0, 0, 1, 0], [], []>, transpose_lhs_hint = false} : vector<2000x256xf32>, vector<256x256xf32>, vector<2000x256xf32> -> vector<2000x256xf32>
    %slice3A = vector.extract_strided_slice %get3A_4 {offsets = [0, 0], sizes = [2000, 1], strides = [1, 1]} : vector<2000x8xf32> to vector<2000x1xf32>
    %mul3A = vector.broadcast %slice3A : vector<2000x1xf32> to vector<2000x256xf32>
    %mul3A_10 = arith.mulf %mul3A, %dot_general3A_9 : vector<2000x256xf32>
    %add3A = arith.addf %broadcast_in_dim3A_5, %mul3A_10 : vector<2000x256xf32>
    %get3A_11 = arith.constant 256 : index
    %get3A_12 = arith.constant 0 : index
    %get3A_13 = vector.load %arg3[%get3A_11, %get3A_12] : memref<2048x256xf32, #tpu.memory_space<vmem>>, vector<256x256xf32>
    %dot_general3A_14 = arith.constant dense<0.000000e+00> : vector<2000x256xf32>
    %dot_general3A_15 = tpu.matmul %get3A_1, %get3A_13, %dot_general3A_14 {dimension_numbers = #tpu.dot_dimension_numbers<[1], [1], [0], [0], [0, 0, 1, 0], [], []>, transpose_lhs_hint = false} : vector<2000x256xf32>, vector<256x256xf32>, vector<2000x256xf32> -> vector<2000x256xf32>
    %slice3A_16 = vector.extract_strided_slice %get3A_4 {offsets = [0, 1], sizes = [2000, 1], strides = [1, 1]} : vector<2000x8xf32> to vector<2000x1xf32>
    %mul3A_17 = vector.broadcast %slice3A_16 : vector<2000x1xf32> to vector<2000x256xf32>
    %mul3A_18 = arith.mulf %mul3A_17, %dot_general3A_15 : vector<2000x256xf32>
    %add3A_19 = arith.addf %add3A, %mul3A_18 : vector<2000x256xf32>
    %get3A_20 = arith.constant 512 : index
    %get3A_21 = arith.constant 0 : index
    %get3A_22 = vector.load %arg3[%get3A_20, %get3A_21] : memref<2048x256xf32, #tpu.memory_space<vmem>>, vector<256x256xf32>
    %dot_general3A_23 = arith.constant dense<0.000000e+00> : vector<2000x256xf32>
    %dot_general3A_24 = tpu.matmul %get3A_1, %get3A_22, %dot_general3A_23 {dimension_numbers = #tpu.dot_dimension_numbers<[1], [1], [0], [0], [0, 0, 1, 0], [], []>, transpose_lhs_hint = false} : vector<2000x256xf32>, vector<256x256xf32>, vector<2000x256xf32> -> vector<2000x256xf32>
    %slice3A_25 = vector.extract_strided_slice %get3A_4 {offsets = [0, 2], sizes = [2000, 1], strides = [1, 1]} : vector<2000x8xf32> to vector<2000x1xf32>
    %mul3A_26 = vector.broadcast %slice3A_25 : vector<2000x1xf32> to vector<2000x256xf32>
    %mul3A_27 = arith.mulf %mul3A_26, %dot_general3A_24 : vector<2000x256xf32>
    %add3A_28 = arith.addf %add3A_19, %mul3A_27 : vector<2000x256xf32>
    %get3A_29 = arith.constant 768 : index
    %get3A_30 = arith.constant 0 : index
    %get3A_31 = vector.load %arg3[%get3A_29, %get3A_30] : memref<2048x256xf32, #tpu.memory_space<vmem>>, vector<256x256xf32>
    %dot_general3A_32 = arith.constant dense<0.000000e+00> : vector<2000x256xf32>
    %dot_general3A_33 = tpu.matmul %get3A_1, %get3A_31, %dot_general3A_32 {dimension_numbers = #tpu.dot_dimension_numbers<[1], [1], [0], [0], [0, 0, 1, 0], [], []>, transpose_lhs_hint = false} : vector<2000x256xf32>, vector<256x256xf32>, vector<2000x256xf32> -> vector<2000x256xf32>
    %slice3A_34 = vector.extract_strided_slice %get3A_4 {offsets = [0, 3], sizes = [2000, 1], strides = [1, 1]} : vector<2000x8xf32> to vector<2000x1xf32>
    %mul3A_35 = vector.broadcast %slice3A_34 : vector<2000x1xf32> to vector<2000x256xf32>
    %mul3A_36 = arith.mulf %mul3A_35, %dot_general3A_33 : vector<2000x256xf32>
    %add3A_37 = arith.addf %add3A_28, %mul3A_36 : vector<2000x256xf32>
    %get3A_38 = arith.constant 1024 : index
    %get3A_39 = arith.constant 0 : index
    %get3A_40 = vector.load %arg3[%get3A_38, %get3A_39] : memref<2048x256xf32, #tpu.memory_space<vmem>>, vector<256x256xf32>
    %dot_general3A_41 = arith.constant dense<0.000000e+00> : vector<2000x256xf32>
    %dot_general3A_42 = tpu.matmul %get3A_1, %get3A_40, %dot_general3A_41 {dimension_numbers = #tpu.dot_dimension_numbers<[1], [1], [0], [0], [0, 0, 1, 0], [], []>, transpose_lhs_hint = false} : vector<2000x256xf32>, vector<256x256xf32>, vector<2000x256xf32> -> vector<2000x256xf32>
    %slice3A_43 = vector.extract_strided_slice %get3A_4 {offsets = [0, 4], sizes = [2000, 1], strides = [1, 1]} : vector<2000x8xf32> to vector<2000x1xf32>
    %mul3A_44 = vector.broadcast %slice3A_43 : vector<2000x1xf32> to vector<2000x256xf32>
    %mul3A_45 = arith.mulf %mul3A_44, %dot_general3A_42 : vector<2000x256xf32>
    %add3A_46 = arith.addf %add3A_37, %mul3A_45 : vector<2000x256xf32>
    %get3A_47 = arith.constant 1280 : index
    %get3A_48 = arith.constant 0 : index
    %get3A_49 = vector.load %arg3[%get3A_47, %get3A_48] : memref<2048x256xf32, #tpu.memory_space<vmem>>, vector<256x256xf32>
    %dot_general3A_50 = arith.constant dense<0.000000e+00> : vector<2000x256xf32>
    %dot_general3A_51 = tpu.matmul %get3A_1, %get3A_49, %dot_general3A_50 {dimension_numbers = #tpu.dot_dimension_numbers<[1], [1], [0], [0], [0, 0, 1, 0], [], []>, transpose_lhs_hint = false} : vector<2000x256xf32>, vector<256x256xf32>, vector<2000x256xf32> -> vector<2000x256xf32>
    %slice3A_52 = vector.extract_strided_slice %get3A_4 {offsets = [0, 5], sizes = [2000, 1], strides = [1, 1]} : vector<2000x8xf32> to vector<2000x1xf32>
    %mul3A_53 = vector.broadcast %slice3A_52 : vector<2000x1xf32> to vector<2000x256xf32>
    %mul3A_54 = arith.mulf %mul3A_53, %dot_general3A_51 : vector<2000x256xf32>
    %add3A_55 = arith.addf %add3A_46, %mul3A_54 : vector<2000x256xf32>
    %get3A_56 = arith.constant 1536 : index
    %get3A_57 = arith.constant 0 : index
    %get3A_58 = vector.load %arg3[%get3A_56, %get3A_57] : memref<2048x256xf32, #tpu.memory_space<vmem>>, vector<256x256xf32>
    %dot_general3A_59 = arith.constant dense<0.000000e+00> : vector<2000x256xf32>
    %dot_general3A_60 = tpu.matmul %get3A_1, %get3A_58, %dot_general3A_59 {dimension_numbers = #tpu.dot_dimension_numbers<[1], [1], [0], [0], [0, 0, 1, 0], [], []>, transpose_lhs_hint = false} : vector<2000x256xf32>, vector<256x256xf32>, vector<2000x256xf32> -> vector<2000x256xf32>
    %slice3A_61 = vector.extract_strided_slice %get3A_4 {offsets = [0, 6], sizes = [2000, 1], strides = [1, 1]} : vector<2000x8xf32> to vector<2000x1xf32>
    %mul3A_62 = vector.broadcast %slice3A_61 : vector<2000x1xf32> to vector<2000x256xf32>
    %mul3A_63 = arith.mulf %mul3A_62, %dot_general3A_60 : vector<2000x256xf32>
    %add3A_64 = arith.addf %add3A_55, %mul3A_63 : vector<2000x256xf32>
    %get3A_65 = arith.constant 1792 : index
    %get3A_66 = arith.constant 0 : index
    %get3A_67 = vector.load %arg3[%get3A_65, %get3A_66] : memref<2048x256xf32, #tpu.memory_space<vmem>>, vector<256x256xf32>
    %dot_general3A_68 = arith.constant dense<0.000000e+00> : vector<2000x256xf32>
    %dot_general3A_69 = tpu.matmul %get3A_1, %get3A_67, %dot_general3A_68 {dimension_numbers = #tpu.dot_dimension_numbers<[1], [1], [0], [0], [0, 0, 1, 0], [], []>, transpose_lhs_hint = false} : vector<2000x256xf32>, vector<256x256xf32>, vector<2000x256xf32> -> vector<2000x256xf32>
    %slice3A_70 = vector.extract_strided_slice %get3A_4 {offsets = [0, 7], sizes = [2000, 1], strides = [1, 1]} : vector<2000x8xf32> to vector<2000x1xf32>
    %mul3A_71 = vector.broadcast %slice3A_70 : vector<2000x1xf32> to vector<2000x256xf32>
    %mul3A_72 = arith.mulf %mul3A_71, %dot_general3A_69 : vector<2000x256xf32>
    %add3A_73 = arith.addf %add3A_64, %mul3A_72 : vector<2000x256xf32>
    %get3A_74 = arith.constant 0 : index
    %get3A_75 = arith.constant 0 : index
    %get3A_76 = vector.load %arg4[%get3A_74, %get3A_75] : memref<256x256xf32, #tpu.memory_space<vmem>>, vector<256x256xf32>
    %dot_general3A_77 = arith.constant dense<0.000000e+00> : vector<2000x256xf32>
    %dot_general3A_78 = tpu.matmul %add3A_73, %get3A_76, %dot_general3A_77 {dimension_numbers = #tpu.dot_dimension_numbers<[1], [1], [0], [0], [0, 0, 1, 0], [], []>, transpose_lhs_hint = false} : vector<2000x256xf32>, vector<256x256xf32>, vector<2000x256xf32> -> vector<2000x256xf32>
    %swap3A = arith.constant 0 : index
    %swap3A_79 = arith.constant 0 : index
    %swap3A_80 = vector.load %arg5[%swap3A, %swap3A_79] : memref<2000x256xf32, #tpu.memory_space<vmem>>, vector<2000x256xf32>
    tpu.vector_store %arg5[%swap3A, %swap3A_79], %dot_general3A_78 {strides = array<i32>} : memref<2000x256xf32, #tpu.memory_space<vmem>>, vector<2000x256xf32>,
    return
  }
  func.func @transform_0(%arg0: i32) -> (i32, i32) {
    %c0_i32 = arith.constant 0 : i32
    %c0_i32_0 = arith.constant 0 : i32
    return %arg0, %c0_i32 : i32, i32
  }
  func.func @transform_1(%arg0: i32) -> (i32, i32) {
    %c0_i32 = arith.constant 0 : i32
    %c0_i32_0 = arith.constant 0 : i32
    return %arg0, %c0_i32 : i32, i32
  }
  func.func @transform_2(%arg0: i32) -> (i32, i32) {
    %c0_i32 = arith.constant 0 : i32
    %c0_i32_0 = arith.constant 0 : i32
    %c0_i32_1 = arith.constant 0 : i32
    return %c0_i32, %c0_i32_0 : i32, i32
  }
  func.func @transform_3(%arg0: i32) -> (i32, i32) {
    %c0_i32 = arith.constant 0 : i32
    %c0_i32_0 = arith.constant 0 : i32
    %c0_i32_1 = arith.constant 0 : i32
    return %c0_i32, %c0_i32_0 : i32, i32
  }
  func.func @transform_4(%arg0: i32) -> (i32, i32) {
    %c0_i32 = arith.constant 0 : i32
    %c0_i32_0 = arith.constant 0 : i32
    return %arg0, %c0_i32 : i32, i32
  }
}

module attributes {stable_mosaic.version = 14 : i64} {
  func.func @_scale_body(%arg0: i32, %arg1: memref<2048x256xf32, #tpu.memory_space<vmem>>, %arg2: memref<2048x2xf32, #tpu.memory_space<vmem>>, %arg3: memref<2048x128xf32, #tpu.memory_space<vmem>>, %arg4: memref<2048x128xf32, #tpu.memory_space<vmem>>) attributes {dimension_semantics = [#tpu.dimension_semantics<arbitrary>], iteration_bounds = array<i64: 5>, scalar_prefetch = 0 : i64, scratch_operands = 0 : i64, tpu.core_type = #tpu.core_type<tc>, window_params = [{transform_indices = @transform_0, window_bounds = array<i64: 2048, 256>}, {transform_indices = @transform_1, window_bounds = array<i64: 2048, 2>}, {transform_indices = @transform_2, window_bounds = array<i64: 2048, 128>}, {transform_indices = @transform_3, window_bounds = array<i64: 2048, 128>}]} {
    %get3A = arith.constant 0 : index
    %get3A_0 = arith.constant 0 : index
    %get3A_1 = vector.load %arg2[%get3A, %get3A_0] : memref<2048x2xf32, #tpu.memory_space<vmem>>, vector<2048x1xf32>
    %get3A_2 = arith.constant 0 : index
    %get3A_3 = arith.constant 1 : index
    %get3A_4 = vector.load %arg2[%get3A_2, %get3A_3] : memref<2048x2xf32, #tpu.memory_space<vmem>>, vector<2048x1xf32>
    %add3A = arith.addf %get3A_1, %get3A_4 : vector<2048x1xf32>
    %add3A_5 = arith.constant 1.000000e+00 : f32
    %add3A_6 = vector.broadcast %add3A_5 : f32 to vector<2048x1xf32>
    %add3A_7 = arith.addf %add3A, %add3A_6 : vector<2048x1xf32>
    %rsqrt3A = math.rsqrt %add3A_7 : vector<2048x1xf32>
    %get3A_8 = arith.constant 0 : index
    %get3A_9 = arith.constant 0 : index
    %get3A_10 = vector.load %arg1[%get3A_8, %get3A_9] : memref<2048x256xf32, #tpu.memory_space<vmem>>, vector<2048x256xf32>
    %mul3A = vector.broadcast %rsqrt3A : vector<2048x1xf32> to vector<2048x256xf32>
    %mul3A_11 = arith.mulf %get3A_10, %mul3A : vector<2048x256xf32>
    %slice3A = vector.extract_strided_slice %mul3A_11 {offsets = [0, 0], sizes = [2048, 128], strides = [1, 1]} : vector<2048x256xf32> to vector<2048x128xf32>
    %swap3A = arith.constant 0 : index
    %swap3A_12 = arith.constant 0 : index
    %swap3A_13 = vector.load %arg3[%swap3A, %swap3A_12] : memref<2048x128xf32, #tpu.memory_space<vmem>>, vector<2048x128xf32>
    tpu.vector_store %arg3[%swap3A, %swap3A_12], %slice3A {strides = array<i32>} : memref<2048x128xf32, #tpu.memory_space<vmem>>, vector<2048x128xf32>,
    %slice3A_14 = vector.extract_strided_slice %mul3A_11 {offsets = [0, 128], sizes = [2048, 128], strides = [1, 1]} : vector<2048x256xf32> to vector<2048x128xf32>
    %swap3A_15 = arith.constant 0 : index
    %swap3A_16 = arith.constant 0 : index
    %swap3A_17 = vector.load %arg4[%swap3A_15, %swap3A_16] : memref<2048x128xf32, #tpu.memory_space<vmem>>, vector<2048x128xf32>
    tpu.vector_store %arg4[%swap3A_15, %swap3A_16], %slice3A_14 {strides = array<i32>} : memref<2048x128xf32, #tpu.memory_space<vmem>>, vector<2048x128xf32>,
    return
  }
  func.func @transform_0(%arg0: i32) -> (i32, i32) {
    %c0_i32 = arith.constant 0 : i32
    %c0_i32_0 = arith.constant 0 : i32
    return %arg0, %c0_i32 : i32, i32
  }
  func.func @transform_1(%arg0: i32) -> (i32, i32) {
    %c0_i32 = arith.constant 0 : i32
    %c0_i32_0 = arith.constant 0 : i32
    return %arg0, %c0_i32 : i32, i32
  }
  func.func @transform_2(%arg0: i32) -> (i32, i32) {
    %c0_i32 = arith.constant 0 : i32
    %c0_i32_0 = arith.constant 0 : i32
    return %arg0, %c0_i32 : i32, i32
  }
  func.func @transform_3(%arg0: i32) -> (i32, i32) {
    %c0_i32 = arith.constant 0 : i32
    %c0_i32_0 = arith.constant 0 : i32
    return %arg0, %c0_i32 : i32, i32
  }
}

module attributes {stable_mosaic.version = 14 : i64} {
  func.func @_final_body(%arg0: i32, %arg1: memref<2000x128xf32, #tpu.memory_space<vmem>>, %arg2: memref<2000x128xf32, #tpu.memory_space<vmem>>, %arg3: memref<2000x128xf32, #tpu.memory_space<vmem>>, %arg4: memref<2000x128xf32, #tpu.memory_space<vmem>>, %arg5: memref<2000x2xf32, #tpu.memory_space<vmem>>, %arg6: memref<2x128xf32, #tpu.memory_space<vmem>>, %arg7: memref<2000x256xf32, #tpu.memory_space<vmem>>) attributes {dimension_semantics = [#tpu.dimension_semantics<arbitrary>], iteration_bounds = array<i64: 5>, scalar_prefetch = 0 : i64, scratch_operands = 0 : i64, tpu.core_type = #tpu.core_type<tc>, window_params = [{transform_indices = @transform_0, window_bounds = array<i64: 2000, 128>}, {transform_indices = @transform_1, window_bounds = array<i64: 2000, 128>}, {transform_indices = @transform_2, window_bounds = array<i64: 2000, 128>}, {transform_indices = @transform_3, window_bounds = array<i64: 2000, 128>}, {transform_indices = @transform_4, window_bounds = array<i64: 2000, 2>}, {pipeline_mode = #tpu.pipeline_mode<synchronous>, transform_indices = @transform_5, window_bounds = array<i64: 2, 128>}, {transform_indices = @transform_6, window_bounds = array<i64: 2000, 256>}]} {
    %get3A = arith.constant 0 : index
    %get3A_0 = arith.constant 0 : index
    %get3A_1 = vector.load %arg5[%get3A, %get3A_0] : memref<2000x2xf32, #tpu.memory_space<vmem>>, vector<2000x1xf32>
    %get3A_2 = arith.constant 0 : index
    %get3A_3 = arith.constant 1 : index
    %get3A_4 = vector.load %arg5[%get3A_2, %get3A_3] : memref<2000x2xf32, #tpu.memory_space<vmem>>, vector<2000x1xf32>
    %add3A = arith.addf %get3A_1, %get3A_4 : vector<2000x1xf32>
    %add3A_5 = arith.constant 1.000000e+00 : f32
    %add3A_6 = vector.broadcast %add3A_5 : f32 to vector<2000x1xf32>
    %add3A_7 = arith.addf %add3A, %add3A_6 : vector<2000x1xf32>
    %rsqrt3A = math.rsqrt %add3A_7 : vector<2000x1xf32>
    %get3A_8 = arith.constant 0 : index
    %get3A_9 = arith.constant 0 : index
    %get3A_10 = vector.load %arg1[%get3A_8, %get3A_9] : memref<2000x128xf32, #tpu.memory_space<vmem>>, vector<2000x128xf32>
    %get3A_11 = arith.constant 0 : index
    %get3A_12 = arith.constant 0 : index
    %get3A_13 = vector.load %arg3[%get3A_11, %get3A_12] : memref<2000x128xf32, #tpu.memory_space<vmem>>, vector<2000x128xf32>
    %add3A_14 = arith.addf %get3A_10, %get3A_13 : vector<2000x128xf32>
    %mul3A = vector.broadcast %rsqrt3A : vector<2000x1xf32> to vector<2000x128xf32>
    %mul3A_15 = arith.mulf %add3A_14, %mul3A : vector<2000x128xf32>
    %get3A_16 = arith.constant 0 : index
    %get3A_17 = arith.constant 0 : index
    %get3A_18 = vector.load %arg6[%get3A_16, %get3A_17] : memref<2x128xf32, #tpu.memory_space<vmem>>, vector<1x128xf32>
    %add3A_19 = vector.broadcast %get3A_18 : vector<1x128xf32> to vector<2000x128xf32>
    %add3A_20 = arith.addf %mul3A_15, %add3A_19 : vector<2000x128xf32>
    %get3A_21 = arith.constant 0 : index
    %get3A_22 = arith.constant 0 : index
    %get3A_23 = vector.load %arg2[%get3A_21, %get3A_22] : memref<2000x128xf32, #tpu.memory_space<vmem>>, vector<2000x128xf32>
    %get3A_24 = arith.constant 0 : index
    %get3A_25 = arith.constant 0 : index
    %get3A_26 = vector.load %arg4[%get3A_24, %get3A_25] : memref<2000x128xf32, #tpu.memory_space<vmem>>, vector<2000x128xf32>
    %add3A_27 = arith.addf %get3A_23, %get3A_26 : vector<2000x128xf32>
    %mul3A_28 = vector.broadcast %rsqrt3A : vector<2000x1xf32> to vector<2000x128xf32>
    %mul3A_29 = arith.mulf %add3A_27, %mul3A_28 : vector<2000x128xf32>
    %get3A_30 = arith.constant 1 : index
    %get3A_31 = arith.constant 0 : index
    %get3A_32 = vector.load %arg6[%get3A_30, %get3A_31] : memref<2x128xf32, #tpu.memory_space<vmem>>, vector<1x128xf32>
    %add3A_33 = vector.broadcast %get3A_32 : vector<1x128xf32> to vector<2000x128xf32>
    %add3A_34 = arith.addf %mul3A_29, %add3A_33 : vector<2000x128xf32>
    %concatenate3A = tpu.concatenate %add3A_20, %add3A_34 in 1 : vector<2000x128xf32>, vector<2000x128xf32> -> vector<2000x256xf32>
    %swap3A = arith.constant 0 : index
    %swap3A_35 = arith.constant 0 : index
    %swap3A_36 = vector.load %arg7[%swap3A, %swap3A_35] : memref<2000x256xf32, #tpu.memory_space<vmem>>, vector<2000x256xf32>
    tpu.vector_store %arg7[%swap3A, %swap3A_35], %concatenate3A {strides = array<i32>} : memref<2000x256xf32, #tpu.memory_space<vmem>>, vector<2000x256xf32>,
    return
  }
  func.func @transform_0(%arg0: i32) -> (i32, i32) {
    %c0_i32 = arith.constant 0 : i32
    %c0_i32_0 = arith.constant 0 : i32
    return %arg0, %c0_i32 : i32, i32
  }
  func.func @transform_1(%arg0: i32) -> (i32, i32) {
    %c0_i32 = arith.constant 0 : i32
    %c0_i32_0 = arith.constant 0 : i32
    return %arg0, %c0_i32 : i32, i32
  }
  func.func @transform_2(%arg0: i32) -> (i32, i32) {
    %c0_i32 = arith.constant 0 : i32
    %c0_i32_0 = arith.constant 0 : i32
    return %arg0, %c0_i32 : i32, i32
  }
  func.func @transform_3(%arg0: i32) -> (i32, i32) {
    %c0_i32 = arith.constant 0 : i32
    %c0_i32_0 = arith.constant 0 : i32
    return %arg0, %c0_i32 : i32, i32
  }
  func.func @transform_4(%arg0: i32) -> (i32, i32) {
    %c0_i32 = arith.constant 0 : i32
    %c0_i32_0 = arith.constant 0 : i32
    return %arg0, %c0_i32 : i32, i32
  }
  func.func @transform_5(%arg0: i32) -> (i32, i32) {
    %c0_i32 = arith.constant 0 : i32
    %c0_i32_0 = arith.constant 0 : i32
    %c0_i32_1 = arith.constant 0 : i32
    return %c0_i32, %c0_i32_0 : i32, i32
  }
  func.func @transform_6(%arg0: i32) -> (i32, i32) {
    %c0_i32 = arith.constant 0 : i32
    %c0_i32_0 = arith.constant 0 : i32
    return %arg0, %c0_i32 : i32, i32
  }
}

</mosaic_0001>

<sc_bundles>
// kernel: kernel.10.cloned.1.call-start
scs
__scs_entry_jumppad:
0x0: {  	(pc) =	sbr.rel $0x88, $3  }
0x1: {  	(tag) =	ssettag $0x0;
	lr =	simm.s32 $0x1  }
0x2: {  	[smem:$0x3F9B] =	sst lr;
	_ =	strace $0xD0000000  }
0x3: {  	_ = 	snop  }
0x4: {  	_ = 	snop  }
0x5: {  	_ = 	snop  }
0x6: {  	_ = 	snop  }
0x7: {  	_ = 	snop  }
__scs_overlays_trampoline_lowered:
0x8: {  	[smem:$0x3FAA] =	sst s0  }
0x9: {  	[smem:$0x3FAB] =	sst s1  }
0xa: {  	[smem:$0x3FAC] =	sst s2  }
0xb: {  	[smem:$0x3FAD] =	sst s3  }
0xc: {  	[smem:$0x3FAE] =	sst s4  }
0xd: {  	[smem:$0x3FAF] =	sst s5  }
0xe: {  	[smem:$0x3FB0] =	sst s6  }
0xf: {  	[smem:$0x3FB1] =	sst s7  }
0x10: {  	[smem:$0x3FB2] =	sst s8  }
0x11: {  	[smem:$0x3FB3] =	sst s9;
	s0 =	simm.s32 @!p0 $0x0  }
0x12: {  	s1 =	sld [smem:$0x3F99];
	s0 =	simm.s32 @p0 $0x1  }
0x13: {  	[smem:$0x3FB4] =	sst s0;
	s0 =	simm.s32 @!p1 $0x0  }
0x14: {  	s2 =	sld [smem:$0x3F98];
	s0 =	simm.s32 @p1 $0x1  }
0x15: {  	[smem:$0x3FB5] =	sst s0;
	s0 =	simm.s32 @!p2 $0x0  }
0x16: {  	s3 =	sld [smem:$0x3FDB];
	s0 =	simm.s32 @p2 $0x1  }
0x17: {  	s4 =	simm.s32 $0x1BF5;
	[smem:$0x3FB7] =	sst s0  }
0x18: {  	s0 =	sld [smem:$0x3F9A];
	_ =	swait.ge [sflag:s4], $0x0  }
0x19: {  	s7 =	sld [smem:$0x3F9B]  }
0x1a: {  	s8 =	sadd.s32 $0xFFFFE003, lr  }
0x1b: {  	s9 =	sadd.s32 $0xFFFFFEF7, lr;
	s5 =	simm.s32 $0xFFFFFFFF;
	p2 =	slt.u32 s8, $0xFFFFF086  }
0x1c: {  	p1 =	slt.u32 s9, $0xF7A;
	s5 =	simm.s32 @!p2 $0x0  }
0x1d: {  	s5 =	simm.s32 @p1 $0x1;
	p0 =	seq.s32 s7, s2  }
0x1e: {  	s7 =	smul.u32 @!p0 $0xF7A, s2;
	p2 =	seq.s32 @!p0 s5, $0x0  }
0x1f: {  	s9 =	smul.u32 $0xF7A, s1;
	s8 =	simm.s32 @!p0 $0x1BF5;
	p2 =	por !p2, p0  }
0x20: {  	[sflag:s8] =	ssyncset.s32 @!p0 $0xFFFFF086;
	s6 =	sadd.s32 @!p0 s3, s7;
	s7 =	simm.s32 @!p0 $0x108  }
0x21: {  	s3 =	sadd.s32 s3, s9;
	s6 =	sadd.s32 @!p0 $0x88, s6;
	s7 =	simm.s32 @p2 $0x1082  }
0x22: {  	[simem:s7], [sflag:s8] =	dma.local @!p0 [hbm:s6], $0xF7A  }
0x23: {  	s9 =	sor.u32 $0xD0000000, s2;
	s6 =	simm.s32 $0x108;
	_ =	swait.ge @!p0 [sflag:s8], $0x0  }
0x24: {  	s3 =	sadd.s32 $0x88, s3;
	s6 =	simm.s32 @!p1 $0x1082;
	[sflag:s4] =	ssyncset.s32 $0xFFFFF086  }
0x25: {  	[simem:s6], [sflag:s4] =	dma.local [hbm:s3], $0xF7A  }
0x26: {  	[smem:$0x3F9B] =	sst s1;
	(tag) =	ssettag s2;
	_ =	strace s9  }
0x27: {  	s1 =	sld [smem:$0x3FAB]  }
0x28: {  	s2 =	sld [smem:$0x3FAC]  }
0x29: {  	s4 =	sld [smem:$0x3FAE]  }
0x2a: {  	p0 =	seq.s32 s5, $0x0;
	s5 =	sld [smem:$0x3FAF]  }
0x2b: {  	s6 =	sld [smem:$0x3FB0]  }
0x2c: {  	s7 =	sld [smem:$0x3FB1]  }
0x2d: {  	s3 =	simm.s32 $0x108;
	s8 =	sld [smem:$0x3FB2]  }
0x2e: {  	s3 =	simm.s32 @!p0 $0x1082;
	s9 =	sld [smem:$0x3FB3]  }
0x2f: {  	lr =	sadd.s32 s0, s3;
	s0 =	sld [smem:$0x3FAA]  }
0x30: {  	s3 =	sld [smem:$0x3FAD]  }
0x31: {  	[smem:$0x3FB6] =	sst s10  }
0x32: {  	s10 =	sld [smem:$0x3FB4];
	_ =	sdelay $0x3  }
0x33: {  	p0 =	seq.s32 s10, $0x1;
	s10 =	sld [smem:$0x3FB6];
	_ =	sdelay $0x3  }
0x34: {  	[smem:$0x3FB6] =	sst s10  }
0x35: {  	s10 =	sld [smem:$0x3FB5];
	_ =	sdelay $0x3  }
0x36: {  	p1 =	seq.s32 s10, $0x1;
	s10 =	sld [smem:$0x3FB6];
	_ =	sdelay $0x3  }
0x37: {  	[smem:$0x3FB6] =	sst s10  }
0x38: {  	s10 =	sld [smem:$0x3FB7]  }
0x39: {  	_ = 	snop;
	(pc) =	sbr.ind lr, $3  }
0x3a: {  	_ = 	snop  }
0x3b: {  	_ = 	snop  }
0x3c: {  	p2 =	seq.s32 s10, $0x1;
	s10 =	sld [smem:$0x3FB6]  }
0x3d: {  	_ =	shalt  }
0x3e: {  	_ =	shalt  }
0x3f: {  	_ =	shalt  }
0x40: {  	_ =	shalt  }
0x41: {  	_ =	shalt  }
0x42: {  	_ =	shalt  }
0x43: {  	_ =	shalt  }
0x44: {  	_ =	shalt  }
0x45: {  	_ =	shalt  }
0x46: {  	_ =	shalt  }
0x47: {  	_ =	shalt  }
0x48: {  	_ =	shalt  }
0x49: {  	_ =	shalt  }
0x4a: {  	_ =	shalt  }
0x4b: {  	_ =	shalt  }
0x4c: {  	_ =	shalt  }
0x4d: {  	_ =	shalt  }
0x4e: {  	_ =	shalt  }
0x4f: {  	_ =	shalt  }
0x50: {  	_ =	shalt  }
0x51: {  	_ =	shalt  }
0x52: {  	_ =	shalt  }
0x53: {  	_ =	shalt  }
0x54: {  	_ =	shalt  }
0x55: {  	_ =	shalt  }
0x56: {  	_ =	shalt  }
0x57: {  	_ =	shalt  }
0x58: {  	_ =	shalt  }
0x59: {  	_ =	shalt  }
0x5a: {  	_ =	shalt  }
0x5b: {  	_ =	shalt  }
0x5c: {  	_ =	shalt  }
0x5d: {  	_ =	shalt  }
0x5e: {  	_ =	shalt  }
0x5f: {  	_ =	shalt  }
0x60: {  	_ =	shalt  }
0x61: {  	_ =	shalt  }
0x62: {  	_ =	shalt  }
0x63: {  	_ =	shalt  }
0x64: {  	_ =	shalt  }
0x65: {  	_ =	shalt  }
0x66: {  	_ =	shalt  }
0x67: {  	_ =	shalt  }
0x68: {  	_ =	shalt  }
0x69: {  	_ =	shalt  }
0x6a: {  	_ =	shalt  }
0x6b: {  	_ =	shalt  }
0x6c: {  	_ =	shalt  }
0x6d: {  	_ =	shalt  }
0x6e: {  	_ =	shalt  }
0x6f: {  	_ =	shalt  }
0x70: {  	_ =	shalt  }
0x71: {  	_ =	shalt  }
0x72: {  	_ =	shalt  }
0x73: {  	_ =	shalt  }
0x74: {  	_ =	shalt  }
0x75: {  	_ =	shalt  }
0x76: {  	_ =	shalt  }
0x77: {  	_ =	shalt  }
0x78: {  	_ =	shalt  }
0x79: {  	_ =	shalt  }
0x7a: {  	_ =	shalt  }
0x7b: {  	_ =	shalt  }
0x7c: {  	_ =	shalt  }
0x7d: {  	_ =	shalt  }
0x7e: {  	_ =	shalt  }
0x7f: {  	_ =	shalt  }
0x80: {  	_ =	shalt  }
0x81: {  	_ =	shalt  }
0x82: {  	_ =	shalt  }
0x83: {  	_ =	shalt  }
0x84: {  	_ =	shalt  }
0x85: {  	_ =	shalt  }
0x86: {  	_ =	shalt  }
0x87: {  	_ =	shalt  }
.Lfunc_end0:
.L_simem_size_0:
called_computation.1_lowered:
.L_overlay_start_0:
0x88: {  	s2 =	sld [smem:$0x3FD9]  }
0x89: {  	s3 =	sld [smem:$0x3FFE];
	_ =	sdelay $0x1  }
0x8a: {  	s1 =	srdreg.scid  }
0x8b: {  	s0 =	sand.u32 $0x1, s1  }
0x8c: {  	s17 =	sshll.u32 s0, $0xA;
	s2 =	sadd.s32 s3, s2  }
0x8d: {  	s2 =	sadd.s32 s2, s17  }
0x8e: {  	[smem:$0x3FC2] =	sst s2  }
0x8f: {  	_ = 	snop  }
0x90: {  	s2 =	sld [smem:$0x3FD0];
	(tm) =	ssettm $0x1  }
0x91: {  	s18 =	sld [smem:$0x3FFB];
	_ =	sdelay $0x3  }
0x92: {  	_ =	strace s18  }
0x93: {  	s3 =	sld [smem:$0x3FFC];
	_ =	sdelay $0x3  }
0x94: {  	_ =	strace s3  }
0x95: {  	s3 =	sld [smem:$0x3FFD];
	_ =	sdelay $0x3  }
0x96: {  	_ =	strace s3  }
0x97: {  	_ =	strace $0x8FFFFFFF  }
0x98: {  	s19 =	sld [smem:$0x3FDB];
	_ =	sdelay $0x1  }
0x99: {  	s4 =	simm.s32 $_scs_section_size  }
0x9a: {  	s5 =	simm.s32 $_size__tile_overlayer_lowered;
	s6 =	simm.s32 $_tile_overlayer_lowered  }
0x9b: {  	s22 =	simm.s32 $0x1BFF;
	s21 =	sshll.u32 s6, $0x1;
	s3 =	sadd.s32 s4, s19  }
0x9c: {  	s7 =	simm.s32 $0x0;
	s20 =	sshll.u32 s5, $0x1;
	s5 =	sadd.s32 s21, s3  }
0x9d: {  	[timem:s7], [sflag:s22] =	dma.local [hbm:s5], s20  }
0x9e: {  	_ =	swait.ge [sflag:s22], s20  }
0x9f: {  	s4 =	ssub.s32 $0x0, s20;
	[sflag:s22] =	ssyncset.done $0x0  }
0xa0: {  	[sflag:s22] =	ssyncadd.s32 s4;
	_ =	sdelay $0x1  }
0xa1: {  	s23 =	simm.s32 $0x1B8B  }
0xa2: {  	_ =	swait.ge [sflag:s23], $0x1  }
0xa3: {  	[sflag:s23] =	ssyncset.done $0x0  }
0xa4: {  	s25 =	simm.s32 $0x1B8E;
	s24 =	sld [smem:$0x3FFE];
	[sflag:s23] =	ssyncadd.s32 $0xFFFFFFFF  }
0xa5: {  	s26 =	simm.s32 $execute0_lowered;
	[smem:$0x3FD2] =	sst s25  }
0xa6: {  	s5 =	sshll.u32 s26, $0x1;
	_ =	strace $0x80000049;
	[dreg:$0x1] =	wrdreg $0xFFFFFFFF  }
0xa7: {  	s28 =	simm.s32 $_size_execute0_lowered;
	s3 =	sadd.s32 s3, s5;
	[dreg:$0x0] =	wrdreg $0x0  }
0xa8: {  	s5 =	sshll.u32 s28, $0x1;
	[dreg:$0x2] =	wrdreg s3  }
0xa9: {  	[dreg:$0x3] =	wrdreg s5  }
0xaa: {  	[dreg:$0x4] =	wrdreg $0xC0  }
0xab: {  	_ =	task [dreg:s7], $0x5FFFF  }
0xac: {  	[dreg:$0x1] =	wrdreg $0xFFFFFFFF  }
0xad: {  	[dreg:$0x0] =	wrdreg $0x60  }
0xae: {  	[dreg:$0x2] =	wrdreg s24  }
0xaf: {  	[dreg:$0x3] =	wrdreg s2  }
0xb0: {  	[dreg:$0x4] =	wrdreg $0xA0000  }
0xb1: {  	[dreg:$0x5] =	wrdreg $0x9  }
0xb2: {  	_ =	task.clear_ibuf [dreg:s7], $0x6FFFF;
	_ =	strace $0x90000049  }
0xb3: {  	s29 =	simm.s32 $0x9;
	_ =	strace $0x8000004B  }
0xb4: {  	_ =	swait.ge [sflag:s29], $0x1  }
0xb5: {  	[sflag:s29] =	ssyncadd.s32 $0xFFFFFFFF  }
0xb6: {  	_ =	strace $0x9000004B  }
0xb7: {  	_ =	sfence  }
0xb8: {  	s30 =	sld [smem:$0x0];
	_ =	sdelay $0x2  }
0xb9: {  	s31 =	sshll.u32 s1, $0xD;
	s1 =	sshrl.u32 s1, $0x2  }
0xba: {  	s3 =	sand.u32 $0x4000, s31;
	s1 =	sadd.s32 s1, s30  }
0xbb: {  	s0 =	sor.u32 s3, s0;
	s1 =	sshll.u32 s1, $0x11  }
0xbc: {  	s0 =	sor.u32 s1, s0  }
0xbd: {  	s0 =	sadd.s32 $0x8F2B, s0  }
0xbe: {  	[sflag:s0] =	ssyncadd.remote.s32 $0x1  }
0xbf: {  	_ =	sfence.sel $0xFFFF  }
0xc0: {  	[dreg:$0x0] =	wrdreg $0xFFFFFFFF;
	(pc) =	sbr.abs _section_cstart, $3  }
0xc1: {  	[dreg:$0x1] =	wrdreg $0xFFFFFFFF  }
0xc2: {  	_ =	task.clear_ibuf [dreg:s7], $0x2FFFF;
	_ =	strace $0x9FFFFFFF  }
0xc3: {  	(tm) =	ssettm $0x7FFFFFFF  }
tec
execute0_lowered:
.L_overlay_start_1:
0x0: {  	(tag) =	ssettag $0x1  }
0x1: {  	s0 =	rddreg [dreg:$0x0]  }
0x2: {  	s2 =	rddreg [dreg:$0x1]  }
0x3: {  	s3 =	rddreg [dreg:$0x2];
	s15 =	stileid.u32  }
0x4: {  	s4 =	simm.s32 $0x0;
	s6 =	srdreg.scid;
	s19 =	simm.s32 $0x5  }
0x5: {  	s16 =	simm.s32 $0x3;
	s17 =	simm.s32 $0x4;
	s1 =	smul.u32 $0xA00, s15  }
0x6: {  	[smem:$0x7FF] =	sst s4;
	s5 =	sadd.s32 $0x3EC00, s0;
	s7 =	smul.u32 $0x280, s15  }
0x7: {  	s8 =	sadd.s32 $0x66C00, s0;
	s6 =	sand.u32 $0x1, s6;
	s20 =	smul.u32 $0x50000, s15  }
0x8: {  	s26 =	smul.u32 $0x2800, s15;
	s15 =	simm.s32 $0x2;
	_ =	strace $0x8000004A  }
0x9: {  	[dreg:$0x4] =	wrdreg s8;
	s21 =	ssub.s32 $0x2, s6;
	p0 =	sne.s32 s6, $0x0  }
0xa: {  	s6 =	simm.s32 $0x1;
	s1 =	sadd.s32 s1, s0;
	s0 =	sadd.s32 $0x8EC00, s0  }
0xb: {  	s9 =	sadd.s32 $0x80, s7;
	s10 =	sshrl.u32 s21, $0x1;
	s8 =	sshrl.u32 s20, $0x2  }
0xc: {  	s23 =	sadd.s32 $0x100, s7;
	s24 =	sadd.s32 $0x180, s7;
	[dreg:$0xb] =	wrdreg s26  }
0xd: {  	s7 =	sadd.s32 $0x200, s7;
	[dreg:$0x5] =	wrdreg s0;
	s8 =	sadd.s32 s8, s3  }
0xe: {  	s20 =	simm.s32 $0x80;
	s28 =	sshll.u32 s9, $0x4;
	[dreg:$0x6] =	wrdreg s8  }
0xf: {  	s11 =	sshll.u32 s9, $0x7;
	s29 =	sshll.u32 s23, $0x4;
	[dreg:$0xc] =	wrdreg s28  }
0x10: {  	s0 =	ssub.s32 s21, s10;
	s30 =	sshll.u32 s24, $0x4;
	[dreg:$0xd] =	wrdreg s29  }
0x11: {  	s25 =	sshll.u32 s23, $0x7;
	s31 =	sshll.u32 s7, $0x4;
	[dreg:$0xe] =	wrdreg s30  }
0x12: {  	s12 =	sshll.u32 s24, $0x7;
	s22 =	sadd.s32 s11, s3;
	[dreg:$0xf] =	wrdreg s31  }
0x13: {  	s13 =	sshll.u32 s7, $0x7;
	s12 =	sadd.s32 s12, s3;
	[dreg:$0x7] =	wrdreg s22  }
.Ltmp0:
0x14: {  	s13 =	sadd.s32 s13, s3;
	[dreg:$0x9] =	wrdreg s12;
	(pc) =	sbr.rel .LBB2_1-.Ltmp0, $4  }
0x15: {  	s21 =	simm.s32 $0x2000;
	s0 =	smax.u32 s0, $0x1;
	[dreg:$0xa] =	wrdreg s13  }
0x16: {  	s9 =	simm.s32 $0x6;
	s11 =	sadd.s32 s25, s3;
	[dreg:$0x10] =	wrdreg s0  }
0x17: {  	s13 =	sadd.s32 $0xCC00, s1;
	s1 =	sadd.s32 $0x2C00, s1;
	[dreg:$0x8] =	wrdreg s11  }
0x18: {  	v0 =	vimm.f32 $0.0e+00;
	s7 =	simm.s32 $0x6000;
	s0 =	simm.s32 $0x0;
	[dreg:$0x11] =	wrdreg s1  }
.LBB2_10:
0x19: {  	s18 =	rddreg [dreg:$0x5]  }
0x1a: {  	s0 =	rddreg [dreg:$0x12]  }
.LBB2_11:
0x1b: {  	[bflag:$0x0] =	sbarrier.arrive $0xFFFF  }
0x1c: {  	s9 =	simm.s32 $0x6;
	s8 =	rddreg [dreg:$0x6]  }
0x1d: {  	[tilespmem:s21], [sflag:$0x6] =	stream.linear.gather [spmem:s8], $0x4000, $0x38;
	[tilespmem:$0x1E000] =	vst v63  }
0x1e: {  	_ =	swait.ge [sflag:s9], $0x4000  }
0x1f: {  	[sflag:s9] =	ssyncset.done $0x0;
	s22 =	rddreg [dreg:$0xb]  }
0x20: {  	s8 =	sadd.s32 s18, s22;
	[sflag:s9] =	ssyncadd.s32 $0xFFFFC000  }
0x21: {  	[hbm4b:s8+s4] =	stream.linear.scatter [tilespmem:s21], [sflag:$0x3], $0x4000, $0x38;
	[tilespmem:$0x1E000] =	vst v63  }
0x22: {  	s23 =	rddreg [dreg:$0x7]  }
0x23: {  	[tilespmem:s7], [sflag:$0x6] =	stream.linear.gather [spmem:s23], $0x4000, $0x38;
	[tilespmem:$0x1E000] =	vst v63  }
0x24: {  	_ =	swait.ge [sflag:s9], $0x4000  }
0x25: {  	[sflag:s9] =	ssyncset.done $0x0;
	s24 =	rddreg [dreg:$0xc]  }
0x26: {  	s8 =	sadd.s32 s18, s24;
	[sflag:s9] =	ssyncadd.s32 $0xFFFFC000  }
0x27: {  	[hbm4b:s8+s4] =	stream.linear.scatter [tilespmem:s7], [sflag:$0x4], $0x4000, $0x38;
	[tilespmem:$0x1E000] =	vst v63  }
0x28: {  	_ =	swait.ge [sflag:s16], $0x4000  }
0x29: {  	[sflag:s16] =	ssyncset.done $0x0  }
0x2a: {  	s11 =	rddreg [dreg:$0x8];
	[sflag:s16] =	ssyncadd.s32 $0xFFFFC000  }
0x2b: {  	[tilespmem:s21], [sflag:$0x6] =	stream.linear.gather [spmem:s11], $0x4000, $0x38;
	[tilespmem:$0x1E000] =	vst v63  }
0x2c: {  	_ =	swait.ge [sflag:s9], $0x4000  }
0x2d: {  	[sflag:s9] =	ssyncset.done $0x0;
	s25 =	rddreg [dreg:$0xd]  }
0x2e: {  	s8 =	sadd.s32 s18, s25;
	[sflag:s9] =	ssyncadd.s32 $0xFFFFC000  }
0x2f: {  	[hbm4b:s8+s4] =	stream.linear.scatter [tilespmem:s21], [sflag:$0x3], $0x4000, $0x38;
	[tilespmem:$0x1E000] =	vst v63  }
0x30: {  	_ =	swait.ge [sflag:s17], $0x4000  }
0x31: {  	[sflag:s17] =	ssyncset.done $0x0  }
0x32: {  	s26 =	rddreg [dreg:$0x9];
	[sflag:s17] =	ssyncadd.s32 $0xFFFFC000  }
0x33: {  	[tilespmem:s7], [sflag:$0x6] =	stream.linear.gather [spmem:s26], $0x4000, $0x38;
	[tilespmem:$0x1E000] =	vst v63  }
0x34: {  	_ =	swait.ge [sflag:s9], $0x4000  }
0x35: {  	[sflag:s9] =	ssyncset.done $0x0;
	s28 =	rddreg [dreg:$0xe]  }
0x36: {  	s8 =	sadd.s32 s18, s28;
	[sflag:s9] =	ssyncadd.s32 $0xFFFFC000  }
0x37: {  	[hbm4b:s8+s4] =	stream.linear.scatter [tilespmem:s7], [sflag:$0x4], $0x4000, $0x38;
	[tilespmem:$0x1E000] =	vst v63  }
0x38: {  	_ =	swait.ge [sflag:s16], $0x4000  }
0x39: {  	[sflag:s16] =	ssyncset.done $0x0  }
0x3a: {  	s29 =	rddreg [dreg:$0xa];
	[sflag:s16] =	ssyncadd.s32 $0xFFFFC000  }
0x3b: {  	[tilespmem:s21], [sflag:$0x6] =	stream.linear.gather [spmem:s29], $0x4000, $0x38;
	[tilespmem:$0x1E000] =	vst v63  }
0x3c: {  	_ =	swait.ge [sflag:s9], $0x4000  }
0x3d: {  	[sflag:s9] =	ssyncset.done $0x0;
	s30 =	rddreg [dreg:$0xf]  }
0x3e: {  	s8 =	sadd.s32 s18, s30;
	[sflag:s9] =	ssyncadd.s32 $0xFFFFC000  }
0x3f: {  	[hbm4b:s8+s4] =	stream.linear.scatter [tilespmem:s21], [sflag:$0x3], $0x4000, $0x38;
	[tilespmem:$0x1E000] =	vst v63  }
0x40: {  	_ =	swait.ge [sflag:s17], $0x4000  }
0x41: {  	[sflag:s17] =	ssyncset.done $0x0  }
0x42: {  	[sflag:s17] =	ssyncadd.s32 $0xFFFFC000  }
0x43: {  	_ =	swait.ge [sflag:s16], $0x4000  }
0x44: {  	s0 =	sadd.s32 $0x1, s0;
	s31 =	rddreg [dreg:$0x10]  }
0x45: {  	p1 =	sne.s32 s0, s31  }
.Ltmp1:
0x46: {  	_ = 	snop;
	(pc) =	sbr.rel @!p1 .LBB2_12-.Ltmp1, $3  }
0x47: {  	_ =	sdelay $0x1  }
0x48: {  	[sflag:s16] =	ssyncset.done $0x0  }
0x49: {  	[sflag:s16] =	ssyncadd.s32 $0xFFFFC000  }
.LBB2_1:
0x4a: {  	s18 =	simm.s32 $0x0;
	s8 =	simm.s32 $0x200  }
.LBB2_2:
0x4b: {  	p1 =	sne.s32 s8, $0xFE00;
	[tilespmem:s18+$0x2070] =	vst v0  }
0x4c: {  	[tilespmem:s18+$0x2000] =	vst v0  }
0x4d: {  	[tilespmem:s18+$0x2010] =	vst v0  }
.Ltmp2:
0x4e: {  	[tilespmem:s18+$0x2020] =	vst v0;
	(pc) =	sbr.rel @p1 .LBB2_2-.Ltmp2, $4  }
0x4f: {  	[tilespmem:s18+$0x2030] =	vst v0  }
0x50: {  	[tilespmem:s18+$0x2040] =	vst v0  }
0x51: {  	[tilespmem:s18+$0x2050] =	vst v0  }
0x52: {  	[tilespmem:s18+$0x2060] =	vst v0;
	s18 =	sshra.s32 s8, $0x2;
	s8 =	sadd.s32 $0x200, s8  }
0x53: {  	[tilespmem:s18+$0x2070] =	vst v0  }
0x54: {  	[tilespmem:s18+$0x2000] =	vst v0  }
0x55: {  	[tilespmem:s18+$0x2010] =	vst v0  }
0x56: {  	[tilespmem:s18+$0x2020] =	vst v0  }
0x57: {  	[tilespmem:s18+$0x2030] =	vst v0  }
0x58: {  	[tilespmem:s18+$0x2040] =	vst v0  }
0x59: {  	[dreg:$0x12] =	wrdreg s0;
	[tilespmem:s18+$0x2050] =	vst v0  }
0x5a: {  	[tilespmem:s18+$0x2060] =	vst v0;
	s8 =	rddreg [dreg:$0x6]  }
0x5b: {  	[spmem:s8] =	stream.linear.scatter [tilespmem:s21], [sflag:$0x6], $0x4000, $0x38;
	[tilespmem:$0x1E000] =	vst v63  }
0x5c: {  	_ =	swait.ge [sflag:s9], $0x4000  }
0x5d: {  	[sflag:s9] =	ssyncset.done $0x0  }
0x5e: {  	s26 =	rddreg [dreg:$0x7];
	[sflag:s9] =	ssyncadd.s32 $0xFFFFC000  }
0x5f: {  	[spmem:s26] =	stream.linear.scatter [tilespmem:s21], [sflag:$0x6], $0x4000, $0x38;
	[tilespmem:$0x1E000] =	vst v63  }
0x60: {  	_ =	swait.ge [sflag:s9], $0x4000  }
0x61: {  	[sflag:s9] =	ssyncset.done $0x0  }
0x62: {  	[sflag:s9] =	ssyncadd.s32 $0xFFFFC000  }
0x63: {  	[spmem:s11] =	stream.linear.scatter [tilespmem:s21], [sflag:$0x6], $0x4000, $0x38;
	[tilespmem:$0x1E000] =	vst v63  }
0x64: {  	_ =	swait.ge [sflag:s9], $0x4000  }
0x65: {  	[sflag:s9] =	ssyncset.done $0x0  }
0x66: {  	s28 =	rddreg [dreg:$0x9];
	[sflag:s9] =	ssyncadd.s32 $0xFFFFC000  }
0x67: {  	[spmem:s28] =	stream.linear.scatter [tilespmem:s21], [sflag:$0x6], $0x4000, $0x38;
	[tilespmem:$0x1E000] =	vst v63  }
0x68: {  	_ =	swait.ge [sflag:s9], $0x4000  }
0x69: {  	[sflag:s9] =	ssyncset.done $0x0  }
0x6a: {  	s29 =	rddreg [dreg:$0xa];
	[sflag:s9] =	ssyncadd.s32 $0xFFFFC000  }
0x6b: {  	[spmem:s29] =	stream.linear.scatter [tilespmem:s21], [sflag:$0x6], $0x4000, $0x38;
	[tilespmem:$0x1E000] =	vst v63  }
0x6c: {  	s30 =	sadd.s32 $0x10, s13;
	_ =	swait.ge [sflag:s9], $0x4000  }
0x6d: {  	s31 =	simm.s32 $0x100;
	s12 =	sadd.s32 $0x20, s13;
	[sflag:s9] =	ssyncset.done $0x0  }
.Ltmp3:
0x6e: {  	s10 =	sadd.s32 $0x40, s13;
	[sflag:s9] =	ssyncadd.s32 $0xFFFFC000;
	(pc) =	sbr.rel @p0 .LBB2_8-.Ltmp3, $4  }
0x6f: {  	s18 =	sadd.s32 $0x60, s13;
	s22 =	simm.s32 $0x200;
	[bflag:$0x0] =	sbarrier.arrive $0xFFFF  }
0x70: {  	[tilespmem:s4], [sflag:$0x5] =	stream.linear.gather [hbm4b:s13+s4], $0x80, $0x38;
	[tilespmem:$0x1E000] =	vst v63  }
0x71: {  	s8 =	sadd.s32 $0x70, s13;
	s11 =	sadd.s32 $0x30, s13;
	s9 =	sadd.s32 $0x50, s13  }
0x72: {  	[tilespmem:s31], [sflag:$0x5] =	stream.linear.gather [hbm4b:s30+s4], $0x80, $0x38;
	[tilespmem:$0x1E000] =	vst v63  }
0x73: {  	[tilespmem:s22], [sflag:$0x5] =	stream.linear.gather [hbm4b:s12+s4], $0x80, $0x38;
	[tilespmem:$0x1E000] =	vst v63  }
0x74: {  	s0 =	simm.s32 $0x300  }
0x75: {  	[tilespmem:s0], [sflag:$0x5] =	stream.linear.gather [hbm4b:s11+s4], $0x80, $0x38;
	[tilespmem:$0x1E000] =	vst v63  }
0x76: {  	s25 =	simm.s32 $0x400  }
0x77: {  	[tilespmem:s25], [sflag:$0x5] =	stream.linear.gather [hbm4b:s10+s4], $0x80, $0x38;
	[tilespmem:$0x1E000] =	vst v63  }
0x78: {  	s26 =	simm.s32 $0x500  }
0x79: {  	[tilespmem:s26], [sflag:$0x5] =	stream.linear.gather [hbm4b:s9+s4], $0x80, $0x38;
	[tilespmem:$0x1E000] =	vst v63  }
0x7a: {  	s28 =	simm.s32 $0x600  }
0x7b: {  	[tilespmem:s28], [sflag:$0x5] =	stream.linear.gather [hbm4b:s18+s4], $0x80, $0x38;
	[tilespmem:$0x1E000] =	vst v63  }
0x7c: {  	s29 =	simm.s32 $0x700  }
0x7d: {  	[tilespmem:s29], [sflag:$0x5] =	stream.linear.gather [hbm4b:s8+s4], $0x80, $0x38;
	[tilespmem:$0x1E000] =	vst v63  }
0x7e: {  	s30 =	sadd.s32 $0x80, s13;
	s31 =	simm.s32 $0x800  }
0x7f: {  	[tilespmem:s31], [sflag:$0x5] =	stream.linear.gather [hbm4b:s30+s4], $0x80, $0x38;
	[tilespmem:$0x1E000] =	vst v63  }
0x80: {  	s1 =	simm.s32 $0x900;
	s0 =	sadd.s32 $0x90, s13  }
0x81: {  	[tilespmem:s1], [sflag:$0x5] =	stream.linear.gather [hbm4b:s0+s4], $0x80, $0x38;
	[tilespmem:$0x1E000] =	vst v63  }
0x82: {  	s11 =	simm.s32 $0xA00;
	s10 =	sadd.s32 $0xA0, s13  }
0x83: {  	[tilespmem:s11], [sflag:$0x5] =	stream.linear.gather [hbm4b:s10+s4], $0x80, $0x38;
	[tilespmem:$0x1E000] =	vst v63  }
0x84: {  	s12 =	sadd.s32 $0xB0, s13;
	s14 =	simm.s32 $0xB00  }
0x85: {  	[tilespmem:s14], [sflag:$0x5] =	stream.linear.gather [hbm4b:s12+s4], $0x80, $0x38;
	[tilespmem:$0x1E000] =	vst v63  }
0x86: {  	s22 =	simm.s32 $0xC00;
	s18 =	sadd.s32 $0xC0, s13  }
0x87: {  	[tilespmem:s22], [sflag:$0x5] =	stream.linear.gather [hbm4b:s18+s4], $0x80, $0x38;
	[tilespmem:$0x1E000] =	vst v63  }
0x88: {  	s23 =	sadd.s32 $0xD0, s13;
	s24 =	simm.s32 $0xD00  }
0x89: {  	[tilespmem:s24], [sflag:$0x5] =	stream.linear.gather [hbm4b:s23+s4], $0x80, $0x38;
	[tilespmem:$0x1E000] =	vst v63  }
0x8a: {  	s25 =	sadd.s32 $0xE0, s13;
	s26 =	simm.s32 $0xE00  }
0x8b: {  	[tilespmem:s26], [sflag:$0x5] =	stream.linear.gather [hbm4b:s25+s4], $0x80, $0x38;
	[tilespmem:$0x1E000] =	vst v63  }
0x8c: {  	s28 =	sadd.s32 $0xF0, s13;
	s29 =	simm.s32 $0xF00  }
0x8d: {  	[tilespmem:s29], [sflag:$0x5] =	stream.linear.gather [hbm4b:s28+s4], $0x80, $0x38;
	[tilespmem:$0x1E000] =	vst v63  }
0x8e: {  	s30 =	simm.s32 $0x1000;
	s31 =	rddreg [dreg:$0x11]  }
0x8f: {  	[tilespmem:s30], [sflag:$0x5] =	stream.linear.gather [hbm4b:s31+s4], $0x800, $0x38;
	[tilespmem:$0x1E000] =	vst v63  }
0x90: {  	_ =	swait.ge [sflag:s19], $0x800  }
0x91: {  	[sflag:s19] =	ssyncset.done $0x0  }
0x92: {  	[sflag:s19] =	ssyncadd.s32 $0xFFFFF800  }
0x93: {  	_ =	swait.ge [sflag:s19], $0x800  }
0x94: {  	[sflag:s19] =	ssyncset.done $0x0  }
0x95: {  	s18 =	simm.s32 $0xFFFFF800;
	[sflag:s19] =	ssyncadd.s32 $0xFFFFF800  }
.LBB2_5:
0x96: {  	s8 =	sadd.s32 s18, s13  }
0x97: {  	s9 =	sadd.s32 $0x900, s8  }
0x98: {  	[tilespmem:s20], [sflag:$0x5] =	stream.linear.gather [hbm4b:s9+s4], $0x80, $0x38;
	[tilespmem:$0x1E000] =	vst v63  }
0x99: {  	s12 =	simm.s32 $0x180;
	s26 =	sadd.s32 $0x910, s8  }
0x9a: {  	[tilespmem:s12], [sflag:$0x5] =	stream.linear.gather [hbm4b:s26+s4], $0x80, $0x38;
	[tilespmem:$0x1E000] =	vst v63  }
0x9b: {  	s22 =	simm.s32 $0x280;
	s28 =	sadd.s32 $0x920, s8  }
0x9c: {  	[tilespmem:s22], [sflag:$0x5] =	stream.linear.gather [hbm4b:s28+s4], $0x80, $0x38;
	[tilespmem:$0x1E000] =	vst v63  }
0x9d: {  	s23 =	simm.s32 $0x380;
	s29 =	sadd.s32 $0x930, s8  }
0x9e: {  	[tilespmem:s23], [sflag:$0x5] =	stream.linear.gather [hbm4b:s29+s4], $0x80, $0x38;
	[tilespmem:$0x1E000] =	vst v63  }
0x9f: {  	s24 =	simm.s32 $0x480;
	s30 =	sadd.s32 $0x940, s8  }
0xa0: {  	[tilespmem:s24], [sflag:$0x5] =	stream.linear.gather [hbm4b:s30+s4], $0x80, $0x38;
	[tilespmem:$0x1E000] =	vst v63  }
0xa1: {  	s25 =	simm.s32 $0x580;
	s31 =	sadd.s32 $0x950, s8  }
0xa2: {  	[tilespmem:s25], [sflag:$0x5] =	stream.linear.gather [hbm4b:s31+s4], $0x80, $0x38;
	[tilespmem:$0x1E000] =	vst v63  }
0xa3: {  	s0 =	sadd.s32 $0x960, s8;
	s26 =	simm.s32 $0x680  }
0xa4: {  	[tilespmem:s26], [sflag:$0x5] =	stream.linear.gather [hbm4b:s0+s4], $0x80, $0x38;
	[tilespmem:$0x1E000] =	vst v63  }
0xa5: {  	s1 =	sadd.s32 $0x970, s8;
	s28 =	simm.s32 $0x780  }
0xa6: {  	[tilespmem:s28], [sflag:$0x5] =	stream.linear.gather [hbm4b:s1+s4], $0x80, $0x38;
	[tilespmem:$0x1E000] =	vst v63  }
0xa7: {  	s10 =	sadd.s32 $0x980, s8;
	s29 =	simm.s32 $0x880  }
0xa8: {  	[tilespmem:s29], [sflag:$0x5] =	stream.linear.gather [hbm4b:s10+s4], $0x80, $0x38;
	[tilespmem:$0x1E000] =	vst v63  }
0xa9: {  	s11 =	sadd.s32 $0x990, s8;
	s30 =	simm.s32 $0x980  }
0xaa: {  	[tilespmem:s30], [sflag:$0x5] =	stream.linear.gather [hbm4b:s11+s4], $0x80, $0x38;
	[tilespmem:$0x1E000] =	vst v63  }
0xab: {  	s14 =	sadd.s32 $0x9A0, s8;
	s31 =	simm.s32 $0xA80  }
0xac: {  	[tilespmem:s31], [sflag:$0x5] =	stream.linear.gather [hbm4b:s14+s4], $0x80, $0x38;
	[tilespmem:$0x1E000] =	vst v63  }
0xad: {  	s0 =	sadd.s32 $0x9B0, s8;
	s14 =	simm.s32 $0xB80  }
0xae: {  	[tilespmem:s14], [sflag:$0x5] =	stream.linear.gather [hbm4b:s0+s4], $0x80, $0x38;
	[tilespmem:$0x1E000] =	vst v63  }
0xaf: {  	s1 =	sadd.s32 $0x9C0, s8;
	s0 =	simm.s32 $0xC80  }
0xb0: {  	[tilespmem:s0], [sflag:$0x5] =	stream.linear.gather [hbm4b:s1+s4], $0x80, $0x38;
	[tilespmem:$0x1E000] =	vst v63  }
0xb1: {  	s10 =	sadd.s32 $0x9D0, s8;
	s11 =	simm.s32 $0xD80  }
0xb2: {  	[tilespmem:s11], [sflag:$0x5] =	stream.linear.gather [hbm4b:s10+s4], $0x80, $0x38;
	[tilespmem:$0x1E000] =	vst v63  }
0xb3: {  	s0 =	sadd.s32 $0x9E0, s8;
	s1 =	simm.s32 $0xE80  }
0xb4: {  	[tilespmem:s1], [sflag:$0x5] =	stream.linear.gather [hbm4b:s0+s4], $0x80, $0x38;
	[tilespmem:$0x1E000] =	vst v63  }
0xb5: {  	s0 =	rddreg [dreg:$0x11]  }
0xb6: {  	s9 =	simm.s32 $0xF80;
	s8 =	sadd.s32 $0x9F0, s8;
	s10 =	sadd.s32 s18, s0  }
0xb7: {  	[tilespmem:s9], [sflag:$0x5] =	stream.linear.gather [hbm4b:s8+s4], $0x80, $0x38;
	[tilespmem:$0x1E000] =	vst v63  }
0xb8: {  	s1 =	simm.s32 $0x1800;
	s8 =	sadd.s32 $0x900, s10  }
0xb9: {  	[tilespmem:s1], [sflag:$0x5] =	stream.linear.gather [hbm4b:s8+s4], $0x800, $0x38;
	[tilespmem:$0x1E000] =	vst v63  }
0xba: {  	_ = 	snop  }
0xbb: {  	[tilespmem:s21], [sflag:$0x1] =	stream.indirect.gather [hbm4b:s2+s20], $0x80, s4, s20, $0xb8;
	[tilespmem:$0x1E000] =	vst v63  }
0xbc: {  	_ =	swait.ge [sflag:s6], $0x4000  }
0xbd: {  	[sflag:s6] =	ssyncset.done $0x0  }
0xbe: {  	s11 =	simm.s32 $0x1000;
	[sflag:s6] =	ssyncadd.s32 $0xFFFFC000  }
0xbf: {  	[spmem:s3] =	stream.indirect.scatter.add.f32 [tilespmem:s21], [sflag:$0x3], $0x80, s11, s20, $0xb8;
	[tilespmem:$0x1E000] =	vst v63  }
0xc0: {  	s9 =	simm.s32 $0x100  }
0xc1: {  	[tilespmem:s7], [sflag:$0x2] =	stream.indirect.gather [hbm4b:s2+s20], $0x80, s9, s20, $0xb8;
	[tilespmem:$0x1E000] =	vst v63  }
0xc2: {  	_ =	swait.ge [sflag:s15], $0x4000  }
0xc3: {  	[sflag:s15] =	ssyncset.done $0x0  }
0xc4: {  	s10 =	simm.s32 $0x1080;
	[sflag:s15] =	ssyncadd.s32 $0xFFFFC000  }
0xc5: {  	[spmem:s3] =	stream.indirect.scatter.add.f32 [tilespmem:s7], [sflag:$0x4], $0x80, s10, s20, $0xb8;
	[tilespmem:$0x1E000] =	vst v63  }
0xc6: {  	_ =	swait.ge [sflag:s16], $0x4000  }
0xc7: {  	[sflag:s16] =	ssyncset.done $0x0  }
0xc8: {  	s11 =	simm.s32 $0x200;
	[sflag:s16] =	ssyncadd.s32 $0xFFFFC000  }
0xc9: {  	[tilespmem:s21], [sflag:$0x1] =	stream.indirect.gather [hbm4b:s2+s20], $0x80, s11, s20, $0xb8;
	[tilespmem:$0x1E000] =	vst v63  }
0xca: {  	_ =	swait.ge [sflag:s6], $0x4000  }
0xcb: {  	[sflag:s6] =	ssyncset.done $0x0  }
0xcc: {  	s9 =	simm.s32 $0x1100;
	[sflag:s6] =	ssyncadd.s32 $0xFFFFC000  }
0xcd: {  	[spmem:s3] =	stream.indirect.scatter.add.f32 [tilespmem:s21], [sflag:$0x3], $0x80, s9, s20, $0xb8;
	[tilespmem:$0x1E000] =	vst v63  }
0xce: {  	_ =	swait.ge [sflag:s17], $0x4000  }
0xcf: {  	[sflag:s17] =	ssyncset.done $0x0  }
0xd0: {  	s10 =	simm.s32 $0x300;
	[sflag:s17] =	ssyncadd.s32 $0xFFFFC000  }
0xd1: {  	[tilespmem:s7], [sflag:$0x2] =	stream.indirect.gather [hbm4b:s2+s20], $0x80, s10, s20, $0xb8;
	[tilespmem:$0x1E000] =	vst v63  }
0xd2: {  	_ =	swait.ge [sflag:s15], $0x4000  }
0xd3: {  	[sflag:s15] =	ssyncset.done $0x0  }
0xd4: {  	s11 =	simm.s32 $0x1180;
	[sflag:s15] =	ssyncadd.s32 $0xFFFFC000  }
0xd5: {  	[spmem:s3] =	stream.indirect.scatter.add.f32 [tilespmem:s7], [sflag:$0x4], $0x80, s11, s20, $0xb8;
	[tilespmem:$0x1E000] =	vst v63  }
0xd6: {  	_ =	swait.ge [sflag:s16], $0x4000  }
0xd7: {  	[sflag:s16] =	ssyncset.done $0x0  }
0xd8: {  	s9 =	simm.s32 $0x400;
	[sflag:s16] =	ssyncadd.s32 $0xFFFFC000  }
0xd9: {  	[tilespmem:s21], [sflag:$0x1] =	stream.indirect.gather [hbm4b:s2+s20], $0x80, s9, s20, $0xb8;
	[tilespmem:$0x1E000] =	vst v63  }
0xda: {  	_ =	swait.ge [sflag:s6], $0x4000  }
0xdb: {  	[sflag:s6] =	ssyncset.done $0x0  }
0xdc: {  	s10 =	simm.s32 $0x1200;
	[sflag:s6] =	ssyncadd.s32 $0xFFFFC000  }
0xdd: {  	[spmem:s3] =	stream.indirect.scatter.add.f32 [tilespmem:s21], [sflag:$0x3], $0x80, s10, s20, $0xb8;
	[tilespmem:$0x1E000] =	vst v63  }
0xde: {  	_ =	swait.ge [sflag:s17], $0x4000  }
0xdf: {  	[sflag:s17] =	ssyncset.done $0x0  }
0xe0: {  	s11 =	simm.s32 $0x500;
	[sflag:s17] =	ssyncadd.s32 $0xFFFFC000  }
0xe1: {  	[tilespmem:s7], [sflag:$0x2] =	stream.indirect.gather [hbm4b:s2+s20], $0x80, s11, s20, $0xb8;
	[tilespmem:$0x1E000] =	vst v63  }
0xe2: {  	_ =	swait.ge [sflag:s15], $0x4000  }
0xe3: {  	[sflag:s15] =	ssyncset.done $0x0  }
0xe4: {  	s9 =	simm.s32 $0x1280;
	[sflag:s15] =	ssyncadd.s32 $0xFFFFC000  }
0xe5: {  	[spmem:s3] =	stream.indirect.scatter.add.f32 [tilespmem:s7], [sflag:$0x4], $0x80, s9, s20, $0xb8;
	[tilespmem:$0x1E000] =	vst v63  }
0xe6: {  	_ =	swait.ge [sflag:s16], $0x4000  }
0xe7: {  	[sflag:s16] =	ssyncset.done $0x0  }
0xe8: {  	s10 =	simm.s32 $0x600;
	[sflag:s16] =	ssyncadd.s32 $0xFFFFC000  }
0xe9: {  	[tilespmem:s21], [sflag:$0x1] =	stream.indirect.gather [hbm4b:s2+s20], $0x80, s10, s20, $0xb8;
	[tilespmem:$0x1E000] =	vst v63  }
0xea: {  	_ =	swait.ge [sflag:s6], $0x4000  }
0xeb: {  	[sflag:s6] =	ssyncset.done $0x0  }
0xec: {  	s11 =	simm.s32 $0x1300;
	[sflag:s6] =	ssyncadd.s32 $0xFFFFC000  }
0xed: {  	[spmem:s3] =	stream.indirect.scatter.add.f32 [tilespmem:s21], [sflag:$0x3], $0x80, s11, s20, $0xb8;
	[tilespmem:$0x1E000] =	vst v63  }
0xee: {  	_ =	swait.ge [sflag:s17], $0x4000  }
0xef: {  	[sflag:s17] =	ssyncset.done $0x0  }
0xf0: {  	s9 =	simm.s32 $0x700;
	[sflag:s17] =	ssyncadd.s32 $0xFFFFC000  }
0xf1: {  	[tilespmem:s7], [sflag:$0x2] =	stream.indirect.gather [hbm4b:s2+s20], $0x80, s9, s20, $0xb8;
	[tilespmem:$0x1E000] =	vst v63  }
0xf2: {  	_ =	swait.ge [sflag:s15], $0x4000  }
0xf3: {  	[sflag:s15] =	ssyncset.done $0x0  }
0xf4: {  	s10 =	simm.s32 $0x1380;
	[sflag:s15] =	ssyncadd.s32 $0xFFFFC000  }
0xf5: {  	[spmem:s3] =	stream.indirect.scatter.add.f32 [tilespmem:s7], [sflag:$0x4], $0x80, s10, s20, $0xb8;
	[tilespmem:$0x1E000] =	vst v63  }
0xf6: {  	_ =	swait.ge [sflag:s16], $0x4000  }
0xf7: {  	[sflag:s16] =	ssyncset.done $0x0  }
0xf8: {  	s11 =	simm.s32 $0x800;
	[sflag:s16] =	ssyncadd.s32 $0xFFFFC000  }
0xf9: {  	[tilespmem:s21], [sflag:$0x1] =	stream.indirect.gather [hbm4b:s2+s20], $0x80, s11, s20, $0xb8;
	[tilespmem:$0x1E000] =	vst v63  }
0xfa: {  	_ =	swait.ge [sflag:s6], $0x4000  }
0xfb: {  	[sflag:s6] =	ssyncset.done $0x0  }
0xfc: {  	s9 =	simm.s32 $0x1400;
	[sflag:s6] =	ssyncadd.s32 $0xFFFFC000  }
0xfd: {  	[spmem:s3] =	stream.indirect.scatter.add.f32 [tilespmem:s21], [sflag:$0x3], $0x80, s9, s20, $0xb8;
	[tilespmem:$0x1E000] =	vst v63  }
0xfe: {  	_ =	swait.ge [sflag:s17], $0x4000  }
0xff: {  	[sflag:s17] =	ssyncset.done $0x0  }
0x100: {  	s10 =	simm.s32 $0x900;
	[sflag:s17] =	ssyncadd.s32 $0xFFFFC000  }
0x101: {  	[tilespmem:s7], [sflag:$0x2] =	stream.indirect.gather [hbm4b:s2+s20], $0x80, s10, s20, $0xb8;
	[tilespmem:$0x1E000] =	vst v63  }
0x102: {  	_ =	swait.ge [sflag:s15], $0x4000  }
0x103: {  	[sflag:s15] =	ssyncset.done $0x0  }
0x104: {  	s11 =	simm.s32 $0x1480;
	[sflag:s15] =	ssyncadd.s32 $0xFFFFC000  }
0x105: {  	[spmem:s3] =	stream.indirect.scatter.add.f32 [tilespmem:s7], [sflag:$0x4], $0x80, s11, s20, $0xb8;
	[tilespmem:$0x1E000] =	vst v63  }
0x106: {  	_ =	swait.ge [sflag:s16], $0x4000  }
0x107: {  	[sflag:s16] =	ssyncset.done $0x0  }
0x108: {  	s9 =	simm.s32 $0xA00;
	[sflag:s16] =	ssyncadd.s32 $0xFFFFC000  }
0x109: {  	[tilespmem:s21], [sflag:$0x1] =	stream.indirect.gather [hbm4b:s2+s20], $0x80, s9, s20, $0xb8;
	[tilespmem:$0x1E000] =	vst v63  }
0x10a: {  	_ =	swait.ge [sflag:s6], $0x4000  }
0x10b: {  	[sflag:s6] =	ssyncset.done $0x0  }
0x10c: {  	s10 =	simm.s32 $0x1500;
	[sflag:s6] =	ssyncadd.s32 $0xFFFFC000  }
0x10d: {  	[spmem:s3] =	stream.indirect.scatter.add.f32 [tilespmem:s21], [sflag:$0x3], $0x80, s10, s20, $0xb8;
	[tilespmem:$0x1E000] =	vst v63  }
0x10e: {  	_ =	swait.ge [sflag:s17], $0x4000  }
0x10f: {  	[sflag:s17] =	ssyncset.done $0x0  }
0x110: {  	s11 =	simm.s32 $0xB00;
	[sflag:s17] =	ssyncadd.s32 $0xFFFFC000  }
0x111: {  	[tilespmem:s7], [sflag:$0x2] =	stream.indirect.gather [hbm4b:s2+s20], $0x80, s11, s20, $0xb8;
	[tilespmem:$0x1E000] =	vst v63  }
0x112: {  	_ =	swait.ge [sflag:s15], $0x4000  }
0x113: {  	[sflag:s15] =	ssyncset.done $0x0  }
0x114: {  	s9 =	simm.s32 $0x1580;
	[sflag:s15] =	ssyncadd.s32 $0xFFFFC000  }
0x115: {  	[spmem:s3] =	stream.indirect.scatter.add.f32 [tilespmem:s7], [sflag:$0x4], $0x80, s9, s20, $0xb8;
	[tilespmem:$0x1E000] =	vst v63  }
0x116: {  	_ =	swait.ge [sflag:s16], $0x4000  }
0x117: {  	[sflag:s16] =	ssyncset.done $0x0  }
0x118: {  	s10 =	simm.s32 $0xC00;
	[sflag:s16] =	ssyncadd.s32 $0xFFFFC000  }
0x119: {  	[tilespmem:s21], [sflag:$0x1] =	stream.indirect.gather [hbm4b:s2+s20], $0x80, s10, s20, $0xb8;
	[tilespmem:$0x1E000] =	vst v63  }
0x11a: {  	_ =	swait.ge [sflag:s6], $0x4000  }
0x11b: {  	[sflag:s6] =	ssyncset.done $0x0  }
0x11c: {  	s11 =	simm.s32 $0x1600;
	[sflag:s6] =	ssyncadd.s32 $0xFFFFC000  }
0x11d: {  	[spmem:s3] =	stream.indirect.scatter.add.f32 [tilespmem:s21], [sflag:$0x3], $0x80, s11, s20, $0xb8;
	[tilespmem:$0x1E000] =	vst v63  }
0x11e: {  	_ =	swait.ge [sflag:s17], $0x4000  }
0x11f: {  	[sflag:s17] =	ssyncset.done $0x0  }
0x120: {  	s9 =	simm.s32 $0xD00;
	[sflag:s17] =	ssyncadd.s32 $0xFFFFC000  }
0x121: {  	[tilespmem:s7], [sflag:$0x2] =	stream.indirect.gather [hbm4b:s2+s20], $0x80, s9, s20, $0xb8;
	[tilespmem:$0x1E000] =	vst v63  }
0x122: {  	_ =	swait.ge [sflag:s15], $0x4000  }
0x123: {  	[sflag:s15] =	ssyncset.done $0x0  }
0x124: {  	s10 =	simm.s32 $0x1680;
	[sflag:s15] =	ssyncadd.s32 $0xFFFFC000  }
0x125: {  	[spmem:s3] =	stream.indirect.scatter.add.f32 [tilespmem:s7], [sflag:$0x4], $0x80, s10, s20, $0xb8;
	[tilespmem:$0x1E000] =	vst v63  }
0x126: {  	_ =	swait.ge [sflag:s16], $0x4000  }
0x127: {  	[sflag:s16] =	ssyncset.done $0x0  }
0x128: {  	s11 =	simm.s32 $0xE00;
	[sflag:s16] =	ssyncadd.s32 $0xFFFFC000  }
0x129: {  	[tilespmem:s21], [sflag:$0x1] =	stream.indirect.gather [hbm4b:s2+s20], $0x80, s11, s20, $0xb8;
	[tilespmem:$0x1E000] =	vst v63  }
0x12a: {  	_ =	swait.ge [sflag:s6], $0x4000  }
0x12b: {  	[sflag:s6] =	ssyncset.done $0x0  }
0x12c: {  	s9 =	simm.s32 $0x1700;
	[sflag:s6] =	ssyncadd.s32 $0xFFFFC000  }
0x12d: {  	[spmem:s3] =	stream.indirect.scatter.add.f32 [tilespmem:s21], [sflag:$0x3], $0x80, s9, s20, $0xb8;
	[tilespmem:$0x1E000] =	vst v63  }
0x12e: {  	_ =	swait.ge [sflag:s17], $0x4000  }
0x12f: {  	[sflag:s17] =	ssyncset.done $0x0  }
0x130: {  	s10 =	simm.s32 $0xF00;
	[sflag:s17] =	ssyncadd.s32 $0xFFFFC000  }
0x131: {  	[tilespmem:s7], [sflag:$0x2] =	stream.indirect.gather [hbm4b:s2+s20], $0x80, s10, s20, $0xb8;
	[tilespmem:$0x1E000] =	vst v63  }
0x132: {  	_ =	swait.ge [sflag:s15], $0x4000  }
0x133: {  	[sflag:s15] =	ssyncset.done $0x0  }
0x134: {  	s11 =	simm.s32 $0x1780;
	[sflag:s15] =	ssyncadd.s32 $0xFFFFC000  }
0x135: {  	[spmem:s3] =	stream.indirect.scatter.add.f32 [tilespmem:s7], [sflag:$0x4], $0x80, s11, s20, $0xb8;
	[tilespmem:$0x1E000] =	vst v63  }
0x136: {  	_ =	swait.ge [sflag:s16], $0x4000  }
0x137: {  	[sflag:s16] =	ssyncset.done $0x0  }
0x138: {  	[sflag:s16] =	ssyncadd.s32 $0xFFFFC000  }
0x139: {  	_ =	swait.ge [sflag:s17], $0x4000  }
0x13a: {  	[sflag:s17] =	ssyncset.done $0x0  }
0x13b: {  	[sflag:s17] =	ssyncadd.s32 $0xFFFFC000  }
0x13c: {  	_ =	swait.ge [sflag:s19], $0x800  }
0x13d: {  	[sflag:s19] =	ssyncset.done $0x0  }
0x13e: {  	[sflag:s19] =	ssyncadd.s32 $0xFFFFF800  }
0x13f: {  	p1 =	seq.s32 s18, $0x0;
	_ =	swait.ge [sflag:s19], $0x800  }
0x140: {  	s8 =	sadd.s32 @!p1 s18, s13;
	[sflag:s19] =	ssyncset.done $0x0  }
0x141: {  	s9 =	sadd.s32 @!p1 $0xA00, s8;
	s10 =	simm.s32 @!p1 $0x0;
	[sflag:s19] =	ssyncadd.s32 $0xFFFFF800  }
0x142: {  	[tilespmem:s10], [sflag:$0x5] =	stream.linear.gather @!p1 [hbm4b:s9+s10], $0x80, $0x38;
	[tilespmem:$0x1E000] =	vst v63  }
0x143: {  	s11 =	simm.s32 @!p1 $0x100;
	s9 =	sadd.s32 @!p1 $0xA10, s8  }
0x144: {  	[tilespmem:s11], [sflag:$0x5] =	stream.linear.gather @!p1 [hbm4b:s9+s10], $0x80, $0x38;
	[tilespmem:$0x1E000] =	vst v63  }
0x145: {  	s9 =	sadd.s32 @!p1 $0xA20, s8;
	s11 =	simm.s32 @!p1 $0x200  }
0x146: {  	[tilespmem:s11], [sflag:$0x5] =	stream.linear.gather @!p1 [hbm4b:s9+s10], $0x80, $0x38;
	[tilespmem:$0x1E000] =	vst v63  }
0x147: {  	s9 =	sadd.s32 @!p1 $0xA30, s8;
	s11 =	simm.s32 @!p1 $0x300  }
0x148: {  	[tilespmem:s11], [sflag:$0x5] =	stream.linear.gather @!p1 [hbm4b:s9+s10], $0x80, $0x38;
	[tilespmem:$0x1E000] =	vst v63  }
0x149: {  	s9 =	sadd.s32 @!p1 $0xA40, s8;
	s11 =	simm.s32 @!p1 $0x400  }
0x14a: {  	[tilespmem:s11], [sflag:$0x5] =	stream.linear.gather @!p1 [hbm4b:s9+s10], $0x80, $0x38;
	[tilespmem:$0x1E000] =	vst v63  }
0x14b: {  	s9 =	sadd.s32 @!p1 $0xA50, s8;
	s11 =	simm.s32 @!p1 $0x500  }
0x14c: {  	[tilespmem:s11], [sflag:$0x5] =	stream.linear.gather @!p1 [hbm4b:s9+s10], $0x80, $0x38;
	[tilespmem:$0x1E000] =	vst v63  }
0x14d: {  	s9 =	sadd.s32 @!p1 $0xA60, s8;
	s11 =	simm.s32 @!p1 $0x600  }
0x14e: {  	[tilespmem:s11], [sflag:$0x5] =	stream.linear.gather @!p1 [hbm4b:s9+s10], $0x80, $0x38;
	[tilespmem:$0x1E000] =	vst v63  }
0x14f: {  	s9 =	sadd.s32 @!p1 $0xA70, s8;
	s11 =	simm.s32 @!p1 $0x700  }
0x150: {  	[tilespmem:s11], [sflag:$0x5] =	stream.linear.gather @!p1 [hbm4b:s9+s10], $0x80, $0x38;
	[tilespmem:$0x1E000] =	vst v63  }
0x151: {  	s9 =	sadd.s32 @!p1 $0xA80, s8;
	s11 =	simm.s32 @!p1 $0x800  }
0x152: {  	[tilespmem:s11], [sflag:$0x5] =	stream.linear.gather @!p1 [hbm4b:s9+s10], $0x80, $0x38;
	[tilespmem:$0x1E000] =	vst v63  }
0x153: {  	s9 =	sadd.s32 @!p1 $0xA90, s8;
	s11 =	simm.s32 @!p1 $0x900  }
0x154: {  	[tilespmem:s11], [sflag:$0x5] =	stream.linear.gather @!p1 [hbm4b:s9+s10], $0x80, $0x38;
	[tilespmem:$0x1E000] =	vst v63  }
0x155: {  	s9 =	sadd.s32 @!p1 $0xAA0, s8;
	s11 =	simm.s32 @!p1 $0xA00  }
0x156: {  	[tilespmem:s11], [sflag:$0x5] =	stream.linear.gather @!p1 [hbm4b:s9+s10], $0x80, $0x38;
	[tilespmem:$0x1E000] =	vst v63  }
0x157: {  	s9 =	sadd.s32 @!p1 $0xAB0, s8;
	s11 =	simm.s32 @!p1 $0xB00  }
0x158: {  	[tilespmem:s11], [sflag:$0x5] =	stream.linear.gather @!p1 [hbm4b:s9+s10], $0x80, $0x38;
	[tilespmem:$0x1E000] =	vst v63  }
0x159: {  	s9 =	sadd.s32 @!p1 $0xAC0, s8;
	s11 =	simm.s32 @!p1 $0xC00  }
0x15a: {  	[tilespmem:s11], [sflag:$0x5] =	stream.linear.gather @!p1 [hbm4b:s9+s10], $0x80, $0x38;
	[tilespmem:$0x1E000] =	vst v63  }
0x15b: {  	s9 =	sadd.s32 @!p1 $0xAD0, s8;
	s11 =	simm.s32 @!p1 $0xD00  }
0x15c: {  	[tilespmem:s11], [sflag:$0x5] =	stream.linear.gather @!p1 [hbm4b:s9+s10], $0x80, $0x38;
	[tilespmem:$0x1E000] =	vst v63  }
0x15d: {  	s9 =	sadd.s32 @!p1 $0xAE0, s8;
	s11 =	simm.s32 @!p1 $0xE00  }
0x15e: {  	[tilespmem:s11], [sflag:$0x5] =	stream.linear.gather @!p1 [hbm4b:s9+s10], $0x80, $0x38;
	[tilespmem:$0x1E000] =	vst v63  }
0x15f: {  	s8 =	sadd.s32 @!p1 $0xAF0, s8;
	s9 =	simm.s32 @!p1 $0xF00  }
0x160: {  	[tilespmem:s9], [sflag:$0x5] =	stream.linear.gather @!p1 [hbm4b:s8+s10], $0x80, $0x38;
	[tilespmem:$0x1E000] =	vst v63  }
0x161: {  	s8 =	sadd.s32 @!p1 s18, s0  }
0x162: {  	s9 =	simm.s32 @!p1 $0x1000;
	s8 =	sadd.s32 @!p1 $0xA00, s8  }
0x163: {  	[tilespmem:s9], [sflag:$0x5] =	stream.linear.gather @!p1 [hbm4b:s8+s10], $0x800, $0x38;
	[tilespmem:$0x1E000] =	vst v63  }
0x164: {  	_ = 	snop  }
0x165: {  	[tilespmem:s21], [sflag:$0x1] =	stream.indirect.gather [hbm4b:s2+s20], $0x80, s20, s20, $0xb8;
	[tilespmem:$0x1E000] =	vst v63  }
0x166: {  	_ =	swait.ge [sflag:s6], $0x4000  }
0x167: {  	[sflag:s6] =	ssyncset.done $0x0  }
0x168: {  	[sflag:s6] =	ssyncadd.s32 $0xFFFFC000  }
0x169: {  	[spmem:s3] =	stream.indirect.scatter.add.f32 [tilespmem:s21], [sflag:$0x3], $0x80, s1, s20, $0xb8;
	[tilespmem:$0x1E000] =	vst v63  }
0x16a: {  	_ = 	snop  }
0x16b: {  	[tilespmem:s7], [sflag:$0x2] =	stream.indirect.gather [hbm4b:s2+s20], $0x80, s12, s20, $0xb8;
	[tilespmem:$0x1E000] =	vst v63  }
0x16c: {  	_ =	swait.ge [sflag:s15], $0x4000  }
0x16d: {  	[sflag:s15] =	ssyncset.done $0x0  }
0x16e: {  	s12 =	simm.s32 $0x1880;
	[sflag:s15] =	ssyncadd.s32 $0xFFFFC000  }
0x16f: {  	[spmem:s3] =	stream.indirect.scatter.add.f32 [tilespmem:s7], [sflag:$0x4], $0x80, s12, s20, $0xb8;
	[tilespmem:$0x1E000] =	vst v63  }
0x170: {  	_ =	swait.ge [sflag:s16], $0x4000  }
0x171: {  	[sflag:s16] =	ssyncset.done $0x0  }
0x172: {  	[sflag:s16] =	ssyncadd.s32 $0xFFFFC000  }
0x173: {  	[tilespmem:s21], [sflag:$0x1] =	stream.indirect.gather [hbm4b:s2+s20], $0x80, s22, s20, $0xb8;
	[tilespmem:$0x1E000] =	vst v63  }
0x174: {  	_ =	swait.ge [sflag:s6], $0x4000  }
0x175: {  	[sflag:s6] =	ssyncset.done $0x0  }
0x176: {  	s22 =	simm.s32 $0x1900;
	[sflag:s6] =	ssyncadd.s32 $0xFFFFC000  }
0x177: {  	[spmem:s3] =	stream.indirect.scatter.add.f32 [tilespmem:s21], [sflag:$0x3], $0x80, s22, s20, $0xb8;
	[tilespmem:$0x1E000] =	vst v63  }
0x178: {  	_ =	swait.ge [sflag:s17], $0x4000  }
0x179: {  	[sflag:s17] =	ssyncset.done $0x0  }
0x17a: {  	[sflag:s17] =	ssyncadd.s32 $0xFFFFC000  }
0x17b: {  	[tilespmem:s7], [sflag:$0x2] =	stream.indirect.gather [hbm4b:s2+s20], $0x80, s23, s20, $0xb8;
	[tilespmem:$0x1E000] =	vst v63  }
0x17c: {  	_ =	swait.ge [sflag:s15], $0x4000  }
0x17d: {  	[sflag:s15] =	ssyncset.done $0x0  }
0x17e: {  	s23 =	simm.s32 $0x1980;
	[sflag:s15] =	ssyncadd.s32 $0xFFFFC000  }
0x17f: {  	[spmem:s3] =	stream.indirect.scatter.add.f32 [tilespmem:s7], [sflag:$0x4], $0x80, s23, s20, $0xb8;
	[tilespmem:$0x1E000] =	vst v63  }
0x180: {  	_ =	swait.ge [sflag:s16], $0x4000  }
0x181: {  	[sflag:s16] =	ssyncset.done $0x0  }
0x182: {  	[sflag:s16] =	ssyncadd.s32 $0xFFFFC000  }
0x183: {  	[tilespmem:s21], [sflag:$0x1] =	stream.indirect.gather [hbm4b:s2+s20], $0x80, s24, s20, $0xb8;
	[tilespmem:$0x1E000] =	vst v63  }
0x184: {  	_ =	swait.ge [sflag:s6], $0x4000  }
0x185: {  	[sflag:s6] =	ssyncset.done $0x0  }
0x186: {  	s24 =	simm.s32 $0x1A00;
	[sflag:s6] =	ssyncadd.s32 $0xFFFFC000  }
0x187: {  	[spmem:s3] =	stream.indirect.scatter.add.f32 [tilespmem:s21], [sflag:$0x3], $0x80, s24, s20, $0xb8;
	[tilespmem:$0x1E000] =	vst v63  }
0x188: {  	_ =	swait.ge [sflag:s17], $0x4000  }
0x189: {  	[sflag:s17] =	ssyncset.done $0x0  }
0x18a: {  	[sflag:s17] =	ssyncadd.s32 $0xFFFFC000  }
0x18b: {  	[tilespmem:s7], [sflag:$0x2] =	stream.indirect.gather [hbm4b:s2+s20], $0x80, s25, s20, $0xb8;
	[tilespmem:$0x1E000] =	vst v63  }
0x18c: {  	_ =	swait.ge [sflag:s15], $0x4000  }
0x18d: {  	[sflag:s15] =	ssyncset.done $0x0  }
0x18e: {  	s1 =	simm.s32 $0x1A80;
	[sflag:s15] =	ssyncadd.s32 $0xFFFFC000  }
0x18f: {  	[spmem:s3] =	stream.indirect.scatter.add.f32 [tilespmem:s7], [sflag:$0x4], $0x80, s1, s20, $0xb8;
	[tilespmem:$0x1E000] =	vst v63  }
0x190: {  	_ =	swait.ge [sflag:s16], $0x4000  }
0x191: {  	[sflag:s16] =	ssyncset.done $0x0  }
0x192: {  	[sflag:s16] =	ssyncadd.s32 $0xFFFFC000  }
0x193: {  	[tilespmem:s21], [sflag:$0x1] =	stream.indirect.gather [hbm4b:s2+s20], $0x80, s26, s20, $0xb8;
	[tilespmem:$0x1E000] =	vst v63  }
0x194: {  	_ =	swait.ge [sflag:s6], $0x4000  }
0x195: {  	[sflag:s6] =	ssyncset.done $0x0  }
0x196: {  	s8 =	simm.s32 $0x1B00;
	[sflag:s6] =	ssyncadd.s32 $0xFFFFC000  }
0x197: {  	[spmem:s3] =	stream.indirect.scatter.add.f32 [tilespmem:s21], [sflag:$0x3], $0x80, s8, s20, $0xb8;
	[tilespmem:$0x1E000] =	vst v63  }
0x198: {  	_ =	swait.ge [sflag:s17], $0x4000  }
0x199: {  	[sflag:s17] =	ssyncset.done $0x0  }
0x19a: {  	[sflag:s17] =	ssyncadd.s32 $0xFFFFC000  }
0x19b: {  	[tilespmem:s7], [sflag:$0x2] =	stream.indirect.gather [hbm4b:s2+s20], $0x80, s28, s20, $0xb8;
	[tilespmem:$0x1E000] =	vst v63  }
0x19c: {  	_ =	swait.ge [sflag:s15], $0x4000  }
0x19d: {  	[sflag:s15] =	ssyncset.done $0x0  }
0x19e: {  	s9 =	simm.s32 $0x1B80;
	[sflag:s15] =	ssyncadd.s32 $0xFFFFC000  }
0x19f: {  	[spmem:s3] =	stream.indirect.scatter.add.f32 [tilespmem:s7], [sflag:$0x4], $0x80, s9, s20, $0xb8;
	[tilespmem:$0x1E000] =	vst v63  }
0x1a0: {  	_ =	swait.ge [sflag:s16], $0x4000  }
0x1a1: {  	[sflag:s16] =	ssyncset.done $0x0  }
0x1a2: {  	[sflag:s16] =	ssyncadd.s32 $0xFFFFC000  }
0x1a3: {  	[tilespmem:s21], [sflag:$0x1] =	stream.indirect.gather [hbm4b:s2+s20], $0x80, s29, s20, $0xb8;
	[tilespmem:$0x1E000] =	vst v63  }
0x1a4: {  	_ =	swait.ge [sflag:s6], $0x4000  }
0x1a5: {  	[sflag:s6] =	ssyncset.done $0x0  }
0x1a6: {  	s10 =	simm.s32 $0x1C00;
	[sflag:s6] =	ssyncadd.s32 $0xFFFFC000  }
0x1a7: {  	[spmem:s3] =	stream.indirect.scatter.add.f32 [tilespmem:s21], [sflag:$0x3], $0x80, s10, s20, $0xb8;
	[tilespmem:$0x1E000] =	vst v63  }
0x1a8: {  	_ =	swait.ge [sflag:s17], $0x4000  }
0x1a9: {  	[sflag:s17] =	ssyncset.done $0x0  }
0x1aa: {  	[sflag:s17] =	ssyncadd.s32 $0xFFFFC000  }
0x1ab: {  	[tilespmem:s7], [sflag:$0x2] =	stream.indirect.gather [hbm4b:s2+s20], $0x80, s30, s20, $0xb8;
	[tilespmem:$0x1E000] =	vst v63  }
0x1ac: {  	_ =	swait.ge [sflag:s15], $0x4000  }
0x1ad: {  	[sflag:s15] =	ssyncset.done $0x0  }
0x1ae: {  	s11 =	simm.s32 $0x1C80;
	[sflag:s15] =	ssyncadd.s32 $0xFFFFC000  }
0x1af: {  	[spmem:s3] =	stream.indirect.scatter.add.f32 [tilespmem:s7], [sflag:$0x4], $0x80, s11, s20, $0xb8;
	[tilespmem:$0x1E000] =	vst v63  }
0x1b0: {  	_ =	swait.ge [sflag:s16], $0x4000  }
0x1b1: {  	[sflag:s16] =	ssyncset.done $0x0  }
0x1b2: {  	[sflag:s16] =	ssyncadd.s32 $0xFFFFC000  }
0x1b3: {  	[tilespmem:s21], [sflag:$0x1] =	stream.indirect.gather [hbm4b:s2+s20], $0x80, s31, s20, $0xb8;
	[tilespmem:$0x1E000] =	vst v63  }
0x1b4: {  	_ =	swait.ge [sflag:s6], $0x4000  }
0x1b5: {  	[sflag:s6] =	ssyncset.done $0x0  }
0x1b6: {  	s12 =	simm.s32 $0x1D00;
	[sflag:s6] =	ssyncadd.s32 $0xFFFFC000  }
0x1b7: {  	[spmem:s3] =	stream.indirect.scatter.add.f32 [tilespmem:s21], [sflag:$0x3], $0x80, s12, s20, $0xb8;
	[tilespmem:$0x1E000] =	vst v63  }
0x1b8: {  	_ =	swait.ge [sflag:s17], $0x4000  }
0x1b9: {  	[sflag:s17] =	ssyncset.done $0x0  }
0x1ba: {  	[sflag:s17] =	ssyncadd.s32 $0xFFFFC000  }
0x1bb: {  	[tilespmem:s7], [sflag:$0x2] =	stream.indirect.gather [hbm4b:s2+s20], $0x80, s14, s20, $0xb8;
	[tilespmem:$0x1E000] =	vst v63  }
0x1bc: {  	_ =	swait.ge [sflag:s15], $0x4000  }
0x1bd: {  	[sflag:s15] =	ssyncset.done $0x0  }
0x1be: {  	s22 =	simm.s32 $0x1D80;
	[sflag:s15] =	ssyncadd.s32 $0xFFFFC000  }
0x1bf: {  	[spmem:s3] =	stream.indirect.scatter.add.f32 [tilespmem:s7], [sflag:$0x4], $0x80, s22, s20, $0xb8;
	[tilespmem:$0x1E000] =	vst v63  }
0x1c0: {  	_ =	swait.ge [sflag:s16], $0x4000  }
0x1c1: {  	[sflag:s16] =	ssyncset.done $0x0  }
0x1c2: {  	s23 =	simm.s32 $0xC80;
	[sflag:s16] =	ssyncadd.s32 $0xFFFFC000  }
0x1c3: {  	[tilespmem:s21], [sflag:$0x1] =	stream.indirect.gather [hbm4b:s2+s20], $0x80, s23, s20, $0xb8;
	[tilespmem:$0x1E000] =	vst v63  }
0x1c4: {  	_ =	swait.ge [sflag:s6], $0x4000  }
0x1c5: {  	[sflag:s6] =	ssyncset.done $0x0  }
0x1c6: {  	s24 =	simm.s32 $0x1E00;
	[sflag:s6] =	ssyncadd.s32 $0xFFFFC000  }
0x1c7: {  	[spmem:s3] =	stream.indirect.scatter.add.f32 [tilespmem:s21], [sflag:$0x3], $0x80, s24, s20, $0xb8;
	[tilespmem:$0x1E000] =	vst v63  }
0x1c8: {  	_ =	swait.ge [sflag:s17], $0x4000  }
0x1c9: {  	[sflag:s17] =	ssyncset.done $0x0  }
0x1ca: {  	s25 =	simm.s32 $0xD80;
	[sflag:s17] =	ssyncadd.s32 $0xFFFFC000  }
0x1cb: {  	[tilespmem:s7], [sflag:$0x2] =	stream.indirect.gather [hbm4b:s2+s20], $0x80, s25, s20, $0xb8;
	[tilespmem:$0x1E000] =	vst v63  }
0x1cc: {  	_ =	swait.ge [sflag:s15], $0x4000  }
0x1cd: {  	[sflag:s15] =	ssyncset.done $0x0  }
0x1ce: {  	s26 =	simm.s32 $0x1E80;
	[sflag:s15] =	ssyncadd.s32 $0xFFFFC000  }
0x1cf: {  	[spmem:s3] =	stream.indirect.scatter.add.f32 [tilespmem:s7], [sflag:$0x4], $0x80, s26, s20, $0xb8;
	[tilespmem:$0x1E000] =	vst v63  }
0x1d0: {  	_ =	swait.ge [sflag:s16], $0x4000  }
0x1d1: {  	[sflag:s16] =	ssyncset.done $0x0  }
0x1d2: {  	s28 =	simm.s32 $0xE80;
	[sflag:s16] =	ssyncadd.s32 $0xFFFFC000  }
0x1d3: {  	[tilespmem:s21], [sflag:$0x1] =	stream.indirect.gather [hbm4b:s2+s20], $0x80, s28, s20, $0xb8;
	[tilespmem:$0x1E000] =	vst v63  }
0x1d4: {  	_ =	swait.ge [sflag:s6], $0x4000  }
0x1d5: {  	[sflag:s6] =	ssyncset.done $0x0  }
0x1d6: {  	s29 =	simm.s32 $0x1F00;
	[sflag:s6] =	ssyncadd.s32 $0xFFFFC000  }
0x1d7: {  	[spmem:s3] =	stream.indirect.scatter.add.f32 [tilespmem:s21], [sflag:$0x3], $0x80, s29, s20, $0xb8;
	[tilespmem:$0x1E000] =	vst v63  }
0x1d8: {  	_ =	swait.ge [sflag:s17], $0x4000  }
0x1d9: {  	[sflag:s17] =	ssyncset.done $0x0  }
0x1da: {  	s30 =	simm.s32 $0xF80;
	[sflag:s17] =	ssyncadd.s32 $0xFFFFC000  }
0x1db: {  	[tilespmem:s7], [sflag:$0x2] =	stream.indirect.gather [hbm4b:s2+s20], $0x80, s30, s20, $0xb8;
	[tilespmem:$0x1E000] =	vst v63  }
0x1dc: {  	_ =	swait.ge [sflag:s15], $0x4000  }
0x1dd: {  	[sflag:s15] =	ssyncset.done $0x0  }
0x1de: {  	s31 =	simm.s32 $0x1F80;
	[sflag:s15] =	ssyncadd.s32 $0xFFFFC000  }
0x1df: {  	[spmem:s3] =	stream.indirect.scatter.add.f32 [tilespmem:s7], [sflag:$0x4], $0x80, s31, s20, $0xb8;
	[tilespmem:$0x1E000] =	vst v63  }
0x1e0: {  	_ =	swait.ge [sflag:s16], $0x4000  }
.Ltmp4:
0x1e1: {  	[sflag:s16] =	ssyncset.done $0x0;
	(pc) =	sbr.rel @p1 .LBB2_6-.Ltmp4, $4  }
0x1e2: {  	[sflag:s16] =	ssyncadd.s32 $0xFFFFC000  }
0x1e3: {  	_ =	swait.ge [sflag:s17], $0x4000  }
0x1e4: {  	[sflag:s17] =	ssyncset.done $0x0  }
0x1e5: {  	[sflag:s17] =	ssyncadd.s32 $0xFFFFC000  }
0x1e6: {  	_ =	swait.ge [sflag:s19], $0x800  }
.Ltmp5:
0x1e7: {  	[sflag:s19] =	ssyncset.done $0x0;
	(pc) =	sbr.rel .LBB2_5-.Ltmp5, $4  }
0x1e8: {  	[sflag:s19] =	ssyncadd.s32 $0xFFFFF800  }
0x1e9: {  	_ =	swait.ge [sflag:s19], $0x800  }
0x1ea: {  	[sflag:s19] =	ssyncset.done $0x0  }
0x1eb: {  	s18 =	sadd.s32 $0x200, s18;
	[sflag:s19] =	ssyncadd.s32 $0xFFFFF800  }
.LBB2_8:
0x1ec: {  	[tilespmem:s22], [sflag:$0x5] =	stream.linear.gather [hbm4b:s12+s4], $0x80, $0x38;
	[tilespmem:$0x1E000] =	vst v63  }
0x1ed: {  	s0 =	simm.s32 $0x300  }
0x1ee: {  	[tilespmem:s0], [sflag:$0x5] =	stream.linear.gather [hbm4b:s11+s4], $0x80, $0x38;
	[tilespmem:$0x1E000] =	vst v63  }
0x1ef: {  	s25 =	simm.s32 $0x400  }
0x1f0: {  	[tilespmem:s25], [sflag:$0x5] =	stream.linear.gather [hbm4b:s10+s4], $0x80, $0x38;
	[tilespmem:$0x1E000] =	vst v63  }
0x1f1: {  	s26 =	simm.s32 $0x500  }
0x1f2: {  	[tilespmem:s26], [sflag:$0x5] =	stream.linear.gather [hbm4b:s9+s4], $0x80, $0x38;
	[tilespmem:$0x1E000] =	vst v63  }
0x1f3: {  	s28 =	simm.s32 $0x600  }
0x1f4: {  	[tilespmem:s28], [sflag:$0x5] =	stream.linear.gather [hbm4b:s18+s4], $0x80, $0x38;
	[tilespmem:$0x1E000] =	vst v63  }
0x1f5: {  	s29 =	simm.s32 $0x700  }
0x1f6: {  	[tilespmem:s29], [sflag:$0x5] =	stream.linear.gather [hbm4b:s8+s4], $0x80, $0x38;
	[tilespmem:$0x1E000] =	vst v63  }
0x1f7: {  	s30 =	sadd.s32 $0x80, s13;
	s31 =	simm.s32 $0x800  }
0x1f8: {  	[tilespmem:s31], [sflag:$0x5] =	stream.linear.gather [hbm4b:s30+s4], $0x80, $0x38;
	[tilespmem:$0x1E000] =	vst v63  }
0x1f9: {  	s1 =	simm.s32 $0x900;
	s0 =	sadd.s32 $0x90, s13  }
0x1fa: {  	[tilespmem:s1], [sflag:$0x5] =	stream.linear.gather [hbm4b:s0+s4], $0x80, $0x38;
	[tilespmem:$0x1E000] =	vst v63  }
0x1fb: {  	s11 =	simm.s32 $0xA00;
	s10 =	sadd.s32 $0xA0, s13  }
0x1fc: {  	[tilespmem:s11], [sflag:$0x5] =	stream.linear.gather [hbm4b:s10+s4], $0x80, $0x38;
	[tilespmem:$0x1E000] =	vst v63  }
0x1fd: {  	s12 =	sadd.s32 $0xB0, s13;
	s14 =	simm.s32 $0xB00  }
0x1fe: {  	[tilespmem:s14], [sflag:$0x5] =	stream.linear.gather [hbm4b:s12+s4], $0x80, $0x38;
	[tilespmem:$0x1E000] =	vst v63  }
0x1ff: {  	s22 =	simm.s32 $0xC00;
	s18 =	sadd.s32 $0xC0, s13  }
0x200: {  	[tilespmem:s22], [sflag:$0x5] =	stream.linear.gather [hbm4b:s18+s4], $0x80, $0x38;
	[tilespmem:$0x1E000] =	vst v63  }
0x201: {  	s23 =	sadd.s32 $0xD0, s13;
	s24 =	simm.s32 $0xD00  }
0x202: {  	[tilespmem:s24], [sflag:$0x5] =	stream.linear.gather [hbm4b:s23+s4], $0x80, $0x38;
	[tilespmem:$0x1E000] =	vst v63  }
0x203: {  	s25 =	sadd.s32 $0xE0, s13;
	s26 =	simm.s32 $0xE00  }
0x204: {  	[tilespmem:s26], [sflag:$0x5] =	stream.linear.gather [hbm4b:s25+s4], $0x80, $0x38;
	[tilespmem:$0x1E000] =	vst v63  }
0x205: {  	s28 =	sadd.s32 $0xF0, s13;
	s29 =	simm.s32 $0xF00  }
0x206: {  	[tilespmem:s29], [sflag:$0x5] =	stream.linear.gather [hbm4b:s28+s4], $0x80, $0x38;
	[tilespmem:$0x1E000] =	vst v63  }
0x207: {  	s30 =	simm.s32 $0x1000;
	s31 =	rddreg [dreg:$0x11]  }
0x208: {  	[tilespmem:s30], [sflag:$0x5] =	stream.linear.gather [hbm4b:s31+s4], $0x800, $0x38;
	[tilespmem:$0x1E000] =	vst v63  }
0x209: {  	_ =	swait.ge [sflag:s19], $0x800  }
0x20a: {  	[sflag:s19] =	ssyncset.done $0x0  }
0x20b: {  	[sflag:s19] =	ssyncadd.s32 $0xFFFFF800  }
0x20c: {  	_ =	swait.ge [sflag:s19], $0x800  }
0x20d: {  	[sflag:s19] =	ssyncset.done $0x0  }
0x20e: {  	s18 =	simm.s32 $0xFFFFF800;
	[sflag:s19] =	ssyncadd.s32 $0xFFFFF800  }
.LBB2_9:
0x20f: {  	s8 =	sadd.s32 s18, s13  }
0x210: {  	s9 =	sadd.s32 $0x900, s8  }
0x211: {  	[tilespmem:s20], [sflag:$0x5] =	stream.linear.gather [hbm4b:s9+s4], $0x80, $0x38;
	[tilespmem:$0x1E000] =	vst v63  }
0x212: {  	s12 =	simm.s32 $0x180;
	s26 =	sadd.s32 $0x910, s8  }
0x213: {  	[tilespmem:s12], [sflag:$0x5] =	stream.linear.gather [hbm4b:s26+s4], $0x80, $0x38;
	[tilespmem:$0x1E000] =	vst v63  }
0x214: {  	s22 =	simm.s32 $0x280;
	s28 =	sadd.s32 $0x920, s8  }
0x215: {  	[tilespmem:s22], [sflag:$0x5] =	stream.linear.gather [hbm4b:s28+s4], $0x80, $0x38;
	[tilespmem:$0x1E000] =	vst v63  }
0x216: {  	s23 =	simm.s32 $0x380;
	s29 =	sadd.s32 $0x930, s8  }
0x217: {  	[tilespmem:s23], [sflag:$0x5] =	stream.linear.gather [hbm4b:s29+s4], $0x80, $0x38;
	[tilespmem:$0x1E000] =	vst v63  }
0x218: {  	s24 =	simm.s32 $0x480;
	s30 =	sadd.s32 $0x940, s8  }
0x219: {  	[tilespmem:s24], [sflag:$0x5] =	stream.linear.gather [hbm4b:s30+s4], $0x80, $0x38;
	[tilespmem:$0x1E000] =	vst v63  }
0x21a: {  	s25 =	simm.s32 $0x580;
	s31 =	sadd.s32 $0x950, s8  }
0x21b: {  	[tilespmem:s25], [sflag:$0x5] =	stream.linear.gather [hbm4b:s31+s4], $0x80, $0x38;
	[tilespmem:$0x1E000] =	vst v63  }
0x21c: {  	s0 =	sadd.s32 $0x960, s8;
	s26 =	simm.s32 $0x680  }
0x21d: {  	[tilespmem:s26], [sflag:$0x5] =	stream.linear.gather [hbm4b:s0+s4], $0x80, $0x38;
	[tilespmem:$0x1E000] =	vst v63  }
0x21e: {  	s1 =	sadd.s32 $0x970, s8;
	s28 =	simm.s32 $0x780  }
0x21f: {  	[tilespmem:s28], [sflag:$0x5] =	stream.linear.gather [hbm4b:s1+s4], $0x80, $0x38;
	[tilespmem:$0x1E000] =	vst v63  }
0x220: {  	s10 =	sadd.s32 $0x980, s8;
	s29 =	simm.s32 $0x880  }
0x221: {  	[tilespmem:s29], [sflag:$0x5] =	stream.linear.gather [hbm4b:s10+s4], $0x80, $0x38;
	[tilespmem:$0x1E000] =	vst v63  }
0x222: {  	s11 =	sadd.s32 $0x990, s8;
	s30 =	simm.s32 $0x980  }
0x223: {  	[tilespmem:s30], [sflag:$0x5] =	stream.linear.gather [hbm4b:s11+s4], $0x80, $0x38;
	[tilespmem:$0x1E000] =	vst v63  }
0x224: {  	s14 =	sadd.s32 $0x9A0, s8;
	s31 =	simm.s32 $0xA80  }
0x225: {  	[tilespmem:s31], [sflag:$0x5] =	stream.linear.gather [hbm4b:s14+s4], $0x80, $0x38;
	[tilespmem:$0x1E000] =	vst v63  }
0x226: {  	s0 =	sadd.s32 $0x9B0, s8;
	s14 =	simm.s32 $0xB80  }
0x227: {  	[tilespmem:s14], [sflag:$0x5] =	stream.linear.gather [hbm4b:s0+s4], $0x80, $0x38;
	[tilespmem:$0x1E000] =	vst v63  }
0x228: {  	s1 =	sadd.s32 $0x9C0, s8;
	s0 =	simm.s32 $0xC80  }
0x229: {  	[tilespmem:s0], [sflag:$0x5] =	stream.linear.gather [hbm4b:s1+s4], $0x80, $0x38;
	[tilespmem:$0x1E000] =	vst v63  }
0x22a: {  	s10 =	sadd.s32 $0x9D0, s8;
	s11 =	simm.s32 $0xD80  }
0x22b: {  	[tilespmem:s11], [sflag:$0x5] =	stream.linear.gather [hbm4b:s10+s4], $0x80, $0x38;
	[tilespmem:$0x1E000] =	vst v63  }
0x22c: {  	s0 =	sadd.s32 $0x9E0, s8;
	s1 =	simm.s32 $0xE80  }
0x22d: {  	[tilespmem:s1], [sflag:$0x5] =	stream.linear.gather [hbm4b:s0+s4], $0x80, $0x38;
	[tilespmem:$0x1E000] =	vst v63  }
0x22e: {  	s0 =	rddreg [dreg:$0x11]  }
0x22f: {  	s9 =	simm.s32 $0xF80;
	s8 =	sadd.s32 $0x9F0, s8;
	s10 =	sadd.s32 s18, s0  }
0x230: {  	[tilespmem:s9], [sflag:$0x5] =	stream.linear.gather [hbm4b:s8+s4], $0x80, $0x38;
	[tilespmem:$0x1E000] =	vst v63  }
0x231: {  	s1 =	simm.s32 $0x1800;
	s8 =	sadd.s32 $0x900, s10  }
0x232: {  	[tilespmem:s1], [sflag:$0x5] =	stream.linear.gather [hbm4b:s8+s4], $0x800, $0x38;
	[tilespmem:$0x1E000] =	vst v63  }
0x233: {  	_ = 	snop  }
0x234: {  	[tilespmem:s21], [sflag:$0x1] =	stream.indirect.gather [hbm4b:s5+s20], $0x80, s4, s20, $0xb8;
	[tilespmem:$0x1E000] =	vst v63  }
0x235: {  	_ =	swait.ge [sflag:s6], $0x4000  }
0x236: {  	[sflag:s6] =	ssyncset.done $0x0  }
0x237: {  	s11 =	simm.s32 $0x1000;
	[sflag:s6] =	ssyncadd.s32 $0xFFFFC000  }
0x238: {  	[spmem:s3] =	stream.indirect.scatter.add.f32 [tilespmem:s21], [sflag:$0x3], $0x80, s11, s20, $0xb8;
	[tilespmem:$0x1E000] =	vst v63  }
0x239: {  	s9 =	simm.s32 $0x100  }
0x23a: {  	[tilespmem:s7], [sflag:$0x2] =	stream.indirect.gather [hbm4b:s5+s20], $0x80, s9, s20, $0xb8;
	[tilespmem:$0x1E000] =	vst v63  }
0x23b: {  	_ =	swait.ge [sflag:s15], $0x4000  }
0x23c: {  	[sflag:s15] =	ssyncset.done $0x0  }
0x23d: {  	s10 =	simm.s32 $0x1080;
	[sflag:s15] =	ssyncadd.s32 $0xFFFFC000  }
0x23e: {  	[spmem:s3] =	stream.indirect.scatter.add.f32 [tilespmem:s7], [sflag:$0x4], $0x80, s10, s20, $0xb8;
	[tilespmem:$0x1E000] =	vst v63  }
0x23f: {  	_ =	swait.ge [sflag:s16], $0x4000  }
0x240: {  	[sflag:s16] =	ssyncset.done $0x0  }
0x241: {  	s11 =	simm.s32 $0x200;
	[sflag:s16] =	ssyncadd.s32 $0xFFFFC000  }
0x242: {  	[tilespmem:s21], [sflag:$0x1] =	stream.indirect.gather [hbm4b:s5+s20], $0x80, s11, s20, $0xb8;
	[tilespmem:$0x1E000] =	vst v63  }
0x243: {  	_ =	swait.ge [sflag:s6], $0x4000  }
0x244: {  	[sflag:s6] =	ssyncset.done $0x0  }
0x245: {  	s9 =	simm.s32 $0x1100;
	[sflag:s6] =	ssyncadd.s32 $0xFFFFC000  }
0x246: {  	[spmem:s3] =	stream.indirect.scatter.add.f32 [tilespmem:s21], [sflag:$0x3], $0x80, s9, s20, $0xb8;
	[tilespmem:$0x1E000] =	vst v63  }
0x247: {  	_ =	swait.ge [sflag:s17], $0x4000  }
0x248: {  	[sflag:s17] =	ssyncset.done $0x0  }
0x249: {  	s10 =	simm.s32 $0x300;
	[sflag:s17] =	ssyncadd.s32 $0xFFFFC000  }
0x24a: {  	[tilespmem:s7], [sflag:$0x2] =	stream.indirect.gather [hbm4b:s5+s20], $0x80, s10, s20, $0xb8;
	[tilespmem:$0x1E000] =	vst v63  }
0x24b: {  	_ =	swait.ge [sflag:s15], $0x4000  }
0x24c: {  	[sflag:s15] =	ssyncset.done $0x0  }
0x24d: {  	s11 =	simm.s32 $0x1180;
	[sflag:s15] =	ssyncadd.s32 $0xFFFFC000  }
0x24e: {  	[spmem:s3] =	stream.indirect.scatter.add.f32 [tilespmem:s7], [sflag:$0x4], $0x80, s11, s20, $0xb8;
	[tilespmem:$0x1E000] =	vst v63  }
0x24f: {  	_ =	swait.ge [sflag:s16], $0x4000  }
0x250: {  	[sflag:s16] =	ssyncset.done $0x0  }
0x251: {  	s9 =	simm.s32 $0x400;
	[sflag:s16] =	ssyncadd.s32 $0xFFFFC000  }
0x252: {  	[tilespmem:s21], [sflag:$0x1] =	stream.indirect.gather [hbm4b:s5+s20], $0x80, s9, s20, $0xb8;
	[tilespmem:$0x1E000] =	vst v63  }
0x253: {  	_ =	swait.ge [sflag:s6], $0x4000  }
0x254: {  	[sflag:s6] =	ssyncset.done $0x0  }
0x255: {  	s10 =	simm.s32 $0x1200;
	[sflag:s6] =	ssyncadd.s32 $0xFFFFC000  }
0x256: {  	[spmem:s3] =	stream.indirect.scatter.add.f32 [tilespmem:s21], [sflag:$0x3], $0x80, s10, s20, $0xb8;
	[tilespmem:$0x1E000] =	vst v63  }
0x257: {  	_ =	swait.ge [sflag:s17], $0x4000  }
0x258: {  	[sflag:s17] =	ssyncset.done $0x0  }
0x259: {  	s11 =	simm.s32 $0x500;
	[sflag:s17] =	ssyncadd.s32 $0xFFFFC000  }
0x25a: {  	[tilespmem:s7], [sflag:$0x2] =	stream.indirect.gather [hbm4b:s5+s20], $0x80, s11, s20, $0xb8;
	[tilespmem:$0x1E000] =	vst v63  }
0x25b: {  	_ =	swait.ge [sflag:s15], $0x4000  }
0x25c: {  	[sflag:s15] =	ssyncset.done $0x0  }
0x25d: {  	s9 =	simm.s32 $0x1280;
	[sflag:s15] =	ssyncadd.s32 $0xFFFFC000  }
0x25e: {  	[spmem:s3] =	stream.indirect.scatter.add.f32 [tilespmem:s7], [sflag:$0x4], $0x80, s9, s20, $0xb8;
	[tilespmem:$0x1E000] =	vst v63  }
0x25f: {  	_ =	swait.ge [sflag:s16], $0x4000  }
0x260: {  	[sflag:s16] =	ssyncset.done $0x0  }
0x261: {  	s10 =	simm.s32 $0x600;
	[sflag:s16] =	ssyncadd.s32 $0xFFFFC000  }
0x262: {  	[tilespmem:s21], [sflag:$0x1] =	stream.indirect.gather [hbm4b:s5+s20], $0x80, s10, s20, $0xb8;
	[tilespmem:$0x1E000] =	vst v63  }
0x263: {  	_ =	swait.ge [sflag:s6], $0x4000  }
0x264: {  	[sflag:s6] =	ssyncset.done $0x0  }
0x265: {  	s11 =	simm.s32 $0x1300;
	[sflag:s6] =	ssyncadd.s32 $0xFFFFC000  }
0x266: {  	[spmem:s3] =	stream.indirect.scatter.add.f32 [tilespmem:s21], [sflag:$0x3], $0x80, s11, s20, $0xb8;
	[tilespmem:$0x1E000] =	vst v63  }
0x267: {  	_ =	swait.ge [sflag:s17], $0x4000  }
0x268: {  	[sflag:s17] =	ssyncset.done $0x0  }
0x269: {  	s9 =	simm.s32 $0x700;
	[sflag:s17] =	ssyncadd.s32 $0xFFFFC000  }
0x26a: {  	[tilespmem:s7], [sflag:$0x2] =	stream.indirect.gather [hbm4b:s5+s20], $0x80, s9, s20, $0xb8;
	[tilespmem:$0x1E000] =	vst v63  }
0x26b: {  	_ =	swait.ge [sflag:s15], $0x4000  }
0x26c: {  	[sflag:s15] =	ssyncset.done $0x0  }
0x26d: {  	s10 =	simm.s32 $0x1380;
	[sflag:s15] =	ssyncadd.s32 $0xFFFFC000  }
0x26e: {  	[spmem:s3] =	stream.indirect.scatter.add.f32 [tilespmem:s7], [sflag:$0x4], $0x80, s10, s20, $0xb8;
	[tilespmem:$0x1E000] =	vst v63  }
0x26f: {  	_ =	swait.ge [sflag:s16], $0x4000  }
0x270: {  	[sflag:s16] =	ssyncset.done $0x0  }
0x271: {  	s11 =	simm.s32 $0x800;
	[sflag:s16] =	ssyncadd.s32 $0xFFFFC000  }
0x272: {  	[tilespmem:s21], [sflag:$0x1] =	stream.indirect.gather [hbm4b:s5+s20], $0x80, s11, s20, $0xb8;
	[tilespmem:$0x1E000] =	vst v63  }
0x273: {  	_ =	swait.ge [sflag:s6], $0x4000  }
0x274: {  	[sflag:s6] =	ssyncset.done $0x0  }
0x275: {  	s9 =	simm.s32 $0x1400;
	[sflag:s6] =	ssyncadd.s32 $0xFFFFC000  }
0x276: {  	[spmem:s3] =	stream.indirect.scatter.add.f32 [tilespmem:s21], [sflag:$0x3], $0x80, s9, s20, $0xb8;
	[tilespmem:$0x1E000] =	vst v63  }
0x277: {  	_ =	swait.ge [sflag:s17], $0x4000  }
0x278: {  	[sflag:s17] =	ssyncset.done $0x0  }
0x279: {  	s10 =	simm.s32 $0x900;
	[sflag:s17] =	ssyncadd.s32 $0xFFFFC000  }
0x27a: {  	[tilespmem:s7], [sflag:$0x2] =	stream.indirect.gather [hbm4b:s5+s20], $0x80, s10, s20, $0xb8;
	[tilespmem:$0x1E000] =	vst v63  }
0x27b: {  	_ =	swait.ge [sflag:s15], $0x4000  }
0x27c: {  	[sflag:s15] =	ssyncset.done $0x0  }
0x27d: {  	s11 =	simm.s32 $0x1480;
	[sflag:s15] =	ssyncadd.s32 $0xFFFFC000  }
0x27e: {  	[spmem:s3] =	stream.indirect.scatter.add.f32 [tilespmem:s7], [sflag:$0x4], $0x80, s11, s20, $0xb8;
	[tilespmem:$0x1E000] =	vst v63  }
0x27f: {  	_ =	swait.ge [sflag:s16], $0x4000  }
0x280: {  	[sflag:s16] =	ssyncset.done $0x0  }
0x281: {  	s9 =	simm.s32 $0xA00;
	[sflag:s16] =	ssyncadd.s32 $0xFFFFC000  }
0x282: {  	[tilespmem:s21], [sflag:$0x1] =	stream.indirect.gather [hbm4b:s5+s20], $0x80, s9, s20, $0xb8;
	[tilespmem:$0x1E000] =	vst v63  }
0x283: {  	_ =	swait.ge [sflag:s6], $0x4000  }
0x284: {  	[sflag:s6] =	ssyncset.done $0x0  }
0x285: {  	s10 =	simm.s32 $0x1500;
	[sflag:s6] =	ssyncadd.s32 $0xFFFFC000  }
0x286: {  	[spmem:s3] =	stream.indirect.scatter.add.f32 [tilespmem:s21], [sflag:$0x3], $0x80, s10, s20, $0xb8;
	[tilespmem:$0x1E000] =	vst v63  }
0x287: {  	_ =	swait.ge [sflag:s17], $0x4000  }
0x288: {  	[sflag:s17] =	ssyncset.done $0x0  }
0x289: {  	s11 =	simm.s32 $0xB00;
	[sflag:s17] =	ssyncadd.s32 $0xFFFFC000  }
0x28a: {  	[tilespmem:s7], [sflag:$0x2] =	stream.indirect.gather [hbm4b:s5+s20], $0x80, s11, s20, $0xb8;
	[tilespmem:$0x1E000] =	vst v63  }
0x28b: {  	_ =	swait.ge [sflag:s15], $0x4000  }
0x28c: {  	[sflag:s15] =	ssyncset.done $0x0  }
0x28d: {  	s9 =	simm.s32 $0x1580;
	[sflag:s15] =	ssyncadd.s32 $0xFFFFC000  }
0x28e: {  	[spmem:s3] =	stream.indirect.scatter.add.f32 [tilespmem:s7], [sflag:$0x4], $0x80, s9, s20, $0xb8;
	[tilespmem:$0x1E000] =	vst v63  }
0x28f: {  	_ =	swait.ge [sflag:s16], $0x4000  }
0x290: {  	[sflag:s16] =	ssyncset.done $0x0  }
0x291: {  	s10 =	simm.s32 $0xC00;
	[sflag:s16] =	ssyncadd.s32 $0xFFFFC000  }
0x292: {  	[tilespmem:s21], [sflag:$0x1] =	stream.indirect.gather [hbm4b:s5+s20], $0x80, s10, s20, $0xb8;
	[tilespmem:$0x1E000] =	vst v63  }
0x293: {  	_ =	swait.ge [sflag:s6], $0x4000  }
0x294: {  	[sflag:s6] =	ssyncset.done $0x0  }
0x295: {  	s11 =	simm.s32 $0x1600;
	[sflag:s6] =	ssyncadd.s32 $0xFFFFC000  }
0x296: {  	[spmem:s3] =	stream.indirect.scatter.add.f32 [tilespmem:s21], [sflag:$0x3], $0x80, s11, s20, $0xb8;
	[tilespmem:$0x1E000] =	vst v63  }
0x297: {  	_ =	swait.ge [sflag:s17], $0x4000  }
0x298: {  	[sflag:s17] =	ssyncset.done $0x0  }
0x299: {  	s9 =	simm.s32 $0xD00;
	[sflag:s17] =	ssyncadd.s32 $0xFFFFC000  }
0x29a: {  	[tilespmem:s7], [sflag:$0x2] =	stream.indirect.gather [hbm4b:s5+s20], $0x80, s9, s20, $0xb8;
	[tilespmem:$0x1E000] =	vst v63  }
0x29b: {  	_ =	swait.ge [sflag:s15], $0x4000  }
0x29c: {  	[sflag:s15] =	ssyncset.done $0x0  }
0x29d: {  	s10 =	simm.s32 $0x1680;
	[sflag:s15] =	ssyncadd.s32 $0xFFFFC000  }
0x29e: {  	[spmem:s3] =	stream.indirect.scatter.add.f32 [tilespmem:s7], [sflag:$0x4], $0x80, s10, s20, $0xb8;
	[tilespmem:$0x1E000] =	vst v63  }
0x29f: {  	_ =	swait.ge [sflag:s16], $0x4000  }
0x2a0: {  	[sflag:s16] =	ssyncset.done $0x0  }
0x2a1: {  	s11 =	simm.s32 $0xE00;
	[sflag:s16] =	ssyncadd.s32 $0xFFFFC000  }
0x2a2: {  	[tilespmem:s21], [sflag:$0x1] =	stream.indirect.gather [hbm4b:s5+s20], $0x80, s11, s20, $0xb8;
	[tilespmem:$0x1E000] =	vst v63  }
0x2a3: {  	_ =	swait.ge [sflag:s6], $0x4000  }
0x2a4: {  	[sflag:s6] =	ssyncset.done $0x0  }
0x2a5: {  	s9 =	simm.s32 $0x1700;
	[sflag:s6] =	ssyncadd.s32 $0xFFFFC000  }
0x2a6: {  	[spmem:s3] =	stream.indirect.scatter.add.f32 [tilespmem:s21], [sflag:$0x3], $0x80, s9, s20, $0xb8;
	[tilespmem:$0x1E000] =	vst v63  }
0x2a7: {  	_ =	swait.ge [sflag:s17], $0x4000  }
0x2a8: {  	[sflag:s17] =	ssyncset.done $0x0  }
0x2a9: {  	s10 =	simm.s32 $0xF00;
	[sflag:s17] =	ssyncadd.s32 $0xFFFFC000  }
0x2aa: {  	[tilespmem:s7], [sflag:$0x2] =	stream.indirect.gather [hbm4b:s5+s20], $0x80, s10, s20, $0xb8;
	[tilespmem:$0x1E000] =	vst v63  }
0x2ab: {  	_ =	swait.ge [sflag:s15], $0x4000  }
0x2ac: {  	[sflag:s15] =	ssyncset.done $0x0  }
0x2ad: {  	s11 =	simm.s32 $0x1780;
	[sflag:s15] =	ssyncadd.s32 $0xFFFFC000  }
0x2ae: {  	[spmem:s3] =	stream.indirect.scatter.add.f32 [tilespmem:s7], [sflag:$0x4], $0x80, s11, s20, $0xb8;
	[tilespmem:$0x1E000] =	vst v63  }
0x2af: {  	_ =	swait.ge [sflag:s16], $0x4000  }
0x2b0: {  	[sflag:s16] =	ssyncset.done $0x0  }
0x2b1: {  	[sflag:s16] =	ssyncadd.s32 $0xFFFFC000  }
0x2b2: {  	_ =	swait.ge [sflag:s17], $0x4000  }
0x2b3: {  	[sflag:s17] =	ssyncset.done $0x0  }
0x2b4: {  	[sflag:s17] =	ssyncadd.s32 $0xFFFFC000  }
0x2b5: {  	_ =	swait.ge [sflag:s19], $0x800  }
0x2b6: {  	[sflag:s19] =	ssyncset.done $0x0  }
0x2b7: {  	[sflag:s19] =	ssyncadd.s32 $0xFFFFF800  }
0x2b8: {  	p1 =	seq.s32 s18, $0x0;
	_ =	swait.ge [sflag:s19], $0x800  }
0x2b9: {  	s8 =	sadd.s32 @!p1 s18, s13;
	[sflag:s19] =	ssyncset.done $0x0  }
0x2ba: {  	s9 =	sadd.s32 @!p1 $0xA00, s8;
	s10 =	simm.s32 @!p1 $0x0;
	[sflag:s19] =	ssyncadd.s32 $0xFFFFF800  }
0x2bb: {  	[tilespmem:s10], [sflag:$0x5] =	stream.linear.gather @!p1 [hbm4b:s9+s10], $0x80, $0x38;
	[tilespmem:$0x1E000] =	vst v63  }
0x2bc: {  	s11 =	simm.s32 @!p1 $0x100;
	s9 =	sadd.s32 @!p1 $0xA10, s8  }
0x2bd: {  	[tilespmem:s11], [sflag:$0x5] =	stream.linear.gather @!p1 [hbm4b:s9+s10], $0x80, $0x38;
	[tilespmem:$0x1E000] =	vst v63  }
0x2be: {  	s9 =	sadd.s32 @!p1 $0xA20, s8;
	s11 =	simm.s32 @!p1 $0x200  }
0x2bf: {  	[tilespmem:s11], [sflag:$0x5] =	stream.linear.gather @!p1 [hbm4b:s9+s10], $0x80, $0x38;
	[tilespmem:$0x1E000] =	vst v63  }
0x2c0: {  	s9 =	sadd.s32 @!p1 $0xA30, s8;
	s11 =	simm.s32 @!p1 $0x300  }
0x2c1: {  	[tilespmem:s11], [sflag:$0x5] =	stream.linear.gather @!p1 [hbm4b:s9+s10], $0x80, $0x38;
	[tilespmem:$0x1E000] =	vst v63  }
0x2c2: {  	s9 =	sadd.s32 @!p1 $0xA40, s8;
	s11 =	simm.s32 @!p1 $0x400  }
0x2c3: {  	[tilespmem:s11], [sflag:$0x5] =	stream.linear.gather @!p1 [hbm4b:s9+s10], $0x80, $0x38;
	[tilespmem:$0x1E000] =	vst v63  }
0x2c4: {  	s9 =	sadd.s32 @!p1 $0xA50, s8;
	s11 =	simm.s32 @!p1 $0x500  }
0x2c5: {  	[tilespmem:s11], [sflag:$0x5] =	stream.linear.gather @!p1 [hbm4b:s9+s10], $0x80, $0x38;
	[tilespmem:$0x1E000] =	vst v63  }
0x2c6: {  	s9 =	sadd.s32 @!p1 $0xA60, s8;
	s11 =	simm.s32 @!p1 $0x600  }
0x2c7: {  	[tilespmem:s11], [sflag:$0x5] =	stream.linear.gather @!p1 [hbm4b:s9+s10], $0x80, $0x38;
	[tilespmem:$0x1E000] =	vst v63  }
0x2c8: {  	s9 =	sadd.s32 @!p1 $0xA70, s8;
	s11 =	simm.s32 @!p1 $0x700  }
0x2c9: {  	[tilespmem:s11], [sflag:$0x5] =	stream.linear.gather @!p1 [hbm4b:s9+s10], $0x80, $0x38;
	[tilespmem:$0x1E000] =	vst v63  }
0x2ca: {  	s9 =	sadd.s32 @!p1 $0xA80, s8;
	s11 =	simm.s32 @!p1 $0x800  }
0x2cb: {  	[tilespmem:s11], [sflag:$0x5] =	stream.linear.gather @!p1 [hbm4b:s9+s10], $0x80, $0x38;
	[tilespmem:$0x1E000] =	vst v63  }
0x2cc: {  	s9 =	sadd.s32 @!p1 $0xA90, s8;
	s11 =	simm.s32 @!p1 $0x900  }
0x2cd: {  	[tilespmem:s11], [sflag:$0x5] =	stream.linear.gather @!p1 [hbm4b:s9+s10], $0x80, $0x38;
	[tilespmem:$0x1E000] =	vst v63  }
0x2ce: {  	s9 =	sadd.s32 @!p1 $0xAA0, s8;
	s11 =	simm.s32 @!p1 $0xA00  }
0x2cf: {  	[tilespmem:s11], [sflag:$0x5] =	stream.linear.gather @!p1 [hbm4b:s9+s10], $0x80, $0x38;
	[tilespmem:$0x1E000] =	vst v63  }
0x2d0: {  	s9 =	sadd.s32 @!p1 $0xAB0, s8;
	s11 =	simm.s32 @!p1 $0xB00  }
0x2d1: {  	[tilespmem:s11], [sflag:$0x5] =	stream.linear.gather @!p1 [hbm4b:s9+s10], $0x80, $0x38;
	[tilespmem:$0x1E000] =	vst v63  }
0x2d2: {  	s9 =	sadd.s32 @!p1 $0xAC0, s8;
	s11 =	simm.s32 @!p1 $0xC00  }
0x2d3: {  	[tilespmem:s11], [sflag:$0x5] =	stream.linear.gather @!p1 [hbm4b:s9+s10], $0x80, $0x38;
	[tilespmem:$0x1E000] =	vst v63  }
0x2d4: {  	s9 =	sadd.s32 @!p1 $0xAD0, s8;
	s11 =	simm.s32 @!p1 $0xD00  }
0x2d5: {  	[tilespmem:s11], [sflag:$0x5] =	stream.linear.gather @!p1 [hbm4b:s9+s10], $0x80, $0x38;
	[tilespmem:$0x1E000] =	vst v63  }
0x2d6: {  	s9 =	sadd.s32 @!p1 $0xAE0, s8;
	s11 =	simm.s32 @!p1 $0xE00  }
0x2d7: {  	[tilespmem:s11], [sflag:$0x5] =	stream.linear.gather @!p1 [hbm4b:s9+s10], $0x80, $0x38;
	[tilespmem:$0x1E000] =	vst v63  }
0x2d8: {  	s8 =	sadd.s32 @!p1 $0xAF0, s8;
	s9 =	simm.s32 @!p1 $0xF00  }
0x2d9: {  	[tilespmem:s9], [sflag:$0x5] =	stream.linear.gather @!p1 [hbm4b:s8+s10], $0x80, $0x38;
	[tilespmem:$0x1E000] =	vst v63  }
0x2da: {  	s8 =	sadd.s32 @!p1 s18, s0  }
0x2db: {  	s9 =	simm.s32 @!p1 $0x1000;
	s8 =	sadd.s32 @!p1 $0xA00, s8  }
0x2dc: {  	[tilespmem:s9], [sflag:$0x5] =	stream.linear.gather @!p1 [hbm4b:s8+s10], $0x800, $0x38;
	[tilespmem:$0x1E000] =	vst v63  }
0x2dd: {  	_ = 	snop  }
0x2de: {  	[tilespmem:s21], [sflag:$0x1] =	stream.indirect.gather [hbm4b:s5+s20], $0x80, s20, s20, $0xb8;
	[tilespmem:$0x1E000] =	vst v63  }
0x2df: {  	_ =	swait.ge [sflag:s6], $0x4000  }
0x2e0: {  	[sflag:s6] =	ssyncset.done $0x0  }
0x2e1: {  	[sflag:s6] =	ssyncadd.s32 $0xFFFFC000  }
0x2e2: {  	[spmem:s3] =	stream.indirect.scatter.add.f32 [tilespmem:s21], [sflag:$0x3], $0x80, s1, s20, $0xb8;
	[tilespmem:$0x1E000] =	vst v63  }
0x2e3: {  	_ = 	snop  }
0x2e4: {  	[tilespmem:s7], [sflag:$0x2] =	stream.indirect.gather [hbm4b:s5+s20], $0x80, s12, s20, $0xb8;
	[tilespmem:$0x1E000] =	vst v63  }
0x2e5: {  	_ =	swait.ge [sflag:s15], $0x4000  }
0x2e6: {  	[sflag:s15] =	ssyncset.done $0x0  }
0x2e7: {  	s12 =	simm.s32 $0x1880;
	[sflag:s15] =	ssyncadd.s32 $0xFFFFC000  }
0x2e8: {  	[spmem:s3] =	stream.indirect.scatter.add.f32 [tilespmem:s7], [sflag:$0x4], $0x80, s12, s20, $0xb8;
	[tilespmem:$0x1E000] =	vst v63  }
0x2e9: {  	_ =	swait.ge [sflag:s16], $0x4000  }
0x2ea: {  	[sflag:s16] =	ssyncset.done $0x0  }
0x2eb: {  	[sflag:s16] =	ssyncadd.s32 $0xFFFFC000  }
0x2ec: {  	[tilespmem:s21], [sflag:$0x1] =	stream.indirect.gather [hbm4b:s5+s20], $0x80, s22, s20, $0xb8;
	[tilespmem:$0x1E000] =	vst v63  }
0x2ed: {  	_ =	swait.ge [sflag:s6], $0x4000  }
0x2ee: {  	[sflag:s6] =	ssyncset.done $0x0  }
0x2ef: {  	s22 =	simm.s32 $0x1900;
	[sflag:s6] =	ssyncadd.s32 $0xFFFFC000  }
0x2f0: {  	[spmem:s3] =	stream.indirect.scatter.add.f32 [tilespmem:s21], [sflag:$0x3], $0x80, s22, s20, $0xb8;
	[tilespmem:$0x1E000] =	vst v63  }
0x2f1: {  	_ =	swait.ge [sflag:s17], $0x4000  }
0x2f2: {  	[sflag:s17] =	ssyncset.done $0x0  }
0x2f3: {  	[sflag:s17] =	ssyncadd.s32 $0xFFFFC000  }
0x2f4: {  	[tilespmem:s7], [sflag:$0x2] =	stream.indirect.gather [hbm4b:s5+s20], $0x80, s23, s20, $0xb8;
	[tilespmem:$0x1E000] =	vst v63  }
0x2f5: {  	_ =	swait.ge [sflag:s15], $0x4000  }
0x2f6: {  	[sflag:s15] =	ssyncset.done $0x0  }
0x2f7: {  	s23 =	simm.s32 $0x1980;
	[sflag:s15] =	ssyncadd.s32 $0xFFFFC000  }
0x2f8: {  	[spmem:s3] =	stream.indirect.scatter.add.f32 [tilespmem:s7], [sflag:$0x4], $0x80, s23, s20, $0xb8;
	[tilespmem:$0x1E000] =	vst v63  }
0x2f9: {  	_ =	swait.ge [sflag:s16], $0x4000  }
0x2fa: {  	[sflag:s16] =	ssyncset.done $0x0  }
0x2fb: {  	[sflag:s16] =	ssyncadd.s32 $0xFFFFC000  }
0x2fc: {  	[tilespmem:s21], [sflag:$0x1] =	stream.indirect.gather [hbm4b:s5+s20], $0x80, s24, s20, $0xb8;
	[tilespmem:$0x1E000] =	vst v63  }
0x2fd: {  	_ =	swait.ge [sflag:s6], $0x4000  }
0x2fe: {  	[sflag:s6] =	ssyncset.done $0x0  }
0x2ff: {  	s24 =	simm.s32 $0x1A00;
	[sflag:s6] =	ssyncadd.s32 $0xFFFFC000  }
0x300: {  	[spmem:s3] =	stream.indirect.scatter.add.f32 [tilespmem:s21], [sflag:$0x3], $0x80, s24, s20, $0xb8;
	[tilespmem:$0x1E000] =	vst v63  }
0x301: {  	_ =	swait.ge [sflag:s17], $0x4000  }
0x302: {  	[sflag:s17] =	ssyncset.done $0x0  }
0x303: {  	[sflag:s17] =	ssyncadd.s32 $0xFFFFC000  }
0x304: {  	[tilespmem:s7], [sflag:$0x2] =	stream.indirect.gather [hbm4b:s5+s20], $0x80, s25, s20, $0xb8;
	[tilespmem:$0x1E000] =	vst v63  }
0x305: {  	_ =	swait.ge [sflag:s15], $0x4000  }
0x306: {  	[sflag:s15] =	ssyncset.done $0x0  }
0x307: {  	s1 =	simm.s32 $0x1A80;
	[sflag:s15] =	ssyncadd.s32 $0xFFFFC000  }
0x308: {  	[spmem:s3] =	stream.indirect.scatter.add.f32 [tilespmem:s7], [sflag:$0x4], $0x80, s1, s20, $0xb8;
	[tilespmem:$0x1E000] =	vst v63  }
0x309: {  	_ =	swait.ge [sflag:s16], $0x4000  }
0x30a: {  	[sflag:s16] =	ssyncset.done $0x0  }
0x30b: {  	[sflag:s16] =	ssyncadd.s32 $0xFFFFC000  }
0x30c: {  	[tilespmem:s21], [sflag:$0x1] =	stream.indirect.gather [hbm4b:s5+s20], $0x80, s26, s20, $0xb8;
	[tilespmem:$0x1E000] =	vst v63  }
0x30d: {  	_ =	swait.ge [sflag:s6], $0x4000  }
0x30e: {  	[sflag:s6] =	ssyncset.done $0x0  }
0x30f: {  	s8 =	simm.s32 $0x1B00;
	[sflag:s6] =	ssyncadd.s32 $0xFFFFC000  }
0x310: {  	[spmem:s3] =	stream.indirect.scatter.add.f32 [tilespmem:s21], [sflag:$0x3], $0x80, s8, s20, $0xb8;
	[tilespmem:$0x1E000] =	vst v63  }
0x311: {  	_ =	swait.ge [sflag:s17], $0x4000  }
0x312: {  	[sflag:s17] =	ssyncset.done $0x0  }
0x313: {  	[sflag:s17] =	ssyncadd.s32 $0xFFFFC000  }
0x314: {  	[tilespmem:s7], [sflag:$0x2] =	stream.indirect.gather [hbm4b:s5+s20], $0x80, s28, s20, $0xb8;
	[tilespmem:$0x1E000] =	vst v63  }
0x315: {  	_ =	swait.ge [sflag:s15], $0x4000  }
0x316: {  	[sflag:s15] =	ssyncset.done $0x0  }
0x317: {  	s9 =	simm.s32 $0x1B80;
	[sflag:s15] =	ssyncadd.s32 $0xFFFFC000  }
0x318: {  	[spmem:s3] =	stream.indirect.scatter.add.f32 [tilespmem:s7], [sflag:$0x4], $0x80, s9, s20, $0xb8;
	[tilespmem:$0x1E000] =	vst v63  }
0x319: {  	_ =	swait.ge [sflag:s16], $0x4000  }
0x31a: {  	[sflag:s16] =	ssyncset.done $0x0  }
0x31b: {  	[sflag:s16] =	ssyncadd.s32 $0xFFFFC000  }
0x31c: {  	[tilespmem:s21], [sflag:$0x1] =	stream.indirect.gather [hbm4b:s5+s20], $0x80, s29, s20, $0xb8;
	[tilespmem:$0x1E000] =	vst v63  }
0x31d: {  	_ =	swait.ge [sflag:s6], $0x4000  }
0x31e: {  	[sflag:s6] =	ssyncset.done $0x0  }
0x31f: {  	s10 =	simm.s32 $0x1C00;
	[sflag:s6] =	ssyncadd.s32 $0xFFFFC000  }
0x320: {  	[spmem:s3] =	stream.indirect.scatter.add.f32 [tilespmem:s21], [sflag:$0x3], $0x80, s10, s20, $0xb8;
	[tilespmem:$0x1E000] =	vst v63  }
0x321: {  	_ =	swait.ge [sflag:s17], $0x4000  }
0x322: {  	[sflag:s17] =	ssyncset.done $0x0  }
0x323: {  	[sflag:s17] =	ssyncadd.s32 $0xFFFFC000  }
0x324: {  	[tilespmem:s7], [sflag:$0x2] =	stream.indirect.gather [hbm4b:s5+s20], $0x80, s30, s20, $0xb8;
	[tilespmem:$0x1E000] =	vst v63  }
0x325: {  	_ =	swait.ge [sflag:s15], $0x4000  }
0x326: {  	[sflag:s15] =	ssyncset.done $0x0  }
0x327: {  	s11 =	simm.s32 $0x1C80;
	[sflag:s15] =	ssyncadd.s32 $0xFFFFC000  }
0x328: {  	[spmem:s3] =	stream.indirect.scatter.add.f32 [tilespmem:s7], [sflag:$0x4], $0x80, s11, s20, $0xb8;
	[tilespmem:$0x1E000] =	vst v63  }
0x329: {  	_ =	swait.ge [sflag:s16], $0x4000  }
0x32a: {  	[sflag:s16] =	ssyncset.done $0x0  }
0x32b: {  	[sflag:s16] =	ssyncadd.s32 $0xFFFFC000  }
0x32c: {  	[tilespmem:s21], [sflag:$0x1] =	stream.indirect.gather [hbm4b:s5+s20], $0x80, s31, s20, $0xb8;
	[tilespmem:$0x1E000] =	vst v63  }
0x32d: {  	_ =	swait.ge [sflag:s6], $0x4000  }
0x32e: {  	[sflag:s6] =	ssyncset.done $0x0  }
0x32f: {  	s12 =	simm.s32 $0x1D00;
	[sflag:s6] =	ssyncadd.s32 $0xFFFFC000  }
0x330: {  	[spmem:s3] =	stream.indirect.scatter.add.f32 [tilespmem:s21], [sflag:$0x3], $0x80, s12, s20, $0xb8;
	[tilespmem:$0x1E000] =	vst v63  }
0x331: {  	_ =	swait.ge [sflag:s17], $0x4000  }
0x332: {  	[sflag:s17] =	ssyncset.done $0x0  }
0x333: {  	[sflag:s17] =	ssyncadd.s32 $0xFFFFC000  }
0x334: {  	[tilespmem:s7], [sflag:$0x2] =	stream.indirect.gather [hbm4b:s5+s20], $0x80, s14, s20, $0xb8;
	[tilespmem:$0x1E000] =	vst v63  }
0x335: {  	_ =	swait.ge [sflag:s15], $0x4000  }
0x336: {  	[sflag:s15] =	ssyncset.done $0x0  }
0x337: {  	s22 =	simm.s32 $0x1D80;
	[sflag:s15] =	ssyncadd.s32 $0xFFFFC000  }
0x338: {  	[spmem:s3] =	stream.indirect.scatter.add.f32 [tilespmem:s7], [sflag:$0x4], $0x80, s22, s20, $0xb8;
	[tilespmem:$0x1E000] =	vst v63  }
0x339: {  	_ =	swait.ge [sflag:s16], $0x4000  }
0x33a: {  	[sflag:s16] =	ssyncset.done $0x0  }
0x33b: {  	s23 =	simm.s32 $0xC80;
	[sflag:s16] =	ssyncadd.s32 $0xFFFFC000  }
0x33c: {  	[tilespmem:s21], [sflag:$0x1] =	stream.indirect.gather [hbm4b:s5+s20], $0x80, s23, s20, $0xb8;
	[tilespmem:$0x1E000] =	vst v63  }
0x33d: {  	_ =	swait.ge [sflag:s6], $0x4000  }
0x33e: {  	[sflag:s6] =	ssyncset.done $0x0  }
0x33f: {  	s24 =	simm.s32 $0x1E00;
	[sflag:s6] =	ssyncadd.s32 $0xFFFFC000  }
0x340: {  	[spmem:s3] =	stream.indirect.scatter.add.f32 [tilespmem:s21], [sflag:$0x3], $0x80, s24, s20, $0xb8;
	[tilespmem:$0x1E000] =	vst v63  }
0x341: {  	_ =	swait.ge [sflag:s17], $0x4000  }
0x342: {  	[sflag:s17] =	ssyncset.done $0x0  }
0x343: {  	s25 =	simm.s32 $0xD80;
	[sflag:s17] =	ssyncadd.s32 $0xFFFFC000  }
0x344: {  	[tilespmem:s7], [sflag:$0x2] =	stream.indirect.gather [hbm4b:s5+s20], $0x80, s25, s20, $0xb8;
	[tilespmem:$0x1E000] =	vst v63  }
0x345: {  	_ =	swait.ge [sflag:s15], $0x4000  }
0x346: {  	[sflag:s15] =	ssyncset.done $0x0  }
0x347: {  	s26 =	simm.s32 $0x1E80;
	[sflag:s15] =	ssyncadd.s32 $0xFFFFC000  }
0x348: {  	[spmem:s3] =	stream.indirect.scatter.add.f32 [tilespmem:s7], [sflag:$0x4], $0x80, s26, s20, $0xb8;
	[tilespmem:$0x1E000] =	vst v63  }
0x349: {  	_ =	swait.ge [sflag:s16], $0x4000  }
0x34a: {  	[sflag:s16] =	ssyncset.done $0x0  }
0x34b: {  	s28 =	simm.s32 $0xE80;
	[sflag:s16] =	ssyncadd.s32 $0xFFFFC000  }
0x34c: {  	[tilespmem:s21], [sflag:$0x1] =	stream.indirect.gather [hbm4b:s5+s20], $0x80, s28, s20, $0xb8;
	[tilespmem:$0x1E000] =	vst v63  }
0x34d: {  	_ =	swait.ge [sflag:s6], $0x4000  }
0x34e: {  	[sflag:s6] =	ssyncset.done $0x0  }
0x34f: {  	s29 =	simm.s32 $0x1F00;
	[sflag:s6] =	ssyncadd.s32 $0xFFFFC000  }
0x350: {  	[spmem:s3] =	stream.indirect.scatter.add.f32 [tilespmem:s21], [sflag:$0x3], $0x80, s29, s20, $0xb8;
	[tilespmem:$0x1E000] =	vst v63  }
0x351: {  	_ =	swait.ge [sflag:s17], $0x4000  }
0x352: {  	[sflag:s17] =	ssyncset.done $0x0  }
0x353: {  	s30 =	simm.s32 $0xF80;
	[sflag:s17] =	ssyncadd.s32 $0xFFFFC000  }
0x354: {  	[tilespmem:s7], [sflag:$0x2] =	stream.indirect.gather [hbm4b:s5+s20], $0x80, s30, s20, $0xb8;
	[tilespmem:$0x1E000] =	vst v63  }
0x355: {  	_ =	swait.ge [sflag:s15], $0x4000  }
0x356: {  	[sflag:s15] =	ssyncset.done $0x0  }
0x357: {  	s31 =	simm.s32 $0x1F80;
	[sflag:s15] =	ssyncadd.s32 $0xFFFFC000  }
0x358: {  	[spmem:s3] =	stream.indirect.scatter.add.f32 [tilespmem:s7], [sflag:$0x4], $0x80, s31, s20, $0xb8;
	[tilespmem:$0x1E000] =	vst v63  }
0x359: {  	_ =	swait.ge [sflag:s16], $0x4000  }
.Ltmp6:
0x35a: {  	[sflag:s16] =	ssyncset.done $0x0;
	(pc) =	sbr.rel @p1 .LBB2_10-.Ltmp6, $4  }
0x35b: {  	[sflag:s16] =	ssyncadd.s32 $0xFFFFC000  }
0x35c: {  	_ =	swait.ge [sflag:s17], $0x4000  }
0x35d: {  	[sflag:s17] =	ssyncset.done $0x0  }
0x35e: {  	[sflag:s17] =	ssyncadd.s32 $0xFFFFC000  }
0x35f: {  	_ =	swait.ge [sflag:s19], $0x800  }
.Ltmp7:
0x360: {  	[sflag:s19] =	ssyncset.done $0x0;
	(pc) =	sbr.rel .LBB2_9-.Ltmp7, $4  }
0x361: {  	[sflag:s19] =	ssyncadd.s32 $0xFFFFF800  }
0x362: {  	_ =	swait.ge [sflag:s19], $0x800  }
0x363: {  	[sflag:s19] =	ssyncset.done $0x0  }
0x364: {  	s18 =	sadd.s32 $0x200, s18;
	[sflag:s19] =	ssyncadd.s32 $0xFFFFF800  }
.LBB2_6:
.Ltmp8:
0x365: {  	(pc) =	sbr.rel .LBB2_11-.Ltmp8, $3  }
0x366: {  	_ =	sdelay $0x1  }
0x367: {  	s18 =	rddreg [dreg:$0x4]  }
0x368: {  	s0 =	rddreg [dreg:$0x12]  }
.LBB2_12:
0x369: {  	_ =	sfence.sel $0x180000  }
0x36a: {  	[bflag:$0x0] =	sbarrier.arrive $0xFFFF  }
0x36b: {  	_ =	strace $0x9000004A  }
0x36c: {  	s0 =	stileid.u32;
	[bflag:$0x2] =	sbarrier.arrive $0xFFFF  }
0x36d: {  	p0 =	sne.s32 s0, $0x0;
	s0 =	rddreg [dreg:$0x3]  }
0x36e: {  	s0 =	sadd.s32 @!p0 $0x100000, s0  }
0x36f: {  	[sflag:s0] =	ssyncadd.tile.s32 @!p0 $0x1;
	_ =	shalt  }
.Lfunc_end2:
_tile_overlayer_lowered:
.L_overlay_start_2:
0x370: {  	(tag) =	ssettag $0x2  }
0x371: {  	s0 =	rddreg [dreg:$0x0];
	s2 =	stileid.u32  }
0x372: {  	s1 =	rddreg [dreg:$0x1];
	p0 =	sne.s32 s2, $0x0  }
0x373: {  	s3 =	rddreg [dreg:$0x2];
	[bflag:$0x3] =	sbarrier.arrive $0xFFFF;
	s2 =	simm.s32 @!p0 $0x1C06  }
0x374: {  	[timem:s3], [sflag:s2] =	dma.local @!p0 [hbm:s0], s1  }
0x375: {  	s0 =	simm.s32 @!p0 $0x6  }
0x376: {  	_ =	swait.ge @!p0 [sflag:s0], s1  }
0x377: {  	s1 =	ssub.s32 @!p0 $0x0, s1;
	[sflag:s0] =	ssyncset.done @!p0 $0x0  }
0x378: {  	[sflag:s0] =	ssyncadd.s32 @!p0 s1  }
0x379: {  	[bflag:$0x3] =	sbarrier.arrive $0xFFFF  }
0x37a: {  	_ =	shalt  }

// kernel: kernel.7.cloned.1.call-start
scs
__scs_entry_jumppad:
0x0: {  	(pc) =	sbr.rel $0x88, $3  }
0x1: {  	(tag) =	ssettag $0x0;
	lr =	simm.s32 $0x1  }
0x2: {  	[smem:$0x3F9B] =	sst lr;
	_ =	strace $0xD0000000  }
0x3: {  	_ = 	snop  }
0x4: {  	_ = 	snop  }
0x5: {  	_ = 	snop  }
0x6: {  	_ = 	snop  }
0x7: {  	_ = 	snop  }
__scs_overlays_trampoline_lowered:
0x8: {  	[smem:$0x3FAA] =	sst s0  }
0x9: {  	[smem:$0x3FAB] =	sst s1  }
0xa: {  	[smem:$0x3FAC] =	sst s2  }
0xb: {  	[smem:$0x3FAD] =	sst s3  }
0xc: {  	[smem:$0x3FAE] =	sst s4  }
0xd: {  	[smem:$0x3FAF] =	sst s5  }
0xe: {  	[smem:$0x3FB0] =	sst s6  }
0xf: {  	[smem:$0x3FB1] =	sst s7  }
0x10: {  	[smem:$0x3FB2] =	sst s8  }
0x11: {  	[smem:$0x3FB3] =	sst s9;
	s0 =	simm.s32 @!p0 $0x0  }
0x12: {  	s1 =	sld [smem:$0x3F99];
	s0 =	simm.s32 @p0 $0x1  }
0x13: {  	[smem:$0x3FB4] =	sst s0;
	s0 =	simm.s32 @!p1 $0x0  }
0x14: {  	s2 =	sld [smem:$0x3F98];
	s0 =	simm.s32 @p1 $0x1  }
0x15: {  	[smem:$0x3FB5] =	sst s0;
	s0 =	simm.s32 @!p2 $0x0  }
0x16: {  	s3 =	sld [smem:$0x3FDB];
	s0 =	simm.s32 @p2 $0x1  }
0x17: {  	s4 =	simm.s32 $0x1BF5;
	[smem:$0x3FB7] =	sst s0  }
0x18: {  	s0 =	sld [smem:$0x3F9A];
	_ =	swait.ge [sflag:s4], $0x0  }
0x19: {  	s7 =	sld [smem:$0x3F9B]  }
0x1a: {  	s8 =	sadd.s32 $0xFFFFE003, lr  }
0x1b: {  	s9 =	sadd.s32 $0xFFFFFEF7, lr;
	s5 =	simm.s32 $0xFFFFFFFF;
	p2 =	slt.u32 s8, $0xFFFFF086  }
0x1c: {  	p1 =	slt.u32 s9, $0xF7A;
	s5 =	simm.s32 @!p2 $0x0  }
0x1d: {  	s5 =	simm.s32 @p1 $0x1;
	p0 =	seq.s32 s7, s2  }
0x1e: {  	s7 =	smul.u32 @!p0 $0xF7A, s2;
	p2 =	seq.s32 @!p0 s5, $0x0  }
0x1f: {  	s9 =	smul.u32 $0xF7A, s1;
	s8 =	simm.s32 @!p0 $0x1BF5;
	p2 =	por !p2, p0  }
0x20: {  	[sflag:s8] =	ssyncset.s32 @!p0 $0xFFFFF086;
	s6 =	sadd.s32 @!p0 s3, s7;
	s7 =	simm.s32 @!p0 $0x108  }
0x21: {  	s3 =	sadd.s32 s3, s9;
	s6 =	sadd.s32 @!p0 $0x88, s6;
	s7 =	simm.s32 @p2 $0x1082  }
0x22: {  	[simem:s7], [sflag:s8] =	dma.local @!p0 [hbm:s6], $0xF7A  }
0x23: {  	s9 =	sor.u32 $0xD0000000, s2;
	s6 =	simm.s32 $0x108;
	_ =	swait.ge @!p0 [sflag:s8], $0x0  }
0x24: {  	s3 =	sadd.s32 $0x88, s3;
	s6 =	simm.s32 @!p1 $0x1082;
	[sflag:s4] =	ssyncset.s32 $0xFFFFF086  }
0x25: {  	[simem:s6], [sflag:s4] =	dma.local [hbm:s3], $0xF7A  }
0x26: {  	[smem:$0x3F9B] =	sst s1;
	(tag) =	ssettag s2;
	_ =	strace s9  }
0x27: {  	s1 =	sld [smem:$0x3FAB]  }
0x28: {  	s2 =	sld [smem:$0x3FAC]  }
0x29: {  	s4 =	sld [smem:$0x3FAE]  }
0x2a: {  	p0 =	seq.s32 s5, $0x0;
	s5 =	sld [smem:$0x3FAF]  }
0x2b: {  	s6 =	sld [smem:$0x3FB0]  }
0x2c: {  	s7 =	sld [smem:$0x3FB1]  }
0x2d: {  	s3 =	simm.s32 $0x108;
	s8 =	sld [smem:$0x3FB2]  }
0x2e: {  	s3 =	simm.s32 @!p0 $0x1082;
	s9 =	sld [smem:$0x3FB3]  }
0x2f: {  	lr =	sadd.s32 s0, s3;
	s0 =	sld [smem:$0x3FAA]  }
0x30: {  	s3 =	sld [smem:$0x3FAD]  }
0x31: {  	[smem:$0x3FB6] =	sst s10  }
0x32: {  	s10 =	sld [smem:$0x3FB4];
	_ =	sdelay $0x3  }
0x33: {  	p0 =	seq.s32 s10, $0x1;
	s10 =	sld [smem:$0x3FB6];
	_ =	sdelay $0x3  }
0x34: {  	[smem:$0x3FB6] =	sst s10  }
0x35: {  	s10 =	sld [smem:$0x3FB5];
	_ =	sdelay $0x3  }
0x36: {  	p1 =	seq.s32 s10, $0x1;
	s10 =	sld [smem:$0x3FB6];
	_ =	sdelay $0x3  }
0x37: {  	[smem:$0x3FB6] =	sst s10  }
0x38: {  	s10 =	sld [smem:$0x3FB7]  }
0x39: {  	_ = 	snop;
	(pc) =	sbr.ind lr, $3  }
0x3a: {  	_ = 	snop  }
0x3b: {  	_ = 	snop  }
0x3c: {  	p2 =	seq.s32 s10, $0x1;
	s10 =	sld [smem:$0x3FB6]  }
0x3d: {  	_ =	shalt  }
0x3e: {  	_ =	shalt  }
0x3f: {  	_ =	shalt  }
0x40: {  	_ =	shalt  }
0x41: {  	_ =	shalt  }
0x42: {  	_ =	shalt  }
0x43: {  	_ =	shalt  }
0x44: {  	_ =	shalt  }
0x45: {  	_ =	shalt  }
0x46: {  	_ =	shalt  }
0x47: {  	_ =	shalt  }
0x48: {  	_ =	shalt  }
0x49: {  	_ =	shalt  }
0x4a: {  	_ =	shalt  }
0x4b: {  	_ =	shalt  }
0x4c: {  	_ =	shalt  }
0x4d: {  	_ =	shalt  }
0x4e: {  	_ =	shalt  }
0x4f: {  	_ =	shalt  }
0x50: {  	_ =	shalt  }
0x51: {  	_ =	shalt  }
0x52: {  	_ =	shalt  }
0x53: {  	_ =	shalt  }
0x54: {  	_ =	shalt  }
0x55: {  	_ =	shalt  }
0x56: {  	_ =	shalt  }
0x57: {  	_ =	shalt  }
0x58: {  	_ =	shalt  }
0x59: {  	_ =	shalt  }
0x5a: {  	_ =	shalt  }
0x5b: {  	_ =	shalt  }
0x5c: {  	_ =	shalt  }
0x5d: {  	_ =	shalt  }
0x5e: {  	_ =	shalt  }
0x5f: {  	_ =	shalt  }
0x60: {  	_ =	shalt  }
0x61: {  	_ =	shalt  }
0x62: {  	_ =	shalt  }
0x63: {  	_ =	shalt  }
0x64: {  	_ =	shalt  }
0x65: {  	_ =	shalt  }
0x66: {  	_ =	shalt  }
0x67: {  	_ =	shalt  }
0x68: {  	_ =	shalt  }
0x69: {  	_ =	shalt  }
0x6a: {  	_ =	shalt  }
0x6b: {  	_ =	shalt  }
0x6c: {  	_ =	shalt  }
0x6d: {  	_ =	shalt  }
0x6e: {  	_ =	shalt  }
0x6f: {  	_ =	shalt  }
0x70: {  	_ =	shalt  }
0x71: {  	_ =	shalt  }
0x72: {  	_ =	shalt  }
0x73: {  	_ =	shalt  }
0x74: {  	_ =	shalt  }
0x75: {  	_ =	shalt  }
0x76: {  	_ =	shalt  }
0x77: {  	_ =	shalt  }
0x78: {  	_ =	shalt  }
0x79: {  	_ =	shalt  }
0x7a: {  	_ =	shalt  }
0x7b: {  	_ =	shalt  }
0x7c: {  	_ =	shalt  }
0x7d: {  	_ =	shalt  }
0x7e: {  	_ =	shalt  }
0x7f: {  	_ =	shalt  }
0x80: {  	_ =	shalt  }
0x81: {  	_ =	shalt  }
0x82: {  	_ =	shalt  }
0x83: {  	_ =	shalt  }
0x84: {  	_ =	shalt  }
0x85: {  	_ =	shalt  }
0x86: {  	_ =	shalt  }
0x87: {  	_ =	shalt  }
.Lfunc_end0:
.L_simem_size_0:
called_computation_lowered:
.L_overlay_start_0:
0x88: {  	s2 =	sld [smem:$0x3FD9]  }
0x89: {  	s3 =	sld [smem:$0x3FFE];
	_ =	sdelay $0x1  }
0x8a: {  	s1 =	srdreg.scid  }
0x8b: {  	s0 =	sand.u32 $0x1, s1  }
0x8c: {  	s16 =	sshll.u32 s0, $0xA;
	s2 =	sadd.s32 s3, s2  }
0x8d: {  	s2 =	sadd.s32 s2, s16  }
0x8e: {  	[smem:$0x3FC2] =	sst s2  }
0x8f: {  	_ = 	snop  }
0x90: {  	(tm) =	ssettm $0x1  }
0x91: {  	s17 =	sld [smem:$0x3FFB];
	_ =	sdelay $0x3  }
0x92: {  	_ =	strace s17  }
0x93: {  	s2 =	sld [smem:$0x3FFC];
	_ =	sdelay $0x3  }
0x94: {  	_ =	strace s2  }
0x95: {  	s2 =	sld [smem:$0x3FFD];
	_ =	sdelay $0x3  }
0x96: {  	_ =	strace s2  }
0x97: {  	_ =	strace $0x8FFFFFFF  }
0x98: {  	s18 =	sld [smem:$0x3FDB];
	_ =	sdelay $0x1  }
0x99: {  	s19 =	simm.s32 $_scs_section_size  }
0x9a: {  	s4 =	simm.s32 $_size__tile_overlayer_lowered;
	s5 =	simm.s32 $_tile_overlayer_lowered  }
0x9b: {  	s22 =	simm.s32 $0x1BFF;
	s21 =	sshll.u32 s5, $0x1;
	s2 =	sadd.s32 s19, s18  }
0x9c: {  	s6 =	simm.s32 $0x0;
	s20 =	sshll.u32 s4, $0x1;
	s4 =	sadd.s32 s21, s2  }
0x9d: {  	[timem:s6], [sflag:s22] =	dma.local [hbm:s4], s20  }
0x9e: {  	_ =	swait.ge [sflag:s22], s20  }
0x9f: {  	s3 =	ssub.s32 $0x0, s20;
	[sflag:s22] =	ssyncset.done $0x0  }
0xa0: {  	[sflag:s22] =	ssyncadd.s32 s3;
	_ =	sdelay $0x1  }
0xa1: {  	s23 =	simm.s32 $0x1B8B  }
0xa2: {  	_ =	swait.ge [sflag:s23], $0x1  }
0xa3: {  	[sflag:s23] =	ssyncset.done $0x0  }
0xa4: {  	s25 =	simm.s32 $0x1B8E;
	s24 =	sld [smem:$0x3FFE];
	[sflag:s23] =	ssyncadd.s32 $0xFFFFFFFF  }
0xa5: {  	s26 =	simm.s32 $execute0_lowered;
	[smem:$0x3FD2] =	sst s25  }
0xa6: {  	s4 =	sshll.u32 s26, $0x1;
	_ =	strace $0x80000046;
	[dreg:$0x1] =	wrdreg $0xFFFFFFFF  }
0xa7: {  	s28 =	simm.s32 $_size_execute0_lowered;
	s2 =	sadd.s32 s2, s4;
	[dreg:$0x0] =	wrdreg $0x0  }
0xa8: {  	s4 =	sshll.u32 s28, $0x1;
	[dreg:$0x2] =	wrdreg s2  }
0xa9: {  	[dreg:$0x3] =	wrdreg s4  }
0xaa: {  	[dreg:$0x4] =	wrdreg $0xC0  }
0xab: {  	_ =	task [dreg:s6], $0x5FFFF  }
0xac: {  	[dreg:$0x1] =	wrdreg $0xFFFFFFFF  }
0xad: {  	[dreg:$0x0] =	wrdreg $0x60  }
0xae: {  	[dreg:$0x2] =	wrdreg s24  }
0xaf: {  	[dreg:$0x3] =	wrdreg $0x2B000  }
0xb0: {  	[dreg:$0x4] =	wrdreg $0x9  }
0xb1: {  	_ =	task.clear_ibuf [dreg:s6], $0x5FFFF;
	_ =	strace $0x90000046  }
0xb2: {  	s29 =	simm.s32 $0x9;
	_ =	strace $0x80000048  }
0xb3: {  	_ =	swait.ge [sflag:s29], $0x1  }
0xb4: {  	[sflag:s29] =	ssyncadd.s32 $0xFFFFFFFF  }
0xb5: {  	_ =	strace $0x90000048  }
0xb6: {  	_ =	sfence  }
0xb7: {  	s30 =	sld [smem:$0x0];
	_ =	sdelay $0x2  }
0xb8: {  	s31 =	sshll.u32 s1, $0xD;
	s1 =	sshrl.u32 s1, $0x2  }
0xb9: {  	s3 =	sand.u32 $0x4000, s31;
	s1 =	sadd.s32 s1, s30  }
0xba: {  	s0 =	sor.u32 s3, s0;
	s1 =	sshll.u32 s1, $0x11  }
0xbb: {  	s0 =	sor.u32 s1, s0  }
0xbc: {  	s0 =	sadd.s32 $0x8F2B, s0  }
0xbd: {  	[sflag:s0] =	ssyncadd.remote.s32 $0x1  }
0xbe: {  	_ =	sfence.sel $0xFFFF  }
0xbf: {  	[dreg:$0x0] =	wrdreg $0xFFFFFFFF;
	(pc) =	sbr.abs _section_cstart, $3  }
0xc0: {  	[dreg:$0x1] =	wrdreg $0xFFFFFFFF  }
0xc1: {  	_ =	task.clear_ibuf [dreg:s6], $0x2FFFF;
	_ =	strace $0x9FFFFFFF  }
0xc2: {  	(tm) =	ssettm $0x7FFFFFFF  }
0xc3: {  	_ =	shalt  }
tec
execute0_lowered:
.L_overlay_start_1:
0x0: {  	(tag) =	ssettag $0x1  }
0x1: {  	s4 =	rddreg [dreg:$0x0];
	s0 =	srdreg.scid  }
0x2: {  	s2 =	rddreg [dreg:$0x1];
	s1 =	stileid.u32  }
0x3: {  	s3 =	simm.s32 $0x0;
	s10 =	simm.s32 $0x80;
	s11 =	simm.s32 $0x2800  }
0x4: {  	s12 =	simm.s32 $0x1;
	s5 =	sand.u32 $0x1, s0;
	s7 =	smul.u32 $0x280, s1  }
0x5: {  	s0 =	rddreg [dreg:$0x2];
	s6 =	sshll.u32 s5, $0x4;
	s8 =	smul.u32 $0x2800, s5  }
0x6: {  	s13 =	simm.s32 $0x0;
	[smem:$0x7FF] =	sst s3;
	s6 =	sor.u32 s1, s6  }
0x7: {  	s5 =	ssub.s32 $0x2, s5;
	s6 =	smul.u32 $0x500, s6;
	s8 =	sadd.s32 s7, s8  }
0x8: {  	_ =	strace $0x80000047;
	s9 =	sshrl.u32 s5, $0x1;
	s8 =	sshrl.u32 s8, $0x3  }
0x9: {  	s9 =	ssub.s32 s5, s9;
	s6 =	sadd.s32 s6, s4;
	s8 =	sadd.s32 s8, s4  }
0xa: {  	s4 =	sadd.s32 s7, s2;
	s7 =	smax.u32 s9, $0x1;
	s9 =	simm.s32 $0x2  }
0xb: {  	v0 =	vimm.f32 $1.000000000e+00;
	v1 =	vimm.f32 $0.0e+00;
	s5 =	sadd.s32 $0x2C00, s6;
	s6 =	sadd.s32 $0x16C00, s8;
	s8 =	simm.s32 $0x2880  }
.LBB2_1:
0xc: {  	[tilespmem:$0x2800] =	vst v0  }
0xd: {  	[tilespmem:$0x2810] =	vst v0  }
0xe: {  	[tilespmem:$0x2820] =	vst v0  }
0xf: {  	[tilespmem:$0x2830] =	vst v0  }
0x10: {  	[tilespmem:$0x2840] =	vst v0  }
0x11: {  	[tilespmem:$0x2850] =	vst v0  }
0x12: {  	[tilespmem:$0x2860] =	vst v0  }
0x13: {  	[tilespmem:$0x2870] =	vst v0  }
0x14: {  	[tilespmem:$0x2880] =	vst v1  }
0x15: {  	[tilespmem:$0x2890] =	vst v1  }
0x16: {  	[tilespmem:$0x28A0] =	vst v1  }
0x17: {  	[tilespmem:$0x28B0] =	vst v1  }
0x18: {  	[tilespmem:$0x28C0] =	vst v1  }
0x19: {  	[tilespmem:$0x28D0] =	vst v1  }
0x1a: {  	[tilespmem:$0x28E0] =	vst v1  }
0x1b: {  	[tilespmem:$0x28F0] =	vst v1  }
0x1c: {  	[tilespmem:$0x2900] =	vst v1  }
0x1d: {  	[tilespmem:$0x2910] =	vst v1  }
0x1e: {  	[tilespmem:$0x2920] =	vst v1  }
0x1f: {  	[tilespmem:$0x2930] =	vst v1  }
0x20: {  	[tilespmem:$0x2940] =	vst v1  }
0x21: {  	[tilespmem:$0x2950] =	vst v1  }
0x22: {  	[tilespmem:$0x2960] =	vst v1  }
0x23: {  	[tilespmem:$0x2970] =	vst v1  }
0x24: {  	[tilespmem:$0x2980] =	vst v1  }
0x25: {  	[tilespmem:$0x2990] =	vst v1  }
0x26: {  	[tilespmem:$0x29A0] =	vst v1  }
0x27: {  	[tilespmem:$0x29B0] =	vst v1  }
0x28: {  	[tilespmem:$0x29C0] =	vst v1  }
0x29: {  	[tilespmem:$0x29D0] =	vst v1  }
0x2a: {  	[tilespmem:$0x29E0] =	vst v1  }
0x2b: {  	[tilespmem:$0x29F0] =	vst v1  }
0x2c: {  	[tilespmem:$0x2A00] =	vst v1  }
0x2d: {  	[tilespmem:$0x2A10] =	vst v1  }
0x2e: {  	[tilespmem:$0x2A20] =	vst v1  }
0x2f: {  	[tilespmem:$0x2A30] =	vst v1  }
0x30: {  	[tilespmem:$0x2A40] =	vst v1  }
0x31: {  	[tilespmem:$0x2A50] =	vst v1  }
0x32: {  	[tilespmem:$0x2A60] =	vst v1  }
0x33: {  	[tilespmem:$0x2A70] =	vst v1  }
0x34: {  	[tilespmem:$0x2A80] =	vst v1  }
0x35: {  	[tilespmem:$0x2A90] =	vst v1  }
0x36: {  	[tilespmem:$0x2AA0] =	vst v1  }
0x37: {  	[tilespmem:$0x2AB0] =	vst v1  }
0x38: {  	[tilespmem:$0x2AC0] =	vst v1  }
0x39: {  	[tilespmem:$0x2AD0] =	vst v1  }
0x3a: {  	[tilespmem:$0x2AE0] =	vst v1  }
0x3b: {  	[tilespmem:$0x2AF0] =	vst v1  }
0x3c: {  	[spmem:s4] =	stream.linear.scatter [tilespmem:s8], [sflag:$0x2], $0x280, $0x38;
	[tilespmem:$0x2D80] =	vst v63  }
0x3d: {  	_ =	swait.ge [sflag:s9], $0x280  }
0x3e: {  	[sflag:s9] =	ssyncset.done $0x0  }
0x3f: {  	[sflag:s9] =	ssyncadd.s32 $0xFFFFFD80  }
0x40: {  	[bflag:$0x0] =	sbarrier.arrive $0xFFFF  }
0x41: {  	[tilespmem:s3], [sflag:$0x2] =	stream.linear.gather [hbm4b:s5+s3], $0x2800, $0x38;
	[tilespmem:$0x2D80] =	vst v63  }
0x42: {  	_ =	swait.ge [sflag:s9], $0x2800  }
0x43: {  	[sflag:s9] =	ssyncset.done $0x0  }
0x44: {  	s14 =	simm.s32 $0x0;
	[sflag:s9] =	ssyncadd.s32 $0xFFFFD800  }
0x45: {  	[spmem:s2] =	stream.indirect.scatter.add.f32 [tilespmem:s11], [sflag:$0x1], $0x1, s14, s10, $0xb8;
	[tilespmem:$0x2D80] =	vst v63  }
0x46: {  	s24 =	simm.s32 $0x80  }
0x47: {  	[spmem:s2] =	stream.indirect.scatter.add.f32 [tilespmem:s11], [sflag:$0x1], $0x1, s24, s10, $0xb8;
	[tilespmem:$0x2D80] =	vst v63  }
0x48: {  	s25 =	simm.s32 $0x100  }
0x49: {  	[spmem:s2] =	stream.indirect.scatter.add.f32 [tilespmem:s11], [sflag:$0x1], $0x1, s25, s10, $0xb8;
	[tilespmem:$0x2D80] =	vst v63  }
0x4a: {  	s26 =	simm.s32 $0x180  }
0x4b: {  	[spmem:s2] =	stream.indirect.scatter.add.f32 [tilespmem:s11], [sflag:$0x1], $0x1, s26, s10, $0xb8;
	[tilespmem:$0x2D80] =	vst v63  }
0x4c: {  	s28 =	simm.s32 $0x200  }
0x4d: {  	[spmem:s2] =	stream.indirect.scatter.add.f32 [tilespmem:s11], [sflag:$0x1], $0x1, s28, s10, $0xb8;
	[tilespmem:$0x2D80] =	vst v63  }
0x4e: {  	s29 =	simm.s32 $0x280  }
0x4f: {  	[spmem:s2] =	stream.indirect.scatter.add.f32 [tilespmem:s11], [sflag:$0x1], $0x1, s29, s10, $0xb8;
	[tilespmem:$0x2D80] =	vst v63  }
0x50: {  	s30 =	simm.s32 $0x300  }
0x51: {  	[spmem:s2] =	stream.indirect.scatter.add.f32 [tilespmem:s11], [sflag:$0x1], $0x1, s30, s10, $0xb8;
	[tilespmem:$0x2D80] =	vst v63  }
0x52: {  	s31 =	simm.s32 $0x380  }
0x53: {  	[spmem:s2] =	stream.indirect.scatter.add.f32 [tilespmem:s11], [sflag:$0x1], $0x1, s31, s10, $0xb8;
	[tilespmem:$0x2D80] =	vst v63  }
0x54: {  	_ =	swait.ge [sflag:s12], $0x80  }
0x55: {  	[sflag:s12] =	ssyncset.done $0x0  }
0x56: {  	[sflag:s12] =	ssyncadd.s32 $0xFFFFFF80  }
0x57: {  	_ =	swait.ge [sflag:s12], $0x80  }
0x58: {  	[sflag:s12] =	ssyncset.done $0x0  }
0x59: {  	[sflag:s12] =	ssyncadd.s32 $0xFFFFFF80  }
0x5a: {  	_ =	swait.ge [sflag:s12], $0x80  }
0x5b: {  	[sflag:s12] =	ssyncset.done $0x0  }
0x5c: {  	[sflag:s12] =	ssyncadd.s32 $0xFFFFFF80  }
0x5d: {  	_ =	swait.ge [sflag:s12], $0x80  }
0x5e: {  	[sflag:s12] =	ssyncset.done $0x0  }
0x5f: {  	[sflag:s12] =	ssyncadd.s32 $0xFFFFFF80  }
0x60: {  	_ =	swait.ge [sflag:s12], $0x80  }
0x61: {  	[sflag:s12] =	ssyncset.done $0x0  }
0x62: {  	[sflag:s12] =	ssyncadd.s32 $0xFFFFFF80  }
0x63: {  	_ =	swait.ge [sflag:s12], $0x80  }
0x64: {  	[sflag:s12] =	ssyncset.done $0x0  }
0x65: {  	[sflag:s12] =	ssyncadd.s32 $0xFFFFFF80  }
0x66: {  	_ =	swait.ge [sflag:s12], $0x80  }
0x67: {  	[sflag:s12] =	ssyncset.done $0x0  }
0x68: {  	[sflag:s12] =	ssyncadd.s32 $0xFFFFFF80  }
0x69: {  	_ =	swait.ge [sflag:s12], $0x80  }
0x6a: {  	s16 =	simm.s32 $0x2000;
	s14 =	simm.s32 $0x1000;
	[sflag:s12] =	ssyncset.done $0x0  }
.LBB2_2:
0x6b: {  	s17 =	sshra.s32 s14, $0x2  }
0x6c: {  	[sflag:s12] =	ssyncadd.s32 $0xFFFFFF80;
	s14 =	smov.u32 s16;
	s15 =	sadd.s32 $0x1000, s16  }
0x6d: {  	[spmem:s2] =	stream.indirect.scatter.add.f32 [tilespmem:s11], [sflag:$0x1], $0x1, s17, s10, $0xb8;
	[tilespmem:$0x2D80] =	vst v63  }
0x6e: {  	p0 =	sne.s32 s16, $0x9000;
	s16 =	sadd.s32 $0x80, s17  }
0x6f: {  	[spmem:s2] =	stream.indirect.scatter.add.f32 [tilespmem:s11], [sflag:$0x1], $0x1, s16, s10, $0xb8;
	[tilespmem:$0x2D80] =	vst v63  }
0x70: {  	s16 =	sadd.s32 $0x100, s17  }
0x71: {  	[spmem:s2] =	stream.indirect.scatter.add.f32 [tilespmem:s11], [sflag:$0x1], $0x1, s16, s10, $0xb8;
	[tilespmem:$0x2D80] =	vst v63  }
0x72: {  	s16 =	sadd.s32 $0x180, s17  }
0x73: {  	[spmem:s2] =	stream.indirect.scatter.add.f32 [tilespmem:s11], [sflag:$0x1], $0x1, s16, s10, $0xb8;
	[tilespmem:$0x2D80] =	vst v63  }
0x74: {  	s16 =	sadd.s32 $0x200, s17  }
0x75: {  	[spmem:s2] =	stream.indirect.scatter.add.f32 [tilespmem:s11], [sflag:$0x1], $0x1, s16, s10, $0xb8;
	[tilespmem:$0x2D80] =	vst v63  }
0x76: {  	s16 =	sadd.s32 $0x280, s17  }
0x77: {  	[spmem:s2] =	stream.indirect.scatter.add.f32 [tilespmem:s11], [sflag:$0x1], $0x1, s16, s10, $0xb8;
	[tilespmem:$0x2D80] =	vst v63  }
0x78: {  	s16 =	sadd.s32 $0x300, s17  }
0x79: {  	[spmem:s2] =	stream.indirect.scatter.add.f32 [tilespmem:s11], [sflag:$0x1], $0x1, s16, s10, $0xb8;
	[tilespmem:$0x2D80] =	vst v63  }
0x7a: {  	s16 =	sadd.s32 $0x380, s17  }
0x7b: {  	[spmem:s2] =	stream.indirect.scatter.add.f32 [tilespmem:s11], [sflag:$0x1], $0x1, s16, s10, $0xb8;
	[tilespmem:$0x2D80] =	vst v63  }
0x7c: {  	_ =	swait.ge [sflag:s12], $0x80  }
0x7d: {  	[sflag:s12] =	ssyncset.done $0x0  }
0x7e: {  	[sflag:s12] =	ssyncadd.s32 $0xFFFFFF80  }
0x7f: {  	_ =	swait.ge [sflag:s12], $0x80  }
0x80: {  	[sflag:s12] =	ssyncset.done $0x0  }
0x81: {  	[sflag:s12] =	ssyncadd.s32 $0xFFFFFF80  }
0x82: {  	_ =	swait.ge [sflag:s12], $0x80  }
0x83: {  	[sflag:s12] =	ssyncset.done $0x0  }
0x84: {  	[sflag:s12] =	ssyncadd.s32 $0xFFFFFF80  }
0x85: {  	_ =	swait.ge [sflag:s12], $0x80  }
0x86: {  	[sflag:s12] =	ssyncset.done $0x0  }
0x87: {  	[sflag:s12] =	ssyncadd.s32 $0xFFFFFF80  }
0x88: {  	_ =	swait.ge [sflag:s12], $0x80  }
0x89: {  	[sflag:s12] =	ssyncset.done $0x0  }
0x8a: {  	[sflag:s12] =	ssyncadd.s32 $0xFFFFFF80  }
0x8b: {  	_ =	swait.ge [sflag:s12], $0x80  }
0x8c: {  	[sflag:s12] =	ssyncset.done $0x0  }
0x8d: {  	[sflag:s12] =	ssyncadd.s32 $0xFFFFFF80  }
.Ltmp0:
0x8e: {  	_ =	swait.ge [sflag:s12], $0x80;
	(pc) =	sbr.rel @p0 .LBB2_2-.Ltmp0, $4  }
0x8f: {  	[sflag:s12] =	ssyncset.done $0x0  }
0x90: {  	[sflag:s12] =	ssyncadd.s32 $0xFFFFFF80  }
0x91: {  	_ =	swait.ge [sflag:s12], $0x80  }
0x92: {  	s16 =	smov.u32 s15;
	[sflag:s12] =	ssyncset.done $0x0  }
0x93: {  	s14 =	sshra.s32 s14, $0x2;
	[sflag:s12] =	ssyncadd.s32 $0xFFFFFF80  }
0x94: {  	[spmem:s2] =	stream.indirect.scatter.add.f32 [tilespmem:s11], [sflag:$0x1], $0x1, s14, s10, $0xb8;
	[tilespmem:$0x2D80] =	vst v63  }
0x95: {  	s15 =	sadd.s32 $0x80, s14  }
0x96: {  	[spmem:s2] =	stream.indirect.scatter.add.f32 [tilespmem:s11], [sflag:$0x1], $0x1, s15, s10, $0xb8;
	[tilespmem:$0x2D80] =	vst v63  }
0x97: {  	s26 =	sadd.s32 $0x100, s14  }
0x98: {  	[spmem:s2] =	stream.indirect.scatter.add.f32 [tilespmem:s11], [sflag:$0x1], $0x1, s26, s10, $0xb8;
	[tilespmem:$0x2D80] =	vst v63  }
0x99: {  	s28 =	sadd.s32 $0x180, s14  }
0x9a: {  	[spmem:s2] =	stream.indirect.scatter.add.f32 [tilespmem:s11], [sflag:$0x1], $0x1, s28, s10, $0xb8;
	[tilespmem:$0x2D80] =	vst v63  }
0x9b: {  	s29 =	sadd.s32 $0x200, s14  }
0x9c: {  	[spmem:s2] =	stream.indirect.scatter.add.f32 [tilespmem:s11], [sflag:$0x1], $0x1, s29, s10, $0xb8;
	[tilespmem:$0x2D80] =	vst v63  }
0x9d: {  	s30 =	sadd.s32 $0x280, s14  }
0x9e: {  	[spmem:s2] =	stream.indirect.scatter.add.f32 [tilespmem:s11], [sflag:$0x1], $0x1, s30, s10, $0xb8;
	[tilespmem:$0x2D80] =	vst v63  }
0x9f: {  	s31 =	sadd.s32 $0x300, s14  }
0xa0: {  	[spmem:s2] =	stream.indirect.scatter.add.f32 [tilespmem:s11], [sflag:$0x1], $0x1, s31, s10, $0xb8;
	[tilespmem:$0x2D80] =	vst v63  }
0xa1: {  	s14 =	sadd.s32 $0x380, s14  }
0xa2: {  	[spmem:s2] =	stream.indirect.scatter.add.f32 [tilespmem:s11], [sflag:$0x1], $0x1, s14, s10, $0xb8;
	[tilespmem:$0x2D80] =	vst v63  }
0xa3: {  	_ =	swait.ge [sflag:s12], $0x80  }
0xa4: {  	[sflag:s12] =	ssyncset.done $0x0  }
0xa5: {  	[sflag:s12] =	ssyncadd.s32 $0xFFFFFF80  }
0xa6: {  	_ =	swait.ge [sflag:s12], $0x80  }
0xa7: {  	[sflag:s12] =	ssyncset.done $0x0  }
0xa8: {  	[sflag:s12] =	ssyncadd.s32 $0xFFFFFF80  }
0xa9: {  	_ =	swait.ge [sflag:s12], $0x80  }
0xaa: {  	[sflag:s12] =	ssyncset.done $0x0  }
0xab: {  	[sflag:s12] =	ssyncadd.s32 $0xFFFFFF80  }
0xac: {  	_ =	swait.ge [sflag:s12], $0x80  }
0xad: {  	[sflag:s12] =	ssyncset.done $0x0  }
0xae: {  	[sflag:s12] =	ssyncadd.s32 $0xFFFFFF80  }
0xaf: {  	_ =	swait.ge [sflag:s12], $0x80  }
0xb0: {  	[sflag:s12] =	ssyncset.done $0x0  }
0xb1: {  	[sflag:s12] =	ssyncadd.s32 $0xFFFFFF80  }
0xb2: {  	_ =	swait.ge [sflag:s12], $0x80  }
0xb3: {  	[sflag:s12] =	ssyncset.done $0x0  }
0xb4: {  	[sflag:s12] =	ssyncadd.s32 $0xFFFFFF80  }
0xb5: {  	_ =	swait.ge [sflag:s12], $0x80  }
0xb6: {  	[sflag:s12] =	ssyncset.done $0x0  }
0xb7: {  	[sflag:s12] =	ssyncadd.s32 $0xFFFFFF80  }
0xb8: {  	_ =	swait.ge [sflag:s12], $0x80  }
0xb9: {  	[sflag:s12] =	ssyncset.done $0x0  }
0xba: {  	[sflag:s12] =	ssyncadd.s32 $0xFFFFFF80  }
0xbb: {  	[bflag:$0x0] =	sbarrier.arrive $0xFFFF  }
0xbc: {  	[tilespmem:s8], [sflag:$0x2] =	stream.linear.gather [spmem:s4], $0x280, $0x38;
	[tilespmem:$0x2D80] =	vst v63  }
0xbd: {  	s13 =	sadd.s32 $0x1, s13;
	_ =	swait.ge [sflag:s9], $0x280  }
0xbe: {  	p0 =	sne.s32 s13, s7;
	[sflag:s9] =	ssyncset.done $0x0  }
.Ltmp1:
0xbf: {  	[sflag:s9] =	ssyncadd.s32 $0xFFFFFD80;
	(pc) =	sbr.rel @p0 .LBB2_1-.Ltmp1, $4  }
0xc0: {  	[hbm4b:s6+s3] =	stream.linear.scatter [tilespmem:s8], [sflag:$0x2], $0x280, $0x38;
	[tilespmem:$0x2D80] =	vst v63  }
0xc1: {  	_ =	swait.ge [sflag:s9], $0x280  }
0xc2: {  	[sflag:s9] =	ssyncset.done $0x0  }
0xc3: {  	[sflag:s9] =	ssyncadd.s32 $0xFFFFFD80  }
0xc4: {  	_ =	sfence.sel $0x180000  }
0xc5: {  	[bflag:$0x0] =	sbarrier.arrive $0xFFFF  }
0xc6: {  	p0 =	sne.s32 s1, $0x0;
	_ =	strace $0x90000047  }
0xc7: {  	s0 =	sadd.s32 @!p0 $0x100000, s0;
	[bflag:$0x2] =	sbarrier.arrive $0xFFFF  }
0xc8: {  	[sflag:s0] =	ssyncadd.tile.s32 @!p0 $0x1;
	_ =	shalt  }
.Lfunc_end2:
_tile_overlayer_lowered:
.L_overlay_start_2:
0xc9: {  	(tag) =	ssettag $0x2  }
0xca: {  	s0 =	rddreg [dreg:$0x0];
	s2 =	stileid.u32  }
0xcb: {  	s1 =	rddreg [dreg:$0x1];
	p0 =	sne.s32 s2, $0x0  }
0xcc: {  	s3 =	rddreg [dreg:$0x2];
	[bflag:$0x3] =	sbarrier.arrive $0xFFFF;
	s2 =	simm.s32 @!p0 $0x1C02  }
0xcd: {  	[timem:s3], [sflag:s2] =	dma.local @!p0 [hbm:s0], s1  }
0xce: {  	s0 =	simm.s32 @!p0 $0x2  }
0xcf: {  	_ =	swait.ge @!p0 [sflag:s0], s1  }
0xd0: {  	s1 =	ssub.s32 @!p0 $0x0, s1;
	[sflag:s0] =	ssyncset.done @!p0 $0x0  }
0xd1: {  	[sflag:s0] =	ssyncadd.s32 @!p0 s1  }
0xd2: {  	[bflag:$0x3] =	sbarrier.arrive $0xFFFF  }
0xd3: {  	_ =	shalt  }

</sc_bundles>
